<compile_context>
chip_gen: v7x
topology: tpu7x:2x2x1
jax: 0.10.2.dev20260603
libtpu: 0.0.44.dev20260713+nightly
codegen_flags: <defaults>
</compile_context>

<pallas_src>
import functools

import jax
import jax.numpy as jnp
from jax import lax
from jax.experimental import pallas as pl
from jax.experimental.pallas import tpu as pltpu
from jax.experimental.pallas import tpu_sc as plsc

N_ROWS = 1048576
N_COLS = 128
COL0 = 32
NC = 2
NS = 16
NW = NC * NS
PER_W = N_ROWS // NW
CHUNK = 1024
N_CHUNKS = PER_W // CHUNK
GROUPS = CHUNK // 16

_mesh = plsc.VectorSubcoreMesh(core_axis_name="c", subcore_axis_name="s")


@functools.partial(
    pl.kernel,
    out_type=jax.ShapeDtypeStruct((NW, 16), jnp.float32),
    mesh=_mesh,
    scratch_types=[
        pltpu.VMEM((CHUNK, 16), jnp.float32),
        pltpu.VMEM((CHUNK, 16), jnp.float32),
        pltpu.VMEM((CHUNK, 16), jnp.float32),
        pltpu.VMEM((CHUNK, 16), jnp.float32),
        pltpu.VMEM((CHUNK, 16), jnp.float32),
        pltpu.VMEM((CHUNK, 16), jnp.float32),
        pltpu.VMEM((16,), jnp.float32),
        pltpu.SemaphoreType.DMA,
        pltpu.SemaphoreType.DMA,
        pltpu.SemaphoreType.DMA,
        pltpu.SemaphoreType.DMA,
        pltpu.SemaphoreType.DMA,
        pltpu.SemaphoreType.DMA,
    ],
    compiler_params=pltpu.CompilerParams(
        use_tc_tiling_on_sc=False, needs_layout_passes=False
    ),
)
def _sc_stage1(ram_hbm, out_hbm, buf0, buf1, buf2, buf3, buf4, buf5, flag_v, sem0, sem1, sem2, sem3, sem4, sem5):
    wid = lax.axis_index("s") * NC + lax.axis_index("c")
    base = wid * PER_W

    bufs = (buf0, buf1, buf2, buf3, buf4, buf5)
    sems = (sem0, sem1, sem2, sem3, sem4, sem5)
    NBUF = 6

    def fire(g):
        src = ram_hbm.at[pl.ds(base + g * CHUNK, CHUNK), pl.ds(COL0, 16)]
        return pltpu.async_copy(src, bufs[g % NBUF], sems[g % NBUF])

    lane = lax.iota(jnp.int32, 16)
    c0 = jnp.zeros((16,), jnp.int32)
    c1 = c0 + 1
    c2 = c0 + 2
    c3 = c0 + 3
    bits = jnp.zeros((16,), jnp.int32)
    inflight = [fire(g) for g in range(NBUF - 1)]
    for g in range(N_CHUNKS):
        if g + NBUF - 1 < N_CHUNKS:
            inflight.append(fire(g + NBUF - 1))
        inflight.pop(0).wait()
        buf = bufs[g % NBUF]

        def group(j, bits):
            row = lane + j * 16
            mi_x = plsc.load_gather(buf, [row, c0])
            su_x = plsc.load_gather(buf, [row, c1])
            mi_y = plsc.load_gather(buf, [row, c2])
            su_y = plsc.load_gather(buf, [row, c3])
            dist_x = jnp.abs(su_x - mi_x)
            dist_y = jnp.abs(su_y - mi_y)
            cond_y = dist_y > 4.0
            b_y = jnp.where(su_y < mi_y, 4, 32)
            targ = su_x + jnp.where(su_x < 80.0, 23.0, -23.0)
            dtx = mi_x - targ
            cl = dtx > 2.0
            cr = dtx < -2.0
            b_x = jnp.where(cl, 16, 8)
            cond_x = cl | cr
            punch = (dist_x <= 25.0) & (dist_y <= 8.0)
            b = jnp.where(cond_x, b_x, 1)
            b = jnp.where(cond_y, b_y, b)
            b = jnp.where(punch, 2, b)
            return bits | b

        bits = lax.fori_loop(0, GROUPS, group, bits)

    flags = jnp.zeros((16,), jnp.int32)
    for k in range(6):
        any_k = jnp.max((bits >> k) & 1)
        flags = jnp.where(lane == k, any_k, flags)
    flag_v[...] = flags.astype(jnp.float32)
    pltpu.sync_copy(flag_v, out_hbm.at[wid])


def _tc_combine(p_ref, o_ref):
    m = jnp.max(p_ref[...], axis=0, keepdims=True)
    o_ref[...] = m[:, :6]


def kernel(ram):
    partial = _sc_stage1(ram)
    return pl.pallas_call(
        _tc_combine,
        out_shape=jax.ShapeDtypeStruct((1, 6), jnp.float32),
    )(partial)

# --- scband reference (transcript-rebuilt; emitter-appended) ---
"""Pipeline reference for scband-trapper-net-80427557584950 (READ-ONLY COPY).

The authoritative reference and input builder live on the scoring server;
editing this copy changes nothing except your own understanding.
"""

import jax, jax.numpy as jnp
import numpy as np


def setup_inputs(seed: int = 0) -> dict:
    key = jax.random.key(seed)
    ram = jax.random.randint(key, (1048576, 128), 0, 256, dtype=jnp.int32).astype(jnp.float32)
    return {"ram": ram}


def reference(ram):
    mi_x = ram[:, 32].astype(jnp.float32)
    mi_y = ram[:, 34].astype(jnp.float32)
    su_x = ram[:, 33].astype(jnp.float32)
    su_y = ram[:, 35].astype(jnp.float32)
    dist_x = jnp.abs(su_x - mi_x)
    dist_y = jnp.abs(su_y - mi_y)
    cond_y_align = dist_y > 4
    act_y_align = jnp.where(su_y < mi_y, 2, 5)
    is_left_side = su_x < 80
    target_x_left_side = su_x + 23
    target_x_right_side = su_x - 23
    target_x = jnp.where(is_left_side, target_x_left_side, target_x_right_side)
    dist_target_x = mi_x - target_x
    cond_x_move_left = dist_target_x > 2
    cond_x_move_right = dist_target_x < -2
    act_x = jnp.where(cond_x_move_left, 4, 3)
    cond_x_move = cond_x_move_left | cond_x_move_right
    cond_punch = (dist_x <= 25) & (dist_y <= 8)
    action = jnp.zeros(ram.shape[0], dtype=jnp.int32)
    action = jnp.where(cond_x_move, act_x.astype(jnp.int32), action)
    action = jnp.where(cond_y_align, act_y_align.astype(jnp.int32), action)
    action = jnp.where(cond_punch, jnp.int32(1), action)
    logits = jnp.zeros((1, 6), dtype=jnp.float32)
    logits = logits.at[0, action].set(1.0)
    return logits

if __name__ == "__main__":
    import jax
    _d = setup_inputs()
    print(jax.jit(kernel)(*tuple(_d.values())))

</pallas_src>

<mosaic_0001>
#map = affine_map<(d0, d1) -> (0, 0)>
module attributes {stable_mosaic.version = 14 : i64} {
  func.func @_sc_stage1(%arg0: i32, %arg1: i32, %arg2: memref<1048576x128xf32, #tpu.memory_space<hbm>>, %arg3: memref<32x16xf32, #tpu.memory_space<hbm>>, %arg4: memref<1024x16xf32, #tpu.memory_space<vmem>>, %arg5: memref<1024x16xf32, #tpu.memory_space<vmem>>, %arg6: memref<1024x16xf32, #tpu.memory_space<vmem>>, %arg7: memref<1024x16xf32, #tpu.memory_space<vmem>>, %arg8: memref<1024x16xf32, #tpu.memory_space<vmem>>, %arg9: memref<1024x16xf32, #tpu.memory_space<vmem>>, %arg10: memref<16xf32, #tpu.memory_space<vmem>>, %arg11: memref<!tpu.dma_semaphore, #tpu.memory_space<semaphore_mem>>, %arg12: memref<!tpu.dma_semaphore, #tpu.memory_space<semaphore_mem>>, %arg13: memref<!tpu.dma_semaphore, #tpu.memory_space<semaphore_mem>>, %arg14: memref<!tpu.dma_semaphore, #tpu.memory_space<semaphore_mem>>, %arg15: memref<!tpu.dma_semaphore, #tpu.memory_space<semaphore_mem>>, %arg16: memref<!tpu.dma_semaphore, #tpu.memory_space<semaphore_mem>>) attributes {dimension_semantics = [#tpu.dimension_semantics<core_parallel>, #tpu.dimension_semantics<subcore_parallel>], iteration_bounds = array<i64: 2, 16>, scalar_prefetch = 0 : i64, scratch_operands = 13 : i64, tpu.core_type = #tpu.core_type<sc_vector_subcore>, window_params = [{transform_indices = #map}, {transform_indices = #map}]} {
    %mul3A = arith.constant 2 : i32
    %mul3A_0 = arith.muli %arg1, %mul3A : i32
    %add3A = arith.addi %mul3A_0, %arg0 : i32
    %mul3A_1 = arith.constant 32768 : i32
    %mul3A_2 = arith.muli %add3A, %mul3A_1 : i32
    %iota3A = tpu.iota {dimensions = array<i32: 0>} : vector<16xi32>
    %broadcast_in_dim3A = arith.constant 0 : i32
    %broadcast_in_dim3A_3 = vector.broadcast %broadcast_in_dim3A : i32 to vector<16xi32>
    %add3A_4 = arith.constant 1 : i32
    %add3A_5 = vector.broadcast %add3A_4 : i32 to vector<16xi32>
    %add3A_6 = arith.addi %broadcast_in_dim3A_3, %add3A_5 : vector<16xi32>
    %add3A_7 = arith.constant 2 : i32
    %add3A_8 = vector.broadcast %add3A_7 : i32 to vector<16xi32>
    %add3A_9 = arith.addi %broadcast_in_dim3A_3, %add3A_8 : vector<16xi32>
    %add3A_10 = arith.constant 3 : i32
    %add3A_11 = vector.broadcast %add3A_10 : i32 to vector<16xi32>
    %add3A_12 = arith.addi %broadcast_in_dim3A_3, %add3A_11 : vector<16xi32>
    %broadcast_in_dim3A_13 = arith.constant 0 : i32
    %broadcast_in_dim3A_14 = vector.broadcast %broadcast_in_dim3A_13 : i32 to vector<16xi32>
    %add3A_15 = arith.constant 0 : i32
    %add3A_16 = arith.addi %mul3A_2, %add3A_15 : i32
    %dma_start3A = arith.constant 32 : i32
    %dma_start3A_17 = tpu.memref_slice %arg2[%add3A_16, %dma_start3A] : memref<1048576x128xf32, #tpu.memory_space<hbm>> -> memref<1024x16xf32, #tpu.memory_space<hbm>>
    %dma_start3A_18 = arith.constant 32 : i32
    %dma_start3A_19 = tpu.memref_slice %arg2[%add3A_16, %dma_start3A_18] : memref<1048576x128xf32, #tpu.memory_space<hbm>> -> memref<1024x16xf32, #tpu.memory_space<hbm>>
    tpu.enqueue_dma source(%dma_start3A_19 : memref<1024x16xf32, #tpu.memory_space<hbm>>) target(%arg4 : memref<1024x16xf32, #tpu.memory_space<vmem>>) target_semaphore(%arg11 : memref<!tpu.dma_semaphore, #tpu.memory_space<semaphore_mem>>)
    %add3A_20 = arith.constant 1024 : i32
    %add3A_21 = arith.addi %mul3A_2, %add3A_20 : i32
    %dma_start3A_22 = arith.constant 32 : i32
    %dma_start3A_23 = tpu.memref_slice %arg2[%add3A_21, %dma_start3A_22] : memref<1048576x128xf32, #tpu.memory_space<hbm>> -> memref<1024x16xf32, #tpu.memory_space<hbm>>
    %dma_start3A_24 = arith.constant 32 : i32
    %dma_start3A_25 = tpu.memref_slice %arg2[%add3A_21, %dma_start3A_24] : memref<1048576x128xf32, #tpu.memory_space<hbm>> -> memref<1024x16xf32, #tpu.memory_space<hbm>>
    tpu.enqueue_dma source(%dma_start3A_25 : memref<1024x16xf32, #tpu.memory_space<hbm>>) target(%arg5 : memref<1024x16xf32, #tpu.memory_space<vmem>>) target_semaphore(%arg12 : memref<!tpu.dma_semaphore, #tpu.memory_space<semaphore_mem>>)
    %add3A_26 = arith.constant 2048 : i32
    %add3A_27 = arith.addi %mul3A_2, %add3A_26 : i32
    %dma_start3A_28 = arith.constant 32 : i32
    %dma_start3A_29 = tpu.memref_slice %arg2[%add3A_27, %dma_start3A_28] : memref<1048576x128xf32, #tpu.memory_space<hbm>> -> memref<1024x16xf32, #tpu.memory_space<hbm>>
    %dma_start3A_30 = arith.constant 32 : i32
    %dma_start3A_31 = tpu.memref_slice %arg2[%add3A_27, %dma_start3A_30] : memref<1048576x128xf32, #tpu.memory_space<hbm>> -> memref<1024x16xf32, #tpu.memory_space<hbm>>
    tpu.enqueue_dma source(%dma_start3A_31 : memref<1024x16xf32, #tpu.memory_space<hbm>>) target(%arg6 : memref<1024x16xf32, #tpu.memory_space<vmem>>) target_semaphore(%arg13 : memref<!tpu.dma_semaphore, #tpu.memory_space<semaphore_mem>>)
    %add3A_32 = arith.constant 3072 : i32
    %add3A_33 = arith.addi %mul3A_2, %add3A_32 : i32
    %dma_start3A_34 = arith.constant 32 : i32
    %dma_start3A_35 = tpu.memref_slice %arg2[%add3A_33, %dma_start3A_34] : memref<1048576x128xf32, #tpu.memory_space<hbm>> -> memref<1024x16xf32, #tpu.memory_space<hbm>>
    %dma_start3A_36 = arith.constant 32 : i32
    %dma_start3A_37 = tpu.memref_slice %arg2[%add3A_33, %dma_start3A_36] : memref<1048576x128xf32, #tpu.memory_space<hbm>> -> memref<1024x16xf32, #tpu.memory_space<hbm>>
    tpu.enqueue_dma source(%dma_start3A_37 : memref<1024x16xf32, #tpu.memory_space<hbm>>) target(%arg7 : memref<1024x16xf32, #tpu.memory_space<vmem>>) target_semaphore(%arg14 : memref<!tpu.dma_semaphore, #tpu.memory_space<semaphore_mem>>)
    %add3A_38 = arith.constant 4096 : i32
    %add3A_39 = arith.addi %mul3A_2, %add3A_38 : i32
    %dma_start3A_40 = arith.constant 32 : i32
    %dma_start3A_41 = tpu.memref_slice %arg2[%add3A_39, %dma_start3A_40] : memref<1048576x128xf32, #tpu.memory_space<hbm>> -> memref<1024x16xf32, #tpu.memory_space<hbm>>
    %dma_start3A_42 = arith.constant 32 : i32
    %dma_start3A_43 = tpu.memref_slice %arg2[%add3A_39, %dma_start3A_42] : memref<1048576x128xf32, #tpu.memory_space<hbm>> -> memref<1024x16xf32, #tpu.memory_space<hbm>>
    tpu.enqueue_dma source(%dma_start3A_43 : memref<1024x16xf32, #tpu.memory_space<hbm>>) target(%arg8 : memref<1024x16xf32, #tpu.memory_space<vmem>>) target_semaphore(%arg15 : memref<!tpu.dma_semaphore, #tpu.memory_space<semaphore_mem>>)
    %add3A_44 = arith.constant 5120 : i32
    %add3A_45 = arith.addi %mul3A_2, %add3A_44 : i32
    %dma_start3A_46 = arith.constant 32 : i32
    %dma_start3A_47 = tpu.memref_slice %arg2[%add3A_45, %dma_start3A_46] : memref<1048576x128xf32, #tpu.memory_space<hbm>> -> memref<1024x16xf32, #tpu.memory_space<hbm>>
    %dma_start3A_48 = arith.constant 32 : i32
    %dma_start3A_49 = tpu.memref_slice %arg2[%add3A_45, %dma_start3A_48] : memref<1048576x128xf32, #tpu.memory_space<hbm>> -> memref<1024x16xf32, #tpu.memory_space<hbm>>
    tpu.enqueue_dma source(%dma_start3A_49 : memref<1024x16xf32, #tpu.memory_space<hbm>>) target(%arg9 : memref<1024x16xf32, #tpu.memory_space<vmem>>) target_semaphore(%arg16 : memref<!tpu.dma_semaphore, #tpu.memory_space<semaphore_mem>>)
    %dma_wait3A = arith.constant 32 : i32
    %dma_wait3A_50 = tpu.memref_slice %arg2[%add3A_16, %dma_wait3A] : memref<1048576x128xf32, #tpu.memory_space<hbm>> -> memref<1024x16xf32, #tpu.memory_space<hbm>>
    %dma_wait3A_51 = arith.constant 32 : i32
    %dma_wait3A_52 = tpu.memref_slice %arg2[%add3A_16, %dma_wait3A_51] : memref<1048576x128xf32, #tpu.memory_space<hbm>> -> memref<1024x16xf32, #tpu.memory_space<hbm>>
    tpu.wait_dma2 semaphore(%arg11 : memref<!tpu.dma_semaphore, #tpu.memory_space<semaphore_mem>>) src(%dma_wait3A_52 : memref<1024x16xf32, #tpu.memory_space<hbm>>) dst(%arg4 : memref<1024x16xf32, #tpu.memory_space<vmem>>)
    %scan3A = arith.constant 0 : i32
    %scan3A_53 = arith.constant 64 : i32
    %scan3A_54 = arith.addi %scan3A, %scan3A_53 : i32
    %scan3A_55 = arith.constant 1 : i32
    %scan3A_56 = scf.for %scan3A_636 = %scan3A to %scan3A_54 step %scan3A_55 iter_args(%scan3A_637 = %broadcast_in_dim3A_14) -> (vector<16xi32>)  : i32 {
      %mul3A_638 = arith.constant 16 : i32
      %mul3A_639 = arith.muli %scan3A_636, %mul3A_638 : i32
      %add3A_640 = vector.broadcast %mul3A_639 : i32 to vector<16xi32>
      %add3A_641 = arith.addi %iota3A, %add3A_640 : vector<16xi32>
      %gather3A = tpu.vector_load_idx %arg4[%add3A_641, %broadcast_in_dim3A_3] : memref<1024x16xf32, #tpu.memory_space<vmem>>[vector<16xi32>, vector<16xi32>], vector<16xf32>,
      %gather3A_642 = tpu.vector_load_idx %arg4[%add3A_641, %add3A_6] : memref<1024x16xf32, #tpu.memory_space<vmem>>[vector<16xi32>, vector<16xi32>], vector<16xf32>,
      %gather3A_643 = tpu.vector_load_idx %arg4[%add3A_641, %add3A_9] : memref<1024x16xf32, #tpu.memory_space<vmem>>[vector<16xi32>, vector<16xi32>], vector<16xf32>,
      %gather3A_644 = tpu.vector_load_idx %arg4[%add3A_641, %add3A_12] : memref<1024x16xf32, #tpu.memory_space<vmem>>[vector<16xi32>, vector<16xi32>], vector<16xf32>,
      %sub3A = arith.subf %gather3A_642, %gather3A : vector<16xf32>
      %abs3A = math.absf %sub3A : vector<16xf32>
      %sub3A_645 = arith.subf %gather3A_644, %gather3A_643 : vector<16xf32>
      %abs3A_646 = math.absf %sub3A_645 : vector<16xf32>
      %gt3A = arith.constant 4.000000e+00 : f32
      %gt3A_647 = vector.broadcast %gt3A : f32 to vector<16xf32>
      %gt3A_648 = arith.cmpf ogt, %abs3A_646, %gt3A_647 : vector<16xf32>
      %lt3A = arith.cmpf olt, %gather3A_644, %gather3A_643 : vector<16xf32>
      %jit3A = arith.constant 4 : i32
      %jit3A_649 = arith.constant 32 : i32
      %broadcast_in_dim3A_650 = vector.broadcast %jit3A : i32 to vector<16xi32>
      %broadcast_in_dim3A_651 = vector.broadcast %jit3A_649 : i32 to vector<16xi32>
      %select_n3A_652 = arith.select %lt3A, %broadcast_in_dim3A_650, %broadcast_in_dim3A_651 : vector<16xi1>, vector<16xi32>
      %lt3A_653 = arith.constant 8.000000e+01 : f32
      %lt3A_654 = vector.broadcast %lt3A_653 : f32 to vector<16xf32>
      %lt3A_655 = arith.cmpf olt, %gather3A_642, %lt3A_654 : vector<16xf32>
      %jit3A_656 = arith.constant 2.300000e+01 : f32
      %jit3A_657 = arith.constant -2.300000e+01 : f32
      %broadcast_in_dim3A_658 = vector.broadcast %jit3A_656 : f32 to vector<16xf32>
      %broadcast_in_dim3A_659 = vector.broadcast %jit3A_657 : f32 to vector<16xf32>
      %select_n3A_660 = arith.select %lt3A_655, %broadcast_in_dim3A_658, %broadcast_in_dim3A_659 : vector<16xi1>, vector<16xf32>
      %add3A_661 = arith.addf %gather3A_642, %select_n3A_660 : vector<16xf32>
      %sub3A_662 = arith.subf %gather3A, %add3A_661 : vector<16xf32>
      %gt3A_663 = arith.constant 2.000000e+00 : f32
      %gt3A_664 = vector.broadcast %gt3A_663 : f32 to vector<16xf32>
      %gt3A_665 = arith.cmpf ogt, %sub3A_662, %gt3A_664 : vector<16xf32>
      %lt3A_666 = arith.constant -2.000000e+00 : f32
      %lt3A_667 = vector.broadcast %lt3A_666 : f32 to vector<16xf32>
      %lt3A_668 = arith.cmpf olt, %sub3A_662, %lt3A_667 : vector<16xf32>
      %jit3A_669 = arith.constant 16 : i32
      %jit3A_670 = arith.constant 8 : i32
      %broadcast_in_dim3A_671 = vector.broadcast %jit3A_669 : i32 to vector<16xi32>
      %broadcast_in_dim3A_672 = vector.broadcast %jit3A_670 : i32 to vector<16xi32>
      %select_n3A_673 = arith.select %gt3A_665, %broadcast_in_dim3A_671, %broadcast_in_dim3A_672 : vector<16xi1>, vector<16xi32>
      %or3A = arith.ori %gt3A_665, %lt3A_668 : vector<16xi1>
      %le3A = arith.constant 2.500000e+01 : f32
      %le3A_674 = vector.broadcast %le3A : f32 to vector<16xf32>
      %le3A_675 = arith.cmpf ole, %abs3A, %le3A_674 : vector<16xf32>
      %le3A_676 = arith.constant 8.000000e+00 : f32
      %le3A_677 = vector.broadcast %le3A_676 : f32 to vector<16xf32>
      %le3A_678 = arith.cmpf ole, %abs3A_646, %le3A_677 : vector<16xf32>
      %and3A_679 = arith.andi %le3A_675, %le3A_678 : vector<16xi1>
      %jit3A_680 = arith.constant 1 : i32
      %broadcast_in_dim3A_681 = vector.broadcast %jit3A_680 : i32 to vector<16xi32>
      %select_n3A_682 = arith.select %or3A, %select_n3A_673, %broadcast_in_dim3A_681 : vector<16xi1>, vector<16xi32>
      %select_n3A_683 = arith.select %gt3A_648, %select_n3A_652, %select_n3A_682 : vector<16xi1>, vector<16xi32>
      %jit3A_684 = arith.constant 2 : i32
      %broadcast_in_dim3A_685 = vector.broadcast %jit3A_684 : i32 to vector<16xi32>
      %select_n3A_686 = arith.select %and3A_679, %broadcast_in_dim3A_685, %select_n3A_683 : vector<16xi1>, vector<16xi32>
      %or3A_687 = arith.ori %scan3A_637, %select_n3A_686 : vector<16xi32>
      scf.yield %or3A_687 : vector<16xi32>
    }
    %scan3A_57 = arith.constant 64 : i32
    %add3A_58 = arith.constant 6144 : i32
    %add3A_59 = arith.addi %mul3A_2, %add3A_58 : i32
    %dma_start3A_60 = arith.constant 32 : i32
    %dma_start3A_61 = tpu.memref_slice %arg2[%add3A_59, %dma_start3A_60] : memref<1048576x128xf32, #tpu.memory_space<hbm>> -> memref<1024x16xf32, #tpu.memory_space<hbm>>
    %dma_start3A_62 = arith.constant 32 : i32
    %dma_start3A_63 = tpu.memref_slice %arg2[%add3A_59, %dma_start3A_62] : memref<1048576x128xf32, #tpu.memory_space<hbm>> -> memref<1024x16xf32, #tpu.memory_space<hbm>>
    tpu.enqueue_dma source(%dma_start3A_63 : memref<1024x16xf32, #tpu.memory_space<hbm>>) target(%arg4 : memref<1024x16xf32, #tpu.memory_space<vmem>>) target_semaphore(%arg11 : memref<!tpu.dma_semaphore, #tpu.memory_space<semaphore_mem>>)
    %dma_wait3A_64 = arith.constant 32 : i32
    %dma_wait3A_65 = tpu.memref_slice %arg2[%add3A_21, %dma_wait3A_64] : memref<1048576x128xf32, #tpu.memory_space<hbm>> -> memref<1024x16xf32, #tpu.memory_space<hbm>>
    %dma_wait3A_66 = arith.constant 32 : i32
    %dma_wait3A_67 = tpu.memref_slice %arg2[%add3A_21, %dma_wait3A_66] : memref<1048576x128xf32, #tpu.memory_space<hbm>> -> memref<1024x16xf32, #tpu.memory_space<hbm>>
    tpu.wait_dma2 semaphore(%arg12 : memref<!tpu.dma_semaphore, #tpu.memory_space<semaphore_mem>>) src(%dma_wait3A_67 : memref<1024x16xf32, #tpu.memory_space<hbm>>) dst(%arg5 : memref<1024x16xf32, #tpu.memory_space<vmem>>)
    %scan3A_68 = arith.constant 0 : i32
    %scan3A_69 = arith.constant 64 : i32
    %scan3A_70 = arith.addi %scan3A_68, %scan3A_69 : i32
    %scan3A_71 = arith.constant 1 : i32
    %scan3A_72 = scf.for %scan3A_636 = %scan3A_68 to %scan3A_70 step %scan3A_71 iter_args(%scan3A_637 = %scan3A_56) -> (vector<16xi32>)  : i32 {
      %mul3A_638 = arith.constant 16 : i32
      %mul3A_639 = arith.muli %scan3A_636, %mul3A_638 : i32
      %add3A_640 = vector.broadcast %mul3A_639 : i32 to vector<16xi32>
      %add3A_641 = arith.addi %iota3A, %add3A_640 : vector<16xi32>
      %gather3A = tpu.vector_load_idx %arg5[%add3A_641, %broadcast_in_dim3A_3] : memref<1024x16xf32, #tpu.memory_space<vmem>>[vector<16xi32>, vector<16xi32>], vector<16xf32>,
      %gather3A_642 = tpu.vector_load_idx %arg5[%add3A_641, %add3A_6] : memref<1024x16xf32, #tpu.memory_space<vmem>>[vector<16xi32>, vector<16xi32>], vector<16xf32>,
      %gather3A_643 = tpu.vector_load_idx %arg5[%add3A_641, %add3A_9] : memref<1024x16xf32, #tpu.memory_space<vmem>>[vector<16xi32>, vector<16xi32>], vector<16xf32>,
      %gather3A_644 = tpu.vector_load_idx %arg5[%add3A_641, %add3A_12] : memref<1024x16xf32, #tpu.memory_space<vmem>>[vector<16xi32>, vector<16xi32>], vector<16xf32>,
      %sub3A = arith.subf %gather3A_642, %gather3A : vector<16xf32>
      %abs3A = math.absf %sub3A : vector<16xf32>
      %sub3A_645 = arith.subf %gather3A_644, %gather3A_643 : vector<16xf32>
      %abs3A_646 = math.absf %sub3A_645 : vector<16xf32>
      %gt3A = arith.constant 4.000000e+00 : f32
      %gt3A_647 = vector.broadcast %gt3A : f32 to vector<16xf32>
      %gt3A_648 = arith.cmpf ogt, %abs3A_646, %gt3A_647 : vector<16xf32>
      %lt3A = arith.cmpf olt, %gather3A_644, %gather3A_643 : vector<16xf32>
      %jit3A = arith.constant 4 : i32
      %jit3A_649 = arith.constant 32 : i32
      %broadcast_in_dim3A_650 = vector.broadcast %jit3A : i32 to vector<16xi32>
      %broadcast_in_dim3A_651 = vector.broadcast %jit3A_649 : i32 to vector<16xi32>
      %select_n3A_652 = arith.select %lt3A, %broadcast_in_dim3A_650, %broadcast_in_dim3A_651 : vector<16xi1>, vector<16xi32>
      %lt3A_653 = arith.constant 8.000000e+01 : f32
      %lt3A_654 = vector.broadcast %lt3A_653 : f32 to vector<16xf32>
      %lt3A_655 = arith.cmpf olt, %gather3A_642, %lt3A_654 : vector<16xf32>
      %jit3A_656 = arith.constant 2.300000e+01 : f32
      %jit3A_657 = arith.constant -2.300000e+01 : f32
      %broadcast_in_dim3A_658 = vector.broadcast %jit3A_656 : f32 to vector<16xf32>
      %broadcast_in_dim3A_659 = vector.broadcast %jit3A_657 : f32 to vector<16xf32>
      %select_n3A_660 = arith.select %lt3A_655, %broadcast_in_dim3A_658, %broadcast_in_dim3A_659 : vector<16xi1>, vector<16xf32>
      %add3A_661 = arith.addf %gather3A_642, %select_n3A_660 : vector<16xf32>
      %sub3A_662 = arith.subf %gather3A, %add3A_661 : vector<16xf32>
      %gt3A_663 = arith.constant 2.000000e+00 : f32
      %gt3A_664 = vector.broadcast %gt3A_663 : f32 to vector<16xf32>
      %gt3A_665 = arith.cmpf ogt, %sub3A_662, %gt3A_664 : vector<16xf32>
      %lt3A_666 = arith.constant -2.000000e+00 : f32
      %lt3A_667 = vector.broadcast %lt3A_666 : f32 to vector<16xf32>
      %lt3A_668 = arith.cmpf olt, %sub3A_662, %lt3A_667 : vector<16xf32>
      %jit3A_669 = arith.constant 16 : i32
      %jit3A_670 = arith.constant 8 : i32
      %broadcast_in_dim3A_671 = vector.broadcast %jit3A_669 : i32 to vector<16xi32>
      %broadcast_in_dim3A_672 = vector.broadcast %jit3A_670 : i32 to vector<16xi32>
      %select_n3A_673 = arith.select %gt3A_665, %broadcast_in_dim3A_671, %broadcast_in_dim3A_672 : vector<16xi1>, vector<16xi32>
      %or3A = arith.ori %gt3A_665, %lt3A_668 : vector<16xi1>
      %le3A = arith.constant 2.500000e+01 : f32
      %le3A_674 = vector.broadcast %le3A : f32 to vector<16xf32>
      %le3A_675 = arith.cmpf ole, %abs3A, %le3A_674 : vector<16xf32>
      %le3A_676 = arith.constant 8.000000e+00 : f32
      %le3A_677 = vector.broadcast %le3A_676 : f32 to vector<16xf32>
      %le3A_678 = arith.cmpf ole, %abs3A_646, %le3A_677 : vector<16xf32>
      %and3A_679 = arith.andi %le3A_675, %le3A_678 : vector<16xi1>
      %jit3A_680 = arith.constant 1 : i32
      %broadcast_in_dim3A_681 = vector.broadcast %jit3A_680 : i32 to vector<16xi32>
      %select_n3A_682 = arith.select %or3A, %select_n3A_673, %broadcast_in_dim3A_681 : vector<16xi1>, vector<16xi32>
      %select_n3A_683 = arith.select %gt3A_648, %select_n3A_652, %select_n3A_682 : vector<16xi1>, vector<16xi32>
      %jit3A_684 = arith.constant 2 : i32
      %broadcast_in_dim3A_685 = vector.broadcast %jit3A_684 : i32 to vector<16xi32>
      %select_n3A_686 = arith.select %and3A_679, %broadcast_in_dim3A_685, %select_n3A_683 : vector<16xi1>, vector<16xi32>
      %or3A_687 = arith.ori %scan3A_637, %select_n3A_686 : vector<16xi32>
      scf.yield %or3A_687 : vector<16xi32>
    }
    %scan3A_73 = arith.constant 64 : i32
    %add3A_74 = arith.constant 7168 : i32
    %add3A_75 = arith.addi %mul3A_2, %add3A_74 : i32
    %dma_start3A_76 = arith.constant 32 : i32
    %dma_start3A_77 = tpu.memref_slice %arg2[%add3A_75, %dma_start3A_76] : memref<1048576x128xf32, #tpu.memory_space<hbm>> -> memref<1024x16xf32, #tpu.memory_space<hbm>>
    %dma_start3A_78 = arith.constant 32 : i32
    %dma_start3A_79 = tpu.memref_slice %arg2[%add3A_75, %dma_start3A_78] : memref<1048576x128xf32, #tpu.memory_space<hbm>> -> memref<1024x16xf32, #tpu.memory_space<hbm>>
    tpu.enqueue_dma source(%dma_start3A_79 : memref<1024x16xf32, #tpu.memory_space<hbm>>) target(%arg5 : memref<1024x16xf32, #tpu.memory_space<vmem>>) target_semaphore(%arg12 : memref<!tpu.dma_semaphore, #tpu.memory_space<semaphore_mem>>)
    %dma_wait3A_80 = arith.constant 32 : i32
    %dma_wait3A_81 = tpu.memref_slice %arg2[%add3A_27, %dma_wait3A_80] : memref<1048576x128xf32, #tpu.memory_space<hbm>> -> memref<1024x16xf32, #tpu.memory_space<hbm>>
    %dma_wait3A_82 = arith.constant 32 : i32
    %dma_wait3A_83 = tpu.memref_slice %arg2[%add3A_27, %dma_wait3A_82] : memref<1048576x128xf32, #tpu.memory_space<hbm>> -> memref<1024x16xf32, #tpu.memory_space<hbm>>
    tpu.wait_dma2 semaphore(%arg13 : memref<!tpu.dma_semaphore, #tpu.memory_space<semaphore_mem>>) src(%dma_wait3A_83 : memref<1024x16xf32, #tpu.memory_space<hbm>>) dst(%arg6 : memref<1024x16xf32, #tpu.memory_space<vmem>>)
    %scan3A_84 = arith.constant 0 : i32
    %scan3A_85 = arith.constant 64 : i32
    %scan3A_86 = arith.addi %scan3A_84, %scan3A_85 : i32
    %scan3A_87 = arith.constant 1 : i32
    %scan3A_88 = scf.for %scan3A_636 = %scan3A_84 to %scan3A_86 step %scan3A_87 iter_args(%scan3A_637 = %scan3A_72) -> (vector<16xi32>)  : i32 {
      %mul3A_638 = arith.constant 16 : i32
      %mul3A_639 = arith.muli %scan3A_636, %mul3A_638 : i32
      %add3A_640 = vector.broadcast %mul3A_639 : i32 to vector<16xi32>
      %add3A_641 = arith.addi %iota3A, %add3A_640 : vector<16xi32>
      %gather3A = tpu.vector_load_idx %arg6[%add3A_641, %broadcast_in_dim3A_3] : memref<1024x16xf32, #tpu.memory_space<vmem>>[vector<16xi32>, vector<16xi32>], vector<16xf32>,
      %gather3A_642 = tpu.vector_load_idx %arg6[%add3A_641, %add3A_6] : memref<1024x16xf32, #tpu.memory_space<vmem>>[vector<16xi32>, vector<16xi32>], vector<16xf32>,
      %gather3A_643 = tpu.vector_load_idx %arg6[%add3A_641, %add3A_9] : memref<1024x16xf32, #tpu.memory_space<vmem>>[vector<16xi32>, vector<16xi32>], vector<16xf32>,
      %gather3A_644 = tpu.vector_load_idx %arg6[%add3A_641, %add3A_12] : memref<1024x16xf32, #tpu.memory_space<vmem>>[vector<16xi32>, vector<16xi32>], vector<16xf32>,
      %sub3A = arith.subf %gather3A_642, %gather3A : vector<16xf32>
      %abs3A = math.absf %sub3A : vector<16xf32>
      %sub3A_645 = arith.subf %gather3A_644, %gather3A_643 : vector<16xf32>
      %abs3A_646 = math.absf %sub3A_645 : vector<16xf32>
      %gt3A = arith.constant 4.000000e+00 : f32
      %gt3A_647 = vector.broadcast %gt3A : f32 to vector<16xf32>
      %gt3A_648 = arith.cmpf ogt, %abs3A_646, %gt3A_647 : vector<16xf32>
      %lt3A = arith.cmpf olt, %gather3A_644, %gather3A_643 : vector<16xf32>
      %jit3A = arith.constant 4 : i32
      %jit3A_649 = arith.constant 32 : i32
      %broadcast_in_dim3A_650 = vector.broadcast %jit3A : i32 to vector<16xi32>
      %broadcast_in_dim3A_651 = vector.broadcast %jit3A_649 : i32 to vector<16xi32>
      %select_n3A_652 = arith.select %lt3A, %broadcast_in_dim3A_650, %broadcast_in_dim3A_651 : vector<16xi1>, vector<16xi32>
      %lt3A_653 = arith.constant 8.000000e+01 : f32
      %lt3A_654 = vector.broadcast %lt3A_653 : f32 to vector<16xf32>
      %lt3A_655 = arith.cmpf olt, %gather3A_642, %lt3A_654 : vector<16xf32>
      %jit3A_656 = arith.constant 2.300000e+01 : f32
      %jit3A_657 = arith.constant -2.300000e+01 : f32
      %broadcast_in_dim3A_658 = vector.broadcast %jit3A_656 : f32 to vector<16xf32>
      %broadcast_in_dim3A_659 = vector.broadcast %jit3A_657 : f32 to vector<16xf32>
      %select_n3A_660 = arith.select %lt3A_655, %broadcast_in_dim3A_658, %broadcast_in_dim3A_659 : vector<16xi1>, vector<16xf32>
      %add3A_661 = arith.addf %gather3A_642, %select_n3A_660 : vector<16xf32>
      %sub3A_662 = arith.subf %gather3A, %add3A_661 : vector<16xf32>
      %gt3A_663 = arith.constant 2.000000e+00 : f32
      %gt3A_664 = vector.broadcast %gt3A_663 : f32 to vector<16xf32>
      %gt3A_665 = arith.cmpf ogt, %sub3A_662, %gt3A_664 : vector<16xf32>
      %lt3A_666 = arith.constant -2.000000e+00 : f32
      %lt3A_667 = vector.broadcast %lt3A_666 : f32 to vector<16xf32>
      %lt3A_668 = arith.cmpf olt, %sub3A_662, %lt3A_667 : vector<16xf32>
      %jit3A_669 = arith.constant 16 : i32
      %jit3A_670 = arith.constant 8 : i32
      %broadcast_in_dim3A_671 = vector.broadcast %jit3A_669 : i32 to vector<16xi32>
      %broadcast_in_dim3A_672 = vector.broadcast %jit3A_670 : i32 to vector<16xi32>
      %select_n3A_673 = arith.select %gt3A_665, %broadcast_in_dim3A_671, %broadcast_in_dim3A_672 : vector<16xi1>, vector<16xi32>
      %or3A = arith.ori %gt3A_665, %lt3A_668 : vector<16xi1>
      %le3A = arith.constant 2.500000e+01 : f32
      %le3A_674 = vector.broadcast %le3A : f32 to vector<16xf32>
      %le3A_675 = arith.cmpf ole, %abs3A, %le3A_674 : vector<16xf32>
      %le3A_676 = arith.constant 8.000000e+00 : f32
      %le3A_677 = vector.broadcast %le3A_676 : f32 to vector<16xf32>
      %le3A_678 = arith.cmpf ole, %abs3A_646, %le3A_677 : vector<16xf32>
      %and3A_679 = arith.andi %le3A_675, %le3A_678 : vector<16xi1>
      %jit3A_680 = arith.constant 1 : i32
      %broadcast_in_dim3A_681 = vector.broadcast %jit3A_680 : i32 to vector<16xi32>
      %select_n3A_682 = arith.select %or3A, %select_n3A_673, %broadcast_in_dim3A_681 : vector<16xi1>, vector<16xi32>
      %select_n3A_683 = arith.select %gt3A_648, %select_n3A_652, %select_n3A_682 : vector<16xi1>, vector<16xi32>
      %jit3A_684 = arith.constant 2 : i32
      %broadcast_in_dim3A_685 = vector.broadcast %jit3A_684 : i32 to vector<16xi32>
      %select_n3A_686 = arith.select %and3A_679, %broadcast_in_dim3A_685, %select_n3A_683 : vector<16xi1>, vector<16xi32>
      %or3A_687 = arith.ori %scan3A_637, %select_n3A_686 : vector<16xi32>
      scf.yield %or3A_687 : vector<16xi32>
    }
    %scan3A_89 = arith.constant 64 : i32
    %add3A_90 = arith.constant 8192 : i32
    %add3A_91 = arith.addi %mul3A_2, %add3A_90 : i32
    %dma_start3A_92 = arith.constant 32 : i32
    %dma_start3A_93 = tpu.memref_slice %arg2[%add3A_91, %dma_start3A_92] : memref<1048576x128xf32, #tpu.memory_space<hbm>> -> memref<1024x16xf32, #tpu.memory_space<hbm>>
    %dma_start3A_94 = arith.constant 32 : i32
    %dma_start3A_95 = tpu.memref_slice %arg2[%add3A_91, %dma_start3A_94] : memref<1048576x128xf32, #tpu.memory_space<hbm>> -> memref<1024x16xf32, #tpu.memory_space<hbm>>
    tpu.enqueue_dma source(%dma_start3A_95 : memref<1024x16xf32, #tpu.memory_space<hbm>>) target(%arg6 : memref<1024x16xf32, #tpu.memory_space<vmem>>) target_semaphore(%arg13 : memref<!tpu.dma_semaphore, #tpu.memory_space<semaphore_mem>>)
    %dma_wait3A_96 = arith.constant 32 : i32
    %dma_wait3A_97 = tpu.memref_slice %arg2[%add3A_33, %dma_wait3A_96] : memref<1048576x128xf32, #tpu.memory_space<hbm>> -> memref<1024x16xf32, #tpu.memory_space<hbm>>
    %dma_wait3A_98 = arith.constant 32 : i32
    %dma_wait3A_99 = tpu.memref_slice %arg2[%add3A_33, %dma_wait3A_98] : memref<1048576x128xf32, #tpu.memory_space<hbm>> -> memref<1024x16xf32, #tpu.memory_space<hbm>>
    tpu.wait_dma2 semaphore(%arg14 : memref<!tpu.dma_semaphore, #tpu.memory_space<semaphore_mem>>) src(%dma_wait3A_99 : memref<1024x16xf32, #tpu.memory_space<hbm>>) dst(%arg7 : memref<1024x16xf32, #tpu.memory_space<vmem>>)
    %scan3A_100 = arith.constant 0 : i32
    %scan3A_101 = arith.constant 64 : i32
    %scan3A_102 = arith.addi %scan3A_100, %scan3A_101 : i32
    %scan3A_103 = arith.constant 1 : i32
    %scan3A_104 = scf.for %scan3A_636 = %scan3A_100 to %scan3A_102 step %scan3A_103 iter_args(%scan3A_637 = %scan3A_88) -> (vector<16xi32>)  : i32 {
      %mul3A_638 = arith.constant 16 : i32
      %mul3A_639 = arith.muli %scan3A_636, %mul3A_638 : i32
      %add3A_640 = vector.broadcast %mul3A_639 : i32 to vector<16xi32>
      %add3A_641 = arith.addi %iota3A, %add3A_640 : vector<16xi32>
      %gather3A = tpu.vector_load_idx %arg7[%add3A_641, %broadcast_in_dim3A_3] : memref<1024x16xf32, #tpu.memory_space<vmem>>[vector<16xi32>, vector<16xi32>], vector<16xf32>,
      %gather3A_642 = tpu.vector_load_idx %arg7[%add3A_641, %add3A_6] : memref<1024x16xf32, #tpu.memory_space<vmem>>[vector<16xi32>, vector<16xi32>], vector<16xf32>,
      %gather3A_643 = tpu.vector_load_idx %arg7[%add3A_641, %add3A_9] : memref<1024x16xf32, #tpu.memory_space<vmem>>[vector<16xi32>, vector<16xi32>], vector<16xf32>,
      %gather3A_644 = tpu.vector_load_idx %arg7[%add3A_641, %add3A_12] : memref<1024x16xf32, #tpu.memory_space<vmem>>[vector<16xi32>, vector<16xi32>], vector<16xf32>,
      %sub3A = arith.subf %gather3A_642, %gather3A : vector<16xf32>
      %abs3A = math.absf %sub3A : vector<16xf32>
      %sub3A_645 = arith.subf %gather3A_644, %gather3A_643 : vector<16xf32>
      %abs3A_646 = math.absf %sub3A_645 : vector<16xf32>
      %gt3A = arith.constant 4.000000e+00 : f32
      %gt3A_647 = vector.broadcast %gt3A : f32 to vector<16xf32>
      %gt3A_648 = arith.cmpf ogt, %abs3A_646, %gt3A_647 : vector<16xf32>
      %lt3A = arith.cmpf olt, %gather3A_644, %gather3A_643 : vector<16xf32>
      %jit3A = arith.constant 4 : i32
      %jit3A_649 = arith.constant 32 : i32
      %broadcast_in_dim3A_650 = vector.broadcast %jit3A : i32 to vector<16xi32>
      %broadcast_in_dim3A_651 = vector.broadcast %jit3A_649 : i32 to vector<16xi32>
      %select_n3A_652 = arith.select %lt3A, %broadcast_in_dim3A_650, %broadcast_in_dim3A_651 : vector<16xi1>, vector<16xi32>
      %lt3A_653 = arith.constant 8.000000e+01 : f32
      %lt3A_654 = vector.broadcast %lt3A_653 : f32 to vector<16xf32>
      %lt3A_655 = arith.cmpf olt, %gather3A_642, %lt3A_654 : vector<16xf32>
      %jit3A_656 = arith.constant 2.300000e+01 : f32
      %jit3A_657 = arith.constant -2.300000e+01 : f32
      %broadcast_in_dim3A_658 = vector.broadcast %jit3A_656 : f32 to vector<16xf32>
      %broadcast_in_dim3A_659 = vector.broadcast %jit3A_657 : f32 to vector<16xf32>
      %select_n3A_660 = arith.select %lt3A_655, %broadcast_in_dim3A_658, %broadcast_in_dim3A_659 : vector<16xi1>, vector<16xf32>
      %add3A_661 = arith.addf %gather3A_642, %select_n3A_660 : vector<16xf32>
      %sub3A_662 = arith.subf %gather3A, %add3A_661 : vector<16xf32>
      %gt3A_663 = arith.constant 2.000000e+00 : f32
      %gt3A_664 = vector.broadcast %gt3A_663 : f32 to vector<16xf32>
      %gt3A_665 = arith.cmpf ogt, %sub3A_662, %gt3A_664 : vector<16xf32>
      %lt3A_666 = arith.constant -2.000000e+00 : f32
      %lt3A_667 = vector.broadcast %lt3A_666 : f32 to vector<16xf32>
      %lt3A_668 = arith.cmpf olt, %sub3A_662, %lt3A_667 : vector<16xf32>
      %jit3A_669 = arith.constant 16 : i32
      %jit3A_670 = arith.constant 8 : i32
      %broadcast_in_dim3A_671 = vector.broadcast %jit3A_669 : i32 to vector<16xi32>
      %broadcast_in_dim3A_672 = vector.broadcast %jit3A_670 : i32 to vector<16xi32>
      %select_n3A_673 = arith.select %gt3A_665, %broadcast_in_dim3A_671, %broadcast_in_dim3A_672 : vector<16xi1>, vector<16xi32>
      %or3A = arith.ori %gt3A_665, %lt3A_668 : vector<16xi1>
      %le3A = arith.constant 2.500000e+01 : f32
      %le3A_674 = vector.broadcast %le3A : f32 to vector<16xf32>
      %le3A_675 = arith.cmpf ole, %abs3A, %le3A_674 : vector<16xf32>
      %le3A_676 = arith.constant 8.000000e+00 : f32
      %le3A_677 = vector.broadcast %le3A_676 : f32 to vector<16xf32>
      %le3A_678 = arith.cmpf ole, %abs3A_646, %le3A_677 : vector<16xf32>
      %and3A_679 = arith.andi %le3A_675, %le3A_678 : vector<16xi1>
      %jit3A_680 = arith.constant 1 : i32
      %broadcast_in_dim3A_681 = vector.broadcast %jit3A_680 : i32 to vector<16xi32>
      %select_n3A_682 = arith.select %or3A, %select_n3A_673, %broadcast_in_dim3A_681 : vector<16xi1>, vector<16xi32>
      %select_n3A_683 = arith.select %gt3A_648, %select_n3A_652, %select_n3A_682 : vector<16xi1>, vector<16xi32>
      %jit3A_684 = arith.constant 2 : i32
      %broadcast_in_dim3A_685 = vector.broadcast %jit3A_684 : i32 to vector<16xi32>
      %select_n3A_686 = arith.select %and3A_679, %broadcast_in_dim3A_685, %select_n3A_683 : vector<16xi1>, vector<16xi32>
      %or3A_687 = arith.ori %scan3A_637, %select_n3A_686 : vector<16xi32>
      scf.yield %or3A_687 : vector<16xi32>
    }
    %scan3A_105 = arith.constant 64 : i32
    %add3A_106 = arith.constant 9216 : i32
    %add3A_107 = arith.addi %mul3A_2, %add3A_106 : i32
    %dma_start3A_108 = arith.constant 32 : i32
    %dma_start3A_109 = tpu.memref_slice %arg2[%add3A_107, %dma_start3A_108] : memref<1048576x128xf32, #tpu.memory_space<hbm>> -> memref<1024x16xf32, #tpu.memory_space<hbm>>
    %dma_start3A_110 = arith.constant 32 : i32
    %dma_start3A_111 = tpu.memref_slice %arg2[%add3A_107, %dma_start3A_110] : memref<1048576x128xf32, #tpu.memory_space<hbm>> -> memref<1024x16xf32, #tpu.memory_space<hbm>>
    tpu.enqueue_dma source(%dma_start3A_111 : memref<1024x16xf32, #tpu.memory_space<hbm>>) target(%arg7 : memref<1024x16xf32, #tpu.memory_space<vmem>>) target_semaphore(%arg14 : memref<!tpu.dma_semaphore, #tpu.memory_space<semaphore_mem>>)
    %dma_wait3A_112 = arith.constant 32 : i32
    %dma_wait3A_113 = tpu.memref_slice %arg2[%add3A_39, %dma_wait3A_112] : memref<1048576x128xf32, #tpu.memory_space<hbm>> -> memref<1024x16xf32, #tpu.memory_space<hbm>>
    %dma_wait3A_114 = arith.constant 32 : i32
    %dma_wait3A_115 = tpu.memref_slice %arg2[%add3A_39, %dma_wait3A_114] : memref<1048576x128xf32, #tpu.memory_space<hbm>> -> memref<1024x16xf32, #tpu.memory_space<hbm>>
    tpu.wait_dma2 semaphore(%arg15 : memref<!tpu.dma_semaphore, #tpu.memory_space<semaphore_mem>>) src(%dma_wait3A_115 : memref<1024x16xf32, #tpu.memory_space<hbm>>) dst(%arg8 : memref<1024x16xf32, #tpu.memory_space<vmem>>)
    %scan3A_116 = arith.constant 0 : i32
    %scan3A_117 = arith.constant 64 : i32
    %scan3A_118 = arith.addi %scan3A_116, %scan3A_117 : i32
    %scan3A_119 = arith.constant 1 : i32
    %scan3A_120 = scf.for %scan3A_636 = %scan3A_116 to %scan3A_118 step %scan3A_119 iter_args(%scan3A_637 = %scan3A_104) -> (vector<16xi32>)  : i32 {
      %mul3A_638 = arith.constant 16 : i32
      %mul3A_639 = arith.muli %scan3A_636, %mul3A_638 : i32
      %add3A_640 = vector.broadcast %mul3A_639 : i32 to vector<16xi32>
      %add3A_641 = arith.addi %iota3A, %add3A_640 : vector<16xi32>
      %gather3A = tpu.vector_load_idx %arg8[%add3A_641, %broadcast_in_dim3A_3] : memref<1024x16xf32, #tpu.memory_space<vmem>>[vector<16xi32>, vector<16xi32>], vector<16xf32>,
      %gather3A_642 = tpu.vector_load_idx %arg8[%add3A_641, %add3A_6] : memref<1024x16xf32, #tpu.memory_space<vmem>>[vector<16xi32>, vector<16xi32>], vector<16xf32>,
      %gather3A_643 = tpu.vector_load_idx %arg8[%add3A_641, %add3A_9] : memref<1024x16xf32, #tpu.memory_space<vmem>>[vector<16xi32>, vector<16xi32>], vector<16xf32>,
      %gather3A_644 = tpu.vector_load_idx %arg8[%add3A_641, %add3A_12] : memref<1024x16xf32, #tpu.memory_space<vmem>>[vector<16xi32>, vector<16xi32>], vector<16xf32>,
      %sub3A = arith.subf %gather3A_642, %gather3A : vector<16xf32>
      %abs3A = math.absf %sub3A : vector<16xf32>
      %sub3A_645 = arith.subf %gather3A_644, %gather3A_643 : vector<16xf32>
      %abs3A_646 = math.absf %sub3A_645 : vector<16xf32>
      %gt3A = arith.constant 4.000000e+00 : f32
      %gt3A_647 = vector.broadcast %gt3A : f32 to vector<16xf32>
      %gt3A_648 = arith.cmpf ogt, %abs3A_646, %gt3A_647 : vector<16xf32>
      %lt3A = arith.cmpf olt, %gather3A_644, %gather3A_643 : vector<16xf32>
      %jit3A = arith.constant 4 : i32
      %jit3A_649 = arith.constant 32 : i32
      %broadcast_in_dim3A_650 = vector.broadcast %jit3A : i32 to vector<16xi32>
      %broadcast_in_dim3A_651 = vector.broadcast %jit3A_649 : i32 to vector<16xi32>
      %select_n3A_652 = arith.select %lt3A, %broadcast_in_dim3A_650, %broadcast_in_dim3A_651 : vector<16xi1>, vector<16xi32>
      %lt3A_653 = arith.constant 8.000000e+01 : f32
      %lt3A_654 = vector.broadcast %lt3A_653 : f32 to vector<16xf32>
      %lt3A_655 = arith.cmpf olt, %gather3A_642, %lt3A_654 : vector<16xf32>
      %jit3A_656 = arith.constant 2.300000e+01 : f32
      %jit3A_657 = arith.constant -2.300000e+01 : f32
      %broadcast_in_dim3A_658 = vector.broadcast %jit3A_656 : f32 to vector<16xf32>
      %broadcast_in_dim3A_659 = vector.broadcast %jit3A_657 : f32 to vector<16xf32>
      %select_n3A_660 = arith.select %lt3A_655, %broadcast_in_dim3A_658, %broadcast_in_dim3A_659 : vector<16xi1>, vector<16xf32>
      %add3A_661 = arith.addf %gather3A_642, %select_n3A_660 : vector<16xf32>
      %sub3A_662 = arith.subf %gather3A, %add3A_661 : vector<16xf32>
      %gt3A_663 = arith.constant 2.000000e+00 : f32
      %gt3A_664 = vector.broadcast %gt3A_663 : f32 to vector<16xf32>
      %gt3A_665 = arith.cmpf ogt, %sub3A_662, %gt3A_664 : vector<16xf32>
      %lt3A_666 = arith.constant -2.000000e+00 : f32
      %lt3A_667 = vector.broadcast %lt3A_666 : f32 to vector<16xf32>
      %lt3A_668 = arith.cmpf olt, %sub3A_662, %lt3A_667 : vector<16xf32>
      %jit3A_669 = arith.constant 16 : i32
      %jit3A_670 = arith.constant 8 : i32
      %broadcast_in_dim3A_671 = vector.broadcast %jit3A_669 : i32 to vector<16xi32>
      %broadcast_in_dim3A_672 = vector.broadcast %jit3A_670 : i32 to vector<16xi32>
      %select_n3A_673 = arith.select %gt3A_665, %broadcast_in_dim3A_671, %broadcast_in_dim3A_672 : vector<16xi1>, vector<16xi32>
      %or3A = arith.ori %gt3A_665, %lt3A_668 : vector<16xi1>
      %le3A = arith.constant 2.500000e+01 : f32
      %le3A_674 = vector.broadcast %le3A : f32 to vector<16xf32>
      %le3A_675 = arith.cmpf ole, %abs3A, %le3A_674 : vector<16xf32>
      %le3A_676 = arith.constant 8.000000e+00 : f32
      %le3A_677 = vector.broadcast %le3A_676 : f32 to vector<16xf32>
      %le3A_678 = arith.cmpf ole, %abs3A_646, %le3A_677 : vector<16xf32>
      %and3A_679 = arith.andi %le3A_675, %le3A_678 : vector<16xi1>
      %jit3A_680 = arith.constant 1 : i32
      %broadcast_in_dim3A_681 = vector.broadcast %jit3A_680 : i32 to vector<16xi32>
      %select_n3A_682 = arith.select %or3A, %select_n3A_673, %broadcast_in_dim3A_681 : vector<16xi1>, vector<16xi32>
      %select_n3A_683 = arith.select %gt3A_648, %select_n3A_652, %select_n3A_682 : vector<16xi1>, vector<16xi32>
      %jit3A_684 = arith.constant 2 : i32
      %broadcast_in_dim3A_685 = vector.broadcast %jit3A_684 : i32 to vector<16xi32>
      %select_n3A_686 = arith.select %and3A_679, %broadcast_in_dim3A_685, %select_n3A_683 : vector<16xi1>, vector<16xi32>
      %or3A_687 = arith.ori %scan3A_637, %select_n3A_686 : vector<16xi32>
      scf.yield %or3A_687 : vector<16xi32>
    }
    %scan3A_121 = arith.constant 64 : i32
    %add3A_122 = arith.constant 10240 : i32
    %add3A_123 = arith.addi %mul3A_2, %add3A_122 : i32
    %dma_start3A_124 = arith.constant 32 : i32
    %dma_start3A_125 = tpu.memref_slice %arg2[%add3A_123, %dma_start3A_124] : memref<1048576x128xf32, #tpu.memory_space<hbm>> -> memref<1024x16xf32, #tpu.memory_space<hbm>>
    %dma_start3A_126 = arith.constant 32 : i32
    %dma_start3A_127 = tpu.memref_slice %arg2[%add3A_123, %dma_start3A_126] : memref<1048576x128xf32, #tpu.memory_space<hbm>> -> memref<1024x16xf32, #tpu.memory_space<hbm>>
    tpu.enqueue_dma source(%dma_start3A_127 : memref<1024x16xf32, #tpu.memory_space<hbm>>) target(%arg8 : memref<1024x16xf32, #tpu.memory_space<vmem>>) target_semaphore(%arg15 : memref<!tpu.dma_semaphore, #tpu.memory_space<semaphore_mem>>)
    %dma_wait3A_128 = arith.constant 32 : i32
    %dma_wait3A_129 = tpu.memref_slice %arg2[%add3A_45, %dma_wait3A_128] : memref<1048576x128xf32, #tpu.memory_space<hbm>> -> memref<1024x16xf32, #tpu.memory_space<hbm>>
    %dma_wait3A_130 = arith.constant 32 : i32
    %dma_wait3A_131 = tpu.memref_slice %arg2[%add3A_45, %dma_wait3A_130] : memref<1048576x128xf32, #tpu.memory_space<hbm>> -> memref<1024x16xf32, #tpu.memory_space<hbm>>
    tpu.wait_dma2 semaphore(%arg16 : memref<!tpu.dma_semaphore, #tpu.memory_space<semaphore_mem>>) src(%dma_wait3A_131 : memref<1024x16xf32, #tpu.memory_space<hbm>>) dst(%arg9 : memref<1024x16xf32, #tpu.memory_space<vmem>>)
    %scan3A_132 = arith.constant 0 : i32
    %scan3A_133 = arith.constant 64 : i32
    %scan3A_134 = arith.addi %scan3A_132, %scan3A_133 : i32
    %scan3A_135 = arith.constant 1 : i32
    %scan3A_136 = scf.for %scan3A_636 = %scan3A_132 to %scan3A_134 step %scan3A_135 iter_args(%scan3A_637 = %scan3A_120) -> (vector<16xi32>)  : i32 {
      %mul3A_638 = arith.constant 16 : i32
      %mul3A_639 = arith.muli %scan3A_636, %mul3A_638 : i32
      %add3A_640 = vector.broadcast %mul3A_639 : i32 to vector<16xi32>
      %add3A_641 = arith.addi %iota3A, %add3A_640 : vector<16xi32>
      %gather3A = tpu.vector_load_idx %arg9[%add3A_641, %broadcast_in_dim3A_3] : memref<1024x16xf32, #tpu.memory_space<vmem>>[vector<16xi32>, vector<16xi32>], vector<16xf32>,
      %gather3A_642 = tpu.vector_load_idx %arg9[%add3A_641, %add3A_6] : memref<1024x16xf32, #tpu.memory_space<vmem>>[vector<16xi32>, vector<16xi32>], vector<16xf32>,
      %gather3A_643 = tpu.vector_load_idx %arg9[%add3A_641, %add3A_9] : memref<1024x16xf32, #tpu.memory_space<vmem>>[vector<16xi32>, vector<16xi32>], vector<16xf32>,
      %gather3A_644 = tpu.vector_load_idx %arg9[%add3A_641, %add3A_12] : memref<1024x16xf32, #tpu.memory_space<vmem>>[vector<16xi32>, vector<16xi32>], vector<16xf32>,
      %sub3A = arith.subf %gather3A_642, %gather3A : vector<16xf32>
      %abs3A = math.absf %sub3A : vector<16xf32>
      %sub3A_645 = arith.subf %gather3A_644, %gather3A_643 : vector<16xf32>
      %abs3A_646 = math.absf %sub3A_645 : vector<16xf32>
      %gt3A = arith.constant 4.000000e+00 : f32
      %gt3A_647 = vector.broadcast %gt3A : f32 to vector<16xf32>
      %gt3A_648 = arith.cmpf ogt, %abs3A_646, %gt3A_647 : vector<16xf32>
      %lt3A = arith.cmpf olt, %gather3A_644, %gather3A_643 : vector<16xf32>
      %jit3A = arith.constant 4 : i32
      %jit3A_649 = arith.constant 32 : i32
      %broadcast_in_dim3A_650 = vector.broadcast %jit3A : i32 to vector<16xi32>
      %broadcast_in_dim3A_651 = vector.broadcast %jit3A_649 : i32 to vector<16xi32>
      %select_n3A_652 = arith.select %lt3A, %broadcast_in_dim3A_650, %broadcast_in_dim3A_651 : vector<16xi1>, vector<16xi32>
      %lt3A_653 = arith.constant 8.000000e+01 : f32
      %lt3A_654 = vector.broadcast %lt3A_653 : f32 to vector<16xf32>
      %lt3A_655 = arith.cmpf olt, %gather3A_642, %lt3A_654 : vector<16xf32>
      %jit3A_656 = arith.constant 2.300000e+01 : f32
      %jit3A_657 = arith.constant -2.300000e+01 : f32
      %broadcast_in_dim3A_658 = vector.broadcast %jit3A_656 : f32 to vector<16xf32>
      %broadcast_in_dim3A_659 = vector.broadcast %jit3A_657 : f32 to vector<16xf32>
      %select_n3A_660 = arith.select %lt3A_655, %broadcast_in_dim3A_658, %broadcast_in_dim3A_659 : vector<16xi1>, vector<16xf32>
      %add3A_661 = arith.addf %gather3A_642, %select_n3A_660 : vector<16xf32>
      %sub3A_662 = arith.subf %gather3A, %add3A_661 : vector<16xf32>
      %gt3A_663 = arith.constant 2.000000e+00 : f32
      %gt3A_664 = vector.broadcast %gt3A_663 : f32 to vector<16xf32>
      %gt3A_665 = arith.cmpf ogt, %sub3A_662, %gt3A_664 : vector<16xf32>
      %lt3A_666 = arith.constant -2.000000e+00 : f32
      %lt3A_667 = vector.broadcast %lt3A_666 : f32 to vector<16xf32>
      %lt3A_668 = arith.cmpf olt, %sub3A_662, %lt3A_667 : vector<16xf32>
      %jit3A_669 = arith.constant 16 : i32
      %jit3A_670 = arith.constant 8 : i32
      %broadcast_in_dim3A_671 = vector.broadcast %jit3A_669 : i32 to vector<16xi32>
      %broadcast_in_dim3A_672 = vector.broadcast %jit3A_670 : i32 to vector<16xi32>
      %select_n3A_673 = arith.select %gt3A_665, %broadcast_in_dim3A_671, %broadcast_in_dim3A_672 : vector<16xi1>, vector<16xi32>
      %or3A = arith.ori %gt3A_665, %lt3A_668 : vector<16xi1>
      %le3A = arith.constant 2.500000e+01 : f32
      %le3A_674 = vector.broadcast %le3A : f32 to vector<16xf32>
      %le3A_675 = arith.cmpf ole, %abs3A, %le3A_674 : vector<16xf32>
      %le3A_676 = arith.constant 8.000000e+00 : f32
      %le3A_677 = vector.broadcast %le3A_676 : f32 to vector<16xf32>
      %le3A_678 = arith.cmpf ole, %abs3A_646, %le3A_677 : vector<16xf32>
      %and3A_679 = arith.andi %le3A_675, %le3A_678 : vector<16xi1>
      %jit3A_680 = arith.constant 1 : i32
      %broadcast_in_dim3A_681 = vector.broadcast %jit3A_680 : i32 to vector<16xi32>
      %select_n3A_682 = arith.select %or3A, %select_n3A_673, %broadcast_in_dim3A_681 : vector<16xi1>, vector<16xi32>
      %select_n3A_683 = arith.select %gt3A_648, %select_n3A_652, %select_n3A_682 : vector<16xi1>, vector<16xi32>
      %jit3A_684 = arith.constant 2 : i32
      %broadcast_in_dim3A_685 = vector.broadcast %jit3A_684 : i32 to vector<16xi32>
      %select_n3A_686 = arith.select %and3A_679, %broadcast_in_dim3A_685, %select_n3A_683 : vector<16xi1>, vector<16xi32>
      %or3A_687 = arith.ori %scan3A_637, %select_n3A_686 : vector<16xi32>
      scf.yield %or3A_687 : vector<16xi32>
    }
    %scan3A_137 = arith.constant 64 : i32
    %add3A_138 = arith.constant 11264 : i32
    %add3A_139 = arith.addi %mul3A_2, %add3A_138 : i32
    %dma_start3A_140 = arith.constant 32 : i32
    %dma_start3A_141 = tpu.memref_slice %arg2[%add3A_139, %dma_start3A_140] : memref<1048576x128xf32, #tpu.memory_space<hbm>> -> memref<1024x16xf32, #tpu.memory_space<hbm>>
    %dma_start3A_142 = arith.constant 32 : i32
    %dma_start3A_143 = tpu.memref_slice %arg2[%add3A_139, %dma_start3A_142] : memref<1048576x128xf32, #tpu.memory_space<hbm>> -> memref<1024x16xf32, #tpu.memory_space<hbm>>
    tpu.enqueue_dma source(%dma_start3A_143 : memref<1024x16xf32, #tpu.memory_space<hbm>>) target(%arg9 : memref<1024x16xf32, #tpu.memory_space<vmem>>) target_semaphore(%arg16 : memref<!tpu.dma_semaphore, #tpu.memory_space<semaphore_mem>>)
    %dma_wait3A_144 = arith.constant 32 : i32
    %dma_wait3A_145 = tpu.memref_slice %arg2[%add3A_59, %dma_wait3A_144] : memref<1048576x128xf32, #tpu.memory_space<hbm>> -> memref<1024x16xf32, #tpu.memory_space<hbm>>
    %dma_wait3A_146 = arith.constant 32 : i32
    %dma_wait3A_147 = tpu.memref_slice %arg2[%add3A_59, %dma_wait3A_146] : memref<1048576x128xf32, #tpu.memory_space<hbm>> -> memref<1024x16xf32, #tpu.memory_space<hbm>>
    tpu.wait_dma2 semaphore(%arg11 : memref<!tpu.dma_semaphore, #tpu.memory_space<semaphore_mem>>) src(%dma_wait3A_147 : memref<1024x16xf32, #tpu.memory_space<hbm>>) dst(%arg4 : memref<1024x16xf32, #tpu.memory_space<vmem>>)
    %scan3A_148 = arith.constant 0 : i32
    %scan3A_149 = arith.constant 64 : i32
    %scan3A_150 = arith.addi %scan3A_148, %scan3A_149 : i32
    %scan3A_151 = arith.constant 1 : i32
    %scan3A_152 = scf.for %scan3A_636 = %scan3A_148 to %scan3A_150 step %scan3A_151 iter_args(%scan3A_637 = %scan3A_136) -> (vector<16xi32>)  : i32 {
      %mul3A_638 = arith.constant 16 : i32
      %mul3A_639 = arith.muli %scan3A_636, %mul3A_638 : i32
      %add3A_640 = vector.broadcast %mul3A_639 : i32 to vector<16xi32>
      %add3A_641 = arith.addi %iota3A, %add3A_640 : vector<16xi32>
      %gather3A = tpu.vector_load_idx %arg4[%add3A_641, %broadcast_in_dim3A_3] : memref<1024x16xf32, #tpu.memory_space<vmem>>[vector<16xi32>, vector<16xi32>], vector<16xf32>,
      %gather3A_642 = tpu.vector_load_idx %arg4[%add3A_641, %add3A_6] : memref<1024x16xf32, #tpu.memory_space<vmem>>[vector<16xi32>, vector<16xi32>], vector<16xf32>,
      %gather3A_643 = tpu.vector_load_idx %arg4[%add3A_641, %add3A_9] : memref<1024x16xf32, #tpu.memory_space<vmem>>[vector<16xi32>, vector<16xi32>], vector<16xf32>,
      %gather3A_644 = tpu.vector_load_idx %arg4[%add3A_641, %add3A_12] : memref<1024x16xf32, #tpu.memory_space<vmem>>[vector<16xi32>, vector<16xi32>], vector<16xf32>,
      %sub3A = arith.subf %gather3A_642, %gather3A : vector<16xf32>
      %abs3A = math.absf %sub3A : vector<16xf32>
      %sub3A_645 = arith.subf %gather3A_644, %gather3A_643 : vector<16xf32>
      %abs3A_646 = math.absf %sub3A_645 : vector<16xf32>
      %gt3A = arith.constant 4.000000e+00 : f32
      %gt3A_647 = vector.broadcast %gt3A : f32 to vector<16xf32>
      %gt3A_648 = arith.cmpf ogt, %abs3A_646, %gt3A_647 : vector<16xf32>
      %lt3A = arith.cmpf olt, %gather3A_644, %gather3A_643 : vector<16xf32>
      %jit3A = arith.constant 4 : i32
      %jit3A_649 = arith.constant 32 : i32
      %broadcast_in_dim3A_650 = vector.broadcast %jit3A : i32 to vector<16xi32>
      %broadcast_in_dim3A_651 = vector.broadcast %jit3A_649 : i32 to vector<16xi32>
      %select_n3A_652 = arith.select %lt3A, %broadcast_in_dim3A_650, %broadcast_in_dim3A_651 : vector<16xi1>, vector<16xi32>
      %lt3A_653 = arith.constant 8.000000e+01 : f32
      %lt3A_654 = vector.broadcast %lt3A_653 : f32 to vector<16xf32>
      %lt3A_655 = arith.cmpf olt, %gather3A_642, %lt3A_654 : vector<16xf32>
      %jit3A_656 = arith.constant 2.300000e+01 : f32
      %jit3A_657 = arith.constant -2.300000e+01 : f32
      %broadcast_in_dim3A_658 = vector.broadcast %jit3A_656 : f32 to vector<16xf32>
      %broadcast_in_dim3A_659 = vector.broadcast %jit3A_657 : f32 to vector<16xf32>
      %select_n3A_660 = arith.select %lt3A_655, %broadcast_in_dim3A_658, %broadcast_in_dim3A_659 : vector<16xi1>, vector<16xf32>
      %add3A_661 = arith.addf %gather3A_642, %select_n3A_660 : vector<16xf32>
      %sub3A_662 = arith.subf %gather3A, %add3A_661 : vector<16xf32>
      %gt3A_663 = arith.constant 2.000000e+00 : f32
      %gt3A_664 = vector.broadcast %gt3A_663 : f32 to vector<16xf32>
      %gt3A_665 = arith.cmpf ogt, %sub3A_662, %gt3A_664 : vector<16xf32>
      %lt3A_666 = arith.constant -2.000000e+00 : f32
      %lt3A_667 = vector.broadcast %lt3A_666 : f32 to vector<16xf32>
      %lt3A_668 = arith.cmpf olt, %sub3A_662, %lt3A_667 : vector<16xf32>
      %jit3A_669 = arith.constant 16 : i32
      %jit3A_670 = arith.constant 8 : i32
      %broadcast_in_dim3A_671 = vector.broadcast %jit3A_669 : i32 to vector<16xi32>
      %broadcast_in_dim3A_672 = vector.broadcast %jit3A_670 : i32 to vector<16xi32>
      %select_n3A_673 = arith.select %gt3A_665, %broadcast_in_dim3A_671, %broadcast_in_dim3A_672 : vector<16xi1>, vector<16xi32>
      %or3A = arith.ori %gt3A_665, %lt3A_668 : vector<16xi1>
      %le3A = arith.constant 2.500000e+01 : f32
      %le3A_674 = vector.broadcast %le3A : f32 to vector<16xf32>
      %le3A_675 = arith.cmpf ole, %abs3A, %le3A_674 : vector<16xf32>
      %le3A_676 = arith.constant 8.000000e+00 : f32
      %le3A_677 = vector.broadcast %le3A_676 : f32 to vector<16xf32>
      %le3A_678 = arith.cmpf ole, %abs3A_646, %le3A_677 : vector<16xf32>
      %and3A_679 = arith.andi %le3A_675, %le3A_678 : vector<16xi1>
      %jit3A_680 = arith.constant 1 : i32
      %broadcast_in_dim3A_681 = vector.broadcast %jit3A_680 : i32 to vector<16xi32>
      %select_n3A_682 = arith.select %or3A, %select_n3A_673, %broadcast_in_dim3A_681 : vector<16xi1>, vector<16xi32>
      %select_n3A_683 = arith.select %gt3A_648, %select_n3A_652, %select_n3A_682 : vector<16xi1>, vector<16xi32>
      %jit3A_684 = arith.constant 2 : i32
      %broadcast_in_dim3A_685 = vector.broadcast %jit3A_684 : i32 to vector<16xi32>
      %select_n3A_686 = arith.select %and3A_679, %broadcast_in_dim3A_685, %select_n3A_683 : vector<16xi1>, vector<16xi32>
      %or3A_687 = arith.ori %scan3A_637, %select_n3A_686 : vector<16xi32>
      scf.yield %or3A_687 : vector<16xi32>
    }
    %scan3A_153 = arith.constant 64 : i32
    %add3A_154 = arith.constant 12288 : i32
    %add3A_155 = arith.addi %mul3A_2, %add3A_154 : i32
    %dma_start3A_156 = arith.constant 32 : i32
    %dma_start3A_157 = tpu.memref_slice %arg2[%add3A_155, %dma_start3A_156] : memref<1048576x128xf32, #tpu.memory_space<hbm>> -> memref<1024x16xf32, #tpu.memory_space<hbm>>
    %dma_start3A_158 = arith.constant 32 : i32
    %dma_start3A_159 = tpu.memref_slice %arg2[%add3A_155, %dma_start3A_158] : memref<1048576x128xf32, #tpu.memory_space<hbm>> -> memref<1024x16xf32, #tpu.memory_space<hbm>>
    tpu.enqueue_dma source(%dma_start3A_159 : memref<1024x16xf32, #tpu.memory_space<hbm>>) target(%arg4 : memref<1024x16xf32, #tpu.memory_space<vmem>>) target_semaphore(%arg11 : memref<!tpu.dma_semaphore, #tpu.memory_space<semaphore_mem>>)
    %dma_wait3A_160 = arith.constant 32 : i32
    %dma_wait3A_161 = tpu.memref_slice %arg2[%add3A_75, %dma_wait3A_160] : memref<1048576x128xf32, #tpu.memory_space<hbm>> -> memref<1024x16xf32, #tpu.memory_space<hbm>>
    %dma_wait3A_162 = arith.constant 32 : i32
    %dma_wait3A_163 = tpu.memref_slice %arg2[%add3A_75, %dma_wait3A_162] : memref<1048576x128xf32, #tpu.memory_space<hbm>> -> memref<1024x16xf32, #tpu.memory_space<hbm>>
    tpu.wait_dma2 semaphore(%arg12 : memref<!tpu.dma_semaphore, #tpu.memory_space<semaphore_mem>>) src(%dma_wait3A_163 : memref<1024x16xf32, #tpu.memory_space<hbm>>) dst(%arg5 : memref<1024x16xf32, #tpu.memory_space<vmem>>)
    %scan3A_164 = arith.constant 0 : i32
    %scan3A_165 = arith.constant 64 : i32
    %scan3A_166 = arith.addi %scan3A_164, %scan3A_165 : i32
    %scan3A_167 = arith.constant 1 : i32
    %scan3A_168 = scf.for %scan3A_636 = %scan3A_164 to %scan3A_166 step %scan3A_167 iter_args(%scan3A_637 = %scan3A_152) -> (vector<16xi32>)  : i32 {
      %mul3A_638 = arith.constant 16 : i32
      %mul3A_639 = arith.muli %scan3A_636, %mul3A_638 : i32
      %add3A_640 = vector.broadcast %mul3A_639 : i32 to vector<16xi32>
      %add3A_641 = arith.addi %iota3A, %add3A_640 : vector<16xi32>
      %gather3A = tpu.vector_load_idx %arg5[%add3A_641, %broadcast_in_dim3A_3] : memref<1024x16xf32, #tpu.memory_space<vmem>>[vector<16xi32>, vector<16xi32>], vector<16xf32>,
      %gather3A_642 = tpu.vector_load_idx %arg5[%add3A_641, %add3A_6] : memref<1024x16xf32, #tpu.memory_space<vmem>>[vector<16xi32>, vector<16xi32>], vector<16xf32>,
      %gather3A_643 = tpu.vector_load_idx %arg5[%add3A_641, %add3A_9] : memref<1024x16xf32, #tpu.memory_space<vmem>>[vector<16xi32>, vector<16xi32>], vector<16xf32>,
      %gather3A_644 = tpu.vector_load_idx %arg5[%add3A_641, %add3A_12] : memref<1024x16xf32, #tpu.memory_space<vmem>>[vector<16xi32>, vector<16xi32>], vector<16xf32>,
      %sub3A = arith.subf %gather3A_642, %gather3A : vector<16xf32>
      %abs3A = math.absf %sub3A : vector<16xf32>
      %sub3A_645 = arith.subf %gather3A_644, %gather3A_643 : vector<16xf32>
      %abs3A_646 = math.absf %sub3A_645 : vector<16xf32>
      %gt3A = arith.constant 4.000000e+00 : f32
      %gt3A_647 = vector.broadcast %gt3A : f32 to vector<16xf32>
      %gt3A_648 = arith.cmpf ogt, %abs3A_646, %gt3A_647 : vector<16xf32>
      %lt3A = arith.cmpf olt, %gather3A_644, %gather3A_643 : vector<16xf32>
      %jit3A = arith.constant 4 : i32
      %jit3A_649 = arith.constant 32 : i32
      %broadcast_in_dim3A_650 = vector.broadcast %jit3A : i32 to vector<16xi32>
      %broadcast_in_dim3A_651 = vector.broadcast %jit3A_649 : i32 to vector<16xi32>
      %select_n3A_652 = arith.select %lt3A, %broadcast_in_dim3A_650, %broadcast_in_dim3A_651 : vector<16xi1>, vector<16xi32>
      %lt3A_653 = arith.constant 8.000000e+01 : f32
      %lt3A_654 = vector.broadcast %lt3A_653 : f32 to vector<16xf32>
      %lt3A_655 = arith.cmpf olt, %gather3A_642, %lt3A_654 : vector<16xf32>
      %jit3A_656 = arith.constant 2.300000e+01 : f32
      %jit3A_657 = arith.constant -2.300000e+01 : f32
      %broadcast_in_dim3A_658 = vector.broadcast %jit3A_656 : f32 to vector<16xf32>
      %broadcast_in_dim3A_659 = vector.broadcast %jit3A_657 : f32 to vector<16xf32>
      %select_n3A_660 = arith.select %lt3A_655, %broadcast_in_dim3A_658, %broadcast_in_dim3A_659 : vector<16xi1>, vector<16xf32>
      %add3A_661 = arith.addf %gather3A_642, %select_n3A_660 : vector<16xf32>
      %sub3A_662 = arith.subf %gather3A, %add3A_661 : vector<16xf32>
      %gt3A_663 = arith.constant 2.000000e+00 : f32
      %gt3A_664 = vector.broadcast %gt3A_663 : f32 to vector<16xf32>
      %gt3A_665 = arith.cmpf ogt, %sub3A_662, %gt3A_664 : vector<16xf32>
      %lt3A_666 = arith.constant -2.000000e+00 : f32
      %lt3A_667 = vector.broadcast %lt3A_666 : f32 to vector<16xf32>
      %lt3A_668 = arith.cmpf olt, %sub3A_662, %lt3A_667 : vector<16xf32>
      %jit3A_669 = arith.constant 16 : i32
      %jit3A_670 = arith.constant 8 : i32
      %broadcast_in_dim3A_671 = vector.broadcast %jit3A_669 : i32 to vector<16xi32>
      %broadcast_in_dim3A_672 = vector.broadcast %jit3A_670 : i32 to vector<16xi32>
      %select_n3A_673 = arith.select %gt3A_665, %broadcast_in_dim3A_671, %broadcast_in_dim3A_672 : vector<16xi1>, vector<16xi32>
      %or3A = arith.ori %gt3A_665, %lt3A_668 : vector<16xi1>
      %le3A = arith.constant 2.500000e+01 : f32
      %le3A_674 = vector.broadcast %le3A : f32 to vector<16xf32>
      %le3A_675 = arith.cmpf ole, %abs3A, %le3A_674 : vector<16xf32>
      %le3A_676 = arith.constant 8.000000e+00 : f32
      %le3A_677 = vector.broadcast %le3A_676 : f32 to vector<16xf32>
      %le3A_678 = arith.cmpf ole, %abs3A_646, %le3A_677 : vector<16xf32>
      %and3A_679 = arith.andi %le3A_675, %le3A_678 : vector<16xi1>
      %jit3A_680 = arith.constant 1 : i32
      %broadcast_in_dim3A_681 = vector.broadcast %jit3A_680 : i32 to vector<16xi32>
      %select_n3A_682 = arith.select %or3A, %select_n3A_673, %broadcast_in_dim3A_681 : vector<16xi1>, vector<16xi32>
      %select_n3A_683 = arith.select %gt3A_648, %select_n3A_652, %select_n3A_682 : vector<16xi1>, vector<16xi32>
      %jit3A_684 = arith.constant 2 : i32
      %broadcast_in_dim3A_685 = vector.broadcast %jit3A_684 : i32 to vector<16xi32>
      %select_n3A_686 = arith.select %and3A_679, %broadcast_in_dim3A_685, %select_n3A_683 : vector<16xi1>, vector<16xi32>
      %or3A_687 = arith.ori %scan3A_637, %select_n3A_686 : vector<16xi32>
      scf.yield %or3A_687 : vector<16xi32>
    }
    %scan3A_169 = arith.constant 64 : i32
    %add3A_170 = arith.constant 13312 : i32
    %add3A_171 = arith.addi %mul3A_2, %add3A_170 : i32
    %dma_start3A_172 = arith.constant 32 : i32
    %dma_start3A_173 = tpu.memref_slice %arg2[%add3A_171, %dma_start3A_172] : memref<1048576x128xf32, #tpu.memory_space<hbm>> -> memref<1024x16xf32, #tpu.memory_space<hbm>>
    %dma_start3A_174 = arith.constant 32 : i32
    %dma_start3A_175 = tpu.memref_slice %arg2[%add3A_171, %dma_start3A_174] : memref<1048576x128xf32, #tpu.memory_space<hbm>> -> memref<1024x16xf32, #tpu.memory_space<hbm>>
    tpu.enqueue_dma source(%dma_start3A_175 : memref<1024x16xf32, #tpu.memory_space<hbm>>) target(%arg5 : memref<1024x16xf32, #tpu.memory_space<vmem>>) target_semaphore(%arg12 : memref<!tpu.dma_semaphore, #tpu.memory_space<semaphore_mem>>)
    %dma_wait3A_176 = arith.constant 32 : i32
    %dma_wait3A_177 = tpu.memref_slice %arg2[%add3A_91, %dma_wait3A_176] : memref<1048576x128xf32, #tpu.memory_space<hbm>> -> memref<1024x16xf32, #tpu.memory_space<hbm>>
    %dma_wait3A_178 = arith.constant 32 : i32
    %dma_wait3A_179 = tpu.memref_slice %arg2[%add3A_91, %dma_wait3A_178] : memref<1048576x128xf32, #tpu.memory_space<hbm>> -> memref<1024x16xf32, #tpu.memory_space<hbm>>
    tpu.wait_dma2 semaphore(%arg13 : memref<!tpu.dma_semaphore, #tpu.memory_space<semaphore_mem>>) src(%dma_wait3A_179 : memref<1024x16xf32, #tpu.memory_space<hbm>>) dst(%arg6 : memref<1024x16xf32, #tpu.memory_space<vmem>>)
    %scan3A_180 = arith.constant 0 : i32
    %scan3A_181 = arith.constant 64 : i32
    %scan3A_182 = arith.addi %scan3A_180, %scan3A_181 : i32
    %scan3A_183 = arith.constant 1 : i32
    %scan3A_184 = scf.for %scan3A_636 = %scan3A_180 to %scan3A_182 step %scan3A_183 iter_args(%scan3A_637 = %scan3A_168) -> (vector<16xi32>)  : i32 {
      %mul3A_638 = arith.constant 16 : i32
      %mul3A_639 = arith.muli %scan3A_636, %mul3A_638 : i32
      %add3A_640 = vector.broadcast %mul3A_639 : i32 to vector<16xi32>
      %add3A_641 = arith.addi %iota3A, %add3A_640 : vector<16xi32>
      %gather3A = tpu.vector_load_idx %arg6[%add3A_641, %broadcast_in_dim3A_3] : memref<1024x16xf32, #tpu.memory_space<vmem>>[vector<16xi32>, vector<16xi32>], vector<16xf32>,
      %gather3A_642 = tpu.vector_load_idx %arg6[%add3A_641, %add3A_6] : memref<1024x16xf32, #tpu.memory_space<vmem>>[vector<16xi32>, vector<16xi32>], vector<16xf32>,
      %gather3A_643 = tpu.vector_load_idx %arg6[%add3A_641, %add3A_9] : memref<1024x16xf32, #tpu.memory_space<vmem>>[vector<16xi32>, vector<16xi32>], vector<16xf32>,
      %gather3A_644 = tpu.vector_load_idx %arg6[%add3A_641, %add3A_12] : memref<1024x16xf32, #tpu.memory_space<vmem>>[vector<16xi32>, vector<16xi32>], vector<16xf32>,
      %sub3A = arith.subf %gather3A_642, %gather3A : vector<16xf32>
      %abs3A = math.absf %sub3A : vector<16xf32>
      %sub3A_645 = arith.subf %gather3A_644, %gather3A_643 : vector<16xf32>
      %abs3A_646 = math.absf %sub3A_645 : vector<16xf32>
      %gt3A = arith.constant 4.000000e+00 : f32
      %gt3A_647 = vector.broadcast %gt3A : f32 to vector<16xf32>
      %gt3A_648 = arith.cmpf ogt, %abs3A_646, %gt3A_647 : vector<16xf32>
      %lt3A = arith.cmpf olt, %gather3A_644, %gather3A_643 : vector<16xf32>
      %jit3A = arith.constant 4 : i32
      %jit3A_649 = arith.constant 32 : i32
      %broadcast_in_dim3A_650 = vector.broadcast %jit3A : i32 to vector<16xi32>
      %broadcast_in_dim3A_651 = vector.broadcast %jit3A_649 : i32 to vector<16xi32>
      %select_n3A_652 = arith.select %lt3A, %broadcast_in_dim3A_650, %broadcast_in_dim3A_651 : vector<16xi1>, vector<16xi32>
      %lt3A_653 = arith.constant 8.000000e+01 : f32
      %lt3A_654 = vector.broadcast %lt3A_653 : f32 to vector<16xf32>
      %lt3A_655 = arith.cmpf olt, %gather3A_642, %lt3A_654 : vector<16xf32>
      %jit3A_656 = arith.constant 2.300000e+01 : f32
      %jit3A_657 = arith.constant -2.300000e+01 : f32
      %broadcast_in_dim3A_658 = vector.broadcast %jit3A_656 : f32 to vector<16xf32>
      %broadcast_in_dim3A_659 = vector.broadcast %jit3A_657 : f32 to vector<16xf32>
      %select_n3A_660 = arith.select %lt3A_655, %broadcast_in_dim3A_658, %broadcast_in_dim3A_659 : vector<16xi1>, vector<16xf32>
      %add3A_661 = arith.addf %gather3A_642, %select_n3A_660 : vector<16xf32>
      %sub3A_662 = arith.subf %gather3A, %add3A_661 : vector<16xf32>
      %gt3A_663 = arith.constant 2.000000e+00 : f32
      %gt3A_664 = vector.broadcast %gt3A_663 : f32 to vector<16xf32>
      %gt3A_665 = arith.cmpf ogt, %sub3A_662, %gt3A_664 : vector<16xf32>
      %lt3A_666 = arith.constant -2.000000e+00 : f32
      %lt3A_667 = vector.broadcast %lt3A_666 : f32 to vector<16xf32>
      %lt3A_668 = arith.cmpf olt, %sub3A_662, %lt3A_667 : vector<16xf32>
      %jit3A_669 = arith.constant 16 : i32
      %jit3A_670 = arith.constant 8 : i32
      %broadcast_in_dim3A_671 = vector.broadcast %jit3A_669 : i32 to vector<16xi32>
      %broadcast_in_dim3A_672 = vector.broadcast %jit3A_670 : i32 to vector<16xi32>
      %select_n3A_673 = arith.select %gt3A_665, %broadcast_in_dim3A_671, %broadcast_in_dim3A_672 : vector<16xi1>, vector<16xi32>
      %or3A = arith.ori %gt3A_665, %lt3A_668 : vector<16xi1>
      %le3A = arith.constant 2.500000e+01 : f32
      %le3A_674 = vector.broadcast %le3A : f32 to vector<16xf32>
      %le3A_675 = arith.cmpf ole, %abs3A, %le3A_674 : vector<16xf32>
      %le3A_676 = arith.constant 8.000000e+00 : f32
      %le3A_677 = vector.broadcast %le3A_676 : f32 to vector<16xf32>
      %le3A_678 = arith.cmpf ole, %abs3A_646, %le3A_677 : vector<16xf32>
      %and3A_679 = arith.andi %le3A_675, %le3A_678 : vector<16xi1>
      %jit3A_680 = arith.constant 1 : i32
      %broadcast_in_dim3A_681 = vector.broadcast %jit3A_680 : i32 to vector<16xi32>
      %select_n3A_682 = arith.select %or3A, %select_n3A_673, %broadcast_in_dim3A_681 : vector<16xi1>, vector<16xi32>
      %select_n3A_683 = arith.select %gt3A_648, %select_n3A_652, %select_n3A_682 : vector<16xi1>, vector<16xi32>
      %jit3A_684 = arith.constant 2 : i32
      %broadcast_in_dim3A_685 = vector.broadcast %jit3A_684 : i32 to vector<16xi32>
      %select_n3A_686 = arith.select %and3A_679, %broadcast_in_dim3A_685, %select_n3A_683 : vector<16xi1>, vector<16xi32>
      %or3A_687 = arith.ori %scan3A_637, %select_n3A_686 : vector<16xi32>
      scf.yield %or3A_687 : vector<16xi32>
    }
    %scan3A_185 = arith.constant 64 : i32
    %add3A_186 = arith.constant 14336 : i32
    %add3A_187 = arith.addi %mul3A_2, %add3A_186 : i32
    %dma_start3A_188 = arith.constant 32 : i32
    %dma_start3A_189 = tpu.memref_slice %arg2[%add3A_187, %dma_start3A_188] : memref<1048576x128xf32, #tpu.memory_space<hbm>> -> memref<1024x16xf32, #tpu.memory_space<hbm>>
    %dma_start3A_190 = arith.constant 32 : i32
    %dma_start3A_191 = tpu.memref_slice %arg2[%add3A_187, %dma_start3A_190] : memref<1048576x128xf32, #tpu.memory_space<hbm>> -> memref<1024x16xf32, #tpu.memory_space<hbm>>
    tpu.enqueue_dma source(%dma_start3A_191 : memref<1024x16xf32, #tpu.memory_space<hbm>>) target(%arg6 : memref<1024x16xf32, #tpu.memory_space<vmem>>) target_semaphore(%arg13 : memref<!tpu.dma_semaphore, #tpu.memory_space<semaphore_mem>>)
    %dma_wait3A_192 = arith.constant 32 : i32
    %dma_wait3A_193 = tpu.memref_slice %arg2[%add3A_107, %dma_wait3A_192] : memref<1048576x128xf32, #tpu.memory_space<hbm>> -> memref<1024x16xf32, #tpu.memory_space<hbm>>
    %dma_wait3A_194 = arith.constant 32 : i32
    %dma_wait3A_195 = tpu.memref_slice %arg2[%add3A_107, %dma_wait3A_194] : memref<1048576x128xf32, #tpu.memory_space<hbm>> -> memref<1024x16xf32, #tpu.memory_space<hbm>>
    tpu.wait_dma2 semaphore(%arg14 : memref<!tpu.dma_semaphore, #tpu.memory_space<semaphore_mem>>) src(%dma_wait3A_195 : memref<1024x16xf32, #tpu.memory_space<hbm>>) dst(%arg7 : memref<1024x16xf32, #tpu.memory_space<vmem>>)
    %scan3A_196 = arith.constant 0 : i32
    %scan3A_197 = arith.constant 64 : i32
    %scan3A_198 = arith.addi %scan3A_196, %scan3A_197 : i32
    %scan3A_199 = arith.constant 1 : i32
    %scan3A_200 = scf.for %scan3A_636 = %scan3A_196 to %scan3A_198 step %scan3A_199 iter_args(%scan3A_637 = %scan3A_184) -> (vector<16xi32>)  : i32 {
      %mul3A_638 = arith.constant 16 : i32
      %mul3A_639 = arith.muli %scan3A_636, %mul3A_638 : i32
      %add3A_640 = vector.broadcast %mul3A_639 : i32 to vector<16xi32>
      %add3A_641 = arith.addi %iota3A, %add3A_640 : vector<16xi32>
      %gather3A = tpu.vector_load_idx %arg7[%add3A_641, %broadcast_in_dim3A_3] : memref<1024x16xf32, #tpu.memory_space<vmem>>[vector<16xi32>, vector<16xi32>], vector<16xf32>,
      %gather3A_642 = tpu.vector_load_idx %arg7[%add3A_641, %add3A_6] : memref<1024x16xf32, #tpu.memory_space<vmem>>[vector<16xi32>, vector<16xi32>], vector<16xf32>,
      %gather3A_643 = tpu.vector_load_idx %arg7[%add3A_641, %add3A_9] : memref<1024x16xf32, #tpu.memory_space<vmem>>[vector<16xi32>, vector<16xi32>], vector<16xf32>,
      %gather3A_644 = tpu.vector_load_idx %arg7[%add3A_641, %add3A_12] : memref<1024x16xf32, #tpu.memory_space<vmem>>[vector<16xi32>, vector<16xi32>], vector<16xf32>,
      %sub3A = arith.subf %gather3A_642, %gather3A : vector<16xf32>
      %abs3A = math.absf %sub3A : vector<16xf32>
      %sub3A_645 = arith.subf %gather3A_644, %gather3A_643 : vector<16xf32>
      %abs3A_646 = math.absf %sub3A_645 : vector<16xf32>
      %gt3A = arith.constant 4.000000e+00 : f32
      %gt3A_647 = vector.broadcast %gt3A : f32 to vector<16xf32>
      %gt3A_648 = arith.cmpf ogt, %abs3A_646, %gt3A_647 : vector<16xf32>
      %lt3A = arith.cmpf olt, %gather3A_644, %gather3A_643 : vector<16xf32>
      %jit3A = arith.constant 4 : i32
      %jit3A_649 = arith.constant 32 : i32
      %broadcast_in_dim3A_650 = vector.broadcast %jit3A : i32 to vector<16xi32>
      %broadcast_in_dim3A_651 = vector.broadcast %jit3A_649 : i32 to vector<16xi32>
      %select_n3A_652 = arith.select %lt3A, %broadcast_in_dim3A_650, %broadcast_in_dim3A_651 : vector<16xi1>, vector<16xi32>
      %lt3A_653 = arith.constant 8.000000e+01 : f32
      %lt3A_654 = vector.broadcast %lt3A_653 : f32 to vector<16xf32>
      %lt3A_655 = arith.cmpf olt, %gather3A_642, %lt3A_654 : vector<16xf32>
      %jit3A_656 = arith.constant 2.300000e+01 : f32
      %jit3A_657 = arith.constant -2.300000e+01 : f32
      %broadcast_in_dim3A_658 = vector.broadcast %jit3A_656 : f32 to vector<16xf32>
      %broadcast_in_dim3A_659 = vector.broadcast %jit3A_657 : f32 to vector<16xf32>
      %select_n3A_660 = arith.select %lt3A_655, %broadcast_in_dim3A_658, %broadcast_in_dim3A_659 : vector<16xi1>, vector<16xf32>
      %add3A_661 = arith.addf %gather3A_642, %select_n3A_660 : vector<16xf32>
      %sub3A_662 = arith.subf %gather3A, %add3A_661 : vector<16xf32>
      %gt3A_663 = arith.constant 2.000000e+00 : f32
      %gt3A_664 = vector.broadcast %gt3A_663 : f32 to vector<16xf32>
      %gt3A_665 = arith.cmpf ogt, %sub3A_662, %gt3A_664 : vector<16xf32>
      %lt3A_666 = arith.constant -2.000000e+00 : f32
      %lt3A_667 = vector.broadcast %lt3A_666 : f32 to vector<16xf32>
      %lt3A_668 = arith.cmpf olt, %sub3A_662, %lt3A_667 : vector<16xf32>
      %jit3A_669 = arith.constant 16 : i32
      %jit3A_670 = arith.constant 8 : i32
      %broadcast_in_dim3A_671 = vector.broadcast %jit3A_669 : i32 to vector<16xi32>
      %broadcast_in_dim3A_672 = vector.broadcast %jit3A_670 : i32 to vector<16xi32>
      %select_n3A_673 = arith.select %gt3A_665, %broadcast_in_dim3A_671, %broadcast_in_dim3A_672 : vector<16xi1>, vector<16xi32>
      %or3A = arith.ori %gt3A_665, %lt3A_668 : vector<16xi1>
      %le3A = arith.constant 2.500000e+01 : f32
      %le3A_674 = vector.broadcast %le3A : f32 to vector<16xf32>
      %le3A_675 = arith.cmpf ole, %abs3A, %le3A_674 : vector<16xf32>
      %le3A_676 = arith.constant 8.000000e+00 : f32
      %le3A_677 = vector.broadcast %le3A_676 : f32 to vector<16xf32>
      %le3A_678 = arith.cmpf ole, %abs3A_646, %le3A_677 : vector<16xf32>
      %and3A_679 = arith.andi %le3A_675, %le3A_678 : vector<16xi1>
      %jit3A_680 = arith.constant 1 : i32
      %broadcast_in_dim3A_681 = vector.broadcast %jit3A_680 : i32 to vector<16xi32>
      %select_n3A_682 = arith.select %or3A, %select_n3A_673, %broadcast_in_dim3A_681 : vector<16xi1>, vector<16xi32>
      %select_n3A_683 = arith.select %gt3A_648, %select_n3A_652, %select_n3A_682 : vector<16xi1>, vector<16xi32>
      %jit3A_684 = arith.constant 2 : i32
      %broadcast_in_dim3A_685 = vector.broadcast %jit3A_684 : i32 to vector<16xi32>
      %select_n3A_686 = arith.select %and3A_679, %broadcast_in_dim3A_685, %select_n3A_683 : vector<16xi1>, vector<16xi32>
      %or3A_687 = arith.ori %scan3A_637, %select_n3A_686 : vector<16xi32>
      scf.yield %or3A_687 : vector<16xi32>
    }
    %scan3A_201 = arith.constant 64 : i32
    %add3A_202 = arith.constant 15360 : i32
    %add3A_203 = arith.addi %mul3A_2, %add3A_202 : i32
    %dma_start3A_204 = arith.constant 32 : i32
    %dma_start3A_205 = tpu.memref_slice %arg2[%add3A_203, %dma_start3A_204] : memref<1048576x128xf32, #tpu.memory_space<hbm>> -> memref<1024x16xf32, #tpu.memory_space<hbm>>
    %dma_start3A_206 = arith.constant 32 : i32
    %dma_start3A_207 = tpu.memref_slice %arg2[%add3A_203, %dma_start3A_206] : memref<1048576x128xf32, #tpu.memory_space<hbm>> -> memref<1024x16xf32, #tpu.memory_space<hbm>>
    tpu.enqueue_dma source(%dma_start3A_207 : memref<1024x16xf32, #tpu.memory_space<hbm>>) target(%arg7 : memref<1024x16xf32, #tpu.memory_space<vmem>>) target_semaphore(%arg14 : memref<!tpu.dma_semaphore, #tpu.memory_space<semaphore_mem>>)
    %dma_wait3A_208 = arith.constant 32 : i32
    %dma_wait3A_209 = tpu.memref_slice %arg2[%add3A_123, %dma_wait3A_208] : memref<1048576x128xf32, #tpu.memory_space<hbm>> -> memref<1024x16xf32, #tpu.memory_space<hbm>>
    %dma_wait3A_210 = arith.constant 32 : i32
    %dma_wait3A_211 = tpu.memref_slice %arg2[%add3A_123, %dma_wait3A_210] : memref<1048576x128xf32, #tpu.memory_space<hbm>> -> memref<1024x16xf32, #tpu.memory_space<hbm>>
    tpu.wait_dma2 semaphore(%arg15 : memref<!tpu.dma_semaphore, #tpu.memory_space<semaphore_mem>>) src(%dma_wait3A_211 : memref<1024x16xf32, #tpu.memory_space<hbm>>) dst(%arg8 : memref<1024x16xf32, #tpu.memory_space<vmem>>)
    %scan3A_212 = arith.constant 0 : i32
    %scan3A_213 = arith.constant 64 : i32
    %scan3A_214 = arith.addi %scan3A_212, %scan3A_213 : i32
    %scan3A_215 = arith.constant 1 : i32
    %scan3A_216 = scf.for %scan3A_636 = %scan3A_212 to %scan3A_214 step %scan3A_215 iter_args(%scan3A_637 = %scan3A_200) -> (vector<16xi32>)  : i32 {
      %mul3A_638 = arith.constant 16 : i32
      %mul3A_639 = arith.muli %scan3A_636, %mul3A_638 : i32
      %add3A_640 = vector.broadcast %mul3A_639 : i32 to vector<16xi32>
      %add3A_641 = arith.addi %iota3A, %add3A_640 : vector<16xi32>
      %gather3A = tpu.vector_load_idx %arg8[%add3A_641, %broadcast_in_dim3A_3] : memref<1024x16xf32, #tpu.memory_space<vmem>>[vector<16xi32>, vector<16xi32>], vector<16xf32>,
      %gather3A_642 = tpu.vector_load_idx %arg8[%add3A_641, %add3A_6] : memref<1024x16xf32, #tpu.memory_space<vmem>>[vector<16xi32>, vector<16xi32>], vector<16xf32>,
      %gather3A_643 = tpu.vector_load_idx %arg8[%add3A_641, %add3A_9] : memref<1024x16xf32, #tpu.memory_space<vmem>>[vector<16xi32>, vector<16xi32>], vector<16xf32>,
      %gather3A_644 = tpu.vector_load_idx %arg8[%add3A_641, %add3A_12] : memref<1024x16xf32, #tpu.memory_space<vmem>>[vector<16xi32>, vector<16xi32>], vector<16xf32>,
      %sub3A = arith.subf %gather3A_642, %gather3A : vector<16xf32>
      %abs3A = math.absf %sub3A : vector<16xf32>
      %sub3A_645 = arith.subf %gather3A_644, %gather3A_643 : vector<16xf32>
      %abs3A_646 = math.absf %sub3A_645 : vector<16xf32>
      %gt3A = arith.constant 4.000000e+00 : f32
      %gt3A_647 = vector.broadcast %gt3A : f32 to vector<16xf32>
      %gt3A_648 = arith.cmpf ogt, %abs3A_646, %gt3A_647 : vector<16xf32>
      %lt3A = arith.cmpf olt, %gather3A_644, %gather3A_643 : vector<16xf32>
      %jit3A = arith.constant 4 : i32
      %jit3A_649 = arith.constant 32 : i32
      %broadcast_in_dim3A_650 = vector.broadcast %jit3A : i32 to vector<16xi32>
      %broadcast_in_dim3A_651 = vector.broadcast %jit3A_649 : i32 to vector<16xi32>
      %select_n3A_652 = arith.select %lt3A, %broadcast_in_dim3A_650, %broadcast_in_dim3A_651 : vector<16xi1>, vector<16xi32>
      %lt3A_653 = arith.constant 8.000000e+01 : f32
      %lt3A_654 = vector.broadcast %lt3A_653 : f32 to vector<16xf32>
      %lt3A_655 = arith.cmpf olt, %gather3A_642, %lt3A_654 : vector<16xf32>
      %jit3A_656 = arith.constant 2.300000e+01 : f32
      %jit3A_657 = arith.constant -2.300000e+01 : f32
      %broadcast_in_dim3A_658 = vector.broadcast %jit3A_656 : f32 to vector<16xf32>
      %broadcast_in_dim3A_659 = vector.broadcast %jit3A_657 : f32 to vector<16xf32>
      %select_n3A_660 = arith.select %lt3A_655, %broadcast_in_dim3A_658, %broadcast_in_dim3A_659 : vector<16xi1>, vector<16xf32>
      %add3A_661 = arith.addf %gather3A_642, %select_n3A_660 : vector<16xf32>
      %sub3A_662 = arith.subf %gather3A, %add3A_661 : vector<16xf32>
      %gt3A_663 = arith.constant 2.000000e+00 : f32
      %gt3A_664 = vector.broadcast %gt3A_663 : f32 to vector<16xf32>
      %gt3A_665 = arith.cmpf ogt, %sub3A_662, %gt3A_664 : vector<16xf32>
      %lt3A_666 = arith.constant -2.000000e+00 : f32
      %lt3A_667 = vector.broadcast %lt3A_666 : f32 to vector<16xf32>
      %lt3A_668 = arith.cmpf olt, %sub3A_662, %lt3A_667 : vector<16xf32>
      %jit3A_669 = arith.constant 16 : i32
      %jit3A_670 = arith.constant 8 : i32
      %broadcast_in_dim3A_671 = vector.broadcast %jit3A_669 : i32 to vector<16xi32>
      %broadcast_in_dim3A_672 = vector.broadcast %jit3A_670 : i32 to vector<16xi32>
      %select_n3A_673 = arith.select %gt3A_665, %broadcast_in_dim3A_671, %broadcast_in_dim3A_672 : vector<16xi1>, vector<16xi32>
      %or3A = arith.ori %gt3A_665, %lt3A_668 : vector<16xi1>
      %le3A = arith.constant 2.500000e+01 : f32
      %le3A_674 = vector.broadcast %le3A : f32 to vector<16xf32>
      %le3A_675 = arith.cmpf ole, %abs3A, %le3A_674 : vector<16xf32>
      %le3A_676 = arith.constant 8.000000e+00 : f32
      %le3A_677 = vector.broadcast %le3A_676 : f32 to vector<16xf32>
      %le3A_678 = arith.cmpf ole, %abs3A_646, %le3A_677 : vector<16xf32>
      %and3A_679 = arith.andi %le3A_675, %le3A_678 : vector<16xi1>
      %jit3A_680 = arith.constant 1 : i32
      %broadcast_in_dim3A_681 = vector.broadcast %jit3A_680 : i32 to vector<16xi32>
      %select_n3A_682 = arith.select %or3A, %select_n3A_673, %broadcast_in_dim3A_681 : vector<16xi1>, vector<16xi32>
      %select_n3A_683 = arith.select %gt3A_648, %select_n3A_652, %select_n3A_682 : vector<16xi1>, vector<16xi32>
      %jit3A_684 = arith.constant 2 : i32
      %broadcast_in_dim3A_685 = vector.broadcast %jit3A_684 : i32 to vector<16xi32>
      %select_n3A_686 = arith.select %and3A_679, %broadcast_in_dim3A_685, %select_n3A_683 : vector<16xi1>, vector<16xi32>
      %or3A_687 = arith.ori %scan3A_637, %select_n3A_686 : vector<16xi32>
      scf.yield %or3A_687 : vector<16xi32>
    }
    %scan3A_217 = arith.constant 64 : i32
    %add3A_218 = arith.constant 16384 : i32
    %add3A_219 = arith.addi %mul3A_2, %add3A_218 : i32
    %dma_start3A_220 = arith.constant 32 : i32
    %dma_start3A_221 = tpu.memref_slice %arg2[%add3A_219, %dma_start3A_220] : memref<1048576x128xf32, #tpu.memory_space<hbm>> -> memref<1024x16xf32, #tpu.memory_space<hbm>>
    %dma_start3A_222 = arith.constant 32 : i32
    %dma_start3A_223 = tpu.memref_slice %arg2[%add3A_219, %dma_start3A_222] : memref<1048576x128xf32, #tpu.memory_space<hbm>> -> memref<1024x16xf32, #tpu.memory_space<hbm>>
    tpu.enqueue_dma source(%dma_start3A_223 : memref<1024x16xf32, #tpu.memory_space<hbm>>) target(%arg8 : memref<1024x16xf32, #tpu.memory_space<vmem>>) target_semaphore(%arg15 : memref<!tpu.dma_semaphore, #tpu.memory_space<semaphore_mem>>)
    %dma_wait3A_224 = arith.constant 32 : i32
    %dma_wait3A_225 = tpu.memref_slice %arg2[%add3A_139, %dma_wait3A_224] : memref<1048576x128xf32, #tpu.memory_space<hbm>> -> memref<1024x16xf32, #tpu.memory_space<hbm>>
    %dma_wait3A_226 = arith.constant 32 : i32
    %dma_wait3A_227 = tpu.memref_slice %arg2[%add3A_139, %dma_wait3A_226] : memref<1048576x128xf32, #tpu.memory_space<hbm>> -> memref<1024x16xf32, #tpu.memory_space<hbm>>
    tpu.wait_dma2 semaphore(%arg16 : memref<!tpu.dma_semaphore, #tpu.memory_space<semaphore_mem>>) src(%dma_wait3A_227 : memref<1024x16xf32, #tpu.memory_space<hbm>>) dst(%arg9 : memref<1024x16xf32, #tpu.memory_space<vmem>>)
    %scan3A_228 = arith.constant 0 : i32
    %scan3A_229 = arith.constant 64 : i32
    %scan3A_230 = arith.addi %scan3A_228, %scan3A_229 : i32
    %scan3A_231 = arith.constant 1 : i32
    %scan3A_232 = scf.for %scan3A_636 = %scan3A_228 to %scan3A_230 step %scan3A_231 iter_args(%scan3A_637 = %scan3A_216) -> (vector<16xi32>)  : i32 {
      %mul3A_638 = arith.constant 16 : i32
      %mul3A_639 = arith.muli %scan3A_636, %mul3A_638 : i32
      %add3A_640 = vector.broadcast %mul3A_639 : i32 to vector<16xi32>
      %add3A_641 = arith.addi %iota3A, %add3A_640 : vector<16xi32>
      %gather3A = tpu.vector_load_idx %arg9[%add3A_641, %broadcast_in_dim3A_3] : memref<1024x16xf32, #tpu.memory_space<vmem>>[vector<16xi32>, vector<16xi32>], vector<16xf32>,
      %gather3A_642 = tpu.vector_load_idx %arg9[%add3A_641, %add3A_6] : memref<1024x16xf32, #tpu.memory_space<vmem>>[vector<16xi32>, vector<16xi32>], vector<16xf32>,
      %gather3A_643 = tpu.vector_load_idx %arg9[%add3A_641, %add3A_9] : memref<1024x16xf32, #tpu.memory_space<vmem>>[vector<16xi32>, vector<16xi32>], vector<16xf32>,
      %gather3A_644 = tpu.vector_load_idx %arg9[%add3A_641, %add3A_12] : memref<1024x16xf32, #tpu.memory_space<vmem>>[vector<16xi32>, vector<16xi32>], vector<16xf32>,
      %sub3A = arith.subf %gather3A_642, %gather3A : vector<16xf32>
      %abs3A = math.absf %sub3A : vector<16xf32>
      %sub3A_645 = arith.subf %gather3A_644, %gather3A_643 : vector<16xf32>
      %abs3A_646 = math.absf %sub3A_645 : vector<16xf32>
      %gt3A = arith.constant 4.000000e+00 : f32
      %gt3A_647 = vector.broadcast %gt3A : f32 to vector<16xf32>
      %gt3A_648 = arith.cmpf ogt, %abs3A_646, %gt3A_647 : vector<16xf32>
      %lt3A = arith.cmpf olt, %gather3A_644, %gather3A_643 : vector<16xf32>
      %jit3A = arith.constant 4 : i32
      %jit3A_649 = arith.constant 32 : i32
      %broadcast_in_dim3A_650 = vector.broadcast %jit3A : i32 to vector<16xi32>
      %broadcast_in_dim3A_651 = vector.broadcast %jit3A_649 : i32 to vector<16xi32>
      %select_n3A_652 = arith.select %lt3A, %broadcast_in_dim3A_650, %broadcast_in_dim3A_651 : vector<16xi1>, vector<16xi32>
      %lt3A_653 = arith.constant 8.000000e+01 : f32
      %lt3A_654 = vector.broadcast %lt3A_653 : f32 to vector<16xf32>
      %lt3A_655 = arith.cmpf olt, %gather3A_642, %lt3A_654 : vector<16xf32>
      %jit3A_656 = arith.constant 2.300000e+01 : f32
      %jit3A_657 = arith.constant -2.300000e+01 : f32
      %broadcast_in_dim3A_658 = vector.broadcast %jit3A_656 : f32 to vector<16xf32>
      %broadcast_in_dim3A_659 = vector.broadcast %jit3A_657 : f32 to vector<16xf32>
      %select_n3A_660 = arith.select %lt3A_655, %broadcast_in_dim3A_658, %broadcast_in_dim3A_659 : vector<16xi1>, vector<16xf32>
      %add3A_661 = arith.addf %gather3A_642, %select_n3A_660 : vector<16xf32>
      %sub3A_662 = arith.subf %gather3A, %add3A_661 : vector<16xf32>
      %gt3A_663 = arith.constant 2.000000e+00 : f32
      %gt3A_664 = vector.broadcast %gt3A_663 : f32 to vector<16xf32>
      %gt3A_665 = arith.cmpf ogt, %sub3A_662, %gt3A_664 : vector<16xf32>
      %lt3A_666 = arith.constant -2.000000e+00 : f32
      %lt3A_667 = vector.broadcast %lt3A_666 : f32 to vector<16xf32>
      %lt3A_668 = arith.cmpf olt, %sub3A_662, %lt3A_667 : vector<16xf32>
      %jit3A_669 = arith.constant 16 : i32
      %jit3A_670 = arith.constant 8 : i32
      %broadcast_in_dim3A_671 = vector.broadcast %jit3A_669 : i32 to vector<16xi32>
      %broadcast_in_dim3A_672 = vector.broadcast %jit3A_670 : i32 to vector<16xi32>
      %select_n3A_673 = arith.select %gt3A_665, %broadcast_in_dim3A_671, %broadcast_in_dim3A_672 : vector<16xi1>, vector<16xi32>
      %or3A = arith.ori %gt3A_665, %lt3A_668 : vector<16xi1>
      %le3A = arith.constant 2.500000e+01 : f32
      %le3A_674 = vector.broadcast %le3A : f32 to vector<16xf32>
      %le3A_675 = arith.cmpf ole, %abs3A, %le3A_674 : vector<16xf32>
      %le3A_676 = arith.constant 8.000000e+00 : f32
      %le3A_677 = vector.broadcast %le3A_676 : f32 to vector<16xf32>
      %le3A_678 = arith.cmpf ole, %abs3A_646, %le3A_677 : vector<16xf32>
      %and3A_679 = arith.andi %le3A_675, %le3A_678 : vector<16xi1>
      %jit3A_680 = arith.constant 1 : i32
      %broadcast_in_dim3A_681 = vector.broadcast %jit3A_680 : i32 to vector<16xi32>
      %select_n3A_682 = arith.select %or3A, %select_n3A_673, %broadcast_in_dim3A_681 : vector<16xi1>, vector<16xi32>
      %select_n3A_683 = arith.select %gt3A_648, %select_n3A_652, %select_n3A_682 : vector<16xi1>, vector<16xi32>
      %jit3A_684 = arith.constant 2 : i32
      %broadcast_in_dim3A_685 = vector.broadcast %jit3A_684 : i32 to vector<16xi32>
      %select_n3A_686 = arith.select %and3A_679, %broadcast_in_dim3A_685, %select_n3A_683 : vector<16xi1>, vector<16xi32>
      %or3A_687 = arith.ori %scan3A_637, %select_n3A_686 : vector<16xi32>
      scf.yield %or3A_687 : vector<16xi32>
    }
    %scan3A_233 = arith.constant 64 : i32
    %add3A_234 = arith.constant 17408 : i32
    %add3A_235 = arith.addi %mul3A_2, %add3A_234 : i32
    %dma_start3A_236 = arith.constant 32 : i32
    %dma_start3A_237 = tpu.memref_slice %arg2[%add3A_235, %dma_start3A_236] : memref<1048576x128xf32, #tpu.memory_space<hbm>> -> memref<1024x16xf32, #tpu.memory_space<hbm>>
    %dma_start3A_238 = arith.constant 32 : i32
    %dma_start3A_239 = tpu.memref_slice %arg2[%add3A_235, %dma_start3A_238] : memref<1048576x128xf32, #tpu.memory_space<hbm>> -> memref<1024x16xf32, #tpu.memory_space<hbm>>
    tpu.enqueue_dma source(%dma_start3A_239 : memref<1024x16xf32, #tpu.memory_space<hbm>>) target(%arg9 : memref<1024x16xf32, #tpu.memory_space<vmem>>) target_semaphore(%arg16 : memref<!tpu.dma_semaphore, #tpu.memory_space<semaphore_mem>>)
    %dma_wait3A_240 = arith.constant 32 : i32
    %dma_wait3A_241 = tpu.memref_slice %arg2[%add3A_155, %dma_wait3A_240] : memref<1048576x128xf32, #tpu.memory_space<hbm>> -> memref<1024x16xf32, #tpu.memory_space<hbm>>
    %dma_wait3A_242 = arith.constant 32 : i32
    %dma_wait3A_243 = tpu.memref_slice %arg2[%add3A_155, %dma_wait3A_242] : memref<1048576x128xf32, #tpu.memory_space<hbm>> -> memref<1024x16xf32, #tpu.memory_space<hbm>>
    tpu.wait_dma2 semaphore(%arg11 : memref<!tpu.dma_semaphore, #tpu.memory_space<semaphore_mem>>) src(%dma_wait3A_243 : memref<1024x16xf32, #tpu.memory_space<hbm>>) dst(%arg4 : memref<1024x16xf32, #tpu.memory_space<vmem>>)
    %scan3A_244 = arith.constant 0 : i32
    %scan3A_245 = arith.constant 64 : i32
    %scan3A_246 = arith.addi %scan3A_244, %scan3A_245 : i32
    %scan3A_247 = arith.constant 1 : i32
    %scan3A_248 = scf.for %scan3A_636 = %scan3A_244 to %scan3A_246 step %scan3A_247 iter_args(%scan3A_637 = %scan3A_232) -> (vector<16xi32>)  : i32 {
      %mul3A_638 = arith.constant 16 : i32
      %mul3A_639 = arith.muli %scan3A_636, %mul3A_638 : i32
      %add3A_640 = vector.broadcast %mul3A_639 : i32 to vector<16xi32>
      %add3A_641 = arith.addi %iota3A, %add3A_640 : vector<16xi32>
      %gather3A = tpu.vector_load_idx %arg4[%add3A_641, %broadcast_in_dim3A_3] : memref<1024x16xf32, #tpu.memory_space<vmem>>[vector<16xi32>, vector<16xi32>], vector<16xf32>,
      %gather3A_642 = tpu.vector_load_idx %arg4[%add3A_641, %add3A_6] : memref<1024x16xf32, #tpu.memory_space<vmem>>[vector<16xi32>, vector<16xi32>], vector<16xf32>,
      %gather3A_643 = tpu.vector_load_idx %arg4[%add3A_641, %add3A_9] : memref<1024x16xf32, #tpu.memory_space<vmem>>[vector<16xi32>, vector<16xi32>], vector<16xf32>,
      %gather3A_644 = tpu.vector_load_idx %arg4[%add3A_641, %add3A_12] : memref<1024x16xf32, #tpu.memory_space<vmem>>[vector<16xi32>, vector<16xi32>], vector<16xf32>,
      %sub3A = arith.subf %gather3A_642, %gather3A : vector<16xf32>
      %abs3A = math.absf %sub3A : vector<16xf32>
      %sub3A_645 = arith.subf %gather3A_644, %gather3A_643 : vector<16xf32>
      %abs3A_646 = math.absf %sub3A_645 : vector<16xf32>
      %gt3A = arith.constant 4.000000e+00 : f32
      %gt3A_647 = vector.broadcast %gt3A : f32 to vector<16xf32>
      %gt3A_648 = arith.cmpf ogt, %abs3A_646, %gt3A_647 : vector<16xf32>
      %lt3A = arith.cmpf olt, %gather3A_644, %gather3A_643 : vector<16xf32>
      %jit3A = arith.constant 4 : i32
      %jit3A_649 = arith.constant 32 : i32
      %broadcast_in_dim3A_650 = vector.broadcast %jit3A : i32 to vector<16xi32>
      %broadcast_in_dim3A_651 = vector.broadcast %jit3A_649 : i32 to vector<16xi32>
      %select_n3A_652 = arith.select %lt3A, %broadcast_in_dim3A_650, %broadcast_in_dim3A_651 : vector<16xi1>, vector<16xi32>
      %lt3A_653 = arith.constant 8.000000e+01 : f32
      %lt3A_654 = vector.broadcast %lt3A_653 : f32 to vector<16xf32>
      %lt3A_655 = arith.cmpf olt, %gather3A_642, %lt3A_654 : vector<16xf32>
      %jit3A_656 = arith.constant 2.300000e+01 : f32
      %jit3A_657 = arith.constant -2.300000e+01 : f32
      %broadcast_in_dim3A_658 = vector.broadcast %jit3A_656 : f32 to vector<16xf32>
      %broadcast_in_dim3A_659 = vector.broadcast %jit3A_657 : f32 to vector<16xf32>
      %select_n3A_660 = arith.select %lt3A_655, %broadcast_in_dim3A_658, %broadcast_in_dim3A_659 : vector<16xi1>, vector<16xf32>
      %add3A_661 = arith.addf %gather3A_642, %select_n3A_660 : vector<16xf32>
      %sub3A_662 = arith.subf %gather3A, %add3A_661 : vector<16xf32>
      %gt3A_663 = arith.constant 2.000000e+00 : f32
      %gt3A_664 = vector.broadcast %gt3A_663 : f32 to vector<16xf32>
      %gt3A_665 = arith.cmpf ogt, %sub3A_662, %gt3A_664 : vector<16xf32>
      %lt3A_666 = arith.constant -2.000000e+00 : f32
      %lt3A_667 = vector.broadcast %lt3A_666 : f32 to vector<16xf32>
      %lt3A_668 = arith.cmpf olt, %sub3A_662, %lt3A_667 : vector<16xf32>
      %jit3A_669 = arith.constant 16 : i32
      %jit3A_670 = arith.constant 8 : i32
      %broadcast_in_dim3A_671 = vector.broadcast %jit3A_669 : i32 to vector<16xi32>
      %broadcast_in_dim3A_672 = vector.broadcast %jit3A_670 : i32 to vector<16xi32>
      %select_n3A_673 = arith.select %gt3A_665, %broadcast_in_dim3A_671, %broadcast_in_dim3A_672 : vector<16xi1>, vector<16xi32>
      %or3A = arith.ori %gt3A_665, %lt3A_668 : vector<16xi1>
      %le3A = arith.constant 2.500000e+01 : f32
      %le3A_674 = vector.broadcast %le3A : f32 to vector<16xf32>
      %le3A_675 = arith.cmpf ole, %abs3A, %le3A_674 : vector<16xf32>
      %le3A_676 = arith.constant 8.000000e+00 : f32
      %le3A_677 = vector.broadcast %le3A_676 : f32 to vector<16xf32>
      %le3A_678 = arith.cmpf ole, %abs3A_646, %le3A_677 : vector<16xf32>
      %and3A_679 = arith.andi %le3A_675, %le3A_678 : vector<16xi1>
      %jit3A_680 = arith.constant 1 : i32
      %broadcast_in_dim3A_681 = vector.broadcast %jit3A_680 : i32 to vector<16xi32>
      %select_n3A_682 = arith.select %or3A, %select_n3A_673, %broadcast_in_dim3A_681 : vector<16xi1>, vector<16xi32>
      %select_n3A_683 = arith.select %gt3A_648, %select_n3A_652, %select_n3A_682 : vector<16xi1>, vector<16xi32>
      %jit3A_684 = arith.constant 2 : i32
      %broadcast_in_dim3A_685 = vector.broadcast %jit3A_684 : i32 to vector<16xi32>
      %select_n3A_686 = arith.select %and3A_679, %broadcast_in_dim3A_685, %select_n3A_683 : vector<16xi1>, vector<16xi32>
      %or3A_687 = arith.ori %scan3A_637, %select_n3A_686 : vector<16xi32>
      scf.yield %or3A_687 : vector<16xi32>
    }
    %scan3A_249 = arith.constant 64 : i32
    %add3A_250 = arith.constant 18432 : i32
    %add3A_251 = arith.addi %mul3A_2, %add3A_250 : i32
    %dma_start3A_252 = arith.constant 32 : i32
    %dma_start3A_253 = tpu.memref_slice %arg2[%add3A_251, %dma_start3A_252] : memref<1048576x128xf32, #tpu.memory_space<hbm>> -> memref<1024x16xf32, #tpu.memory_space<hbm>>
    %dma_start3A_254 = arith.constant 32 : i32
    %dma_start3A_255 = tpu.memref_slice %arg2[%add3A_251, %dma_start3A_254] : memref<1048576x128xf32, #tpu.memory_space<hbm>> -> memref<1024x16xf32, #tpu.memory_space<hbm>>
    tpu.enqueue_dma source(%dma_start3A_255 : memref<1024x16xf32, #tpu.memory_space<hbm>>) target(%arg4 : memref<1024x16xf32, #tpu.memory_space<vmem>>) target_semaphore(%arg11 : memref<!tpu.dma_semaphore, #tpu.memory_space<semaphore_mem>>)
    %dma_wait3A_256 = arith.constant 32 : i32
    %dma_wait3A_257 = tpu.memref_slice %arg2[%add3A_171, %dma_wait3A_256] : memref<1048576x128xf32, #tpu.memory_space<hbm>> -> memref<1024x16xf32, #tpu.memory_space<hbm>>
    %dma_wait3A_258 = arith.constant 32 : i32
    %dma_wait3A_259 = tpu.memref_slice %arg2[%add3A_171, %dma_wait3A_258] : memref<1048576x128xf32, #tpu.memory_space<hbm>> -> memref<1024x16xf32, #tpu.memory_space<hbm>>
    tpu.wait_dma2 semaphore(%arg12 : memref<!tpu.dma_semaphore, #tpu.memory_space<semaphore_mem>>) src(%dma_wait3A_259 : memref<1024x16xf32, #tpu.memory_space<hbm>>) dst(%arg5 : memref<1024x16xf32, #tpu.memory_space<vmem>>)
    %scan3A_260 = arith.constant 0 : i32
    %scan3A_261 = arith.constant 64 : i32
    %scan3A_262 = arith.addi %scan3A_260, %scan3A_261 : i32
    %scan3A_263 = arith.constant 1 : i32
    %scan3A_264 = scf.for %scan3A_636 = %scan3A_260 to %scan3A_262 step %scan3A_263 iter_args(%scan3A_637 = %scan3A_248) -> (vector<16xi32>)  : i32 {
      %mul3A_638 = arith.constant 16 : i32
      %mul3A_639 = arith.muli %scan3A_636, %mul3A_638 : i32
      %add3A_640 = vector.broadcast %mul3A_639 : i32 to vector<16xi32>
      %add3A_641 = arith.addi %iota3A, %add3A_640 : vector<16xi32>
      %gather3A = tpu.vector_load_idx %arg5[%add3A_641, %broadcast_in_dim3A_3] : memref<1024x16xf32, #tpu.memory_space<vmem>>[vector<16xi32>, vector<16xi32>], vector<16xf32>,
      %gather3A_642 = tpu.vector_load_idx %arg5[%add3A_641, %add3A_6] : memref<1024x16xf32, #tpu.memory_space<vmem>>[vector<16xi32>, vector<16xi32>], vector<16xf32>,
      %gather3A_643 = tpu.vector_load_idx %arg5[%add3A_641, %add3A_9] : memref<1024x16xf32, #tpu.memory_space<vmem>>[vector<16xi32>, vector<16xi32>], vector<16xf32>,
      %gather3A_644 = tpu.vector_load_idx %arg5[%add3A_641, %add3A_12] : memref<1024x16xf32, #tpu.memory_space<vmem>>[vector<16xi32>, vector<16xi32>], vector<16xf32>,
      %sub3A = arith.subf %gather3A_642, %gather3A : vector<16xf32>
      %abs3A = math.absf %sub3A : vector<16xf32>
      %sub3A_645 = arith.subf %gather3A_644, %gather3A_643 : vector<16xf32>
      %abs3A_646 = math.absf %sub3A_645 : vector<16xf32>
      %gt3A = arith.constant 4.000000e+00 : f32
      %gt3A_647 = vector.broadcast %gt3A : f32 to vector<16xf32>
      %gt3A_648 = arith.cmpf ogt, %abs3A_646, %gt3A_647 : vector<16xf32>
      %lt3A = arith.cmpf olt, %gather3A_644, %gather3A_643 : vector<16xf32>
      %jit3A = arith.constant 4 : i32
      %jit3A_649 = arith.constant 32 : i32
      %broadcast_in_dim3A_650 = vector.broadcast %jit3A : i32 to vector<16xi32>
      %broadcast_in_dim3A_651 = vector.broadcast %jit3A_649 : i32 to vector<16xi32>
      %select_n3A_652 = arith.select %lt3A, %broadcast_in_dim3A_650, %broadcast_in_dim3A_651 : vector<16xi1>, vector<16xi32>
      %lt3A_653 = arith.constant 8.000000e+01 : f32
      %lt3A_654 = vector.broadcast %lt3A_653 : f32 to vector<16xf32>
      %lt3A_655 = arith.cmpf olt, %gather3A_642, %lt3A_654 : vector<16xf32>
      %jit3A_656 = arith.constant 2.300000e+01 : f32
      %jit3A_657 = arith.constant -2.300000e+01 : f32
      %broadcast_in_dim3A_658 = vector.broadcast %jit3A_656 : f32 to vector<16xf32>
      %broadcast_in_dim3A_659 = vector.broadcast %jit3A_657 : f32 to vector<16xf32>
      %select_n3A_660 = arith.select %lt3A_655, %broadcast_in_dim3A_658, %broadcast_in_dim3A_659 : vector<16xi1>, vector<16xf32>
      %add3A_661 = arith.addf %gather3A_642, %select_n3A_660 : vector<16xf32>
      %sub3A_662 = arith.subf %gather3A, %add3A_661 : vector<16xf32>
      %gt3A_663 = arith.constant 2.000000e+00 : f32
      %gt3A_664 = vector.broadcast %gt3A_663 : f32 to vector<16xf32>
      %gt3A_665 = arith.cmpf ogt, %sub3A_662, %gt3A_664 : vector<16xf32>
      %lt3A_666 = arith.constant -2.000000e+00 : f32
      %lt3A_667 = vector.broadcast %lt3A_666 : f32 to vector<16xf32>
      %lt3A_668 = arith.cmpf olt, %sub3A_662, %lt3A_667 : vector<16xf32>
      %jit3A_669 = arith.constant 16 : i32
      %jit3A_670 = arith.constant 8 : i32
      %broadcast_in_dim3A_671 = vector.broadcast %jit3A_669 : i32 to vector<16xi32>
      %broadcast_in_dim3A_672 = vector.broadcast %jit3A_670 : i32 to vector<16xi32>
      %select_n3A_673 = arith.select %gt3A_665, %broadcast_in_dim3A_671, %broadcast_in_dim3A_672 : vector<16xi1>, vector<16xi32>
      %or3A = arith.ori %gt3A_665, %lt3A_668 : vector<16xi1>
      %le3A = arith.constant 2.500000e+01 : f32
      %le3A_674 = vector.broadcast %le3A : f32 to vector<16xf32>
      %le3A_675 = arith.cmpf ole, %abs3A, %le3A_674 : vector<16xf32>
      %le3A_676 = arith.constant 8.000000e+00 : f32
      %le3A_677 = vector.broadcast %le3A_676 : f32 to vector<16xf32>
      %le3A_678 = arith.cmpf ole, %abs3A_646, %le3A_677 : vector<16xf32>
      %and3A_679 = arith.andi %le3A_675, %le3A_678 : vector<16xi1>
      %jit3A_680 = arith.constant 1 : i32
      %broadcast_in_dim3A_681 = vector.broadcast %jit3A_680 : i32 to vector<16xi32>
      %select_n3A_682 = arith.select %or3A, %select_n3A_673, %broadcast_in_dim3A_681 : vector<16xi1>, vector<16xi32>
      %select_n3A_683 = arith.select %gt3A_648, %select_n3A_652, %select_n3A_682 : vector<16xi1>, vector<16xi32>
      %jit3A_684 = arith.constant 2 : i32
      %broadcast_in_dim3A_685 = vector.broadcast %jit3A_684 : i32 to vector<16xi32>
      %select_n3A_686 = arith.select %and3A_679, %broadcast_in_dim3A_685, %select_n3A_683 : vector<16xi1>, vector<16xi32>
      %or3A_687 = arith.ori %scan3A_637, %select_n3A_686 : vector<16xi32>
      scf.yield %or3A_687 : vector<16xi32>
    }
    %scan3A_265 = arith.constant 64 : i32
    %add3A_266 = arith.constant 19456 : i32
    %add3A_267 = arith.addi %mul3A_2, %add3A_266 : i32
    %dma_start3A_268 = arith.constant 32 : i32
    %dma_start3A_269 = tpu.memref_slice %arg2[%add3A_267, %dma_start3A_268] : memref<1048576x128xf32, #tpu.memory_space<hbm>> -> memref<1024x16xf32, #tpu.memory_space<hbm>>
    %dma_start3A_270 = arith.constant 32 : i32
    %dma_start3A_271 = tpu.memref_slice %arg2[%add3A_267, %dma_start3A_270] : memref<1048576x128xf32, #tpu.memory_space<hbm>> -> memref<1024x16xf32, #tpu.memory_space<hbm>>
    tpu.enqueue_dma source(%dma_start3A_271 : memref<1024x16xf32, #tpu.memory_space<hbm>>) target(%arg5 : memref<1024x16xf32, #tpu.memory_space<vmem>>) target_semaphore(%arg12 : memref<!tpu.dma_semaphore, #tpu.memory_space<semaphore_mem>>)
    %dma_wait3A_272 = arith.constant 32 : i32
    %dma_wait3A_273 = tpu.memref_slice %arg2[%add3A_187, %dma_wait3A_272] : memref<1048576x128xf32, #tpu.memory_space<hbm>> -> memref<1024x16xf32, #tpu.memory_space<hbm>>
    %dma_wait3A_274 = arith.constant 32 : i32
    %dma_wait3A_275 = tpu.memref_slice %arg2[%add3A_187, %dma_wait3A_274] : memref<1048576x128xf32, #tpu.memory_space<hbm>> -> memref<1024x16xf32, #tpu.memory_space<hbm>>
    tpu.wait_dma2 semaphore(%arg13 : memref<!tpu.dma_semaphore, #tpu.memory_space<semaphore_mem>>) src(%dma_wait3A_275 : memref<1024x16xf32, #tpu.memory_space<hbm>>) dst(%arg6 : memref<1024x16xf32, #tpu.memory_space<vmem>>)
    %scan3A_276 = arith.constant 0 : i32
    %scan3A_277 = arith.constant 64 : i32
    %scan3A_278 = arith.addi %scan3A_276, %scan3A_277 : i32
    %scan3A_279 = arith.constant 1 : i32
    %scan3A_280 = scf.for %scan3A_636 = %scan3A_276 to %scan3A_278 step %scan3A_279 iter_args(%scan3A_637 = %scan3A_264) -> (vector<16xi32>)  : i32 {
      %mul3A_638 = arith.constant 16 : i32
      %mul3A_639 = arith.muli %scan3A_636, %mul3A_638 : i32
      %add3A_640 = vector.broadcast %mul3A_639 : i32 to vector<16xi32>
      %add3A_641 = arith.addi %iota3A, %add3A_640 : vector<16xi32>
      %gather3A = tpu.vector_load_idx %arg6[%add3A_641, %broadcast_in_dim3A_3] : memref<1024x16xf32, #tpu.memory_space<vmem>>[vector<16xi32>, vector<16xi32>], vector<16xf32>,
      %gather3A_642 = tpu.vector_load_idx %arg6[%add3A_641, %add3A_6] : memref<1024x16xf32, #tpu.memory_space<vmem>>[vector<16xi32>, vector<16xi32>], vector<16xf32>,
      %gather3A_643 = tpu.vector_load_idx %arg6[%add3A_641, %add3A_9] : memref<1024x16xf32, #tpu.memory_space<vmem>>[vector<16xi32>, vector<16xi32>], vector<16xf32>,
      %gather3A_644 = tpu.vector_load_idx %arg6[%add3A_641, %add3A_12] : memref<1024x16xf32, #tpu.memory_space<vmem>>[vector<16xi32>, vector<16xi32>], vector<16xf32>,
      %sub3A = arith.subf %gather3A_642, %gather3A : vector<16xf32>
      %abs3A = math.absf %sub3A : vector<16xf32>
      %sub3A_645 = arith.subf %gather3A_644, %gather3A_643 : vector<16xf32>
      %abs3A_646 = math.absf %sub3A_645 : vector<16xf32>
      %gt3A = arith.constant 4.000000e+00 : f32
      %gt3A_647 = vector.broadcast %gt3A : f32 to vector<16xf32>
      %gt3A_648 = arith.cmpf ogt, %abs3A_646, %gt3A_647 : vector<16xf32>
      %lt3A = arith.cmpf olt, %gather3A_644, %gather3A_643 : vector<16xf32>
      %jit3A = arith.constant 4 : i32
      %jit3A_649 = arith.constant 32 : i32
      %broadcast_in_dim3A_650 = vector.broadcast %jit3A : i32 to vector<16xi32>
      %broadcast_in_dim3A_651 = vector.broadcast %jit3A_649 : i32 to vector<16xi32>
      %select_n3A_652 = arith.select %lt3A, %broadcast_in_dim3A_650, %broadcast_in_dim3A_651 : vector<16xi1>, vector<16xi32>
      %lt3A_653 = arith.constant 8.000000e+01 : f32
      %lt3A_654 = vector.broadcast %lt3A_653 : f32 to vector<16xf32>
      %lt3A_655 = arith.cmpf olt, %gather3A_642, %lt3A_654 : vector<16xf32>
      %jit3A_656 = arith.constant 2.300000e+01 : f32
      %jit3A_657 = arith.constant -2.300000e+01 : f32
      %broadcast_in_dim3A_658 = vector.broadcast %jit3A_656 : f32 to vector<16xf32>
      %broadcast_in_dim3A_659 = vector.broadcast %jit3A_657 : f32 to vector<16xf32>
      %select_n3A_660 = arith.select %lt3A_655, %broadcast_in_dim3A_658, %broadcast_in_dim3A_659 : vector<16xi1>, vector<16xf32>
      %add3A_661 = arith.addf %gather3A_642, %select_n3A_660 : vector<16xf32>
      %sub3A_662 = arith.subf %gather3A, %add3A_661 : vector<16xf32>
      %gt3A_663 = arith.constant 2.000000e+00 : f32
      %gt3A_664 = vector.broadcast %gt3A_663 : f32 to vector<16xf32>
      %gt3A_665 = arith.cmpf ogt, %sub3A_662, %gt3A_664 : vector<16xf32>
      %lt3A_666 = arith.constant -2.000000e+00 : f32
      %lt3A_667 = vector.broadcast %lt3A_666 : f32 to vector<16xf32>
      %lt3A_668 = arith.cmpf olt, %sub3A_662, %lt3A_667 : vector<16xf32>
      %jit3A_669 = arith.constant 16 : i32
      %jit3A_670 = arith.constant 8 : i32
      %broadcast_in_dim3A_671 = vector.broadcast %jit3A_669 : i32 to vector<16xi32>
      %broadcast_in_dim3A_672 = vector.broadcast %jit3A_670 : i32 to vector<16xi32>
      %select_n3A_673 = arith.select %gt3A_665, %broadcast_in_dim3A_671, %broadcast_in_dim3A_672 : vector<16xi1>, vector<16xi32>
      %or3A = arith.ori %gt3A_665, %lt3A_668 : vector<16xi1>
      %le3A = arith.constant 2.500000e+01 : f32
      %le3A_674 = vector.broadcast %le3A : f32 to vector<16xf32>
      %le3A_675 = arith.cmpf ole, %abs3A, %le3A_674 : vector<16xf32>
      %le3A_676 = arith.constant 8.000000e+00 : f32
      %le3A_677 = vector.broadcast %le3A_676 : f32 to vector<16xf32>
      %le3A_678 = arith.cmpf ole, %abs3A_646, %le3A_677 : vector<16xf32>
      %and3A_679 = arith.andi %le3A_675, %le3A_678 : vector<16xi1>
      %jit3A_680 = arith.constant 1 : i32
      %broadcast_in_dim3A_681 = vector.broadcast %jit3A_680 : i32 to vector<16xi32>
      %select_n3A_682 = arith.select %or3A, %select_n3A_673, %broadcast_in_dim3A_681 : vector<16xi1>, vector<16xi32>
      %select_n3A_683 = arith.select %gt3A_648, %select_n3A_652, %select_n3A_682 : vector<16xi1>, vector<16xi32>
      %jit3A_684 = arith.constant 2 : i32
      %broadcast_in_dim3A_685 = vector.broadcast %jit3A_684 : i32 to vector<16xi32>
      %select_n3A_686 = arith.select %and3A_679, %broadcast_in_dim3A_685, %select_n3A_683 : vector<16xi1>, vector<16xi32>
      %or3A_687 = arith.ori %scan3A_637, %select_n3A_686 : vector<16xi32>
      scf.yield %or3A_687 : vector<16xi32>
    }
    %scan3A_281 = arith.constant 64 : i32
    %add3A_282 = arith.constant 20480 : i32
    %add3A_283 = arith.addi %mul3A_2, %add3A_282 : i32
    %dma_start3A_284 = arith.constant 32 : i32
    %dma_start3A_285 = tpu.memref_slice %arg2[%add3A_283, %dma_start3A_284] : memref<1048576x128xf32, #tpu.memory_space<hbm>> -> memref<1024x16xf32, #tpu.memory_space<hbm>>
    %dma_start3A_286 = arith.constant 32 : i32
    %dma_start3A_287 = tpu.memref_slice %arg2[%add3A_283, %dma_start3A_286] : memref<1048576x128xf32, #tpu.memory_space<hbm>> -> memref<1024x16xf32, #tpu.memory_space<hbm>>
    tpu.enqueue_dma source(%dma_start3A_287 : memref<1024x16xf32, #tpu.memory_space<hbm>>) target(%arg6 : memref<1024x16xf32, #tpu.memory_space<vmem>>) target_semaphore(%arg13 : memref<!tpu.dma_semaphore, #tpu.memory_space<semaphore_mem>>)
    %dma_wait3A_288 = arith.constant 32 : i32
    %dma_wait3A_289 = tpu.memref_slice %arg2[%add3A_203, %dma_wait3A_288] : memref<1048576x128xf32, #tpu.memory_space<hbm>> -> memref<1024x16xf32, #tpu.memory_space<hbm>>
    %dma_wait3A_290 = arith.constant 32 : i32
    %dma_wait3A_291 = tpu.memref_slice %arg2[%add3A_203, %dma_wait3A_290] : memref<1048576x128xf32, #tpu.memory_space<hbm>> -> memref<1024x16xf32, #tpu.memory_space<hbm>>
    tpu.wait_dma2 semaphore(%arg14 : memref<!tpu.dma_semaphore, #tpu.memory_space<semaphore_mem>>) src(%dma_wait3A_291 : memref<1024x16xf32, #tpu.memory_space<hbm>>) dst(%arg7 : memref<1024x16xf32, #tpu.memory_space<vmem>>)
    %scan3A_292 = arith.constant 0 : i32
    %scan3A_293 = arith.constant 64 : i32
    %scan3A_294 = arith.addi %scan3A_292, %scan3A_293 : i32
    %scan3A_295 = arith.constant 1 : i32
    %scan3A_296 = scf.for %scan3A_636 = %scan3A_292 to %scan3A_294 step %scan3A_295 iter_args(%scan3A_637 = %scan3A_280) -> (vector<16xi32>)  : i32 {
      %mul3A_638 = arith.constant 16 : i32
      %mul3A_639 = arith.muli %scan3A_636, %mul3A_638 : i32
      %add3A_640 = vector.broadcast %mul3A_639 : i32 to vector<16xi32>
      %add3A_641 = arith.addi %iota3A, %add3A_640 : vector<16xi32>
      %gather3A = tpu.vector_load_idx %arg7[%add3A_641, %broadcast_in_dim3A_3] : memref<1024x16xf32, #tpu.memory_space<vmem>>[vector<16xi32>, vector<16xi32>], vector<16xf32>,
      %gather3A_642 = tpu.vector_load_idx %arg7[%add3A_641, %add3A_6] : memref<1024x16xf32, #tpu.memory_space<vmem>>[vector<16xi32>, vector<16xi32>], vector<16xf32>,
      %gather3A_643 = tpu.vector_load_idx %arg7[%add3A_641, %add3A_9] : memref<1024x16xf32, #tpu.memory_space<vmem>>[vector<16xi32>, vector<16xi32>], vector<16xf32>,
      %gather3A_644 = tpu.vector_load_idx %arg7[%add3A_641, %add3A_12] : memref<1024x16xf32, #tpu.memory_space<vmem>>[vector<16xi32>, vector<16xi32>], vector<16xf32>,
      %sub3A = arith.subf %gather3A_642, %gather3A : vector<16xf32>
      %abs3A = math.absf %sub3A : vector<16xf32>
      %sub3A_645 = arith.subf %gather3A_644, %gather3A_643 : vector<16xf32>
      %abs3A_646 = math.absf %sub3A_645 : vector<16xf32>
      %gt3A = arith.constant 4.000000e+00 : f32
      %gt3A_647 = vector.broadcast %gt3A : f32 to vector<16xf32>
      %gt3A_648 = arith.cmpf ogt, %abs3A_646, %gt3A_647 : vector<16xf32>
      %lt3A = arith.cmpf olt, %gather3A_644, %gather3A_643 : vector<16xf32>
      %jit3A = arith.constant 4 : i32
      %jit3A_649 = arith.constant 32 : i32
      %broadcast_in_dim3A_650 = vector.broadcast %jit3A : i32 to vector<16xi32>
      %broadcast_in_dim3A_651 = vector.broadcast %jit3A_649 : i32 to vector<16xi32>
      %select_n3A_652 = arith.select %lt3A, %broadcast_in_dim3A_650, %broadcast_in_dim3A_651 : vector<16xi1>, vector<16xi32>
      %lt3A_653 = arith.constant 8.000000e+01 : f32
      %lt3A_654 = vector.broadcast %lt3A_653 : f32 to vector<16xf32>
      %lt3A_655 = arith.cmpf olt, %gather3A_642, %lt3A_654 : vector<16xf32>
      %jit3A_656 = arith.constant 2.300000e+01 : f32
      %jit3A_657 = arith.constant -2.300000e+01 : f32
      %broadcast_in_dim3A_658 = vector.broadcast %jit3A_656 : f32 to vector<16xf32>
      %broadcast_in_dim3A_659 = vector.broadcast %jit3A_657 : f32 to vector<16xf32>
      %select_n3A_660 = arith.select %lt3A_655, %broadcast_in_dim3A_658, %broadcast_in_dim3A_659 : vector<16xi1>, vector<16xf32>
      %add3A_661 = arith.addf %gather3A_642, %select_n3A_660 : vector<16xf32>
      %sub3A_662 = arith.subf %gather3A, %add3A_661 : vector<16xf32>
      %gt3A_663 = arith.constant 2.000000e+00 : f32
      %gt3A_664 = vector.broadcast %gt3A_663 : f32 to vector<16xf32>
      %gt3A_665 = arith.cmpf ogt, %sub3A_662, %gt3A_664 : vector<16xf32>
      %lt3A_666 = arith.constant -2.000000e+00 : f32
      %lt3A_667 = vector.broadcast %lt3A_666 : f32 to vector<16xf32>
      %lt3A_668 = arith.cmpf olt, %sub3A_662, %lt3A_667 : vector<16xf32>
      %jit3A_669 = arith.constant 16 : i32
      %jit3A_670 = arith.constant 8 : i32
      %broadcast_in_dim3A_671 = vector.broadcast %jit3A_669 : i32 to vector<16xi32>
      %broadcast_in_dim3A_672 = vector.broadcast %jit3A_670 : i32 to vector<16xi32>
      %select_n3A_673 = arith.select %gt3A_665, %broadcast_in_dim3A_671, %broadcast_in_dim3A_672 : vector<16xi1>, vector<16xi32>
      %or3A = arith.ori %gt3A_665, %lt3A_668 : vector<16xi1>
      %le3A = arith.constant 2.500000e+01 : f32
      %le3A_674 = vector.broadcast %le3A : f32 to vector<16xf32>
      %le3A_675 = arith.cmpf ole, %abs3A, %le3A_674 : vector<16xf32>
      %le3A_676 = arith.constant 8.000000e+00 : f32
      %le3A_677 = vector.broadcast %le3A_676 : f32 to vector<16xf32>
      %le3A_678 = arith.cmpf ole, %abs3A_646, %le3A_677 : vector<16xf32>
      %and3A_679 = arith.andi %le3A_675, %le3A_678 : vector<16xi1>
      %jit3A_680 = arith.constant 1 : i32
      %broadcast_in_dim3A_681 = vector.broadcast %jit3A_680 : i32 to vector<16xi32>
      %select_n3A_682 = arith.select %or3A, %select_n3A_673, %broadcast_in_dim3A_681 : vector<16xi1>, vector<16xi32>
      %select_n3A_683 = arith.select %gt3A_648, %select_n3A_652, %select_n3A_682 : vector<16xi1>, vector<16xi32>
      %jit3A_684 = arith.constant 2 : i32
      %broadcast_in_dim3A_685 = vector.broadcast %jit3A_684 : i32 to vector<16xi32>
      %select_n3A_686 = arith.select %and3A_679, %broadcast_in_dim3A_685, %select_n3A_683 : vector<16xi1>, vector<16xi32>
      %or3A_687 = arith.ori %scan3A_637, %select_n3A_686 : vector<16xi32>
      scf.yield %or3A_687 : vector<16xi32>
    }
    %scan3A_297 = arith.constant 64 : i32
    %add3A_298 = arith.constant 21504 : i32
    %add3A_299 = arith.addi %mul3A_2, %add3A_298 : i32
    %dma_start3A_300 = arith.constant 32 : i32
    %dma_start3A_301 = tpu.memref_slice %arg2[%add3A_299, %dma_start3A_300] : memref<1048576x128xf32, #tpu.memory_space<hbm>> -> memref<1024x16xf32, #tpu.memory_space<hbm>>
    %dma_start3A_302 = arith.constant 32 : i32
    %dma_start3A_303 = tpu.memref_slice %arg2[%add3A_299, %dma_start3A_302] : memref<1048576x128xf32, #tpu.memory_space<hbm>> -> memref<1024x16xf32, #tpu.memory_space<hbm>>
    tpu.enqueue_dma source(%dma_start3A_303 : memref<1024x16xf32, #tpu.memory_space<hbm>>) target(%arg7 : memref<1024x16xf32, #tpu.memory_space<vmem>>) target_semaphore(%arg14 : memref<!tpu.dma_semaphore, #tpu.memory_space<semaphore_mem>>)
    %dma_wait3A_304 = arith.constant 32 : i32
    %dma_wait3A_305 = tpu.memref_slice %arg2[%add3A_219, %dma_wait3A_304] : memref<1048576x128xf32, #tpu.memory_space<hbm>> -> memref<1024x16xf32, #tpu.memory_space<hbm>>
    %dma_wait3A_306 = arith.constant 32 : i32
    %dma_wait3A_307 = tpu.memref_slice %arg2[%add3A_219, %dma_wait3A_306] : memref<1048576x128xf32, #tpu.memory_space<hbm>> -> memref<1024x16xf32, #tpu.memory_space<hbm>>
    tpu.wait_dma2 semaphore(%arg15 : memref<!tpu.dma_semaphore, #tpu.memory_space<semaphore_mem>>) src(%dma_wait3A_307 : memref<1024x16xf32, #tpu.memory_space<hbm>>) dst(%arg8 : memref<1024x16xf32, #tpu.memory_space<vmem>>)
    %scan3A_308 = arith.constant 0 : i32
    %scan3A_309 = arith.constant 64 : i32
    %scan3A_310 = arith.addi %scan3A_308, %scan3A_309 : i32
    %scan3A_311 = arith.constant 1 : i32
    %scan3A_312 = scf.for %scan3A_636 = %scan3A_308 to %scan3A_310 step %scan3A_311 iter_args(%scan3A_637 = %scan3A_296) -> (vector<16xi32>)  : i32 {
      %mul3A_638 = arith.constant 16 : i32
      %mul3A_639 = arith.muli %scan3A_636, %mul3A_638 : i32
      %add3A_640 = vector.broadcast %mul3A_639 : i32 to vector<16xi32>
      %add3A_641 = arith.addi %iota3A, %add3A_640 : vector<16xi32>
      %gather3A = tpu.vector_load_idx %arg8[%add3A_641, %broadcast_in_dim3A_3] : memref<1024x16xf32, #tpu.memory_space<vmem>>[vector<16xi32>, vector<16xi32>], vector<16xf32>,
      %gather3A_642 = tpu.vector_load_idx %arg8[%add3A_641, %add3A_6] : memref<1024x16xf32, #tpu.memory_space<vmem>>[vector<16xi32>, vector<16xi32>], vector<16xf32>,
      %gather3A_643 = tpu.vector_load_idx %arg8[%add3A_641, %add3A_9] : memref<1024x16xf32, #tpu.memory_space<vmem>>[vector<16xi32>, vector<16xi32>], vector<16xf32>,
      %gather3A_644 = tpu.vector_load_idx %arg8[%add3A_641, %add3A_12] : memref<1024x16xf32, #tpu.memory_space<vmem>>[vector<16xi32>, vector<16xi32>], vector<16xf32>,
      %sub3A = arith.subf %gather3A_642, %gather3A : vector<16xf32>
      %abs3A = math.absf %sub3A : vector<16xf32>
      %sub3A_645 = arith.subf %gather3A_644, %gather3A_643 : vector<16xf32>
      %abs3A_646 = math.absf %sub3A_645 : vector<16xf32>
      %gt3A = arith.constant 4.000000e+00 : f32
      %gt3A_647 = vector.broadcast %gt3A : f32 to vector<16xf32>
      %gt3A_648 = arith.cmpf ogt, %abs3A_646, %gt3A_647 : vector<16xf32>
      %lt3A = arith.cmpf olt, %gather3A_644, %gather3A_643 : vector<16xf32>
      %jit3A = arith.constant 4 : i32
      %jit3A_649 = arith.constant 32 : i32
      %broadcast_in_dim3A_650 = vector.broadcast %jit3A : i32 to vector<16xi32>
      %broadcast_in_dim3A_651 = vector.broadcast %jit3A_649 : i32 to vector<16xi32>
      %select_n3A_652 = arith.select %lt3A, %broadcast_in_dim3A_650, %broadcast_in_dim3A_651 : vector<16xi1>, vector<16xi32>
      %lt3A_653 = arith.constant 8.000000e+01 : f32
      %lt3A_654 = vector.broadcast %lt3A_653 : f32 to vector<16xf32>
      %lt3A_655 = arith.cmpf olt, %gather3A_642, %lt3A_654 : vector<16xf32>
      %jit3A_656 = arith.constant 2.300000e+01 : f32
      %jit3A_657 = arith.constant -2.300000e+01 : f32
      %broadcast_in_dim3A_658 = vector.broadcast %jit3A_656 : f32 to vector<16xf32>
      %broadcast_in_dim3A_659 = vector.broadcast %jit3A_657 : f32 to vector<16xf32>
      %select_n3A_660 = arith.select %lt3A_655, %broadcast_in_dim3A_658, %broadcast_in_dim3A_659 : vector<16xi1>, vector<16xf32>
      %add3A_661 = arith.addf %gather3A_642, %select_n3A_660 : vector<16xf32>
      %sub3A_662 = arith.subf %gather3A, %add3A_661 : vector<16xf32>
      %gt3A_663 = arith.constant 2.000000e+00 : f32
      %gt3A_664 = vector.broadcast %gt3A_663 : f32 to vector<16xf32>
      %gt3A_665 = arith.cmpf ogt, %sub3A_662, %gt3A_664 : vector<16xf32>
      %lt3A_666 = arith.constant -2.000000e+00 : f32
      %lt3A_667 = vector.broadcast %lt3A_666 : f32 to vector<16xf32>
      %lt3A_668 = arith.cmpf olt, %sub3A_662, %lt3A_667 : vector<16xf32>
      %jit3A_669 = arith.constant 16 : i32
      %jit3A_670 = arith.constant 8 : i32
      %broadcast_in_dim3A_671 = vector.broadcast %jit3A_669 : i32 to vector<16xi32>
      %broadcast_in_dim3A_672 = vector.broadcast %jit3A_670 : i32 to vector<16xi32>
      %select_n3A_673 = arith.select %gt3A_665, %broadcast_in_dim3A_671, %broadcast_in_dim3A_672 : vector<16xi1>, vector<16xi32>
      %or3A = arith.ori %gt3A_665, %lt3A_668 : vector<16xi1>
      %le3A = arith.constant 2.500000e+01 : f32
      %le3A_674 = vector.broadcast %le3A : f32 to vector<16xf32>
      %le3A_675 = arith.cmpf ole, %abs3A, %le3A_674 : vector<16xf32>
      %le3A_676 = arith.constant 8.000000e+00 : f32
      %le3A_677 = vector.broadcast %le3A_676 : f32 to vector<16xf32>
      %le3A_678 = arith.cmpf ole, %abs3A_646, %le3A_677 : vector<16xf32>
      %and3A_679 = arith.andi %le3A_675, %le3A_678 : vector<16xi1>
      %jit3A_680 = arith.constant 1 : i32
      %broadcast_in_dim3A_681 = vector.broadcast %jit3A_680 : i32 to vector<16xi32>
      %select_n3A_682 = arith.select %or3A, %select_n3A_673, %broadcast_in_dim3A_681 : vector<16xi1>, vector<16xi32>
      %select_n3A_683 = arith.select %gt3A_648, %select_n3A_652, %select_n3A_682 : vector<16xi1>, vector<16xi32>
      %jit3A_684 = arith.constant 2 : i32
      %broadcast_in_dim3A_685 = vector.broadcast %jit3A_684 : i32 to vector<16xi32>
      %select_n3A_686 = arith.select %and3A_679, %broadcast_in_dim3A_685, %select_n3A_683 : vector<16xi1>, vector<16xi32>
      %or3A_687 = arith.ori %scan3A_637, %select_n3A_686 : vector<16xi32>
      scf.yield %or3A_687 : vector<16xi32>
    }
    %scan3A_313 = arith.constant 64 : i32
    %add3A_314 = arith.constant 22528 : i32
    %add3A_315 = arith.addi %mul3A_2, %add3A_314 : i32
    %dma_start3A_316 = arith.constant 32 : i32
    %dma_start3A_317 = tpu.memref_slice %arg2[%add3A_315, %dma_start3A_316] : memref<1048576x128xf32, #tpu.memory_space<hbm>> -> memref<1024x16xf32, #tpu.memory_space<hbm>>
    %dma_start3A_318 = arith.constant 32 : i32
    %dma_start3A_319 = tpu.memref_slice %arg2[%add3A_315, %dma_start3A_318] : memref<1048576x128xf32, #tpu.memory_space<hbm>> -> memref<1024x16xf32, #tpu.memory_space<hbm>>
    tpu.enqueue_dma source(%dma_start3A_319 : memref<1024x16xf32, #tpu.memory_space<hbm>>) target(%arg8 : memref<1024x16xf32, #tpu.memory_space<vmem>>) target_semaphore(%arg15 : memref<!tpu.dma_semaphore, #tpu.memory_space<semaphore_mem>>)
    %dma_wait3A_320 = arith.constant 32 : i32
    %dma_wait3A_321 = tpu.memref_slice %arg2[%add3A_235, %dma_wait3A_320] : memref<1048576x128xf32, #tpu.memory_space<hbm>> -> memref<1024x16xf32, #tpu.memory_space<hbm>>
    %dma_wait3A_322 = arith.constant 32 : i32
    %dma_wait3A_323 = tpu.memref_slice %arg2[%add3A_235, %dma_wait3A_322] : memref<1048576x128xf32, #tpu.memory_space<hbm>> -> memref<1024x16xf32, #tpu.memory_space<hbm>>
    tpu.wait_dma2 semaphore(%arg16 : memref<!tpu.dma_semaphore, #tpu.memory_space<semaphore_mem>>) src(%dma_wait3A_323 : memref<1024x16xf32, #tpu.memory_space<hbm>>) dst(%arg9 : memref<1024x16xf32, #tpu.memory_space<vmem>>)
    %scan3A_324 = arith.constant 0 : i32
    %scan3A_325 = arith.constant 64 : i32
    %scan3A_326 = arith.addi %scan3A_324, %scan3A_325 : i32
    %scan3A_327 = arith.constant 1 : i32
    %scan3A_328 = scf.for %scan3A_636 = %scan3A_324 to %scan3A_326 step %scan3A_327 iter_args(%scan3A_637 = %scan3A_312) -> (vector<16xi32>)  : i32 {
      %mul3A_638 = arith.constant 16 : i32
      %mul3A_639 = arith.muli %scan3A_636, %mul3A_638 : i32
      %add3A_640 = vector.broadcast %mul3A_639 : i32 to vector<16xi32>
      %add3A_641 = arith.addi %iota3A, %add3A_640 : vector<16xi32>
      %gather3A = tpu.vector_load_idx %arg9[%add3A_641, %broadcast_in_dim3A_3] : memref<1024x16xf32, #tpu.memory_space<vmem>>[vector<16xi32>, vector<16xi32>], vector<16xf32>,
      %gather3A_642 = tpu.vector_load_idx %arg9[%add3A_641, %add3A_6] : memref<1024x16xf32, #tpu.memory_space<vmem>>[vector<16xi32>, vector<16xi32>], vector<16xf32>,
      %gather3A_643 = tpu.vector_load_idx %arg9[%add3A_641, %add3A_9] : memref<1024x16xf32, #tpu.memory_space<vmem>>[vector<16xi32>, vector<16xi32>], vector<16xf32>,
      %gather3A_644 = tpu.vector_load_idx %arg9[%add3A_641, %add3A_12] : memref<1024x16xf32, #tpu.memory_space<vmem>>[vector<16xi32>, vector<16xi32>], vector<16xf32>,
      %sub3A = arith.subf %gather3A_642, %gather3A : vector<16xf32>
      %abs3A = math.absf %sub3A : vector<16xf32>
      %sub3A_645 = arith.subf %gather3A_644, %gather3A_643 : vector<16xf32>
      %abs3A_646 = math.absf %sub3A_645 : vector<16xf32>
      %gt3A = arith.constant 4.000000e+00 : f32
      %gt3A_647 = vector.broadcast %gt3A : f32 to vector<16xf32>
      %gt3A_648 = arith.cmpf ogt, %abs3A_646, %gt3A_647 : vector<16xf32>
      %lt3A = arith.cmpf olt, %gather3A_644, %gather3A_643 : vector<16xf32>
      %jit3A = arith.constant 4 : i32
      %jit3A_649 = arith.constant 32 : i32
      %broadcast_in_dim3A_650 = vector.broadcast %jit3A : i32 to vector<16xi32>
      %broadcast_in_dim3A_651 = vector.broadcast %jit3A_649 : i32 to vector<16xi32>
      %select_n3A_652 = arith.select %lt3A, %broadcast_in_dim3A_650, %broadcast_in_dim3A_651 : vector<16xi1>, vector<16xi32>
      %lt3A_653 = arith.constant 8.000000e+01 : f32
      %lt3A_654 = vector.broadcast %lt3A_653 : f32 to vector<16xf32>
      %lt3A_655 = arith.cmpf olt, %gather3A_642, %lt3A_654 : vector<16xf32>
      %jit3A_656 = arith.constant 2.300000e+01 : f32
      %jit3A_657 = arith.constant -2.300000e+01 : f32
      %broadcast_in_dim3A_658 = vector.broadcast %jit3A_656 : f32 to vector<16xf32>
      %broadcast_in_dim3A_659 = vector.broadcast %jit3A_657 : f32 to vector<16xf32>
      %select_n3A_660 = arith.select %lt3A_655, %broadcast_in_dim3A_658, %broadcast_in_dim3A_659 : vector<16xi1>, vector<16xf32>
      %add3A_661 = arith.addf %gather3A_642, %select_n3A_660 : vector<16xf32>
      %sub3A_662 = arith.subf %gather3A, %add3A_661 : vector<16xf32>
      %gt3A_663 = arith.constant 2.000000e+00 : f32
      %gt3A_664 = vector.broadcast %gt3A_663 : f32 to vector<16xf32>
      %gt3A_665 = arith.cmpf ogt, %sub3A_662, %gt3A_664 : vector<16xf32>
      %lt3A_666 = arith.constant -2.000000e+00 : f32
      %lt3A_667 = vector.broadcast %lt3A_666 : f32 to vector<16xf32>
      %lt3A_668 = arith.cmpf olt, %sub3A_662, %lt3A_667 : vector<16xf32>
      %jit3A_669 = arith.constant 16 : i32
      %jit3A_670 = arith.constant 8 : i32
      %broadcast_in_dim3A_671 = vector.broadcast %jit3A_669 : i32 to vector<16xi32>
      %broadcast_in_dim3A_672 = vector.broadcast %jit3A_670 : i32 to vector<16xi32>
      %select_n3A_673 = arith.select %gt3A_665, %broadcast_in_dim3A_671, %broadcast_in_dim3A_672 : vector<16xi1>, vector<16xi32>
      %or3A = arith.ori %gt3A_665, %lt3A_668 : vector<16xi1>
      %le3A = arith.constant 2.500000e+01 : f32
      %le3A_674 = vector.broadcast %le3A : f32 to vector<16xf32>
      %le3A_675 = arith.cmpf ole, %abs3A, %le3A_674 : vector<16xf32>
      %le3A_676 = arith.constant 8.000000e+00 : f32
      %le3A_677 = vector.broadcast %le3A_676 : f32 to vector<16xf32>
      %le3A_678 = arith.cmpf ole, %abs3A_646, %le3A_677 : vector<16xf32>
      %and3A_679 = arith.andi %le3A_675, %le3A_678 : vector<16xi1>
      %jit3A_680 = arith.constant 1 : i32
      %broadcast_in_dim3A_681 = vector.broadcast %jit3A_680 : i32 to vector<16xi32>
      %select_n3A_682 = arith.select %or3A, %select_n3A_673, %broadcast_in_dim3A_681 : vector<16xi1>, vector<16xi32>
      %select_n3A_683 = arith.select %gt3A_648, %select_n3A_652, %select_n3A_682 : vector<16xi1>, vector<16xi32>
      %jit3A_684 = arith.constant 2 : i32
      %broadcast_in_dim3A_685 = vector.broadcast %jit3A_684 : i32 to vector<16xi32>
      %select_n3A_686 = arith.select %and3A_679, %broadcast_in_dim3A_685, %select_n3A_683 : vector<16xi1>, vector<16xi32>
      %or3A_687 = arith.ori %scan3A_637, %select_n3A_686 : vector<16xi32>
      scf.yield %or3A_687 : vector<16xi32>
    }
    %scan3A_329 = arith.constant 64 : i32
    %add3A_330 = arith.constant 23552 : i32
    %add3A_331 = arith.addi %mul3A_2, %add3A_330 : i32
    %dma_start3A_332 = arith.constant 32 : i32
    %dma_start3A_333 = tpu.memref_slice %arg2[%add3A_331, %dma_start3A_332] : memref<1048576x128xf32, #tpu.memory_space<hbm>> -> memref<1024x16xf32, #tpu.memory_space<hbm>>
    %dma_start3A_334 = arith.constant 32 : i32
    %dma_start3A_335 = tpu.memref_slice %arg2[%add3A_331, %dma_start3A_334] : memref<1048576x128xf32, #tpu.memory_space<hbm>> -> memref<1024x16xf32, #tpu.memory_space<hbm>>
    tpu.enqueue_dma source(%dma_start3A_335 : memref<1024x16xf32, #tpu.memory_space<hbm>>) target(%arg9 : memref<1024x16xf32, #tpu.memory_space<vmem>>) target_semaphore(%arg16 : memref<!tpu.dma_semaphore, #tpu.memory_space<semaphore_mem>>)
    %dma_wait3A_336 = arith.constant 32 : i32
    %dma_wait3A_337 = tpu.memref_slice %arg2[%add3A_251, %dma_wait3A_336] : memref<1048576x128xf32, #tpu.memory_space<hbm>> -> memref<1024x16xf32, #tpu.memory_space<hbm>>
    %dma_wait3A_338 = arith.constant 32 : i32
    %dma_wait3A_339 = tpu.memref_slice %arg2[%add3A_251, %dma_wait3A_338] : memref<1048576x128xf32, #tpu.memory_space<hbm>> -> memref<1024x16xf32, #tpu.memory_space<hbm>>
    tpu.wait_dma2 semaphore(%arg11 : memref<!tpu.dma_semaphore, #tpu.memory_space<semaphore_mem>>) src(%dma_wait3A_339 : memref<1024x16xf32, #tpu.memory_space<hbm>>) dst(%arg4 : memref<1024x16xf32, #tpu.memory_space<vmem>>)
    %scan3A_340 = arith.constant 0 : i32
    %scan3A_341 = arith.constant 64 : i32
    %scan3A_342 = arith.addi %scan3A_340, %scan3A_341 : i32
    %scan3A_343 = arith.constant 1 : i32
    %scan3A_344 = scf.for %scan3A_636 = %scan3A_340 to %scan3A_342 step %scan3A_343 iter_args(%scan3A_637 = %scan3A_328) -> (vector<16xi32>)  : i32 {
      %mul3A_638 = arith.constant 16 : i32
      %mul3A_639 = arith.muli %scan3A_636, %mul3A_638 : i32
      %add3A_640 = vector.broadcast %mul3A_639 : i32 to vector<16xi32>
      %add3A_641 = arith.addi %iota3A, %add3A_640 : vector<16xi32>
      %gather3A = tpu.vector_load_idx %arg4[%add3A_641, %broadcast_in_dim3A_3] : memref<1024x16xf32, #tpu.memory_space<vmem>>[vector<16xi32>, vector<16xi32>], vector<16xf32>,
      %gather3A_642 = tpu.vector_load_idx %arg4[%add3A_641, %add3A_6] : memref<1024x16xf32, #tpu.memory_space<vmem>>[vector<16xi32>, vector<16xi32>], vector<16xf32>,
      %gather3A_643 = tpu.vector_load_idx %arg4[%add3A_641, %add3A_9] : memref<1024x16xf32, #tpu.memory_space<vmem>>[vector<16xi32>, vector<16xi32>], vector<16xf32>,
      %gather3A_644 = tpu.vector_load_idx %arg4[%add3A_641, %add3A_12] : memref<1024x16xf32, #tpu.memory_space<vmem>>[vector<16xi32>, vector<16xi32>], vector<16xf32>,
      %sub3A = arith.subf %gather3A_642, %gather3A : vector<16xf32>
      %abs3A = math.absf %sub3A : vector<16xf32>
      %sub3A_645 = arith.subf %gather3A_644, %gather3A_643 : vector<16xf32>
      %abs3A_646 = math.absf %sub3A_645 : vector<16xf32>
      %gt3A = arith.constant 4.000000e+00 : f32
      %gt3A_647 = vector.broadcast %gt3A : f32 to vector<16xf32>
      %gt3A_648 = arith.cmpf ogt, %abs3A_646, %gt3A_647 : vector<16xf32>
      %lt3A = arith.cmpf olt, %gather3A_644, %gather3A_643 : vector<16xf32>
      %jit3A = arith.constant 4 : i32
      %jit3A_649 = arith.constant 32 : i32
      %broadcast_in_dim3A_650 = vector.broadcast %jit3A : i32 to vector<16xi32>
      %broadcast_in_dim3A_651 = vector.broadcast %jit3A_649 : i32 to vector<16xi32>
      %select_n3A_652 = arith.select %lt3A, %broadcast_in_dim3A_650, %broadcast_in_dim3A_651 : vector<16xi1>, vector<16xi32>
      %lt3A_653 = arith.constant 8.000000e+01 : f32
      %lt3A_654 = vector.broadcast %lt3A_653 : f32 to vector<16xf32>
      %lt3A_655 = arith.cmpf olt, %gather3A_642, %lt3A_654 : vector<16xf32>
      %jit3A_656 = arith.constant 2.300000e+01 : f32
      %jit3A_657 = arith.constant -2.300000e+01 : f32
      %broadcast_in_dim3A_658 = vector.broadcast %jit3A_656 : f32 to vector<16xf32>
      %broadcast_in_dim3A_659 = vector.broadcast %jit3A_657 : f32 to vector<16xf32>
      %select_n3A_660 = arith.select %lt3A_655, %broadcast_in_dim3A_658, %broadcast_in_dim3A_659 : vector<16xi1>, vector<16xf32>
      %add3A_661 = arith.addf %gather3A_642, %select_n3A_660 : vector<16xf32>
      %sub3A_662 = arith.subf %gather3A, %add3A_661 : vector<16xf32>
      %gt3A_663 = arith.constant 2.000000e+00 : f32
      %gt3A_664 = vector.broadcast %gt3A_663 : f32 to vector<16xf32>
      %gt3A_665 = arith.cmpf ogt, %sub3A_662, %gt3A_664 : vector<16xf32>
      %lt3A_666 = arith.constant -2.000000e+00 : f32
      %lt3A_667 = vector.broadcast %lt3A_666 : f32 to vector<16xf32>
      %lt3A_668 = arith.cmpf olt, %sub3A_662, %lt3A_667 : vector<16xf32>
      %jit3A_669 = arith.constant 16 : i32
      %jit3A_670 = arith.constant 8 : i32
      %broadcast_in_dim3A_671 = vector.broadcast %jit3A_669 : i32 to vector<16xi32>
      %broadcast_in_dim3A_672 = vector.broadcast %jit3A_670 : i32 to vector<16xi32>
      %select_n3A_673 = arith.select %gt3A_665, %broadcast_in_dim3A_671, %broadcast_in_dim3A_672 : vector<16xi1>, vector<16xi32>
      %or3A = arith.ori %gt3A_665, %lt3A_668 : vector<16xi1>
      %le3A = arith.constant 2.500000e+01 : f32
      %le3A_674 = vector.broadcast %le3A : f32 to vector<16xf32>
      %le3A_675 = arith.cmpf ole, %abs3A, %le3A_674 : vector<16xf32>
      %le3A_676 = arith.constant 8.000000e+00 : f32
      %le3A_677 = vector.broadcast %le3A_676 : f32 to vector<16xf32>
      %le3A_678 = arith.cmpf ole, %abs3A_646, %le3A_677 : vector<16xf32>
      %and3A_679 = arith.andi %le3A_675, %le3A_678 : vector<16xi1>
      %jit3A_680 = arith.constant 1 : i32
      %broadcast_in_dim3A_681 = vector.broadcast %jit3A_680 : i32 to vector<16xi32>
      %select_n3A_682 = arith.select %or3A, %select_n3A_673, %broadcast_in_dim3A_681 : vector<16xi1>, vector<16xi32>
      %select_n3A_683 = arith.select %gt3A_648, %select_n3A_652, %select_n3A_682 : vector<16xi1>, vector<16xi32>
      %jit3A_684 = arith.constant 2 : i32
      %broadcast_in_dim3A_685 = vector.broadcast %jit3A_684 : i32 to vector<16xi32>
      %select_n3A_686 = arith.select %and3A_679, %broadcast_in_dim3A_685, %select_n3A_683 : vector<16xi1>, vector<16xi32>
      %or3A_687 = arith.ori %scan3A_637, %select_n3A_686 : vector<16xi32>
      scf.yield %or3A_687 : vector<16xi32>
    }
    %scan3A_345 = arith.constant 64 : i32
    %add3A_346 = arith.constant 24576 : i32
    %add3A_347 = arith.addi %mul3A_2, %add3A_346 : i32
    %dma_start3A_348 = arith.constant 32 : i32
    %dma_start3A_349 = tpu.memref_slice %arg2[%add3A_347, %dma_start3A_348] : memref<1048576x128xf32, #tpu.memory_space<hbm>> -> memref<1024x16xf32, #tpu.memory_space<hbm>>
    %dma_start3A_350 = arith.constant 32 : i32
    %dma_start3A_351 = tpu.memref_slice %arg2[%add3A_347, %dma_start3A_350] : memref<1048576x128xf32, #tpu.memory_space<hbm>> -> memref<1024x16xf32, #tpu.memory_space<hbm>>
    tpu.enqueue_dma source(%dma_start3A_351 : memref<1024x16xf32, #tpu.memory_space<hbm>>) target(%arg4 : memref<1024x16xf32, #tpu.memory_space<vmem>>) target_semaphore(%arg11 : memref<!tpu.dma_semaphore, #tpu.memory_space<semaphore_mem>>)
    %dma_wait3A_352 = arith.constant 32 : i32
    %dma_wait3A_353 = tpu.memref_slice %arg2[%add3A_267, %dma_wait3A_352] : memref<1048576x128xf32, #tpu.memory_space<hbm>> -> memref<1024x16xf32, #tpu.memory_space<hbm>>
    %dma_wait3A_354 = arith.constant 32 : i32
    %dma_wait3A_355 = tpu.memref_slice %arg2[%add3A_267, %dma_wait3A_354] : memref<1048576x128xf32, #tpu.memory_space<hbm>> -> memref<1024x16xf32, #tpu.memory_space<hbm>>
    tpu.wait_dma2 semaphore(%arg12 : memref<!tpu.dma_semaphore, #tpu.memory_space<semaphore_mem>>) src(%dma_wait3A_355 : memref<1024x16xf32, #tpu.memory_space<hbm>>) dst(%arg5 : memref<1024x16xf32, #tpu.memory_space<vmem>>)
    %scan3A_356 = arith.constant 0 : i32
    %scan3A_357 = arith.constant 64 : i32
    %scan3A_358 = arith.addi %scan3A_356, %scan3A_357 : i32
    %scan3A_359 = arith.constant 1 : i32
    %scan3A_360 = scf.for %scan3A_636 = %scan3A_356 to %scan3A_358 step %scan3A_359 iter_args(%scan3A_637 = %scan3A_344) -> (vector<16xi32>)  : i32 {
      %mul3A_638 = arith.constant 16 : i32
      %mul3A_639 = arith.muli %scan3A_636, %mul3A_638 : i32
      %add3A_640 = vector.broadcast %mul3A_639 : i32 to vector<16xi32>
      %add3A_641 = arith.addi %iota3A, %add3A_640 : vector<16xi32>
      %gather3A = tpu.vector_load_idx %arg5[%add3A_641, %broadcast_in_dim3A_3] : memref<1024x16xf32, #tpu.memory_space<vmem>>[vector<16xi32>, vector<16xi32>], vector<16xf32>,
      %gather3A_642 = tpu.vector_load_idx %arg5[%add3A_641, %add3A_6] : memref<1024x16xf32, #tpu.memory_space<vmem>>[vector<16xi32>, vector<16xi32>], vector<16xf32>,
      %gather3A_643 = tpu.vector_load_idx %arg5[%add3A_641, %add3A_9] : memref<1024x16xf32, #tpu.memory_space<vmem>>[vector<16xi32>, vector<16xi32>], vector<16xf32>,
      %gather3A_644 = tpu.vector_load_idx %arg5[%add3A_641, %add3A_12] : memref<1024x16xf32, #tpu.memory_space<vmem>>[vector<16xi32>, vector<16xi32>], vector<16xf32>,
      %sub3A = arith.subf %gather3A_642, %gather3A : vector<16xf32>
      %abs3A = math.absf %sub3A : vector<16xf32>
      %sub3A_645 = arith.subf %gather3A_644, %gather3A_643 : vector<16xf32>
      %abs3A_646 = math.absf %sub3A_645 : vector<16xf32>
      %gt3A = arith.constant 4.000000e+00 : f32
      %gt3A_647 = vector.broadcast %gt3A : f32 to vector<16xf32>
      %gt3A_648 = arith.cmpf ogt, %abs3A_646, %gt3A_647 : vector<16xf32>
      %lt3A = arith.cmpf olt, %gather3A_644, %gather3A_643 : vector<16xf32>
      %jit3A = arith.constant 4 : i32
      %jit3A_649 = arith.constant 32 : i32
      %broadcast_in_dim3A_650 = vector.broadcast %jit3A : i32 to vector<16xi32>
      %broadcast_in_dim3A_651 = vector.broadcast %jit3A_649 : i32 to vector<16xi32>
      %select_n3A_652 = arith.select %lt3A, %broadcast_in_dim3A_650, %broadcast_in_dim3A_651 : vector<16xi1>, vector<16xi32>
      %lt3A_653 = arith.constant 8.000000e+01 : f32
      %lt3A_654 = vector.broadcast %lt3A_653 : f32 to vector<16xf32>
      %lt3A_655 = arith.cmpf olt, %gather3A_642, %lt3A_654 : vector<16xf32>
      %jit3A_656 = arith.constant 2.300000e+01 : f32
      %jit3A_657 = arith.constant -2.300000e+01 : f32
      %broadcast_in_dim3A_658 = vector.broadcast %jit3A_656 : f32 to vector<16xf32>
      %broadcast_in_dim3A_659 = vector.broadcast %jit3A_657 : f32 to vector<16xf32>
      %select_n3A_660 = arith.select %lt3A_655, %broadcast_in_dim3A_658, %broadcast_in_dim3A_659 : vector<16xi1>, vector<16xf32>
      %add3A_661 = arith.addf %gather3A_642, %select_n3A_660 : vector<16xf32>
      %sub3A_662 = arith.subf %gather3A, %add3A_661 : vector<16xf32>
      %gt3A_663 = arith.constant 2.000000e+00 : f32
      %gt3A_664 = vector.broadcast %gt3A_663 : f32 to vector<16xf32>
      %gt3A_665 = arith.cmpf ogt, %sub3A_662, %gt3A_664 : vector<16xf32>
      %lt3A_666 = arith.constant -2.000000e+00 : f32
      %lt3A_667 = vector.broadcast %lt3A_666 : f32 to vector<16xf32>
      %lt3A_668 = arith.cmpf olt, %sub3A_662, %lt3A_667 : vector<16xf32>
      %jit3A_669 = arith.constant 16 : i32
      %jit3A_670 = arith.constant 8 : i32
      %broadcast_in_dim3A_671 = vector.broadcast %jit3A_669 : i32 to vector<16xi32>
      %broadcast_in_dim3A_672 = vector.broadcast %jit3A_670 : i32 to vector<16xi32>
      %select_n3A_673 = arith.select %gt3A_665, %broadcast_in_dim3A_671, %broadcast_in_dim3A_672 : vector<16xi1>, vector<16xi32>
      %or3A = arith.ori %gt3A_665, %lt3A_668 : vector<16xi1>
      %le3A = arith.constant 2.500000e+01 : f32
      %le3A_674 = vector.broadcast %le3A : f32 to vector<16xf32>
      %le3A_675 = arith.cmpf ole, %abs3A, %le3A_674 : vector<16xf32>
      %le3A_676 = arith.constant 8.000000e+00 : f32
      %le3A_677 = vector.broadcast %le3A_676 : f32 to vector<16xf32>
      %le3A_678 = arith.cmpf ole, %abs3A_646, %le3A_677 : vector<16xf32>
      %and3A_679 = arith.andi %le3A_675, %le3A_678 : vector<16xi1>
      %jit3A_680 = arith.constant 1 : i32
      %broadcast_in_dim3A_681 = vector.broadcast %jit3A_680 : i32 to vector<16xi32>
      %select_n3A_682 = arith.select %or3A, %select_n3A_673, %broadcast_in_dim3A_681 : vector<16xi1>, vector<16xi32>
      %select_n3A_683 = arith.select %gt3A_648, %select_n3A_652, %select_n3A_682 : vector<16xi1>, vector<16xi32>
      %jit3A_684 = arith.constant 2 : i32
      %broadcast_in_dim3A_685 = vector.broadcast %jit3A_684 : i32 to vector<16xi32>
      %select_n3A_686 = arith.select %and3A_679, %broadcast_in_dim3A_685, %select_n3A_683 : vector<16xi1>, vector<16xi32>
      %or3A_687 = arith.ori %scan3A_637, %select_n3A_686 : vector<16xi32>
      scf.yield %or3A_687 : vector<16xi32>
    }
    %scan3A_361 = arith.constant 64 : i32
    %add3A_362 = arith.constant 25600 : i32
    %add3A_363 = arith.addi %mul3A_2, %add3A_362 : i32
    %dma_start3A_364 = arith.constant 32 : i32
    %dma_start3A_365 = tpu.memref_slice %arg2[%add3A_363, %dma_start3A_364] : memref<1048576x128xf32, #tpu.memory_space<hbm>> -> memref<1024x16xf32, #tpu.memory_space<hbm>>
    %dma_start3A_366 = arith.constant 32 : i32
    %dma_start3A_367 = tpu.memref_slice %arg2[%add3A_363, %dma_start3A_366] : memref<1048576x128xf32, #tpu.memory_space<hbm>> -> memref<1024x16xf32, #tpu.memory_space<hbm>>
    tpu.enqueue_dma source(%dma_start3A_367 : memref<1024x16xf32, #tpu.memory_space<hbm>>) target(%arg5 : memref<1024x16xf32, #tpu.memory_space<vmem>>) target_semaphore(%arg12 : memref<!tpu.dma_semaphore, #tpu.memory_space<semaphore_mem>>)
    %dma_wait3A_368 = arith.constant 32 : i32
    %dma_wait3A_369 = tpu.memref_slice %arg2[%add3A_283, %dma_wait3A_368] : memref<1048576x128xf32, #tpu.memory_space<hbm>> -> memref<1024x16xf32, #tpu.memory_space<hbm>>
    %dma_wait3A_370 = arith.constant 32 : i32
    %dma_wait3A_371 = tpu.memref_slice %arg2[%add3A_283, %dma_wait3A_370] : memref<1048576x128xf32, #tpu.memory_space<hbm>> -> memref<1024x16xf32, #tpu.memory_space<hbm>>
    tpu.wait_dma2 semaphore(%arg13 : memref<!tpu.dma_semaphore, #tpu.memory_space<semaphore_mem>>) src(%dma_wait3A_371 : memref<1024x16xf32, #tpu.memory_space<hbm>>) dst(%arg6 : memref<1024x16xf32, #tpu.memory_space<vmem>>)
    %scan3A_372 = arith.constant 0 : i32
    %scan3A_373 = arith.constant 64 : i32
    %scan3A_374 = arith.addi %scan3A_372, %scan3A_373 : i32
    %scan3A_375 = arith.constant 1 : i32
    %scan3A_376 = scf.for %scan3A_636 = %scan3A_372 to %scan3A_374 step %scan3A_375 iter_args(%scan3A_637 = %scan3A_360) -> (vector<16xi32>)  : i32 {
      %mul3A_638 = arith.constant 16 : i32
      %mul3A_639 = arith.muli %scan3A_636, %mul3A_638 : i32
      %add3A_640 = vector.broadcast %mul3A_639 : i32 to vector<16xi32>
      %add3A_641 = arith.addi %iota3A, %add3A_640 : vector<16xi32>
      %gather3A = tpu.vector_load_idx %arg6[%add3A_641, %broadcast_in_dim3A_3] : memref<1024x16xf32, #tpu.memory_space<vmem>>[vector<16xi32>, vector<16xi32>], vector<16xf32>,
      %gather3A_642 = tpu.vector_load_idx %arg6[%add3A_641, %add3A_6] : memref<1024x16xf32, #tpu.memory_space<vmem>>[vector<16xi32>, vector<16xi32>], vector<16xf32>,
      %gather3A_643 = tpu.vector_load_idx %arg6[%add3A_641, %add3A_9] : memref<1024x16xf32, #tpu.memory_space<vmem>>[vector<16xi32>, vector<16xi32>], vector<16xf32>,
      %gather3A_644 = tpu.vector_load_idx %arg6[%add3A_641, %add3A_12] : memref<1024x16xf32, #tpu.memory_space<vmem>>[vector<16xi32>, vector<16xi32>], vector<16xf32>,
      %sub3A = arith.subf %gather3A_642, %gather3A : vector<16xf32>
      %abs3A = math.absf %sub3A : vector<16xf32>
      %sub3A_645 = arith.subf %gather3A_644, %gather3A_643 : vector<16xf32>
      %abs3A_646 = math.absf %sub3A_645 : vector<16xf32>
      %gt3A = arith.constant 4.000000e+00 : f32
      %gt3A_647 = vector.broadcast %gt3A : f32 to vector<16xf32>
      %gt3A_648 = arith.cmpf ogt, %abs3A_646, %gt3A_647 : vector<16xf32>
      %lt3A = arith.cmpf olt, %gather3A_644, %gather3A_643 : vector<16xf32>
      %jit3A = arith.constant 4 : i32
      %jit3A_649 = arith.constant 32 : i32
      %broadcast_in_dim3A_650 = vector.broadcast %jit3A : i32 to vector<16xi32>
      %broadcast_in_dim3A_651 = vector.broadcast %jit3A_649 : i32 to vector<16xi32>
      %select_n3A_652 = arith.select %lt3A, %broadcast_in_dim3A_650, %broadcast_in_dim3A_651 : vector<16xi1>, vector<16xi32>
      %lt3A_653 = arith.constant 8.000000e+01 : f32
      %lt3A_654 = vector.broadcast %lt3A_653 : f32 to vector<16xf32>
      %lt3A_655 = arith.cmpf olt, %gather3A_642, %lt3A_654 : vector<16xf32>
      %jit3A_656 = arith.constant 2.300000e+01 : f32
      %jit3A_657 = arith.constant -2.300000e+01 : f32
      %broadcast_in_dim3A_658 = vector.broadcast %jit3A_656 : f32 to vector<16xf32>
      %broadcast_in_dim3A_659 = vector.broadcast %jit3A_657 : f32 to vector<16xf32>
      %select_n3A_660 = arith.select %lt3A_655, %broadcast_in_dim3A_658, %broadcast_in_dim3A_659 : vector<16xi1>, vector<16xf32>
      %add3A_661 = arith.addf %gather3A_642, %select_n3A_660 : vector<16xf32>
      %sub3A_662 = arith.subf %gather3A, %add3A_661 : vector<16xf32>
      %gt3A_663 = arith.constant 2.000000e+00 : f32
      %gt3A_664 = vector.broadcast %gt3A_663 : f32 to vector<16xf32>
      %gt3A_665 = arith.cmpf ogt, %sub3A_662, %gt3A_664 : vector<16xf32>
      %lt3A_666 = arith.constant -2.000000e+00 : f32
      %lt3A_667 = vector.broadcast %lt3A_666 : f32 to vector<16xf32>
      %lt3A_668 = arith.cmpf olt, %sub3A_662, %lt3A_667 : vector<16xf32>
      %jit3A_669 = arith.constant 16 : i32
      %jit3A_670 = arith.constant 8 : i32
      %broadcast_in_dim3A_671 = vector.broadcast %jit3A_669 : i32 to vector<16xi32>
      %broadcast_in_dim3A_672 = vector.broadcast %jit3A_670 : i32 to vector<16xi32>
      %select_n3A_673 = arith.select %gt3A_665, %broadcast_in_dim3A_671, %broadcast_in_dim3A_672 : vector<16xi1>, vector<16xi32>
      %or3A = arith.ori %gt3A_665, %lt3A_668 : vector<16xi1>
      %le3A = arith.constant 2.500000e+01 : f32
      %le3A_674 = vector.broadcast %le3A : f32 to vector<16xf32>
      %le3A_675 = arith.cmpf ole, %abs3A, %le3A_674 : vector<16xf32>
      %le3A_676 = arith.constant 8.000000e+00 : f32
      %le3A_677 = vector.broadcast %le3A_676 : f32 to vector<16xf32>
      %le3A_678 = arith.cmpf ole, %abs3A_646, %le3A_677 : vector<16xf32>
      %and3A_679 = arith.andi %le3A_675, %le3A_678 : vector<16xi1>
      %jit3A_680 = arith.constant 1 : i32
      %broadcast_in_dim3A_681 = vector.broadcast %jit3A_680 : i32 to vector<16xi32>
      %select_n3A_682 = arith.select %or3A, %select_n3A_673, %broadcast_in_dim3A_681 : vector<16xi1>, vector<16xi32>
      %select_n3A_683 = arith.select %gt3A_648, %select_n3A_652, %select_n3A_682 : vector<16xi1>, vector<16xi32>
      %jit3A_684 = arith.constant 2 : i32
      %broadcast_in_dim3A_685 = vector.broadcast %jit3A_684 : i32 to vector<16xi32>
      %select_n3A_686 = arith.select %and3A_679, %broadcast_in_dim3A_685, %select_n3A_683 : vector<16xi1>, vector<16xi32>
      %or3A_687 = arith.ori %scan3A_637, %select_n3A_686 : vector<16xi32>
      scf.yield %or3A_687 : vector<16xi32>
    }
    %scan3A_377 = arith.constant 64 : i32
    %add3A_378 = arith.constant 26624 : i32
    %add3A_379 = arith.addi %mul3A_2, %add3A_378 : i32
    %dma_start3A_380 = arith.constant 32 : i32
    %dma_start3A_381 = tpu.memref_slice %arg2[%add3A_379, %dma_start3A_380] : memref<1048576x128xf32, #tpu.memory_space<hbm>> -> memref<1024x16xf32, #tpu.memory_space<hbm>>
    %dma_start3A_382 = arith.constant 32 : i32
    %dma_start3A_383 = tpu.memref_slice %arg2[%add3A_379, %dma_start3A_382] : memref<1048576x128xf32, #tpu.memory_space<hbm>> -> memref<1024x16xf32, #tpu.memory_space<hbm>>
    tpu.enqueue_dma source(%dma_start3A_383 : memref<1024x16xf32, #tpu.memory_space<hbm>>) target(%arg6 : memref<1024x16xf32, #tpu.memory_space<vmem>>) target_semaphore(%arg13 : memref<!tpu.dma_semaphore, #tpu.memory_space<semaphore_mem>>)
    %dma_wait3A_384 = arith.constant 32 : i32
    %dma_wait3A_385 = tpu.memref_slice %arg2[%add3A_299, %dma_wait3A_384] : memref<1048576x128xf32, #tpu.memory_space<hbm>> -> memref<1024x16xf32, #tpu.memory_space<hbm>>
    %dma_wait3A_386 = arith.constant 32 : i32
    %dma_wait3A_387 = tpu.memref_slice %arg2[%add3A_299, %dma_wait3A_386] : memref<1048576x128xf32, #tpu.memory_space<hbm>> -> memref<1024x16xf32, #tpu.memory_space<hbm>>
    tpu.wait_dma2 semaphore(%arg14 : memref<!tpu.dma_semaphore, #tpu.memory_space<semaphore_mem>>) src(%dma_wait3A_387 : memref<1024x16xf32, #tpu.memory_space<hbm>>) dst(%arg7 : memref<1024x16xf32, #tpu.memory_space<vmem>>)
    %scan3A_388 = arith.constant 0 : i32
    %scan3A_389 = arith.constant 64 : i32
    %scan3A_390 = arith.addi %scan3A_388, %scan3A_389 : i32
    %scan3A_391 = arith.constant 1 : i32
    %scan3A_392 = scf.for %scan3A_636 = %scan3A_388 to %scan3A_390 step %scan3A_391 iter_args(%scan3A_637 = %scan3A_376) -> (vector<16xi32>)  : i32 {
      %mul3A_638 = arith.constant 16 : i32
      %mul3A_639 = arith.muli %scan3A_636, %mul3A_638 : i32
      %add3A_640 = vector.broadcast %mul3A_639 : i32 to vector<16xi32>
      %add3A_641 = arith.addi %iota3A, %add3A_640 : vector<16xi32>
      %gather3A = tpu.vector_load_idx %arg7[%add3A_641, %broadcast_in_dim3A_3] : memref<1024x16xf32, #tpu.memory_space<vmem>>[vector<16xi32>, vector<16xi32>], vector<16xf32>,
      %gather3A_642 = tpu.vector_load_idx %arg7[%add3A_641, %add3A_6] : memref<1024x16xf32, #tpu.memory_space<vmem>>[vector<16xi32>, vector<16xi32>], vector<16xf32>,
      %gather3A_643 = tpu.vector_load_idx %arg7[%add3A_641, %add3A_9] : memref<1024x16xf32, #tpu.memory_space<vmem>>[vector<16xi32>, vector<16xi32>], vector<16xf32>,
      %gather3A_644 = tpu.vector_load_idx %arg7[%add3A_641, %add3A_12] : memref<1024x16xf32, #tpu.memory_space<vmem>>[vector<16xi32>, vector<16xi32>], vector<16xf32>,
      %sub3A = arith.subf %gather3A_642, %gather3A : vector<16xf32>
      %abs3A = math.absf %sub3A : vector<16xf32>
      %sub3A_645 = arith.subf %gather3A_644, %gather3A_643 : vector<16xf32>
      %abs3A_646 = math.absf %sub3A_645 : vector<16xf32>
      %gt3A = arith.constant 4.000000e+00 : f32
      %gt3A_647 = vector.broadcast %gt3A : f32 to vector<16xf32>
      %gt3A_648 = arith.cmpf ogt, %abs3A_646, %gt3A_647 : vector<16xf32>
      %lt3A = arith.cmpf olt, %gather3A_644, %gather3A_643 : vector<16xf32>
      %jit3A = arith.constant 4 : i32
      %jit3A_649 = arith.constant 32 : i32
      %broadcast_in_dim3A_650 = vector.broadcast %jit3A : i32 to vector<16xi32>
      %broadcast_in_dim3A_651 = vector.broadcast %jit3A_649 : i32 to vector<16xi32>
      %select_n3A_652 = arith.select %lt3A, %broadcast_in_dim3A_650, %broadcast_in_dim3A_651 : vector<16xi1>, vector<16xi32>
      %lt3A_653 = arith.constant 8.000000e+01 : f32
      %lt3A_654 = vector.broadcast %lt3A_653 : f32 to vector<16xf32>
      %lt3A_655 = arith.cmpf olt, %gather3A_642, %lt3A_654 : vector<16xf32>
      %jit3A_656 = arith.constant 2.300000e+01 : f32
      %jit3A_657 = arith.constant -2.300000e+01 : f32
      %broadcast_in_dim3A_658 = vector.broadcast %jit3A_656 : f32 to vector<16xf32>
      %broadcast_in_dim3A_659 = vector.broadcast %jit3A_657 : f32 to vector<16xf32>
      %select_n3A_660 = arith.select %lt3A_655, %broadcast_in_dim3A_658, %broadcast_in_dim3A_659 : vector<16xi1>, vector<16xf32>
      %add3A_661 = arith.addf %gather3A_642, %select_n3A_660 : vector<16xf32>
      %sub3A_662 = arith.subf %gather3A, %add3A_661 : vector<16xf32>
      %gt3A_663 = arith.constant 2.000000e+00 : f32
      %gt3A_664 = vector.broadcast %gt3A_663 : f32 to vector<16xf32>
      %gt3A_665 = arith.cmpf ogt, %sub3A_662, %gt3A_664 : vector<16xf32>
      %lt3A_666 = arith.constant -2.000000e+00 : f32
      %lt3A_667 = vector.broadcast %lt3A_666 : f32 to vector<16xf32>
      %lt3A_668 = arith.cmpf olt, %sub3A_662, %lt3A_667 : vector<16xf32>
      %jit3A_669 = arith.constant 16 : i32
      %jit3A_670 = arith.constant 8 : i32
      %broadcast_in_dim3A_671 = vector.broadcast %jit3A_669 : i32 to vector<16xi32>
      %broadcast_in_dim3A_672 = vector.broadcast %jit3A_670 : i32 to vector<16xi32>
      %select_n3A_673 = arith.select %gt3A_665, %broadcast_in_dim3A_671, %broadcast_in_dim3A_672 : vector<16xi1>, vector<16xi32>
      %or3A = arith.ori %gt3A_665, %lt3A_668 : vector<16xi1>
      %le3A = arith.constant 2.500000e+01 : f32
      %le3A_674 = vector.broadcast %le3A : f32 to vector<16xf32>
      %le3A_675 = arith.cmpf ole, %abs3A, %le3A_674 : vector<16xf32>
      %le3A_676 = arith.constant 8.000000e+00 : f32
      %le3A_677 = vector.broadcast %le3A_676 : f32 to vector<16xf32>
      %le3A_678 = arith.cmpf ole, %abs3A_646, %le3A_677 : vector<16xf32>
      %and3A_679 = arith.andi %le3A_675, %le3A_678 : vector<16xi1>
      %jit3A_680 = arith.constant 1 : i32
      %broadcast_in_dim3A_681 = vector.broadcast %jit3A_680 : i32 to vector<16xi32>
      %select_n3A_682 = arith.select %or3A, %select_n3A_673, %broadcast_in_dim3A_681 : vector<16xi1>, vector<16xi32>
      %select_n3A_683 = arith.select %gt3A_648, %select_n3A_652, %select_n3A_682 : vector<16xi1>, vector<16xi32>
      %jit3A_684 = arith.constant 2 : i32
      %broadcast_in_dim3A_685 = vector.broadcast %jit3A_684 : i32 to vector<16xi32>
      %select_n3A_686 = arith.select %and3A_679, %broadcast_in_dim3A_685, %select_n3A_683 : vector<16xi1>, vector<16xi32>
      %or3A_687 = arith.ori %scan3A_637, %select_n3A_686 : vector<16xi32>
      scf.yield %or3A_687 : vector<16xi32>
    }
    %scan3A_393 = arith.constant 64 : i32
    %add3A_394 = arith.constant 27648 : i32
    %add3A_395 = arith.addi %mul3A_2, %add3A_394 : i32
    %dma_start3A_396 = arith.constant 32 : i32
    %dma_start3A_397 = tpu.memref_slice %arg2[%add3A_395, %dma_start3A_396] : memref<1048576x128xf32, #tpu.memory_space<hbm>> -> memref<1024x16xf32, #tpu.memory_space<hbm>>
    %dma_start3A_398 = arith.constant 32 : i32
    %dma_start3A_399 = tpu.memref_slice %arg2[%add3A_395, %dma_start3A_398] : memref<1048576x128xf32, #tpu.memory_space<hbm>> -> memref<1024x16xf32, #tpu.memory_space<hbm>>
    tpu.enqueue_dma source(%dma_start3A_399 : memref<1024x16xf32, #tpu.memory_space<hbm>>) target(%arg7 : memref<1024x16xf32, #tpu.memory_space<vmem>>) target_semaphore(%arg14 : memref<!tpu.dma_semaphore, #tpu.memory_space<semaphore_mem>>)
    %dma_wait3A_400 = arith.constant 32 : i32
    %dma_wait3A_401 = tpu.memref_slice %arg2[%add3A_315, %dma_wait3A_400] : memref<1048576x128xf32, #tpu.memory_space<hbm>> -> memref<1024x16xf32, #tpu.memory_space<hbm>>
    %dma_wait3A_402 = arith.constant 32 : i32
    %dma_wait3A_403 = tpu.memref_slice %arg2[%add3A_315, %dma_wait3A_402] : memref<1048576x128xf32, #tpu.memory_space<hbm>> -> memref<1024x16xf32, #tpu.memory_space<hbm>>
    tpu.wait_dma2 semaphore(%arg15 : memref<!tpu.dma_semaphore, #tpu.memory_space<semaphore_mem>>) src(%dma_wait3A_403 : memref<1024x16xf32, #tpu.memory_space<hbm>>) dst(%arg8 : memref<1024x16xf32, #tpu.memory_space<vmem>>)
    %scan3A_404 = arith.constant 0 : i32
    %scan3A_405 = arith.constant 64 : i32
    %scan3A_406 = arith.addi %scan3A_404, %scan3A_405 : i32
    %scan3A_407 = arith.constant 1 : i32
    %scan3A_408 = scf.for %scan3A_636 = %scan3A_404 to %scan3A_406 step %scan3A_407 iter_args(%scan3A_637 = %scan3A_392) -> (vector<16xi32>)  : i32 {
      %mul3A_638 = arith.constant 16 : i32
      %mul3A_639 = arith.muli %scan3A_636, %mul3A_638 : i32
      %add3A_640 = vector.broadcast %mul3A_639 : i32 to vector<16xi32>
      %add3A_641 = arith.addi %iota3A, %add3A_640 : vector<16xi32>
      %gather3A = tpu.vector_load_idx %arg8[%add3A_641, %broadcast_in_dim3A_3] : memref<1024x16xf32, #tpu.memory_space<vmem>>[vector<16xi32>, vector<16xi32>], vector<16xf32>,
      %gather3A_642 = tpu.vector_load_idx %arg8[%add3A_641, %add3A_6] : memref<1024x16xf32, #tpu.memory_space<vmem>>[vector<16xi32>, vector<16xi32>], vector<16xf32>,
      %gather3A_643 = tpu.vector_load_idx %arg8[%add3A_641, %add3A_9] : memref<1024x16xf32, #tpu.memory_space<vmem>>[vector<16xi32>, vector<16xi32>], vector<16xf32>,
      %gather3A_644 = tpu.vector_load_idx %arg8[%add3A_641, %add3A_12] : memref<1024x16xf32, #tpu.memory_space<vmem>>[vector<16xi32>, vector<16xi32>], vector<16xf32>,
      %sub3A = arith.subf %gather3A_642, %gather3A : vector<16xf32>
      %abs3A = math.absf %sub3A : vector<16xf32>
      %sub3A_645 = arith.subf %gather3A_644, %gather3A_643 : vector<16xf32>
      %abs3A_646 = math.absf %sub3A_645 : vector<16xf32>
      %gt3A = arith.constant 4.000000e+00 : f32
      %gt3A_647 = vector.broadcast %gt3A : f32 to vector<16xf32>
      %gt3A_648 = arith.cmpf ogt, %abs3A_646, %gt3A_647 : vector<16xf32>
      %lt3A = arith.cmpf olt, %gather3A_644, %gather3A_643 : vector<16xf32>
      %jit3A = arith.constant 4 : i32
      %jit3A_649 = arith.constant 32 : i32
      %broadcast_in_dim3A_650 = vector.broadcast %jit3A : i32 to vector<16xi32>
      %broadcast_in_dim3A_651 = vector.broadcast %jit3A_649 : i32 to vector<16xi32>
      %select_n3A_652 = arith.select %lt3A, %broadcast_in_dim3A_650, %broadcast_in_dim3A_651 : vector<16xi1>, vector<16xi32>
      %lt3A_653 = arith.constant 8.000000e+01 : f32
      %lt3A_654 = vector.broadcast %lt3A_653 : f32 to vector<16xf32>
      %lt3A_655 = arith.cmpf olt, %gather3A_642, %lt3A_654 : vector<16xf32>
      %jit3A_656 = arith.constant 2.300000e+01 : f32
      %jit3A_657 = arith.constant -2.300000e+01 : f32
      %broadcast_in_dim3A_658 = vector.broadcast %jit3A_656 : f32 to vector<16xf32>
      %broadcast_in_dim3A_659 = vector.broadcast %jit3A_657 : f32 to vector<16xf32>
      %select_n3A_660 = arith.select %lt3A_655, %broadcast_in_dim3A_658, %broadcast_in_dim3A_659 : vector<16xi1>, vector<16xf32>
      %add3A_661 = arith.addf %gather3A_642, %select_n3A_660 : vector<16xf32>
      %sub3A_662 = arith.subf %gather3A, %add3A_661 : vector<16xf32>
      %gt3A_663 = arith.constant 2.000000e+00 : f32
      %gt3A_664 = vector.broadcast %gt3A_663 : f32 to vector<16xf32>
      %gt3A_665 = arith.cmpf ogt, %sub3A_662, %gt3A_664 : vector<16xf32>
      %lt3A_666 = arith.constant -2.000000e+00 : f32
      %lt3A_667 = vector.broadcast %lt3A_666 : f32 to vector<16xf32>
      %lt3A_668 = arith.cmpf olt, %sub3A_662, %lt3A_667 : vector<16xf32>
      %jit3A_669 = arith.constant 16 : i32
      %jit3A_670 = arith.constant 8 : i32
      %broadcast_in_dim3A_671 = vector.broadcast %jit3A_669 : i32 to vector<16xi32>
      %broadcast_in_dim3A_672 = vector.broadcast %jit3A_670 : i32 to vector<16xi32>
      %select_n3A_673 = arith.select %gt3A_665, %broadcast_in_dim3A_671, %broadcast_in_dim3A_672 : vector<16xi1>, vector<16xi32>
      %or3A = arith.ori %gt3A_665, %lt3A_668 : vector<16xi1>
      %le3A = arith.constant 2.500000e+01 : f32
      %le3A_674 = vector.broadcast %le3A : f32 to vector<16xf32>
      %le3A_675 = arith.cmpf ole, %abs3A, %le3A_674 : vector<16xf32>
      %le3A_676 = arith.constant 8.000000e+00 : f32
      %le3A_677 = vector.broadcast %le3A_676 : f32 to vector<16xf32>
      %le3A_678 = arith.cmpf ole, %abs3A_646, %le3A_677 : vector<16xf32>
      %and3A_679 = arith.andi %le3A_675, %le3A_678 : vector<16xi1>
      %jit3A_680 = arith.constant 1 : i32
      %broadcast_in_dim3A_681 = vector.broadcast %jit3A_680 : i32 to vector<16xi32>
      %select_n3A_682 = arith.select %or3A, %select_n3A_673, %broadcast_in_dim3A_681 : vector<16xi1>, vector<16xi32>
      %select_n3A_683 = arith.select %gt3A_648, %select_n3A_652, %select_n3A_682 : vector<16xi1>, vector<16xi32>
      %jit3A_684 = arith.constant 2 : i32
      %broadcast_in_dim3A_685 = vector.broadcast %jit3A_684 : i32 to vector<16xi32>
      %select_n3A_686 = arith.select %and3A_679, %broadcast_in_dim3A_685, %select_n3A_683 : vector<16xi1>, vector<16xi32>
      %or3A_687 = arith.ori %scan3A_637, %select_n3A_686 : vector<16xi32>
      scf.yield %or3A_687 : vector<16xi32>
    }
    %scan3A_409 = arith.constant 64 : i32
    %add3A_410 = arith.constant 28672 : i32
    %add3A_411 = arith.addi %mul3A_2, %add3A_410 : i32
    %dma_start3A_412 = arith.constant 32 : i32
    %dma_start3A_413 = tpu.memref_slice %arg2[%add3A_411, %dma_start3A_412] : memref<1048576x128xf32, #tpu.memory_space<hbm>> -> memref<1024x16xf32, #tpu.memory_space<hbm>>
    %dma_start3A_414 = arith.constant 32 : i32
    %dma_start3A_415 = tpu.memref_slice %arg2[%add3A_411, %dma_start3A_414] : memref<1048576x128xf32, #tpu.memory_space<hbm>> -> memref<1024x16xf32, #tpu.memory_space<hbm>>
    tpu.enqueue_dma source(%dma_start3A_415 : memref<1024x16xf32, #tpu.memory_space<hbm>>) target(%arg8 : memref<1024x16xf32, #tpu.memory_space<vmem>>) target_semaphore(%arg15 : memref<!tpu.dma_semaphore, #tpu.memory_space<semaphore_mem>>)
    %dma_wait3A_416 = arith.constant 32 : i32
    %dma_wait3A_417 = tpu.memref_slice %arg2[%add3A_331, %dma_wait3A_416] : memref<1048576x128xf32, #tpu.memory_space<hbm>> -> memref<1024x16xf32, #tpu.memory_space<hbm>>
    %dma_wait3A_418 = arith.constant 32 : i32
    %dma_wait3A_419 = tpu.memref_slice %arg2[%add3A_331, %dma_wait3A_418] : memref<1048576x128xf32, #tpu.memory_space<hbm>> -> memref<1024x16xf32, #tpu.memory_space<hbm>>
    tpu.wait_dma2 semaphore(%arg16 : memref<!tpu.dma_semaphore, #tpu.memory_space<semaphore_mem>>) src(%dma_wait3A_419 : memref<1024x16xf32, #tpu.memory_space<hbm>>) dst(%arg9 : memref<1024x16xf32, #tpu.memory_space<vmem>>)
    %scan3A_420 = arith.constant 0 : i32
    %scan3A_421 = arith.constant 64 : i32
    %scan3A_422 = arith.addi %scan3A_420, %scan3A_421 : i32
    %scan3A_423 = arith.constant 1 : i32
    %scan3A_424 = scf.for %scan3A_636 = %scan3A_420 to %scan3A_422 step %scan3A_423 iter_args(%scan3A_637 = %scan3A_408) -> (vector<16xi32>)  : i32 {
      %mul3A_638 = arith.constant 16 : i32
      %mul3A_639 = arith.muli %scan3A_636, %mul3A_638 : i32
      %add3A_640 = vector.broadcast %mul3A_639 : i32 to vector<16xi32>
      %add3A_641 = arith.addi %iota3A, %add3A_640 : vector<16xi32>
      %gather3A = tpu.vector_load_idx %arg9[%add3A_641, %broadcast_in_dim3A_3] : memref<1024x16xf32, #tpu.memory_space<vmem>>[vector<16xi32>, vector<16xi32>], vector<16xf32>,
      %gather3A_642 = tpu.vector_load_idx %arg9[%add3A_641, %add3A_6] : memref<1024x16xf32, #tpu.memory_space<vmem>>[vector<16xi32>, vector<16xi32>], vector<16xf32>,
      %gather3A_643 = tpu.vector_load_idx %arg9[%add3A_641, %add3A_9] : memref<1024x16xf32, #tpu.memory_space<vmem>>[vector<16xi32>, vector<16xi32>], vector<16xf32>,
      %gather3A_644 = tpu.vector_load_idx %arg9[%add3A_641, %add3A_12] : memref<1024x16xf32, #tpu.memory_space<vmem>>[vector<16xi32>, vector<16xi32>], vector<16xf32>,
      %sub3A = arith.subf %gather3A_642, %gather3A : vector<16xf32>
      %abs3A = math.absf %sub3A : vector<16xf32>
      %sub3A_645 = arith.subf %gather3A_644, %gather3A_643 : vector<16xf32>
      %abs3A_646 = math.absf %sub3A_645 : vector<16xf32>
      %gt3A = arith.constant 4.000000e+00 : f32
      %gt3A_647 = vector.broadcast %gt3A : f32 to vector<16xf32>
      %gt3A_648 = arith.cmpf ogt, %abs3A_646, %gt3A_647 : vector<16xf32>
      %lt3A = arith.cmpf olt, %gather3A_644, %gather3A_643 : vector<16xf32>
      %jit3A = arith.constant 4 : i32
      %jit3A_649 = arith.constant 32 : i32
      %broadcast_in_dim3A_650 = vector.broadcast %jit3A : i32 to vector<16xi32>
      %broadcast_in_dim3A_651 = vector.broadcast %jit3A_649 : i32 to vector<16xi32>
      %select_n3A_652 = arith.select %lt3A, %broadcast_in_dim3A_650, %broadcast_in_dim3A_651 : vector<16xi1>, vector<16xi32>
      %lt3A_653 = arith.constant 8.000000e+01 : f32
      %lt3A_654 = vector.broadcast %lt3A_653 : f32 to vector<16xf32>
      %lt3A_655 = arith.cmpf olt, %gather3A_642, %lt3A_654 : vector<16xf32>
      %jit3A_656 = arith.constant 2.300000e+01 : f32
      %jit3A_657 = arith.constant -2.300000e+01 : f32
      %broadcast_in_dim3A_658 = vector.broadcast %jit3A_656 : f32 to vector<16xf32>
      %broadcast_in_dim3A_659 = vector.broadcast %jit3A_657 : f32 to vector<16xf32>
      %select_n3A_660 = arith.select %lt3A_655, %broadcast_in_dim3A_658, %broadcast_in_dim3A_659 : vector<16xi1>, vector<16xf32>
      %add3A_661 = arith.addf %gather3A_642, %select_n3A_660 : vector<16xf32>
      %sub3A_662 = arith.subf %gather3A, %add3A_661 : vector<16xf32>
      %gt3A_663 = arith.constant 2.000000e+00 : f32
      %gt3A_664 = vector.broadcast %gt3A_663 : f32 to vector<16xf32>
      %gt3A_665 = arith.cmpf ogt, %sub3A_662, %gt3A_664 : vector<16xf32>
      %lt3A_666 = arith.constant -2.000000e+00 : f32
      %lt3A_667 = vector.broadcast %lt3A_666 : f32 to vector<16xf32>
      %lt3A_668 = arith.cmpf olt, %sub3A_662, %lt3A_667 : vector<16xf32>
      %jit3A_669 = arith.constant 16 : i32
      %jit3A_670 = arith.constant 8 : i32
      %broadcast_in_dim3A_671 = vector.broadcast %jit3A_669 : i32 to vector<16xi32>
      %broadcast_in_dim3A_672 = vector.broadcast %jit3A_670 : i32 to vector<16xi32>
      %select_n3A_673 = arith.select %gt3A_665, %broadcast_in_dim3A_671, %broadcast_in_dim3A_672 : vector<16xi1>, vector<16xi32>
      %or3A = arith.ori %gt3A_665, %lt3A_668 : vector<16xi1>
      %le3A = arith.constant 2.500000e+01 : f32
      %le3A_674 = vector.broadcast %le3A : f32 to vector<16xf32>
      %le3A_675 = arith.cmpf ole, %abs3A, %le3A_674 : vector<16xf32>
      %le3A_676 = arith.constant 8.000000e+00 : f32
      %le3A_677 = vector.broadcast %le3A_676 : f32 to vector<16xf32>
      %le3A_678 = arith.cmpf ole, %abs3A_646, %le3A_677 : vector<16xf32>
      %and3A_679 = arith.andi %le3A_675, %le3A_678 : vector<16xi1>
      %jit3A_680 = arith.constant 1 : i32
      %broadcast_in_dim3A_681 = vector.broadcast %jit3A_680 : i32 to vector<16xi32>
      %select_n3A_682 = arith.select %or3A, %select_n3A_673, %broadcast_in_dim3A_681 : vector<16xi1>, vector<16xi32>
      %select_n3A_683 = arith.select %gt3A_648, %select_n3A_652, %select_n3A_682 : vector<16xi1>, vector<16xi32>
      %jit3A_684 = arith.constant 2 : i32
      %broadcast_in_dim3A_685 = vector.broadcast %jit3A_684 : i32 to vector<16xi32>
      %select_n3A_686 = arith.select %and3A_679, %broadcast_in_dim3A_685, %select_n3A_683 : vector<16xi1>, vector<16xi32>
      %or3A_687 = arith.ori %scan3A_637, %select_n3A_686 : vector<16xi32>
      scf.yield %or3A_687 : vector<16xi32>
    }
    %scan3A_425 = arith.constant 64 : i32
    %add3A_426 = arith.constant 29696 : i32
    %add3A_427 = arith.addi %mul3A_2, %add3A_426 : i32
    %dma_start3A_428 = arith.constant 32 : i32
    %dma_start3A_429 = tpu.memref_slice %arg2[%add3A_427, %dma_start3A_428] : memref<1048576x128xf32, #tpu.memory_space<hbm>> -> memref<1024x16xf32, #tpu.memory_space<hbm>>
    %dma_start3A_430 = arith.constant 32 : i32
    %dma_start3A_431 = tpu.memref_slice %arg2[%add3A_427, %dma_start3A_430] : memref<1048576x128xf32, #tpu.memory_space<hbm>> -> memref<1024x16xf32, #tpu.memory_space<hbm>>
    tpu.enqueue_dma source(%dma_start3A_431 : memref<1024x16xf32, #tpu.memory_space<hbm>>) target(%arg9 : memref<1024x16xf32, #tpu.memory_space<vmem>>) target_semaphore(%arg16 : memref<!tpu.dma_semaphore, #tpu.memory_space<semaphore_mem>>)
    %dma_wait3A_432 = arith.constant 32 : i32
    %dma_wait3A_433 = tpu.memref_slice %arg2[%add3A_347, %dma_wait3A_432] : memref<1048576x128xf32, #tpu.memory_space<hbm>> -> memref<1024x16xf32, #tpu.memory_space<hbm>>
    %dma_wait3A_434 = arith.constant 32 : i32
    %dma_wait3A_435 = tpu.memref_slice %arg2[%add3A_347, %dma_wait3A_434] : memref<1048576x128xf32, #tpu.memory_space<hbm>> -> memref<1024x16xf32, #tpu.memory_space<hbm>>
    tpu.wait_dma2 semaphore(%arg11 : memref<!tpu.dma_semaphore, #tpu.memory_space<semaphore_mem>>) src(%dma_wait3A_435 : memref<1024x16xf32, #tpu.memory_space<hbm>>) dst(%arg4 : memref<1024x16xf32, #tpu.memory_space<vmem>>)
    %scan3A_436 = arith.constant 0 : i32
    %scan3A_437 = arith.constant 64 : i32
    %scan3A_438 = arith.addi %scan3A_436, %scan3A_437 : i32
    %scan3A_439 = arith.constant 1 : i32
    %scan3A_440 = scf.for %scan3A_636 = %scan3A_436 to %scan3A_438 step %scan3A_439 iter_args(%scan3A_637 = %scan3A_424) -> (vector<16xi32>)  : i32 {
      %mul3A_638 = arith.constant 16 : i32
      %mul3A_639 = arith.muli %scan3A_636, %mul3A_638 : i32
      %add3A_640 = vector.broadcast %mul3A_639 : i32 to vector<16xi32>
      %add3A_641 = arith.addi %iota3A, %add3A_640 : vector<16xi32>
      %gather3A = tpu.vector_load_idx %arg4[%add3A_641, %broadcast_in_dim3A_3] : memref<1024x16xf32, #tpu.memory_space<vmem>>[vector<16xi32>, vector<16xi32>], vector<16xf32>,
      %gather3A_642 = tpu.vector_load_idx %arg4[%add3A_641, %add3A_6] : memref<1024x16xf32, #tpu.memory_space<vmem>>[vector<16xi32>, vector<16xi32>], vector<16xf32>,
      %gather3A_643 = tpu.vector_load_idx %arg4[%add3A_641, %add3A_9] : memref<1024x16xf32, #tpu.memory_space<vmem>>[vector<16xi32>, vector<16xi32>], vector<16xf32>,
      %gather3A_644 = tpu.vector_load_idx %arg4[%add3A_641, %add3A_12] : memref<1024x16xf32, #tpu.memory_space<vmem>>[vector<16xi32>, vector<16xi32>], vector<16xf32>,
      %sub3A = arith.subf %gather3A_642, %gather3A : vector<16xf32>
      %abs3A = math.absf %sub3A : vector<16xf32>
      %sub3A_645 = arith.subf %gather3A_644, %gather3A_643 : vector<16xf32>
      %abs3A_646 = math.absf %sub3A_645 : vector<16xf32>
      %gt3A = arith.constant 4.000000e+00 : f32
      %gt3A_647 = vector.broadcast %gt3A : f32 to vector<16xf32>
      %gt3A_648 = arith.cmpf ogt, %abs3A_646, %gt3A_647 : vector<16xf32>
      %lt3A = arith.cmpf olt, %gather3A_644, %gather3A_643 : vector<16xf32>
      %jit3A = arith.constant 4 : i32
      %jit3A_649 = arith.constant 32 : i32
      %broadcast_in_dim3A_650 = vector.broadcast %jit3A : i32 to vector<16xi32>
      %broadcast_in_dim3A_651 = vector.broadcast %jit3A_649 : i32 to vector<16xi32>
      %select_n3A_652 = arith.select %lt3A, %broadcast_in_dim3A_650, %broadcast_in_dim3A_651 : vector<16xi1>, vector<16xi32>
      %lt3A_653 = arith.constant 8.000000e+01 : f32
      %lt3A_654 = vector.broadcast %lt3A_653 : f32 to vector<16xf32>
      %lt3A_655 = arith.cmpf olt, %gather3A_642, %lt3A_654 : vector<16xf32>
      %jit3A_656 = arith.constant 2.300000e+01 : f32
      %jit3A_657 = arith.constant -2.300000e+01 : f32
      %broadcast_in_dim3A_658 = vector.broadcast %jit3A_656 : f32 to vector<16xf32>
      %broadcast_in_dim3A_659 = vector.broadcast %jit3A_657 : f32 to vector<16xf32>
      %select_n3A_660 = arith.select %lt3A_655, %broadcast_in_dim3A_658, %broadcast_in_dim3A_659 : vector<16xi1>, vector<16xf32>
      %add3A_661 = arith.addf %gather3A_642, %select_n3A_660 : vector<16xf32>
      %sub3A_662 = arith.subf %gather3A, %add3A_661 : vector<16xf32>
      %gt3A_663 = arith.constant 2.000000e+00 : f32
      %gt3A_664 = vector.broadcast %gt3A_663 : f32 to vector<16xf32>
      %gt3A_665 = arith.cmpf ogt, %sub3A_662, %gt3A_664 : vector<16xf32>
      %lt3A_666 = arith.constant -2.000000e+00 : f32
      %lt3A_667 = vector.broadcast %lt3A_666 : f32 to vector<16xf32>
      %lt3A_668 = arith.cmpf olt, %sub3A_662, %lt3A_667 : vector<16xf32>
      %jit3A_669 = arith.constant 16 : i32
      %jit3A_670 = arith.constant 8 : i32
      %broadcast_in_dim3A_671 = vector.broadcast %jit3A_669 : i32 to vector<16xi32>
      %broadcast_in_dim3A_672 = vector.broadcast %jit3A_670 : i32 to vector<16xi32>
      %select_n3A_673 = arith.select %gt3A_665, %broadcast_in_dim3A_671, %broadcast_in_dim3A_672 : vector<16xi1>, vector<16xi32>
      %or3A = arith.ori %gt3A_665, %lt3A_668 : vector<16xi1>
      %le3A = arith.constant 2.500000e+01 : f32
      %le3A_674 = vector.broadcast %le3A : f32 to vector<16xf32>
      %le3A_675 = arith.cmpf ole, %abs3A, %le3A_674 : vector<16xf32>
      %le3A_676 = arith.constant 8.000000e+00 : f32
      %le3A_677 = vector.broadcast %le3A_676 : f32 to vector<16xf32>
      %le3A_678 = arith.cmpf ole, %abs3A_646, %le3A_677 : vector<16xf32>
      %and3A_679 = arith.andi %le3A_675, %le3A_678 : vector<16xi1>
      %jit3A_680 = arith.constant 1 : i32
      %broadcast_in_dim3A_681 = vector.broadcast %jit3A_680 : i32 to vector<16xi32>
      %select_n3A_682 = arith.select %or3A, %select_n3A_673, %broadcast_in_dim3A_681 : vector<16xi1>, vector<16xi32>
      %select_n3A_683 = arith.select %gt3A_648, %select_n3A_652, %select_n3A_682 : vector<16xi1>, vector<16xi32>
      %jit3A_684 = arith.constant 2 : i32
      %broadcast_in_dim3A_685 = vector.broadcast %jit3A_684 : i32 to vector<16xi32>
      %select_n3A_686 = arith.select %and3A_679, %broadcast_in_dim3A_685, %select_n3A_683 : vector<16xi1>, vector<16xi32>
      %or3A_687 = arith.ori %scan3A_637, %select_n3A_686 : vector<16xi32>
      scf.yield %or3A_687 : vector<16xi32>
    }
    %scan3A_441 = arith.constant 64 : i32
    %add3A_442 = arith.constant 30720 : i32
    %add3A_443 = arith.addi %mul3A_2, %add3A_442 : i32
    %dma_start3A_444 = arith.constant 32 : i32
    %dma_start3A_445 = tpu.memref_slice %arg2[%add3A_443, %dma_start3A_444] : memref<1048576x128xf32, #tpu.memory_space<hbm>> -> memref<1024x16xf32, #tpu.memory_space<hbm>>
    %dma_start3A_446 = arith.constant 32 : i32
    %dma_start3A_447 = tpu.memref_slice %arg2[%add3A_443, %dma_start3A_446] : memref<1048576x128xf32, #tpu.memory_space<hbm>> -> memref<1024x16xf32, #tpu.memory_space<hbm>>
    tpu.enqueue_dma source(%dma_start3A_447 : memref<1024x16xf32, #tpu.memory_space<hbm>>) target(%arg4 : memref<1024x16xf32, #tpu.memory_space<vmem>>) target_semaphore(%arg11 : memref<!tpu.dma_semaphore, #tpu.memory_space<semaphore_mem>>)
    %dma_wait3A_448 = arith.constant 32 : i32
    %dma_wait3A_449 = tpu.memref_slice %arg2[%add3A_363, %dma_wait3A_448] : memref<1048576x128xf32, #tpu.memory_space<hbm>> -> memref<1024x16xf32, #tpu.memory_space<hbm>>
    %dma_wait3A_450 = arith.constant 32 : i32
    %dma_wait3A_451 = tpu.memref_slice %arg2[%add3A_363, %dma_wait3A_450] : memref<1048576x128xf32, #tpu.memory_space<hbm>> -> memref<1024x16xf32, #tpu.memory_space<hbm>>
    tpu.wait_dma2 semaphore(%arg12 : memref<!tpu.dma_semaphore, #tpu.memory_space<semaphore_mem>>) src(%dma_wait3A_451 : memref<1024x16xf32, #tpu.memory_space<hbm>>) dst(%arg5 : memref<1024x16xf32, #tpu.memory_space<vmem>>)
    %scan3A_452 = arith.constant 0 : i32
    %scan3A_453 = arith.constant 64 : i32
    %scan3A_454 = arith.addi %scan3A_452, %scan3A_453 : i32
    %scan3A_455 = arith.constant 1 : i32
    %scan3A_456 = scf.for %scan3A_636 = %scan3A_452 to %scan3A_454 step %scan3A_455 iter_args(%scan3A_637 = %scan3A_440) -> (vector<16xi32>)  : i32 {
      %mul3A_638 = arith.constant 16 : i32
      %mul3A_639 = arith.muli %scan3A_636, %mul3A_638 : i32
      %add3A_640 = vector.broadcast %mul3A_639 : i32 to vector<16xi32>
      %add3A_641 = arith.addi %iota3A, %add3A_640 : vector<16xi32>
      %gather3A = tpu.vector_load_idx %arg5[%add3A_641, %broadcast_in_dim3A_3] : memref<1024x16xf32, #tpu.memory_space<vmem>>[vector<16xi32>, vector<16xi32>], vector<16xf32>,
      %gather3A_642 = tpu.vector_load_idx %arg5[%add3A_641, %add3A_6] : memref<1024x16xf32, #tpu.memory_space<vmem>>[vector<16xi32>, vector<16xi32>], vector<16xf32>,
      %gather3A_643 = tpu.vector_load_idx %arg5[%add3A_641, %add3A_9] : memref<1024x16xf32, #tpu.memory_space<vmem>>[vector<16xi32>, vector<16xi32>], vector<16xf32>,
      %gather3A_644 = tpu.vector_load_idx %arg5[%add3A_641, %add3A_12] : memref<1024x16xf32, #tpu.memory_space<vmem>>[vector<16xi32>, vector<16xi32>], vector<16xf32>,
      %sub3A = arith.subf %gather3A_642, %gather3A : vector<16xf32>
      %abs3A = math.absf %sub3A : vector<16xf32>
      %sub3A_645 = arith.subf %gather3A_644, %gather3A_643 : vector<16xf32>
      %abs3A_646 = math.absf %sub3A_645 : vector<16xf32>
      %gt3A = arith.constant 4.000000e+00 : f32
      %gt3A_647 = vector.broadcast %gt3A : f32 to vector<16xf32>
      %gt3A_648 = arith.cmpf ogt, %abs3A_646, %gt3A_647 : vector<16xf32>
      %lt3A = arith.cmpf olt, %gather3A_644, %gather3A_643 : vector<16xf32>
      %jit3A = arith.constant 4 : i32
      %jit3A_649 = arith.constant 32 : i32
      %broadcast_in_dim3A_650 = vector.broadcast %jit3A : i32 to vector<16xi32>
      %broadcast_in_dim3A_651 = vector.broadcast %jit3A_649 : i32 to vector<16xi32>
      %select_n3A_652 = arith.select %lt3A, %broadcast_in_dim3A_650, %broadcast_in_dim3A_651 : vector<16xi1>, vector<16xi32>
      %lt3A_653 = arith.constant 8.000000e+01 : f32
      %lt3A_654 = vector.broadcast %lt3A_653 : f32 to vector<16xf32>
      %lt3A_655 = arith.cmpf olt, %gather3A_642, %lt3A_654 : vector<16xf32>
      %jit3A_656 = arith.constant 2.300000e+01 : f32
      %jit3A_657 = arith.constant -2.300000e+01 : f32
      %broadcast_in_dim3A_658 = vector.broadcast %jit3A_656 : f32 to vector<16xf32>
      %broadcast_in_dim3A_659 = vector.broadcast %jit3A_657 : f32 to vector<16xf32>
      %select_n3A_660 = arith.select %lt3A_655, %broadcast_in_dim3A_658, %broadcast_in_dim3A_659 : vector<16xi1>, vector<16xf32>
      %add3A_661 = arith.addf %gather3A_642, %select_n3A_660 : vector<16xf32>
      %sub3A_662 = arith.subf %gather3A, %add3A_661 : vector<16xf32>
      %gt3A_663 = arith.constant 2.000000e+00 : f32
      %gt3A_664 = vector.broadcast %gt3A_663 : f32 to vector<16xf32>
      %gt3A_665 = arith.cmpf ogt, %sub3A_662, %gt3A_664 : vector<16xf32>
      %lt3A_666 = arith.constant -2.000000e+00 : f32
      %lt3A_667 = vector.broadcast %lt3A_666 : f32 to vector<16xf32>
      %lt3A_668 = arith.cmpf olt, %sub3A_662, %lt3A_667 : vector<16xf32>
      %jit3A_669 = arith.constant 16 : i32
      %jit3A_670 = arith.constant 8 : i32
      %broadcast_in_dim3A_671 = vector.broadcast %jit3A_669 : i32 to vector<16xi32>
      %broadcast_in_dim3A_672 = vector.broadcast %jit3A_670 : i32 to vector<16xi32>
      %select_n3A_673 = arith.select %gt3A_665, %broadcast_in_dim3A_671, %broadcast_in_dim3A_672 : vector<16xi1>, vector<16xi32>
      %or3A = arith.ori %gt3A_665, %lt3A_668 : vector<16xi1>
      %le3A = arith.constant 2.500000e+01 : f32
      %le3A_674 = vector.broadcast %le3A : f32 to vector<16xf32>
      %le3A_675 = arith.cmpf ole, %abs3A, %le3A_674 : vector<16xf32>
      %le3A_676 = arith.constant 8.000000e+00 : f32
      %le3A_677 = vector.broadcast %le3A_676 : f32 to vector<16xf32>
      %le3A_678 = arith.cmpf ole, %abs3A_646, %le3A_677 : vector<16xf32>
      %and3A_679 = arith.andi %le3A_675, %le3A_678 : vector<16xi1>
      %jit3A_680 = arith.constant 1 : i32
      %broadcast_in_dim3A_681 = vector.broadcast %jit3A_680 : i32 to vector<16xi32>
      %select_n3A_682 = arith.select %or3A, %select_n3A_673, %broadcast_in_dim3A_681 : vector<16xi1>, vector<16xi32>
      %select_n3A_683 = arith.select %gt3A_648, %select_n3A_652, %select_n3A_682 : vector<16xi1>, vector<16xi32>
      %jit3A_684 = arith.constant 2 : i32
      %broadcast_in_dim3A_685 = vector.broadcast %jit3A_684 : i32 to vector<16xi32>
      %select_n3A_686 = arith.select %and3A_679, %broadcast_in_dim3A_685, %select_n3A_683 : vector<16xi1>, vector<16xi32>
      %or3A_687 = arith.ori %scan3A_637, %select_n3A_686 : vector<16xi32>
      scf.yield %or3A_687 : vector<16xi32>
    }
    %scan3A_457 = arith.constant 64 : i32
    %add3A_458 = arith.constant 31744 : i32
    %add3A_459 = arith.addi %mul3A_2, %add3A_458 : i32
    %dma_start3A_460 = arith.constant 32 : i32
    %dma_start3A_461 = tpu.memref_slice %arg2[%add3A_459, %dma_start3A_460] : memref<1048576x128xf32, #tpu.memory_space<hbm>> -> memref<1024x16xf32, #tpu.memory_space<hbm>>
    %dma_start3A_462 = arith.constant 32 : i32
    %dma_start3A_463 = tpu.memref_slice %arg2[%add3A_459, %dma_start3A_462] : memref<1048576x128xf32, #tpu.memory_space<hbm>> -> memref<1024x16xf32, #tpu.memory_space<hbm>>
    tpu.enqueue_dma source(%dma_start3A_463 : memref<1024x16xf32, #tpu.memory_space<hbm>>) target(%arg5 : memref<1024x16xf32, #tpu.memory_space<vmem>>) target_semaphore(%arg12 : memref<!tpu.dma_semaphore, #tpu.memory_space<semaphore_mem>>)
    %dma_wait3A_464 = arith.constant 32 : i32
    %dma_wait3A_465 = tpu.memref_slice %arg2[%add3A_379, %dma_wait3A_464] : memref<1048576x128xf32, #tpu.memory_space<hbm>> -> memref<1024x16xf32, #tpu.memory_space<hbm>>
    %dma_wait3A_466 = arith.constant 32 : i32
    %dma_wait3A_467 = tpu.memref_slice %arg2[%add3A_379, %dma_wait3A_466] : memref<1048576x128xf32, #tpu.memory_space<hbm>> -> memref<1024x16xf32, #tpu.memory_space<hbm>>
    tpu.wait_dma2 semaphore(%arg13 : memref<!tpu.dma_semaphore, #tpu.memory_space<semaphore_mem>>) src(%dma_wait3A_467 : memref<1024x16xf32, #tpu.memory_space<hbm>>) dst(%arg6 : memref<1024x16xf32, #tpu.memory_space<vmem>>)
    %scan3A_468 = arith.constant 0 : i32
    %scan3A_469 = arith.constant 64 : i32
    %scan3A_470 = arith.addi %scan3A_468, %scan3A_469 : i32
    %scan3A_471 = arith.constant 1 : i32
    %scan3A_472 = scf.for %scan3A_636 = %scan3A_468 to %scan3A_470 step %scan3A_471 iter_args(%scan3A_637 = %scan3A_456) -> (vector<16xi32>)  : i32 {
      %mul3A_638 = arith.constant 16 : i32
      %mul3A_639 = arith.muli %scan3A_636, %mul3A_638 : i32
      %add3A_640 = vector.broadcast %mul3A_639 : i32 to vector<16xi32>
      %add3A_641 = arith.addi %iota3A, %add3A_640 : vector<16xi32>
      %gather3A = tpu.vector_load_idx %arg6[%add3A_641, %broadcast_in_dim3A_3] : memref<1024x16xf32, #tpu.memory_space<vmem>>[vector<16xi32>, vector<16xi32>], vector<16xf32>,
      %gather3A_642 = tpu.vector_load_idx %arg6[%add3A_641, %add3A_6] : memref<1024x16xf32, #tpu.memory_space<vmem>>[vector<16xi32>, vector<16xi32>], vector<16xf32>,
      %gather3A_643 = tpu.vector_load_idx %arg6[%add3A_641, %add3A_9] : memref<1024x16xf32, #tpu.memory_space<vmem>>[vector<16xi32>, vector<16xi32>], vector<16xf32>,
      %gather3A_644 = tpu.vector_load_idx %arg6[%add3A_641, %add3A_12] : memref<1024x16xf32, #tpu.memory_space<vmem>>[vector<16xi32>, vector<16xi32>], vector<16xf32>,
      %sub3A = arith.subf %gather3A_642, %gather3A : vector<16xf32>
      %abs3A = math.absf %sub3A : vector<16xf32>
      %sub3A_645 = arith.subf %gather3A_644, %gather3A_643 : vector<16xf32>
      %abs3A_646 = math.absf %sub3A_645 : vector<16xf32>
      %gt3A = arith.constant 4.000000e+00 : f32
      %gt3A_647 = vector.broadcast %gt3A : f32 to vector<16xf32>
      %gt3A_648 = arith.cmpf ogt, %abs3A_646, %gt3A_647 : vector<16xf32>
      %lt3A = arith.cmpf olt, %gather3A_644, %gather3A_643 : vector<16xf32>
      %jit3A = arith.constant 4 : i32
      %jit3A_649 = arith.constant 32 : i32
      %broadcast_in_dim3A_650 = vector.broadcast %jit3A : i32 to vector<16xi32>
      %broadcast_in_dim3A_651 = vector.broadcast %jit3A_649 : i32 to vector<16xi32>
      %select_n3A_652 = arith.select %lt3A, %broadcast_in_dim3A_650, %broadcast_in_dim3A_651 : vector<16xi1>, vector<16xi32>
      %lt3A_653 = arith.constant 8.000000e+01 : f32
      %lt3A_654 = vector.broadcast %lt3A_653 : f32 to vector<16xf32>
      %lt3A_655 = arith.cmpf olt, %gather3A_642, %lt3A_654 : vector<16xf32>
      %jit3A_656 = arith.constant 2.300000e+01 : f32
      %jit3A_657 = arith.constant -2.300000e+01 : f32
      %broadcast_in_dim3A_658 = vector.broadcast %jit3A_656 : f32 to vector<16xf32>
      %broadcast_in_dim3A_659 = vector.broadcast %jit3A_657 : f32 to vector<16xf32>
      %select_n3A_660 = arith.select %lt3A_655, %broadcast_in_dim3A_658, %broadcast_in_dim3A_659 : vector<16xi1>, vector<16xf32>
      %add3A_661 = arith.addf %gather3A_642, %select_n3A_660 : vector<16xf32>
      %sub3A_662 = arith.subf %gather3A, %add3A_661 : vector<16xf32>
      %gt3A_663 = arith.constant 2.000000e+00 : f32
      %gt3A_664 = vector.broadcast %gt3A_663 : f32 to vector<16xf32>
      %gt3A_665 = arith.cmpf ogt, %sub3A_662, %gt3A_664 : vector<16xf32>
      %lt3A_666 = arith.constant -2.000000e+00 : f32
      %lt3A_667 = vector.broadcast %lt3A_666 : f32 to vector<16xf32>
      %lt3A_668 = arith.cmpf olt, %sub3A_662, %lt3A_667 : vector<16xf32>
      %jit3A_669 = arith.constant 16 : i32
      %jit3A_670 = arith.constant 8 : i32
      %broadcast_in_dim3A_671 = vector.broadcast %jit3A_669 : i32 to vector<16xi32>
      %broadcast_in_dim3A_672 = vector.broadcast %jit3A_670 : i32 to vector<16xi32>
      %select_n3A_673 = arith.select %gt3A_665, %broadcast_in_dim3A_671, %broadcast_in_dim3A_672 : vector<16xi1>, vector<16xi32>
      %or3A = arith.ori %gt3A_665, %lt3A_668 : vector<16xi1>
      %le3A = arith.constant 2.500000e+01 : f32
      %le3A_674 = vector.broadcast %le3A : f32 to vector<16xf32>
      %le3A_675 = arith.cmpf ole, %abs3A, %le3A_674 : vector<16xf32>
      %le3A_676 = arith.constant 8.000000e+00 : f32
      %le3A_677 = vector.broadcast %le3A_676 : f32 to vector<16xf32>
      %le3A_678 = arith.cmpf ole, %abs3A_646, %le3A_677 : vector<16xf32>
      %and3A_679 = arith.andi %le3A_675, %le3A_678 : vector<16xi1>
      %jit3A_680 = arith.constant 1 : i32
      %broadcast_in_dim3A_681 = vector.broadcast %jit3A_680 : i32 to vector<16xi32>
      %select_n3A_682 = arith.select %or3A, %select_n3A_673, %broadcast_in_dim3A_681 : vector<16xi1>, vector<16xi32>
      %select_n3A_683 = arith.select %gt3A_648, %select_n3A_652, %select_n3A_682 : vector<16xi1>, vector<16xi32>
      %jit3A_684 = arith.constant 2 : i32
      %broadcast_in_dim3A_685 = vector.broadcast %jit3A_684 : i32 to vector<16xi32>
      %select_n3A_686 = arith.select %and3A_679, %broadcast_in_dim3A_685, %select_n3A_683 : vector<16xi1>, vector<16xi32>
      %or3A_687 = arith.ori %scan3A_637, %select_n3A_686 : vector<16xi32>
      scf.yield %or3A_687 : vector<16xi32>
    }
    %scan3A_473 = arith.constant 64 : i32
    %dma_wait3A_474 = arith.constant 32 : i32
    %dma_wait3A_475 = tpu.memref_slice %arg2[%add3A_395, %dma_wait3A_474] : memref<1048576x128xf32, #tpu.memory_space<hbm>> -> memref<1024x16xf32, #tpu.memory_space<hbm>>
    %dma_wait3A_476 = arith.constant 32 : i32
    %dma_wait3A_477 = tpu.memref_slice %arg2[%add3A_395, %dma_wait3A_476] : memref<1048576x128xf32, #tpu.memory_space<hbm>> -> memref<1024x16xf32, #tpu.memory_space<hbm>>
    tpu.wait_dma2 semaphore(%arg14 : memref<!tpu.dma_semaphore, #tpu.memory_space<semaphore_mem>>) src(%dma_wait3A_477 : memref<1024x16xf32, #tpu.memory_space<hbm>>) dst(%arg7 : memref<1024x16xf32, #tpu.memory_space<vmem>>)
    %scan3A_478 = arith.constant 0 : i32
    %scan3A_479 = arith.constant 64 : i32
    %scan3A_480 = arith.addi %scan3A_478, %scan3A_479 : i32
    %scan3A_481 = arith.constant 1 : i32
    %scan3A_482 = scf.for %scan3A_636 = %scan3A_478 to %scan3A_480 step %scan3A_481 iter_args(%scan3A_637 = %scan3A_472) -> (vector<16xi32>)  : i32 {
      %mul3A_638 = arith.constant 16 : i32
      %mul3A_639 = arith.muli %scan3A_636, %mul3A_638 : i32
      %add3A_640 = vector.broadcast %mul3A_639 : i32 to vector<16xi32>
      %add3A_641 = arith.addi %iota3A, %add3A_640 : vector<16xi32>
      %gather3A = tpu.vector_load_idx %arg7[%add3A_641, %broadcast_in_dim3A_3] : memref<1024x16xf32, #tpu.memory_space<vmem>>[vector<16xi32>, vector<16xi32>], vector<16xf32>,
      %gather3A_642 = tpu.vector_load_idx %arg7[%add3A_641, %add3A_6] : memref<1024x16xf32, #tpu.memory_space<vmem>>[vector<16xi32>, vector<16xi32>], vector<16xf32>,
      %gather3A_643 = tpu.vector_load_idx %arg7[%add3A_641, %add3A_9] : memref<1024x16xf32, #tpu.memory_space<vmem>>[vector<16xi32>, vector<16xi32>], vector<16xf32>,
      %gather3A_644 = tpu.vector_load_idx %arg7[%add3A_641, %add3A_12] : memref<1024x16xf32, #tpu.memory_space<vmem>>[vector<16xi32>, vector<16xi32>], vector<16xf32>,
      %sub3A = arith.subf %gather3A_642, %gather3A : vector<16xf32>
      %abs3A = math.absf %sub3A : vector<16xf32>
      %sub3A_645 = arith.subf %gather3A_644, %gather3A_643 : vector<16xf32>
      %abs3A_646 = math.absf %sub3A_645 : vector<16xf32>
      %gt3A = arith.constant 4.000000e+00 : f32
      %gt3A_647 = vector.broadcast %gt3A : f32 to vector<16xf32>
      %gt3A_648 = arith.cmpf ogt, %abs3A_646, %gt3A_647 : vector<16xf32>
      %lt3A = arith.cmpf olt, %gather3A_644, %gather3A_643 : vector<16xf32>
      %jit3A = arith.constant 4 : i32
      %jit3A_649 = arith.constant 32 : i32
      %broadcast_in_dim3A_650 = vector.broadcast %jit3A : i32 to vector<16xi32>
      %broadcast_in_dim3A_651 = vector.broadcast %jit3A_649 : i32 to vector<16xi32>
      %select_n3A_652 = arith.select %lt3A, %broadcast_in_dim3A_650, %broadcast_in_dim3A_651 : vector<16xi1>, vector<16xi32>
      %lt3A_653 = arith.constant 8.000000e+01 : f32
      %lt3A_654 = vector.broadcast %lt3A_653 : f32 to vector<16xf32>
      %lt3A_655 = arith.cmpf olt, %gather3A_642, %lt3A_654 : vector<16xf32>
      %jit3A_656 = arith.constant 2.300000e+01 : f32
      %jit3A_657 = arith.constant -2.300000e+01 : f32
      %broadcast_in_dim3A_658 = vector.broadcast %jit3A_656 : f32 to vector<16xf32>
      %broadcast_in_dim3A_659 = vector.broadcast %jit3A_657 : f32 to vector<16xf32>
      %select_n3A_660 = arith.select %lt3A_655, %broadcast_in_dim3A_658, %broadcast_in_dim3A_659 : vector<16xi1>, vector<16xf32>
      %add3A_661 = arith.addf %gather3A_642, %select_n3A_660 : vector<16xf32>
      %sub3A_662 = arith.subf %gather3A, %add3A_661 : vector<16xf32>
      %gt3A_663 = arith.constant 2.000000e+00 : f32
      %gt3A_664 = vector.broadcast %gt3A_663 : f32 to vector<16xf32>
      %gt3A_665 = arith.cmpf ogt, %sub3A_662, %gt3A_664 : vector<16xf32>
      %lt3A_666 = arith.constant -2.000000e+00 : f32
      %lt3A_667 = vector.broadcast %lt3A_666 : f32 to vector<16xf32>
      %lt3A_668 = arith.cmpf olt, %sub3A_662, %lt3A_667 : vector<16xf32>
      %jit3A_669 = arith.constant 16 : i32
      %jit3A_670 = arith.constant 8 : i32
      %broadcast_in_dim3A_671 = vector.broadcast %jit3A_669 : i32 to vector<16xi32>
      %broadcast_in_dim3A_672 = vector.broadcast %jit3A_670 : i32 to vector<16xi32>
      %select_n3A_673 = arith.select %gt3A_665, %broadcast_in_dim3A_671, %broadcast_in_dim3A_672 : vector<16xi1>, vector<16xi32>
      %or3A = arith.ori %gt3A_665, %lt3A_668 : vector<16xi1>
      %le3A = arith.constant 2.500000e+01 : f32
      %le3A_674 = vector.broadcast %le3A : f32 to vector<16xf32>
      %le3A_675 = arith.cmpf ole, %abs3A, %le3A_674 : vector<16xf32>
      %le3A_676 = arith.constant 8.000000e+00 : f32
      %le3A_677 = vector.broadcast %le3A_676 : f32 to vector<16xf32>
      %le3A_678 = arith.cmpf ole, %abs3A_646, %le3A_677 : vector<16xf32>
      %and3A_679 = arith.andi %le3A_675, %le3A_678 : vector<16xi1>
      %jit3A_680 = arith.constant 1 : i32
      %broadcast_in_dim3A_681 = vector.broadcast %jit3A_680 : i32 to vector<16xi32>
      %select_n3A_682 = arith.select %or3A, %select_n3A_673, %broadcast_in_dim3A_681 : vector<16xi1>, vector<16xi32>
      %select_n3A_683 = arith.select %gt3A_648, %select_n3A_652, %select_n3A_682 : vector<16xi1>, vector<16xi32>
      %jit3A_684 = arith.constant 2 : i32
      %broadcast_in_dim3A_685 = vector.broadcast %jit3A_684 : i32 to vector<16xi32>
      %select_n3A_686 = arith.select %and3A_679, %broadcast_in_dim3A_685, %select_n3A_683 : vector<16xi1>, vector<16xi32>
      %or3A_687 = arith.ori %scan3A_637, %select_n3A_686 : vector<16xi32>
      scf.yield %or3A_687 : vector<16xi32>
    }
    %scan3A_483 = arith.constant 64 : i32
    %dma_wait3A_484 = arith.constant 32 : i32
    %dma_wait3A_485 = tpu.memref_slice %arg2[%add3A_411, %dma_wait3A_484] : memref<1048576x128xf32, #tpu.memory_space<hbm>> -> memref<1024x16xf32, #tpu.memory_space<hbm>>
    %dma_wait3A_486 = arith.constant 32 : i32
    %dma_wait3A_487 = tpu.memref_slice %arg2[%add3A_411, %dma_wait3A_486] : memref<1048576x128xf32, #tpu.memory_space<hbm>> -> memref<1024x16xf32, #tpu.memory_space<hbm>>
    tpu.wait_dma2 semaphore(%arg15 : memref<!tpu.dma_semaphore, #tpu.memory_space<semaphore_mem>>) src(%dma_wait3A_487 : memref<1024x16xf32, #tpu.memory_space<hbm>>) dst(%arg8 : memref<1024x16xf32, #tpu.memory_space<vmem>>)
    %scan3A_488 = arith.constant 0 : i32
    %scan3A_489 = arith.constant 64 : i32
    %scan3A_490 = arith.addi %scan3A_488, %scan3A_489 : i32
    %scan3A_491 = arith.constant 1 : i32
    %scan3A_492 = scf.for %scan3A_636 = %scan3A_488 to %scan3A_490 step %scan3A_491 iter_args(%scan3A_637 = %scan3A_482) -> (vector<16xi32>)  : i32 {
      %mul3A_638 = arith.constant 16 : i32
      %mul3A_639 = arith.muli %scan3A_636, %mul3A_638 : i32
      %add3A_640 = vector.broadcast %mul3A_639 : i32 to vector<16xi32>
      %add3A_641 = arith.addi %iota3A, %add3A_640 : vector<16xi32>
      %gather3A = tpu.vector_load_idx %arg8[%add3A_641, %broadcast_in_dim3A_3] : memref<1024x16xf32, #tpu.memory_space<vmem>>[vector<16xi32>, vector<16xi32>], vector<16xf32>,
      %gather3A_642 = tpu.vector_load_idx %arg8[%add3A_641, %add3A_6] : memref<1024x16xf32, #tpu.memory_space<vmem>>[vector<16xi32>, vector<16xi32>], vector<16xf32>,
      %gather3A_643 = tpu.vector_load_idx %arg8[%add3A_641, %add3A_9] : memref<1024x16xf32, #tpu.memory_space<vmem>>[vector<16xi32>, vector<16xi32>], vector<16xf32>,
      %gather3A_644 = tpu.vector_load_idx %arg8[%add3A_641, %add3A_12] : memref<1024x16xf32, #tpu.memory_space<vmem>>[vector<16xi32>, vector<16xi32>], vector<16xf32>,
      %sub3A = arith.subf %gather3A_642, %gather3A : vector<16xf32>
      %abs3A = math.absf %sub3A : vector<16xf32>
      %sub3A_645 = arith.subf %gather3A_644, %gather3A_643 : vector<16xf32>
      %abs3A_646 = math.absf %sub3A_645 : vector<16xf32>
      %gt3A = arith.constant 4.000000e+00 : f32
      %gt3A_647 = vector.broadcast %gt3A : f32 to vector<16xf32>
      %gt3A_648 = arith.cmpf ogt, %abs3A_646, %gt3A_647 : vector<16xf32>
      %lt3A = arith.cmpf olt, %gather3A_644, %gather3A_643 : vector<16xf32>
      %jit3A = arith.constant 4 : i32
      %jit3A_649 = arith.constant 32 : i32
      %broadcast_in_dim3A_650 = vector.broadcast %jit3A : i32 to vector<16xi32>
      %broadcast_in_dim3A_651 = vector.broadcast %jit3A_649 : i32 to vector<16xi32>
      %select_n3A_652 = arith.select %lt3A, %broadcast_in_dim3A_650, %broadcast_in_dim3A_651 : vector<16xi1>, vector<16xi32>
      %lt3A_653 = arith.constant 8.000000e+01 : f32
      %lt3A_654 = vector.broadcast %lt3A_653 : f32 to vector<16xf32>
      %lt3A_655 = arith.cmpf olt, %gather3A_642, %lt3A_654 : vector<16xf32>
      %jit3A_656 = arith.constant 2.300000e+01 : f32
      %jit3A_657 = arith.constant -2.300000e+01 : f32
      %broadcast_in_dim3A_658 = vector.broadcast %jit3A_656 : f32 to vector<16xf32>
      %broadcast_in_dim3A_659 = vector.broadcast %jit3A_657 : f32 to vector<16xf32>
      %select_n3A_660 = arith.select %lt3A_655, %broadcast_in_dim3A_658, %broadcast_in_dim3A_659 : vector<16xi1>, vector<16xf32>
      %add3A_661 = arith.addf %gather3A_642, %select_n3A_660 : vector<16xf32>
      %sub3A_662 = arith.subf %gather3A, %add3A_661 : vector<16xf32>
      %gt3A_663 = arith.constant 2.000000e+00 : f32
      %gt3A_664 = vector.broadcast %gt3A_663 : f32 to vector<16xf32>
      %gt3A_665 = arith.cmpf ogt, %sub3A_662, %gt3A_664 : vector<16xf32>
      %lt3A_666 = arith.constant -2.000000e+00 : f32
      %lt3A_667 = vector.broadcast %lt3A_666 : f32 to vector<16xf32>
      %lt3A_668 = arith.cmpf olt, %sub3A_662, %lt3A_667 : vector<16xf32>
      %jit3A_669 = arith.constant 16 : i32
      %jit3A_670 = arith.constant 8 : i32
      %broadcast_in_dim3A_671 = vector.broadcast %jit3A_669 : i32 to vector<16xi32>
      %broadcast_in_dim3A_672 = vector.broadcast %jit3A_670 : i32 to vector<16xi32>
      %select_n3A_673 = arith.select %gt3A_665, %broadcast_in_dim3A_671, %broadcast_in_dim3A_672 : vector<16xi1>, vector<16xi32>
      %or3A = arith.ori %gt3A_665, %lt3A_668 : vector<16xi1>
      %le3A = arith.constant 2.500000e+01 : f32
      %le3A_674 = vector.broadcast %le3A : f32 to vector<16xf32>
      %le3A_675 = arith.cmpf ole, %abs3A, %le3A_674 : vector<16xf32>
      %le3A_676 = arith.constant 8.000000e+00 : f32
      %le3A_677 = vector.broadcast %le3A_676 : f32 to vector<16xf32>
      %le3A_678 = arith.cmpf ole, %abs3A_646, %le3A_677 : vector<16xf32>
      %and3A_679 = arith.andi %le3A_675, %le3A_678 : vector<16xi1>
      %jit3A_680 = arith.constant 1 : i32
      %broadcast_in_dim3A_681 = vector.broadcast %jit3A_680 : i32 to vector<16xi32>
      %select_n3A_682 = arith.select %or3A, %select_n3A_673, %broadcast_in_dim3A_681 : vector<16xi1>, vector<16xi32>
      %select_n3A_683 = arith.select %gt3A_648, %select_n3A_652, %select_n3A_682 : vector<16xi1>, vector<16xi32>
      %jit3A_684 = arith.constant 2 : i32
      %broadcast_in_dim3A_685 = vector.broadcast %jit3A_684 : i32 to vector<16xi32>
      %select_n3A_686 = arith.select %and3A_679, %broadcast_in_dim3A_685, %select_n3A_683 : vector<16xi1>, vector<16xi32>
      %or3A_687 = arith.ori %scan3A_637, %select_n3A_686 : vector<16xi32>
      scf.yield %or3A_687 : vector<16xi32>
    }
    %scan3A_493 = arith.constant 64 : i32
    %dma_wait3A_494 = arith.constant 32 : i32
    %dma_wait3A_495 = tpu.memref_slice %arg2[%add3A_427, %dma_wait3A_494] : memref<1048576x128xf32, #tpu.memory_space<hbm>> -> memref<1024x16xf32, #tpu.memory_space<hbm>>
    %dma_wait3A_496 = arith.constant 32 : i32
    %dma_wait3A_497 = tpu.memref_slice %arg2[%add3A_427, %dma_wait3A_496] : memref<1048576x128xf32, #tpu.memory_space<hbm>> -> memref<1024x16xf32, #tpu.memory_space<hbm>>
    tpu.wait_dma2 semaphore(%arg16 : memref<!tpu.dma_semaphore, #tpu.memory_space<semaphore_mem>>) src(%dma_wait3A_497 : memref<1024x16xf32, #tpu.memory_space<hbm>>) dst(%arg9 : memref<1024x16xf32, #tpu.memory_space<vmem>>)
    %scan3A_498 = arith.constant 0 : i32
    %scan3A_499 = arith.constant 64 : i32
    %scan3A_500 = arith.addi %scan3A_498, %scan3A_499 : i32
    %scan3A_501 = arith.constant 1 : i32
    %scan3A_502 = scf.for %scan3A_636 = %scan3A_498 to %scan3A_500 step %scan3A_501 iter_args(%scan3A_637 = %scan3A_492) -> (vector<16xi32>)  : i32 {
      %mul3A_638 = arith.constant 16 : i32
      %mul3A_639 = arith.muli %scan3A_636, %mul3A_638 : i32
      %add3A_640 = vector.broadcast %mul3A_639 : i32 to vector<16xi32>
      %add3A_641 = arith.addi %iota3A, %add3A_640 : vector<16xi32>
      %gather3A = tpu.vector_load_idx %arg9[%add3A_641, %broadcast_in_dim3A_3] : memref<1024x16xf32, #tpu.memory_space<vmem>>[vector<16xi32>, vector<16xi32>], vector<16xf32>,
      %gather3A_642 = tpu.vector_load_idx %arg9[%add3A_641, %add3A_6] : memref<1024x16xf32, #tpu.memory_space<vmem>>[vector<16xi32>, vector<16xi32>], vector<16xf32>,
      %gather3A_643 = tpu.vector_load_idx %arg9[%add3A_641, %add3A_9] : memref<1024x16xf32, #tpu.memory_space<vmem>>[vector<16xi32>, vector<16xi32>], vector<16xf32>,
      %gather3A_644 = tpu.vector_load_idx %arg9[%add3A_641, %add3A_12] : memref<1024x16xf32, #tpu.memory_space<vmem>>[vector<16xi32>, vector<16xi32>], vector<16xf32>,
      %sub3A = arith.subf %gather3A_642, %gather3A : vector<16xf32>
      %abs3A = math.absf %sub3A : vector<16xf32>
      %sub3A_645 = arith.subf %gather3A_644, %gather3A_643 : vector<16xf32>
      %abs3A_646 = math.absf %sub3A_645 : vector<16xf32>
      %gt3A = arith.constant 4.000000e+00 : f32
      %gt3A_647 = vector.broadcast %gt3A : f32 to vector<16xf32>
      %gt3A_648 = arith.cmpf ogt, %abs3A_646, %gt3A_647 : vector<16xf32>
      %lt3A = arith.cmpf olt, %gather3A_644, %gather3A_643 : vector<16xf32>
      %jit3A = arith.constant 4 : i32
      %jit3A_649 = arith.constant 32 : i32
      %broadcast_in_dim3A_650 = vector.broadcast %jit3A : i32 to vector<16xi32>
      %broadcast_in_dim3A_651 = vector.broadcast %jit3A_649 : i32 to vector<16xi32>
      %select_n3A_652 = arith.select %lt3A, %broadcast_in_dim3A_650, %broadcast_in_dim3A_651 : vector<16xi1>, vector<16xi32>
      %lt3A_653 = arith.constant 8.000000e+01 : f32
      %lt3A_654 = vector.broadcast %lt3A_653 : f32 to vector<16xf32>
      %lt3A_655 = arith.cmpf olt, %gather3A_642, %lt3A_654 : vector<16xf32>
      %jit3A_656 = arith.constant 2.300000e+01 : f32
      %jit3A_657 = arith.constant -2.300000e+01 : f32
      %broadcast_in_dim3A_658 = vector.broadcast %jit3A_656 : f32 to vector<16xf32>
      %broadcast_in_dim3A_659 = vector.broadcast %jit3A_657 : f32 to vector<16xf32>
      %select_n3A_660 = arith.select %lt3A_655, %broadcast_in_dim3A_658, %broadcast_in_dim3A_659 : vector<16xi1>, vector<16xf32>
      %add3A_661 = arith.addf %gather3A_642, %select_n3A_660 : vector<16xf32>
      %sub3A_662 = arith.subf %gather3A, %add3A_661 : vector<16xf32>
      %gt3A_663 = arith.constant 2.000000e+00 : f32
      %gt3A_664 = vector.broadcast %gt3A_663 : f32 to vector<16xf32>
      %gt3A_665 = arith.cmpf ogt, %sub3A_662, %gt3A_664 : vector<16xf32>
      %lt3A_666 = arith.constant -2.000000e+00 : f32
      %lt3A_667 = vector.broadcast %lt3A_666 : f32 to vector<16xf32>
      %lt3A_668 = arith.cmpf olt, %sub3A_662, %lt3A_667 : vector<16xf32>
      %jit3A_669 = arith.constant 16 : i32
      %jit3A_670 = arith.constant 8 : i32
      %broadcast_in_dim3A_671 = vector.broadcast %jit3A_669 : i32 to vector<16xi32>
      %broadcast_in_dim3A_672 = vector.broadcast %jit3A_670 : i32 to vector<16xi32>
      %select_n3A_673 = arith.select %gt3A_665, %broadcast_in_dim3A_671, %broadcast_in_dim3A_672 : vector<16xi1>, vector<16xi32>
      %or3A = arith.ori %gt3A_665, %lt3A_668 : vector<16xi1>
      %le3A = arith.constant 2.500000e+01 : f32
      %le3A_674 = vector.broadcast %le3A : f32 to vector<16xf32>
      %le3A_675 = arith.cmpf ole, %abs3A, %le3A_674 : vector<16xf32>
      %le3A_676 = arith.constant 8.000000e+00 : f32
      %le3A_677 = vector.broadcast %le3A_676 : f32 to vector<16xf32>
      %le3A_678 = arith.cmpf ole, %abs3A_646, %le3A_677 : vector<16xf32>
      %and3A_679 = arith.andi %le3A_675, %le3A_678 : vector<16xi1>
      %jit3A_680 = arith.constant 1 : i32
      %broadcast_in_dim3A_681 = vector.broadcast %jit3A_680 : i32 to vector<16xi32>
      %select_n3A_682 = arith.select %or3A, %select_n3A_673, %broadcast_in_dim3A_681 : vector<16xi1>, vector<16xi32>
      %select_n3A_683 = arith.select %gt3A_648, %select_n3A_652, %select_n3A_682 : vector<16xi1>, vector<16xi32>
      %jit3A_684 = arith.constant 2 : i32
      %broadcast_in_dim3A_685 = vector.broadcast %jit3A_684 : i32 to vector<16xi32>
      %select_n3A_686 = arith.select %and3A_679, %broadcast_in_dim3A_685, %select_n3A_683 : vector<16xi1>, vector<16xi32>
      %or3A_687 = arith.ori %scan3A_637, %select_n3A_686 : vector<16xi32>
      scf.yield %or3A_687 : vector<16xi32>
    }
    %scan3A_503 = arith.constant 64 : i32
    %dma_wait3A_504 = arith.constant 32 : i32
    %dma_wait3A_505 = tpu.memref_slice %arg2[%add3A_443, %dma_wait3A_504] : memref<1048576x128xf32, #tpu.memory_space<hbm>> -> memref<1024x16xf32, #tpu.memory_space<hbm>>
    %dma_wait3A_506 = arith.constant 32 : i32
    %dma_wait3A_507 = tpu.memref_slice %arg2[%add3A_443, %dma_wait3A_506] : memref<1048576x128xf32, #tpu.memory_space<hbm>> -> memref<1024x16xf32, #tpu.memory_space<hbm>>
    tpu.wait_dma2 semaphore(%arg11 : memref<!tpu.dma_semaphore, #tpu.memory_space<semaphore_mem>>) src(%dma_wait3A_507 : memref<1024x16xf32, #tpu.memory_space<hbm>>) dst(%arg4 : memref<1024x16xf32, #tpu.memory_space<vmem>>)
    %scan3A_508 = arith.constant 0 : i32
    %scan3A_509 = arith.constant 64 : i32
    %scan3A_510 = arith.addi %scan3A_508, %scan3A_509 : i32
    %scan3A_511 = arith.constant 1 : i32
    %scan3A_512 = scf.for %scan3A_636 = %scan3A_508 to %scan3A_510 step %scan3A_511 iter_args(%scan3A_637 = %scan3A_502) -> (vector<16xi32>)  : i32 {
      %mul3A_638 = arith.constant 16 : i32
      %mul3A_639 = arith.muli %scan3A_636, %mul3A_638 : i32
      %add3A_640 = vector.broadcast %mul3A_639 : i32 to vector<16xi32>
      %add3A_641 = arith.addi %iota3A, %add3A_640 : vector<16xi32>
      %gather3A = tpu.vector_load_idx %arg4[%add3A_641, %broadcast_in_dim3A_3] : memref<1024x16xf32, #tpu.memory_space<vmem>>[vector<16xi32>, vector<16xi32>], vector<16xf32>,
      %gather3A_642 = tpu.vector_load_idx %arg4[%add3A_641, %add3A_6] : memref<1024x16xf32, #tpu.memory_space<vmem>>[vector<16xi32>, vector<16xi32>], vector<16xf32>,
      %gather3A_643 = tpu.vector_load_idx %arg4[%add3A_641, %add3A_9] : memref<1024x16xf32, #tpu.memory_space<vmem>>[vector<16xi32>, vector<16xi32>], vector<16xf32>,
      %gather3A_644 = tpu.vector_load_idx %arg4[%add3A_641, %add3A_12] : memref<1024x16xf32, #tpu.memory_space<vmem>>[vector<16xi32>, vector<16xi32>], vector<16xf32>,
      %sub3A = arith.subf %gather3A_642, %gather3A : vector<16xf32>
      %abs3A = math.absf %sub3A : vector<16xf32>
      %sub3A_645 = arith.subf %gather3A_644, %gather3A_643 : vector<16xf32>
      %abs3A_646 = math.absf %sub3A_645 : vector<16xf32>
      %gt3A = arith.constant 4.000000e+00 : f32
      %gt3A_647 = vector.broadcast %gt3A : f32 to vector<16xf32>
      %gt3A_648 = arith.cmpf ogt, %abs3A_646, %gt3A_647 : vector<16xf32>
      %lt3A = arith.cmpf olt, %gather3A_644, %gather3A_643 : vector<16xf32>
      %jit3A = arith.constant 4 : i32
      %jit3A_649 = arith.constant 32 : i32
      %broadcast_in_dim3A_650 = vector.broadcast %jit3A : i32 to vector<16xi32>
      %broadcast_in_dim3A_651 = vector.broadcast %jit3A_649 : i32 to vector<16xi32>
      %select_n3A_652 = arith.select %lt3A, %broadcast_in_dim3A_650, %broadcast_in_dim3A_651 : vector<16xi1>, vector<16xi32>
      %lt3A_653 = arith.constant 8.000000e+01 : f32
      %lt3A_654 = vector.broadcast %lt3A_653 : f32 to vector<16xf32>
      %lt3A_655 = arith.cmpf olt, %gather3A_642, %lt3A_654 : vector<16xf32>
      %jit3A_656 = arith.constant 2.300000e+01 : f32
      %jit3A_657 = arith.constant -2.300000e+01 : f32
      %broadcast_in_dim3A_658 = vector.broadcast %jit3A_656 : f32 to vector<16xf32>
      %broadcast_in_dim3A_659 = vector.broadcast %jit3A_657 : f32 to vector<16xf32>
      %select_n3A_660 = arith.select %lt3A_655, %broadcast_in_dim3A_658, %broadcast_in_dim3A_659 : vector<16xi1>, vector<16xf32>
      %add3A_661 = arith.addf %gather3A_642, %select_n3A_660 : vector<16xf32>
      %sub3A_662 = arith.subf %gather3A, %add3A_661 : vector<16xf32>
      %gt3A_663 = arith.constant 2.000000e+00 : f32
      %gt3A_664 = vector.broadcast %gt3A_663 : f32 to vector<16xf32>
      %gt3A_665 = arith.cmpf ogt, %sub3A_662, %gt3A_664 : vector<16xf32>
      %lt3A_666 = arith.constant -2.000000e+00 : f32
      %lt3A_667 = vector.broadcast %lt3A_666 : f32 to vector<16xf32>
      %lt3A_668 = arith.cmpf olt, %sub3A_662, %lt3A_667 : vector<16xf32>
      %jit3A_669 = arith.constant 16 : i32
      %jit3A_670 = arith.constant 8 : i32
      %broadcast_in_dim3A_671 = vector.broadcast %jit3A_669 : i32 to vector<16xi32>
      %broadcast_in_dim3A_672 = vector.broadcast %jit3A_670 : i32 to vector<16xi32>
      %select_n3A_673 = arith.select %gt3A_665, %broadcast_in_dim3A_671, %broadcast_in_dim3A_672 : vector<16xi1>, vector<16xi32>
      %or3A = arith.ori %gt3A_665, %lt3A_668 : vector<16xi1>
      %le3A = arith.constant 2.500000e+01 : f32
      %le3A_674 = vector.broadcast %le3A : f32 to vector<16xf32>
      %le3A_675 = arith.cmpf ole, %abs3A, %le3A_674 : vector<16xf32>
      %le3A_676 = arith.constant 8.000000e+00 : f32
      %le3A_677 = vector.broadcast %le3A_676 : f32 to vector<16xf32>
      %le3A_678 = arith.cmpf ole, %abs3A_646, %le3A_677 : vector<16xf32>
      %and3A_679 = arith.andi %le3A_675, %le3A_678 : vector<16xi1>
      %jit3A_680 = arith.constant 1 : i32
      %broadcast_in_dim3A_681 = vector.broadcast %jit3A_680 : i32 to vector<16xi32>
      %select_n3A_682 = arith.select %or3A, %select_n3A_673, %broadcast_in_dim3A_681 : vector<16xi1>, vector<16xi32>
      %select_n3A_683 = arith.select %gt3A_648, %select_n3A_652, %select_n3A_682 : vector<16xi1>, vector<16xi32>
      %jit3A_684 = arith.constant 2 : i32
      %broadcast_in_dim3A_685 = vector.broadcast %jit3A_684 : i32 to vector<16xi32>
      %select_n3A_686 = arith.select %and3A_679, %broadcast_in_dim3A_685, %select_n3A_683 : vector<16xi1>, vector<16xi32>
      %or3A_687 = arith.ori %scan3A_637, %select_n3A_686 : vector<16xi32>
      scf.yield %or3A_687 : vector<16xi32>
    }
    %scan3A_513 = arith.constant 64 : i32
    %dma_wait3A_514 = arith.constant 32 : i32
    %dma_wait3A_515 = tpu.memref_slice %arg2[%add3A_459, %dma_wait3A_514] : memref<1048576x128xf32, #tpu.memory_space<hbm>> -> memref<1024x16xf32, #tpu.memory_space<hbm>>
    %dma_wait3A_516 = arith.constant 32 : i32
    %dma_wait3A_517 = tpu.memref_slice %arg2[%add3A_459, %dma_wait3A_516] : memref<1048576x128xf32, #tpu.memory_space<hbm>> -> memref<1024x16xf32, #tpu.memory_space<hbm>>
    tpu.wait_dma2 semaphore(%arg12 : memref<!tpu.dma_semaphore, #tpu.memory_space<semaphore_mem>>) src(%dma_wait3A_517 : memref<1024x16xf32, #tpu.memory_space<hbm>>) dst(%arg5 : memref<1024x16xf32, #tpu.memory_space<vmem>>)
    %scan3A_518 = arith.constant 0 : i32
    %scan3A_519 = arith.constant 64 : i32
    %scan3A_520 = arith.addi %scan3A_518, %scan3A_519 : i32
    %scan3A_521 = arith.constant 1 : i32
    %scan3A_522 = scf.for %scan3A_636 = %scan3A_518 to %scan3A_520 step %scan3A_521 iter_args(%scan3A_637 = %scan3A_512) -> (vector<16xi32>)  : i32 {
      %mul3A_638 = arith.constant 16 : i32
      %mul3A_639 = arith.muli %scan3A_636, %mul3A_638 : i32
      %add3A_640 = vector.broadcast %mul3A_639 : i32 to vector<16xi32>
      %add3A_641 = arith.addi %iota3A, %add3A_640 : vector<16xi32>
      %gather3A = tpu.vector_load_idx %arg5[%add3A_641, %broadcast_in_dim3A_3] : memref<1024x16xf32, #tpu.memory_space<vmem>>[vector<16xi32>, vector<16xi32>], vector<16xf32>,
      %gather3A_642 = tpu.vector_load_idx %arg5[%add3A_641, %add3A_6] : memref<1024x16xf32, #tpu.memory_space<vmem>>[vector<16xi32>, vector<16xi32>], vector<16xf32>,
      %gather3A_643 = tpu.vector_load_idx %arg5[%add3A_641, %add3A_9] : memref<1024x16xf32, #tpu.memory_space<vmem>>[vector<16xi32>, vector<16xi32>], vector<16xf32>,
      %gather3A_644 = tpu.vector_load_idx %arg5[%add3A_641, %add3A_12] : memref<1024x16xf32, #tpu.memory_space<vmem>>[vector<16xi32>, vector<16xi32>], vector<16xf32>,
      %sub3A = arith.subf %gather3A_642, %gather3A : vector<16xf32>
      %abs3A = math.absf %sub3A : vector<16xf32>
      %sub3A_645 = arith.subf %gather3A_644, %gather3A_643 : vector<16xf32>
      %abs3A_646 = math.absf %sub3A_645 : vector<16xf32>
      %gt3A = arith.constant 4.000000e+00 : f32
      %gt3A_647 = vector.broadcast %gt3A : f32 to vector<16xf32>
      %gt3A_648 = arith.cmpf ogt, %abs3A_646, %gt3A_647 : vector<16xf32>
      %lt3A = arith.cmpf olt, %gather3A_644, %gather3A_643 : vector<16xf32>
      %jit3A = arith.constant 4 : i32
      %jit3A_649 = arith.constant 32 : i32
      %broadcast_in_dim3A_650 = vector.broadcast %jit3A : i32 to vector<16xi32>
      %broadcast_in_dim3A_651 = vector.broadcast %jit3A_649 : i32 to vector<16xi32>
      %select_n3A_652 = arith.select %lt3A, %broadcast_in_dim3A_650, %broadcast_in_dim3A_651 : vector<16xi1>, vector<16xi32>
      %lt3A_653 = arith.constant 8.000000e+01 : f32
      %lt3A_654 = vector.broadcast %lt3A_653 : f32 to vector<16xf32>
      %lt3A_655 = arith.cmpf olt, %gather3A_642, %lt3A_654 : vector<16xf32>
      %jit3A_656 = arith.constant 2.300000e+01 : f32
      %jit3A_657 = arith.constant -2.300000e+01 : f32
      %broadcast_in_dim3A_658 = vector.broadcast %jit3A_656 : f32 to vector<16xf32>
      %broadcast_in_dim3A_659 = vector.broadcast %jit3A_657 : f32 to vector<16xf32>
      %select_n3A_660 = arith.select %lt3A_655, %broadcast_in_dim3A_658, %broadcast_in_dim3A_659 : vector<16xi1>, vector<16xf32>
      %add3A_661 = arith.addf %gather3A_642, %select_n3A_660 : vector<16xf32>
      %sub3A_662 = arith.subf %gather3A, %add3A_661 : vector<16xf32>
      %gt3A_663 = arith.constant 2.000000e+00 : f32
      %gt3A_664 = vector.broadcast %gt3A_663 : f32 to vector<16xf32>
      %gt3A_665 = arith.cmpf ogt, %sub3A_662, %gt3A_664 : vector<16xf32>
      %lt3A_666 = arith.constant -2.000000e+00 : f32
      %lt3A_667 = vector.broadcast %lt3A_666 : f32 to vector<16xf32>
      %lt3A_668 = arith.cmpf olt, %sub3A_662, %lt3A_667 : vector<16xf32>
      %jit3A_669 = arith.constant 16 : i32
      %jit3A_670 = arith.constant 8 : i32
      %broadcast_in_dim3A_671 = vector.broadcast %jit3A_669 : i32 to vector<16xi32>
      %broadcast_in_dim3A_672 = vector.broadcast %jit3A_670 : i32 to vector<16xi32>
      %select_n3A_673 = arith.select %gt3A_665, %broadcast_in_dim3A_671, %broadcast_in_dim3A_672 : vector<16xi1>, vector<16xi32>
      %or3A = arith.ori %gt3A_665, %lt3A_668 : vector<16xi1>
      %le3A = arith.constant 2.500000e+01 : f32
      %le3A_674 = vector.broadcast %le3A : f32 to vector<16xf32>
      %le3A_675 = arith.cmpf ole, %abs3A, %le3A_674 : vector<16xf32>
      %le3A_676 = arith.constant 8.000000e+00 : f32
      %le3A_677 = vector.broadcast %le3A_676 : f32 to vector<16xf32>
      %le3A_678 = arith.cmpf ole, %abs3A_646, %le3A_677 : vector<16xf32>
      %and3A_679 = arith.andi %le3A_675, %le3A_678 : vector<16xi1>
      %jit3A_680 = arith.constant 1 : i32
      %broadcast_in_dim3A_681 = vector.broadcast %jit3A_680 : i32 to vector<16xi32>
      %select_n3A_682 = arith.select %or3A, %select_n3A_673, %broadcast_in_dim3A_681 : vector<16xi1>, vector<16xi32>
      %select_n3A_683 = arith.select %gt3A_648, %select_n3A_652, %select_n3A_682 : vector<16xi1>, vector<16xi32>
      %jit3A_684 = arith.constant 2 : i32
      %broadcast_in_dim3A_685 = vector.broadcast %jit3A_684 : i32 to vector<16xi32>
      %select_n3A_686 = arith.select %and3A_679, %broadcast_in_dim3A_685, %select_n3A_683 : vector<16xi1>, vector<16xi32>
      %or3A_687 = arith.ori %scan3A_637, %select_n3A_686 : vector<16xi32>
      scf.yield %or3A_687 : vector<16xi32>
    }
    %scan3A_523 = arith.constant 64 : i32
    %broadcast_in_dim3A_524 = arith.constant 0 : i32
    %broadcast_in_dim3A_525 = vector.broadcast %broadcast_in_dim3A_524 : i32 to vector<16xi32>
    %shift_right_arithmetic3A = arith.constant 0 : i32
    %shift_right_arithmetic3A_526 = vector.broadcast %shift_right_arithmetic3A : i32 to vector<16xi32>
    %shift_right_arithmetic3A_527 = arith.shrsi %scan3A_522, %shift_right_arithmetic3A_526 : vector<16xi32>
    %and3A = arith.constant 1 : i32
    %and3A_528 = vector.broadcast %and3A : i32 to vector<16xi32>
    %and3A_529 = arith.andi %shift_right_arithmetic3A_527, %and3A_528 : vector<16xi32>
    %reduce_max3A = arith.constant true
    %reduce_max3A_530 = vector.broadcast %reduce_max3A : i1 to vector<16xi1>
    %reduce_max3A_531 = arith.constant -2147483648 : i32
    %reduce_max3A_532 = vector.broadcast %reduce_max3A_531 : i32 to vector<16xi32>
    %reduce_max3A_533 = arith.xori %and3A_529, %reduce_max3A_532 : vector<16xi32>
    %reduce_max3A_534 = tpu.scan <max>, %reduce_max3A_533 masked %reduce_max3A_530 : vector<16xi32>, vector<16xi1> -> vector<16xi32>
    %reduce_max3A_535 = arith.xori %reduce_max3A_534, %reduce_max3A_532 : vector<16xi32>
    %reduce_max3A_536 = vector.extract %reduce_max3A_535[15] : i32 from vector<16xi32>
    %eq3A = arith.constant 0 : i32
    %eq3A_537 = vector.broadcast %eq3A : i32 to vector<16xi32>
    %eq3A_538 = arith.cmpi eq, %iota3A, %eq3A_537 : vector<16xi32>
    %broadcast_in_dim3A_539 = vector.broadcast %reduce_max3A_536 : i32 to vector<16xi32>
    %select_n3A = arith.select %eq3A_538, %broadcast_in_dim3A_539, %broadcast_in_dim3A_525 : vector<16xi1>, vector<16xi32>
    %shift_right_arithmetic3A_540 = arith.constant 1 : i32
    %shift_right_arithmetic3A_541 = vector.broadcast %shift_right_arithmetic3A_540 : i32 to vector<16xi32>
    %shift_right_arithmetic3A_542 = arith.shrsi %scan3A_522, %shift_right_arithmetic3A_541 : vector<16xi32>
    %and3A_543 = arith.constant 1 : i32
    %and3A_544 = vector.broadcast %and3A_543 : i32 to vector<16xi32>
    %and3A_545 = arith.andi %shift_right_arithmetic3A_542, %and3A_544 : vector<16xi32>
    %reduce_max3A_546 = arith.constant true
    %reduce_max3A_547 = vector.broadcast %reduce_max3A_546 : i1 to vector<16xi1>
    %reduce_max3A_548 = arith.constant -2147483648 : i32
    %reduce_max3A_549 = vector.broadcast %reduce_max3A_548 : i32 to vector<16xi32>
    %reduce_max3A_550 = arith.xori %and3A_545, %reduce_max3A_549 : vector<16xi32>
    %reduce_max3A_551 = tpu.scan <max>, %reduce_max3A_550 masked %reduce_max3A_547 : vector<16xi32>, vector<16xi1> -> vector<16xi32>
    %reduce_max3A_552 = arith.xori %reduce_max3A_551, %reduce_max3A_549 : vector<16xi32>
    %reduce_max3A_553 = vector.extract %reduce_max3A_552[15] : i32 from vector<16xi32>
    %eq3A_554 = arith.constant 1 : i32
    %eq3A_555 = vector.broadcast %eq3A_554 : i32 to vector<16xi32>
    %eq3A_556 = arith.cmpi eq, %iota3A, %eq3A_555 : vector<16xi32>
    %broadcast_in_dim3A_557 = vector.broadcast %reduce_max3A_553 : i32 to vector<16xi32>
    %select_n3A_558 = arith.select %eq3A_556, %broadcast_in_dim3A_557, %select_n3A : vector<16xi1>, vector<16xi32>
    %shift_right_arithmetic3A_559 = arith.constant 2 : i32
    %shift_right_arithmetic3A_560 = vector.broadcast %shift_right_arithmetic3A_559 : i32 to vector<16xi32>
    %shift_right_arithmetic3A_561 = arith.shrsi %scan3A_522, %shift_right_arithmetic3A_560 : vector<16xi32>
    %and3A_562 = arith.constant 1 : i32
    %and3A_563 = vector.broadcast %and3A_562 : i32 to vector<16xi32>
    %and3A_564 = arith.andi %shift_right_arithmetic3A_561, %and3A_563 : vector<16xi32>
    %reduce_max3A_565 = arith.constant true
    %reduce_max3A_566 = vector.broadcast %reduce_max3A_565 : i1 to vector<16xi1>
    %reduce_max3A_567 = arith.constant -2147483648 : i32
    %reduce_max3A_568 = vector.broadcast %reduce_max3A_567 : i32 to vector<16xi32>
    %reduce_max3A_569 = arith.xori %and3A_564, %reduce_max3A_568 : vector<16xi32>
    %reduce_max3A_570 = tpu.scan <max>, %reduce_max3A_569 masked %reduce_max3A_566 : vector<16xi32>, vector<16xi1> -> vector<16xi32>
    %reduce_max3A_571 = arith.xori %reduce_max3A_570, %reduce_max3A_568 : vector<16xi32>
    %reduce_max3A_572 = vector.extract %reduce_max3A_571[15] : i32 from vector<16xi32>
    %eq3A_573 = arith.constant 2 : i32
    %eq3A_574 = vector.broadcast %eq3A_573 : i32 to vector<16xi32>
    %eq3A_575 = arith.cmpi eq, %iota3A, %eq3A_574 : vector<16xi32>
    %broadcast_in_dim3A_576 = vector.broadcast %reduce_max3A_572 : i32 to vector<16xi32>
    %select_n3A_577 = arith.select %eq3A_575, %broadcast_in_dim3A_576, %select_n3A_558 : vector<16xi1>, vector<16xi32>
    %shift_right_arithmetic3A_578 = arith.constant 3 : i32
    %shift_right_arithmetic3A_579 = vector.broadcast %shift_right_arithmetic3A_578 : i32 to vector<16xi32>
    %shift_right_arithmetic3A_580 = arith.shrsi %scan3A_522, %shift_right_arithmetic3A_579 : vector<16xi32>
    %and3A_581 = arith.constant 1 : i32
    %and3A_582 = vector.broadcast %and3A_581 : i32 to vector<16xi32>
    %and3A_583 = arith.andi %shift_right_arithmetic3A_580, %and3A_582 : vector<16xi32>
    %reduce_max3A_584 = arith.constant true
    %reduce_max3A_585 = vector.broadcast %reduce_max3A_584 : i1 to vector<16xi1>
    %reduce_max3A_586 = arith.constant -2147483648 : i32
    %reduce_max3A_587 = vector.broadcast %reduce_max3A_586 : i32 to vector<16xi32>
    %reduce_max3A_588 = arith.xori %and3A_583, %reduce_max3A_587 : vector<16xi32>
    %reduce_max3A_589 = tpu.scan <max>, %reduce_max3A_588 masked %reduce_max3A_585 : vector<16xi32>, vector<16xi1> -> vector<16xi32>
    %reduce_max3A_590 = arith.xori %reduce_max3A_589, %reduce_max3A_587 : vector<16xi32>
    %reduce_max3A_591 = vector.extract %reduce_max3A_590[15] : i32 from vector<16xi32>
    %eq3A_592 = arith.constant 3 : i32
    %eq3A_593 = vector.broadcast %eq3A_592 : i32 to vector<16xi32>
    %eq3A_594 = arith.cmpi eq, %iota3A, %eq3A_593 : vector<16xi32>
    %broadcast_in_dim3A_595 = vector.broadcast %reduce_max3A_591 : i32 to vector<16xi32>
    %select_n3A_596 = arith.select %eq3A_594, %broadcast_in_dim3A_595, %select_n3A_577 : vector<16xi1>, vector<16xi32>
    %shift_right_arithmetic3A_597 = arith.constant 4 : i32
    %shift_right_arithmetic3A_598 = vector.broadcast %shift_right_arithmetic3A_597 : i32 to vector<16xi32>
    %shift_right_arithmetic3A_599 = arith.shrsi %scan3A_522, %shift_right_arithmetic3A_598 : vector<16xi32>
    %and3A_600 = arith.constant 1 : i32
    %and3A_601 = vector.broadcast %and3A_600 : i32 to vector<16xi32>
    %and3A_602 = arith.andi %shift_right_arithmetic3A_599, %and3A_601 : vector<16xi32>
    %reduce_max3A_603 = arith.constant true
    %reduce_max3A_604 = vector.broadcast %reduce_max3A_603 : i1 to vector<16xi1>
    %reduce_max3A_605 = arith.constant -2147483648 : i32
    %reduce_max3A_606 = vector.broadcast %reduce_max3A_605 : i32 to vector<16xi32>
    %reduce_max3A_607 = arith.xori %and3A_602, %reduce_max3A_606 : vector<16xi32>
    %reduce_max3A_608 = tpu.scan <max>, %reduce_max3A_607 masked %reduce_max3A_604 : vector<16xi32>, vector<16xi1> -> vector<16xi32>
    %reduce_max3A_609 = arith.xori %reduce_max3A_608, %reduce_max3A_606 : vector<16xi32>
    %reduce_max3A_610 = vector.extract %reduce_max3A_609[15] : i32 from vector<16xi32>
    %eq3A_611 = arith.constant 4 : i32
    %eq3A_612 = vector.broadcast %eq3A_611 : i32 to vector<16xi32>
    %eq3A_613 = arith.cmpi eq, %iota3A, %eq3A_612 : vector<16xi32>
    %broadcast_in_dim3A_614 = vector.broadcast %reduce_max3A_610 : i32 to vector<16xi32>
    %select_n3A_615 = arith.select %eq3A_613, %broadcast_in_dim3A_614, %select_n3A_596 : vector<16xi1>, vector<16xi32>
    %shift_right_arithmetic3A_616 = arith.constant 5 : i32
    %shift_right_arithmetic3A_617 = vector.broadcast %shift_right_arithmetic3A_616 : i32 to vector<16xi32>
    %shift_right_arithmetic3A_618 = arith.shrsi %scan3A_522, %shift_right_arithmetic3A_617 : vector<16xi32>
    %and3A_619 = arith.constant 1 : i32
    %and3A_620 = vector.broadcast %and3A_619 : i32 to vector<16xi32>
    %and3A_621 = arith.andi %shift_right_arithmetic3A_618, %and3A_620 : vector<16xi32>
    %reduce_max3A_622 = arith.constant true
    %reduce_max3A_623 = vector.broadcast %reduce_max3A_622 : i1 to vector<16xi1>
    %reduce_max3A_624 = arith.constant -2147483648 : i32
    %reduce_max3A_625 = vector.broadcast %reduce_max3A_624 : i32 to vector<16xi32>
    %reduce_max3A_626 = arith.xori %and3A_621, %reduce_max3A_625 : vector<16xi32>
    %reduce_max3A_627 = tpu.scan <max>, %reduce_max3A_626 masked %reduce_max3A_623 : vector<16xi32>, vector<16xi1> -> vector<16xi32>
    %reduce_max3A_628 = arith.xori %reduce_max3A_627, %reduce_max3A_625 : vector<16xi32>
    %reduce_max3A_629 = vector.extract %reduce_max3A_628[15] : i32 from vector<16xi32>
    %eq3A_630 = arith.constant 5 : i32
    %eq3A_631 = vector.broadcast %eq3A_630 : i32 to vector<16xi32>
    %eq3A_632 = arith.cmpi eq, %iota3A, %eq3A_631 : vector<16xi32>
    %broadcast_in_dim3A_633 = vector.broadcast %reduce_max3A_629 : i32 to vector<16xi32>
    %select_n3A_634 = arith.select %eq3A_632, %broadcast_in_dim3A_633, %select_n3A_615 : vector<16xi1>, vector<16xi32>
    %convert_element_type3A = arith.sitofp %select_n3A_634 : vector<16xi32> to vector<16xf32>
    %swap3A = arith.constant 0 : index
    %swap3A_635 = tpu.vector_load %arg10[%swap3A] {strides = array<i32>} : memref<16xf32, #tpu.memory_space<vmem>>, vector<16xf32>,
    tpu.vector_store %arg10[%swap3A], %convert_element_type3A {strides = array<i32>} : memref<16xf32, #tpu.memory_space<vmem>>, vector<16xf32>,
    "tpu.region"() ({
      %run_scoped3A = tpu.sem_alloc : memref<!tpu.dma_semaphore, #tpu.memory_space<semaphore_mem>>
      %dma_start3A_636 = arith.constant 0 : i32
      %dma_start3A_637 = tpu.memref_slice %arg3[%add3A, %dma_start3A_636] : memref<32x16xf32, #tpu.memory_space<hbm>> -> memref<1x16xf32, #tpu.memory_space<hbm>>
      %dma_start3A_638 = tpu.memref_squeeze %dma_start3A_637 : memref<1x16xf32, #tpu.memory_space<hbm>> -> memref<16xf32, #tpu.memory_space<hbm>>
      %dma_start3A_639 = arith.constant 0 : i32
      %dma_start3A_640 = tpu.memref_slice %arg3[%add3A, %dma_start3A_639] : memref<32x16xf32, #tpu.memory_space<hbm>> -> memref<1x16xf32, #tpu.memory_space<hbm>>
      %dma_start3A_641 = tpu.memref_squeeze %dma_start3A_640 : memref<1x16xf32, #tpu.memory_space<hbm>> -> memref<16xf32, #tpu.memory_space<hbm>>
      tpu.enqueue_dma source(%arg10 : memref<16xf32, #tpu.memory_space<vmem>>) target(%dma_start3A_641 : memref<16xf32, #tpu.memory_space<hbm>>) target_semaphore(%run_scoped3A : memref<!tpu.dma_semaphore, #tpu.memory_space<semaphore_mem>>)
      %dma_wait3A_642 = arith.constant 0 : i32
      %dma_wait3A_643 = tpu.memref_slice %arg3[%add3A, %dma_wait3A_642] : memref<32x16xf32, #tpu.memory_space<hbm>> -> memref<1x16xf32, #tpu.memory_space<hbm>>
      %dma_wait3A_644 = tpu.memref_squeeze %dma_wait3A_643 : memref<1x16xf32, #tpu.memory_space<hbm>> -> memref<16xf32, #tpu.memory_space<hbm>>
      %dma_wait3A_645 = arith.constant 0 : i32
      %dma_wait3A_646 = tpu.memref_slice %arg3[%add3A, %dma_wait3A_645] : memref<32x16xf32, #tpu.memory_space<hbm>> -> memref<1x16xf32, #tpu.memory_space<hbm>>
      %dma_wait3A_647 = tpu.memref_squeeze %dma_wait3A_646 : memref<1x16xf32, #tpu.memory_space<hbm>> -> memref<16xf32, #tpu.memory_space<hbm>>
      tpu.wait_dma2 semaphore(%run_scoped3A : memref<!tpu.dma_semaphore, #tpu.memory_space<semaphore_mem>>) src(%arg10 : memref<16xf32, #tpu.memory_space<vmem>>) dst(%dma_wait3A_647 : memref<16xf32, #tpu.memory_space<hbm>>)
      tpu.yield
    }) : () -> ()
    return
  }
}

module attributes {stable_mosaic.version = 14 : i64} {
  func.func @_tc_combine(%arg0: memref<32x16xf32, #tpu.memory_space<vmem>>, %arg1: memref<1x6xf32, #tpu.memory_space<vmem>>) attributes {dimension_semantics = [], scalar_prefetch = 0 : i64, scratch_operands = 0 : i64, tpu.core_type = #tpu.core_type<tc>} {
    %get3A = arith.constant 0 : index
    %get3A_0 = arith.constant 0 : index
    %get3A_1 = vector.load %arg0[%get3A, %get3A_0] : memref<32x16xf32, #tpu.memory_space<vmem>>, vector<32x16xf32>
    %reduce_max3A = arith.constant dense<0xFF800000> : vector<16xf32>
    %reduce_max3A_2 = vector.multi_reduction <maximumf>, %get3A_1, %reduce_max3A [0] : vector<32x16xf32> to vector<16xf32>
    %broadcast_in_dim3A = vector.shape_cast %reduce_max3A_2 : vector<16xf32> to vector<1x16xf32>
    %slice3A = vector.extract_strided_slice %broadcast_in_dim3A {offsets = [0, 0], sizes = [1, 6], strides = [1, 1]} : vector<1x16xf32> to vector<1x6xf32>
    %swap3A = arith.constant 0 : index
    %swap3A_3 = arith.constant 0 : index
    %swap3A_4 = vector.load %arg1[%swap3A, %swap3A_3] : memref<1x6xf32, #tpu.memory_space<vmem>>, vector<1x6xf32>
    tpu.vector_store %arg1[%swap3A, %swap3A_3], %slice3A {strides = array<i32>} : memref<1x6xf32, #tpu.memory_space<vmem>>, vector<1x6xf32>,
    return
  }
}

</mosaic_0001>

<sc_bundles>
// kernel: kernel.4.cloned.1.call-start
scs
__scs_entry_jumppad:
0x0: {  	(pc) =	sbr.rel $0x88, $3  }
0x1: {  	(tag) =	ssettag $0x0;
	lr =	simm.s32 $0x1  }
0x2: {  	[smem:$0x3FA0] =	sst lr;
	_ =	strace $0xD0000000  }
0x3: {  	_ = 	snop  }
0x4: {  	_ = 	snop  }
0x5: {  	_ = 	snop  }
0x6: {  	_ = 	snop  }
0x7: {  	_ = 	snop  }
__scs_overlays_trampoline_lowered:
0x8: {  	[smem:$0x3FAF] =	sst s0  }
0x9: {  	[smem:$0x3FB0] =	sst s1  }
0xa: {  	[smem:$0x3FB1] =	sst s2  }
0xb: {  	[smem:$0x3FB2] =	sst s3  }
0xc: {  	[smem:$0x3FB3] =	sst s4  }
0xd: {  	[smem:$0x3FB4] =	sst s5  }
0xe: {  	[smem:$0x3FB5] =	sst s6  }
0xf: {  	[smem:$0x3FB6] =	sst s7  }
0x10: {  	[smem:$0x3FB7] =	sst s8  }
0x11: {  	[smem:$0x3FB8] =	sst s9;
	s0 =	simm.s32 @!p0 $0x0  }
0x12: {  	s1 =	sld [smem:$0x3F9E];
	s0 =	simm.s32 @p0 $0x1  }
0x13: {  	[smem:$0x3FB9] =	sst s0;
	s0 =	simm.s32 @!p1 $0x0  }
0x14: {  	s2 =	sld [smem:$0x3F9D];
	s0 =	simm.s32 @p1 $0x1  }
0x15: {  	[smem:$0x3FBA] =	sst s0;
	s0 =	simm.s32 @!p2 $0x0  }
0x16: {  	s3 =	sld [smem:$0x3FDB];
	s0 =	simm.s32 @p2 $0x1  }
0x17: {  	s4 =	simm.s32 $0x1BF5;
	[smem:$0x3FBC] =	sst s0  }
0x18: {  	s0 =	sld [smem:$0x3F9F];
	_ =	swait.ge [sflag:s4], $0x0  }
0x19: {  	s7 =	sld [smem:$0x3FA0]  }
0x1a: {  	s8 =	sadd.s32 $0xFFFFE003, lr  }
0x1b: {  	s9 =	sadd.s32 $0xFFFFFEF7, lr;
	s5 =	simm.s32 $0xFFFFFFFF;
	p2 =	slt.u32 s8, $0xFFFFF086  }
0x1c: {  	p1 =	slt.u32 s9, $0xF7A;
	s5 =	simm.s32 @!p2 $0x0  }
0x1d: {  	s5 =	simm.s32 @p1 $0x1;
	p0 =	seq.s32 s7, s2  }
0x1e: {  	s7 =	smul.u32 @!p0 $0xF7A, s2;
	p2 =	seq.s32 @!p0 s5, $0x0  }
0x1f: {  	s9 =	smul.u32 $0xF7A, s1;
	s8 =	simm.s32 @!p0 $0x1BF5;
	p2 =	por !p2, p0  }
0x20: {  	[sflag:s8] =	ssyncset.s32 @!p0 $0xFFFFF086;
	s6 =	sadd.s32 @!p0 s3, s7;
	s7 =	simm.s32 @!p0 $0x108  }
0x21: {  	s3 =	sadd.s32 s3, s9;
	s6 =	sadd.s32 @!p0 $0x88, s6;
	s7 =	simm.s32 @p2 $0x1082  }
0x22: {  	[simem:s7], [sflag:s8] =	dma.local @!p0 [hbm:s6], $0xF7A  }
0x23: {  	s9 =	sor.u32 $0xD0000000, s2;
	s6 =	simm.s32 $0x108;
	_ =	swait.ge @!p0 [sflag:s8], $0x0  }
0x24: {  	s3 =	sadd.s32 $0x88, s3;
	s6 =	simm.s32 @!p1 $0x1082;
	[sflag:s4] =	ssyncset.s32 $0xFFFFF086  }
0x25: {  	[simem:s6], [sflag:s4] =	dma.local [hbm:s3], $0xF7A  }
0x26: {  	[smem:$0x3FA0] =	sst s1;
	(tag) =	ssettag s2;
	_ =	strace s9  }
0x27: {  	s1 =	sld [smem:$0x3FB0]  }
0x28: {  	s2 =	sld [smem:$0x3FB1]  }
0x29: {  	s4 =	sld [smem:$0x3FB3]  }
0x2a: {  	p0 =	seq.s32 s5, $0x0;
	s5 =	sld [smem:$0x3FB4]  }
0x2b: {  	s6 =	sld [smem:$0x3FB5]  }
0x2c: {  	s7 =	sld [smem:$0x3FB6]  }
0x2d: {  	s3 =	simm.s32 $0x108;
	s8 =	sld [smem:$0x3FB7]  }
0x2e: {  	s3 =	simm.s32 @!p0 $0x1082;
	s9 =	sld [smem:$0x3FB8]  }
0x2f: {  	lr =	sadd.s32 s0, s3;
	s0 =	sld [smem:$0x3FAF]  }
0x30: {  	s3 =	sld [smem:$0x3FB2]  }
0x31: {  	[smem:$0x3FBB] =	sst s10  }
0x32: {  	s10 =	sld [smem:$0x3FB9];
	_ =	sdelay $0x3  }
0x33: {  	p0 =	seq.s32 s10, $0x1;
	s10 =	sld [smem:$0x3FBB];
	_ =	sdelay $0x3  }
0x34: {  	[smem:$0x3FBB] =	sst s10  }
0x35: {  	s10 =	sld [smem:$0x3FBA];
	_ =	sdelay $0x3  }
0x36: {  	p1 =	seq.s32 s10, $0x1;
	s10 =	sld [smem:$0x3FBB];
	_ =	sdelay $0x3  }
0x37: {  	[smem:$0x3FBB] =	sst s10  }
0x38: {  	s10 =	sld [smem:$0x3FBC]  }
0x39: {  	_ = 	snop;
	(pc) =	sbr.ind lr, $3  }
0x3a: {  	_ = 	snop  }
0x3b: {  	_ = 	snop  }
0x3c: {  	p2 =	seq.s32 s10, $0x1;
	s10 =	sld [smem:$0x3FBB]  }
0x3d: {  	_ =	shalt  }
0x3e: {  	_ =	shalt  }
0x3f: {  	_ =	shalt  }
0x40: {  	_ =	shalt  }
0x41: {  	_ =	shalt  }
0x42: {  	_ =	shalt  }
0x43: {  	_ =	shalt  }
0x44: {  	_ =	shalt  }
0x45: {  	_ =	shalt  }
0x46: {  	_ =	shalt  }
0x47: {  	_ =	shalt  }
0x48: {  	_ =	shalt  }
0x49: {  	_ =	shalt  }
0x4a: {  	_ =	shalt  }
0x4b: {  	_ =	shalt  }
0x4c: {  	_ =	shalt  }
0x4d: {  	_ =	shalt  }
0x4e: {  	_ =	shalt  }
0x4f: {  	_ =	shalt  }
0x50: {  	_ =	shalt  }
0x51: {  	_ =	shalt  }
0x52: {  	_ =	shalt  }
0x53: {  	_ =	shalt  }
0x54: {  	_ =	shalt  }
0x55: {  	_ =	shalt  }
0x56: {  	_ =	shalt  }
0x57: {  	_ =	shalt  }
0x58: {  	_ =	shalt  }
0x59: {  	_ =	shalt  }
0x5a: {  	_ =	shalt  }
0x5b: {  	_ =	shalt  }
0x5c: {  	_ =	shalt  }
0x5d: {  	_ =	shalt  }
0x5e: {  	_ =	shalt  }
0x5f: {  	_ =	shalt  }
0x60: {  	_ =	shalt  }
0x61: {  	_ =	shalt  }
0x62: {  	_ =	shalt  }
0x63: {  	_ =	shalt  }
0x64: {  	_ =	shalt  }
0x65: {  	_ =	shalt  }
0x66: {  	_ =	shalt  }
0x67: {  	_ =	shalt  }
0x68: {  	_ =	shalt  }
0x69: {  	_ =	shalt  }
0x6a: {  	_ =	shalt  }
0x6b: {  	_ =	shalt  }
0x6c: {  	_ =	shalt  }
0x6d: {  	_ =	shalt  }
0x6e: {  	_ =	shalt  }
0x6f: {  	_ =	shalt  }
0x70: {  	_ =	shalt  }
0x71: {  	_ =	shalt  }
0x72: {  	_ =	shalt  }
0x73: {  	_ =	shalt  }
0x74: {  	_ =	shalt  }
0x75: {  	_ =	shalt  }
0x76: {  	_ =	shalt  }
0x77: {  	_ =	shalt  }
0x78: {  	_ =	shalt  }
0x79: {  	_ =	shalt  }
0x7a: {  	_ =	shalt  }
0x7b: {  	_ =	shalt  }
0x7c: {  	_ =	shalt  }
0x7d: {  	_ =	shalt  }
0x7e: {  	_ =	shalt  }
0x7f: {  	_ =	shalt  }
0x80: {  	_ =	shalt  }
0x81: {  	_ =	shalt  }
0x82: {  	_ =	shalt  }
0x83: {  	_ =	shalt  }
0x84: {  	_ =	shalt  }
0x85: {  	_ =	shalt  }
0x86: {  	_ =	shalt  }
0x87: {  	_ =	shalt  }
.Lfunc_end0:
.L_simem_size_0:
called_computation_lowered:
.L_overlay_start_0:
0x88: {  	s2 =	sld [smem:$0x3FD9]  }
0x89: {  	s3 =	sld [smem:$0x3FFE];
	_ =	sdelay $0x1  }
0x8a: {  	s1 =	srdreg.scid  }
0x8b: {  	s0 =	sand.u32 $0x1, s1  }
0x8c: {  	s17 =	sshll.u32 s0, $0xA;
	s2 =	sadd.s32 s3, s2  }
0x8d: {  	s2 =	sadd.s32 s2, s17  }
0x8e: {  	[smem:$0x3FC7] =	sst s2  }
0x8f: {  	_ = 	snop  }
0x90: {  	s2 =	sld [smem:$0x3FC9];
	(tm) =	ssettm $0x1  }
0x91: {  	s18 =	sld [smem:$0x3FFB];
	_ =	sdelay $0x3  }
0x92: {  	_ =	strace s18  }
0x93: {  	s3 =	sld [smem:$0x3FFC];
	_ =	sdelay $0x3  }
0x94: {  	_ =	strace s3  }
0x95: {  	s3 =	sld [smem:$0x3FFD];
	_ =	sdelay $0x3  }
0x96: {  	_ =	strace s3  }
0x97: {  	_ =	strace $0x8FFFFFFF  }
0x98: {  	s19 =	sld [smem:$0x3FDB];
	_ =	sdelay $0x1  }
0x99: {  	s4 =	simm.s32 $_scs_section_size  }
0x9a: {  	s5 =	simm.s32 $_size__tile_overlayer_lowered;
	s6 =	simm.s32 $_tile_overlayer_lowered  }
0x9b: {  	s22 =	simm.s32 $0x1BFF;
	s21 =	sshll.u32 s6, $0x1;
	s3 =	sadd.s32 s4, s19  }
0x9c: {  	s7 =	simm.s32 $0x0;
	s20 =	sshll.u32 s5, $0x1;
	s5 =	sadd.s32 s21, s3  }
0x9d: {  	[timem:s7], [sflag:s22] =	dma.local [hbm:s5], s20  }
0x9e: {  	_ =	swait.ge [sflag:s22], s20  }
0x9f: {  	s4 =	ssub.s32 $0x0, s20;
	[sflag:s22] =	ssyncset.done $0x0  }
0xa0: {  	[sflag:s22] =	ssyncadd.s32 s4;
	_ =	sdelay $0x1  }
0xa1: {  	s23 =	simm.s32 $0x1B8B  }
0xa2: {  	_ =	swait.ge [sflag:s23], $0x1  }
0xa3: {  	[sflag:s23] =	ssyncset.done $0x0  }
0xa4: {  	s25 =	simm.s32 $0x1B8E;
	s24 =	sld [smem:$0x3FFE];
	[sflag:s23] =	ssyncadd.s32 $0xFFFFFFFF  }
0xa5: {  	s26 =	simm.s32 $execute0_lowered;
	[smem:$0x3FD2] =	sst s25  }
0xa6: {  	s5 =	sshll.u32 s26, $0x1;
	_ =	strace $0x80000046;
	[dreg:$0x1] =	wrdreg $0xFFFFFFFF  }
0xa7: {  	s28 =	simm.s32 $_size_execute0_lowered;
	s3 =	sadd.s32 s3, s5;
	[dreg:$0x0] =	wrdreg $0x0  }
0xa8: {  	s5 =	sshll.u32 s28, $0x1;
	[dreg:$0x2] =	wrdreg s3  }
0xa9: {  	[dreg:$0x3] =	wrdreg s5  }
0xaa: {  	[dreg:$0x4] =	wrdreg $0xC0  }
0xab: {  	_ =	task [dreg:s7], $0x5FFFF  }
0xac: {  	[dreg:$0x1] =	wrdreg $0xFFFFFFFF  }
0xad: {  	[dreg:$0x0] =	wrdreg $0x60  }
0xae: {  	[dreg:$0x2] =	wrdreg s2  }
0xaf: {  	[dreg:$0x3] =	wrdreg s24  }
0xb0: {  	[dreg:$0x4] =	wrdreg $0x9  }
0xb1: {  	_ =	task.clear_ibuf [dreg:s7], $0x5FFFF;
	_ =	strace $0x90000046  }
0xb2: {  	s29 =	simm.s32 $0x9;
	_ =	strace $0x80000048  }
0xb3: {  	_ =	swait.ge [sflag:s29], $0x1  }
0xb4: {  	[sflag:s29] =	ssyncadd.s32 $0xFFFFFFFF  }
0xb5: {  	_ =	strace $0x90000048  }
0xb6: {  	_ =	sfence  }
0xb7: {  	s30 =	sld [smem:$0x0];
	_ =	sdelay $0x2  }
0xb8: {  	s31 =	sshll.u32 s1, $0xD;
	s1 =	sshrl.u32 s1, $0x2  }
0xb9: {  	s3 =	sand.u32 $0x4000, s31;
	s1 =	sadd.s32 s1, s30  }
0xba: {  	s0 =	sor.u32 s3, s0;
	s1 =	sshll.u32 s1, $0x11  }
0xbb: {  	s0 =	sor.u32 s1, s0  }
0xbc: {  	s0 =	sadd.s32 $0x8F2B, s0  }
0xbd: {  	[sflag:s0] =	ssyncadd.remote.s32 $0x1  }
0xbe: {  	_ =	sfence.sel $0xFFFF  }
0xbf: {  	[dreg:$0x0] =	wrdreg $0xFFFFFFFF;
	(pc) =	sbr.abs _section_cstart, $3  }
0xc0: {  	[dreg:$0x1] =	wrdreg $0xFFFFFFFF  }
0xc1: {  	_ =	task.clear_ibuf [dreg:s7], $0x2FFFF;
	_ =	strace $0x9FFFFFFF  }
0xc2: {  	(tm) =	ssettm $0x7FFFFFFF  }
0xc3: {  	_ =	shalt  }
tec
execute0_lowered:
.L_overlay_start_1:
0x0: {  	(tag) =	ssettag $0x1  }
0x1: {  	s3 =	srdreg.scid;
	s4 =	stileid.u32  }
0x2: {  	s0 =	rddreg [dreg:$0x0];
	s3 =	sand.u32 $0x1, s3;
	s4 =	sshll.u32 s4, $0x1  }
0x3: {  	s1 =	rddreg [dreg:$0x1];
	s4 =	sor.u32 s3, s4  }
0x4: {  	s2 =	simm.s32 $0x0;
	s5 =	sshll.u32 s4, $0x1;
	s4 =	sshll.u32 s4, $0x13  }
0x5: {  	[smem:$0x7FF] =	sst s2;
	s3 =	ssub.s32 $0x2, s3;
	s4 =	sadd.s32 s4, s0  }
0x6: {  	_ =	strace $0x80000047;
	s26 =	sshrl.u32 s3, $0x1;
	s0 =	sadd.s32 $0x4, s4  }
0x7: {  	s6 =	ssub.s32 s3, s26;
	s3 =	sadd.s32 $0x4004, s4;
	[dreg:$0x3] =	wrdreg s0  }
0x8: {  	s7 =	sadd.s32 $0x8004, s4;
	[dreg:$0x4] =	wrdreg s3  }
0x9: {  	s8 =	sadd.s32 $0xC004, s4;
	[dreg:$0x5] =	wrdreg s7  }
0xa: {  	s9 =	sadd.s32 $0x10004, s4;
	[dreg:$0x6] =	wrdreg s8  }
0xb: {  	s10 =	sadd.s32 $0x14004, s4;
	[dreg:$0x7] =	wrdreg s9  }
0xc: {  	s11 =	sadd.s32 $0x18004, s4;
	[dreg:$0x8] =	wrdreg s10  }
0xd: {  	s12 =	sadd.s32 $0x1C004, s4;
	[dreg:$0x9] =	wrdreg s11  }
0xe: {  	s13 =	sadd.s32 $0x20004, s4;
	[dreg:$0xa] =	wrdreg s12  }
0xf: {  	s14 =	sadd.s32 $0x24004, s4;
	[dreg:$0xb] =	wrdreg s13  }
0x10: {  	s15 =	sadd.s32 $0x28004, s4;
	[dreg:$0xc] =	wrdreg s14  }
0x11: {  	s16 =	sadd.s32 $0x2C004, s4;
	[dreg:$0xd] =	wrdreg s15  }
0x12: {  	s17 =	sadd.s32 $0x30004, s4;
	[dreg:$0xe] =	wrdreg s16  }
0x13: {  	s18 =	sadd.s32 $0x34004, s4;
	[dreg:$0xf] =	wrdreg s17  }
0x14: {  	s5 =	sadd.s32 s5, s1;
	s19 =	sadd.s32 $0x38004, s4;
	[dreg:$0x10] =	wrdreg s18  }
0x15: {  	s20 =	sadd.s32 $0x3C004, s4;
	s21 =	sadd.s32 $0x40004, s4;
	[dreg:$0x11] =	wrdreg s19  }
0x16: {  	s22 =	sadd.s32 $0x44004, s4;
	s23 =	sadd.s32 $0x48004, s4;
	[dreg:$0x12] =	wrdreg s20  }
0x17: {  	s24 =	sadd.s32 $0x4C004, s4;
	s25 =	sadd.s32 $0x50004, s4;
	[dreg:$0x13] =	wrdreg s21  }
0x18: {  	s26 =	sadd.s32 $0x54004, s4;
	s28 =	sadd.s32 $0x60004, s4;
	[dreg:$0x14] =	wrdreg s22  }
0x19: {  	s29 =	sadd.s32 $0x64004, s4;
	s30 =	sadd.s32 $0x68004, s4;
	[dreg:$0x15] =	wrdreg s23  }
0x1a: {  	s31 =	sadd.s32 $0x6C004, s4;
	s1 =	sadd.s32 $0x74004, s4;
	[dreg:$0x16] =	wrdreg s24  }
0x1b: {  	s5 =	sadd.s32 $0x400, s5;
	s6 =	smax.u32 s6, $0x1;
	[dreg:$0x17] =	wrdreg s25  }
0x1c: {  	[dreg:$0x18] =	wrdreg s26;
	s25 =	sadd.s32 $0x58004, s4;
	s26 =	sadd.s32 $0x5C004, s4  }
0x1d: {  	s0 =	sadd.s32 $0x70004, s4;
	s3 =	sadd.s32 $0x78004, s4;
	s4 =	sadd.s32 $0x7C004, s4  }
0x1e: {  	s7 =	simm.s32 $0x10;
	s8 =	simm.s32 $0x80;
	s9 =	simm.s32 $0x4000  }
0x1f: {  	v0 =	vlaneseq.u32;
	v1 =	vimm.s32 $0x1;
	s10 =	simm.s32 $0x8000;
	s11 =	simm.s32 $0xC000;
	s12 =	simm.s32 $0x10000  }
0x20: {  	v2 =	vimm.s32 $0x20;
	v3 =	vimm.f32 $-2.300000000e+01;
	vm0 =	vcmask $0x300;
	s13 =	simm.s32 $0x14000;
	s14 =	simm.s32 $0x1;
	s15 =	simm.s32 $0x2  }
0x21: {  	vm1 =	vcmask $0x704;
	vm2 =	vcmask $0xB08;
	vm3 =	vcmask $0xF0C;
	s16 =	simm.s32 $0x3;
	s17 =	simm.s32 $0x4;
	s18 =	simm.s32 $0x5  }
0x22: {  	vm4 =	vcmask $0x1310;
	vm5 =	vcmask $0x1714;
	v0 =	vmul.u32 $0x10, v0;
	s19 =	simm.s32 $0x6;
	s20 =	simm.s32 $0x7;
	s21 =	simm.s32 $0x0  }
.LBB2_1:
0x23: {  	s22 =	rddreg [dreg:$0x3]  }
0x24: {  	[tilespmem:s2], [sflag:$0x1] =	stream.strided.gather [hbm4b:s22+s7], $0x4000, s8, s7, $0x38;
	[tilespmem:$0x18010] =	vst v63  }
0x25: {  	s24 =	rddreg [dreg:$0x4]  }
0x26: {  	[tilespmem:s9], [sflag:$0x2] =	stream.strided.gather [hbm4b:s24+s7], $0x4000, s8, s7, $0x38;
	[tilespmem:$0x18010] =	vst v63  }
0x27: {  	s23 =	rddreg [dreg:$0x5]  }
0x28: {  	[tilespmem:s10], [sflag:$0x3] =	stream.strided.gather [hbm4b:s23+s7], $0x4000, s8, s7, $0x38;
	[tilespmem:$0x18010] =	vst v63  }
0x29: {  	s24 =	rddreg [dreg:$0x6]  }
0x2a: {  	v4 =	vmov s2;
	[tilespmem:s11], [sflag:$0x4] =	stream.strided.gather [hbm4b:s24+s7], $0x4000, s8, s7, $0x38;
	[tilespmem:$0x18010] =	vst v63  }
0x2b: {  	v4 =	vshll.u32 v4, $0x4;
	s23 =	rddreg [dreg:$0x7]  }
0x2c: {  	v4 =	vor.u32 v0, v4;
	[tilespmem:s12], [sflag:$0x5] =	stream.strided.gather [hbm4b:s23+s7], $0x4000, s8, s7, $0x38;
	[tilespmem:$0x18010] =	vst v63  }
0x2d: {  	v5 =	vor.u32 $0x1, v4;
	s24 =	rddreg [dreg:$0x8]  }
0x2e: {  	[tilespmem:s13], [sflag:$0x6] =	stream.strided.gather [hbm4b:s24+s7], $0x4000, s8, s7, $0x38;
	[tilespmem:$0x18010] =	vst v63  }
0x2f: {  	v6 =	vor.u32 $0x3, v4;
	_ =	swait.ge [sflag:s14], $0x4000  }
0x30: {  	v7 =	vor.u32 $0x2, v4;
	[sflag:s14] =	ssyncset.done $0x0  }
0x31: {  	[sflag:s14] =	ssyncadd.s32 $0xFFFFC000  }
0x32: {  	v5 =	vld.idx.msk [tilespmem:v5+s2+$0x0], $0xffff  }
0x33: {  	s23 =	simm.s32 $0x10;
	v8 =	vld.idx.msk [tilespmem:v4+s2+$0x0], $0xffff  }
0x34: {  	v4 =	vmov s23;
	v9 =	vld.idx.msk [tilespmem:v6+s2+$0x0], $0xffff  }
0x35: {  	v10 =	vld.idx.msk [tilespmem:v7+s2+$0x0], $0xffff;
	v4 =	vshll.u32 v4, $0x4  }
0x36: {  	v6 =	vor.u32 v0, v4  }
0x37: {  	v11 =	vor.u32 $0x1, v6;
	_ =	sdelay $0x1  }
0x38: {  	v15 =	vor.u32 $0x2, v6;
	v16 =	vor.u32 $0x3, v6;
	vm6 =	vlt.f32 v5, $8.000000000e+01  }
0x39: {  	s24 =	simm.s32 $0x20;
	v17 =	vsub.f32 v9, v10;
	v7 =	vsel vm6, $0x41B80000, v3;
	vm6 =	vlt.f32 v9, v10  }
0x3a: {  	v9 =	vmov s24;
	v12 =	vadd.f32 v7, v5;
	v5 =	vsub.f32 v5, v8;
	v7 =	vld.idx.msk [tilespmem:v6+s2+$0x0], $0xffff  }
0x3b: {  	v4 =	vimm.s32 $0x0;
	v9 =	vshll.u32 v9, $0x4;
	v6 =	vld.idx.msk [tilespmem:v11+s2+$0x0], $0xffff  }
0x3c: {  	v10 =	vsel vm6, $0x4, v2;
	v8 =	vsub.f32 v8, v12;
	v11 =	vand.u32 $0x7FFFFFFF, v5  }
0x3d: {  	v17 =	vand.u32 $0x7FFFFFFF, v17;
	v14 =	vor.u32 v0, v9;
	vm6 =	vle.f32 v11, $2.500000000e+01;
	v11 =	vld.idx.msk [tilespmem:v15+s2+$0x0], $0xffff  }
0x3e: {  	v13 =	vor.u32 $0x1, v14;
	vm9 =	vgt.f32 v8, $2.000000000e+00;
	vm7 =	vlt.f32 v8, $-2.000000000e+00;
	v8 =	vld.idx.msk [tilespmem:v16+s2+$0x0], $0xffff  }
0x3f: {  	v5 =	vor.u32 $0x2, v14;
	v9 =	vor.u32 $0x3, v14;
	v18 =	vsel vm7, $0x8, v1  }
0x40: {  	vm7 =	vgt.f32 v17, $4.000000000e+00;
	v12 =	vsub.f32 v6, v7;
	vm8 =	vlt.f32 v6, $8.000000000e+01  }
0x41: {  	s22 =	simm.s32 $0x30;
	v15 =	vsel vm9, $0x10, v18;
	v16 =	vsel vm8, $0x41B80000, v3;
	vm8 =	vle.f32 v17, $8.000000000e+00  }
.LBB2_2:
0x42: {  	p0 =	sne.s32 s22, $0x3F0;
	v17 =	vld.idx.msk [tilespmem:v14+s2+$0x0], $0xffff;
	v14 =	vadd.f32 v16, v6;
	vm6 =	vmand vm6, vm8;
	v10 =	vsel vm7, v10, v15;
	s23 =	smov.u32 s22;
	s22 =	sadd.s32 $0x10, s22  }
0x43: {  	v15 =	vsub.f32 v8, v11;
	vm7 =	vlt.f32 v8, v11;
	v6 =	vld.idx.msk [tilespmem:v13+s2+$0x0], $0xffff;
	v10 =	vsel vm6, $0x2, v10  }
0x44: {  	v11 =	vmov s23;
	v8 =	vld.idx.msk [tilespmem:v9+s2+$0x0], $0xffff;
	v7 =	vsub.f32 v7, v14;
	v4 =	vor.u32 v4, v10  }
0x45: {  	v12 =	vand.u32 $0x7FFFFFFF, v12;
	v9 =	vshll.u32 v11, $0x4;
	v10 =	vsel vm7, $0x4, v2;
	v11 =	vld.idx.msk [tilespmem:v5+s2+$0x0], $0xffff  }
.Ltmp0:
0x46: {  	v14 =	vor.u32 v0, v9;
	vm9 =	vgt.f32 v7, $2.000000000e+00;
	vm7 =	vlt.f32 v7, $-2.000000000e+00;
	(pc) =	sbr.rel @p0 .LBB2_2-.Ltmp0, $4  }
0x47: {  	vm6 =	vle.f32 v12, $2.500000000e+01;
	v13 =	vor.u32 $0x1, v14;
	v5 =	vor.u32 $0x2, v14  }
0x48: {  	v15 =	vand.u32 $0x7FFFFFFF, v15;
	v9 =	vor.u32 $0x3, v14;
	v18 =	vsel vm7, $0x8, v1;
	v7 =	vmovc v17  }
0x49: {  	vm7 =	vgt.f32 v15, $4.000000000e+00;
	vm8 =	vlt.f32 v6, $8.000000000e+01;
	v12 =	vsub.f32 v6, v7  }
0x4a: {  	v16 =	vsel vm8, $0x41B80000, v3;
	vm8 =	vle.f32 v15, $8.000000000e+00;
	v15 =	vsel vm9, $0x10, v18  }
0x4b: {  	_ =	sdelay $0x1  }
0x4c: {  	v6 =	vadd.f32 v16, v6  }
0x4d: {  	vm6 =	vmand vm6, vm8;
	v10 =	vsel vm7, v10, v15;
	v15 =	vsub.f32 v8, v11  }
0x4e: {  	v13 =	vld.idx.msk [tilespmem:v13+s2+$0x0], $0xffff;
	v10 =	vsel vm6, $0x2, v10;
	vm6 =	vlt.f32 v8, v11;
	v6 =	vsub.f32 v7, v6  }
0x4f: {  	v14 =	vld.idx.msk [tilespmem:v14+s2+$0x0], $0xffff;
	s22 =	simm.s32 $0x0;
	v4 =	vor.u32 v4, v10;
	v7 =	vand.u32 $0x7FFFFFFF, v12;
	v8 =	vsel vm6, $0x4, v2  }
0x50: {  	v10 =	vmov s22;
	vm8 =	vle.f32 v7, $2.500000000e+01;
	v7 =	vand.u32 $0x7FFFFFFF, v15  }
0x51: {  	v9 =	vld.idx.msk [tilespmem:v9+s2+$0x0], $0xffff;
	vm6 =	vgt.f32 v6, $2.000000000e+00;
	vm7 =	vlt.f32 v6, $-2.000000000e+00;
	v6 =	vshll.u32 v10, $0x4  }
0x52: {  	v5 =	vld.idx.msk [tilespmem:v5+s2+$0x0], $0xffff;
	vm9 =	vgt.f32 v7, $4.000000000e+00;
	v6 =	vor.u32 v0, v6  }
0x53: {  	s23 =	rddreg [dreg:$0x9];
	v10 =	vsel vm7, $0x8, v1;
	vm7 =	vlt.f32 v13, $8.000000000e+01;
	v12 =	vor.u32 $0x1, v6  }
0x54: {  	[tilespmem:s22], [sflag:$0x1] =	stream.strided.gather [hbm4b:s23+s7], $0x4000, s8, s7, $0x38;
	v11 =	vsub.f32 v13, v14;
	v15 =	vsel vm7, $0x41B80000, v3;
	vm7 =	vle.f32 v7, $8.000000000e+00;
	[tilespmem:$0x18010] =	vst v63  }
0x55: {  	_ =	swait.ge [sflag:s15], $0x4000;
	v7 =	vsel vm6, $0x10, v10;
	v10 =	vadd.f32 v15, v13;
	v13 =	vor.u32 $0x3, v6  }
0x56: {  	[sflag:s15] =	ssyncset.done $0x0;
	vm6 =	vmand vm8, vm7;
	v7 =	vsel vm9, v8, v7;
	v8 =	vor.u32 $0x2, v6  }
0x57: {  	[sflag:s15] =	ssyncadd.s32 $0xFFFFC000;
	v15 =	vsub.f32 v9, v5;
	vm7 =	vlt.f32 v9, v5;
	v5 =	vsub.f32 v14, v10  }
0x58: {  	v9 =	vand.u32 $0x7FFFFFFF, v11;
	v7 =	vsel vm6, $0x2, v7;
	v11 =	vld.idx.msk [tilespmem:v12+s9+$0x0], $0xffff  }
0x59: {  	s23 =	simm.s32 $0x10;
	v10 =	vsel vm7, $0x4, v2;
	vm6 =	vgt.f32 v5, $2.000000000e+00;
	vm7 =	vlt.f32 v5, $-2.000000000e+00;
	v5 =	vld.idx.msk [tilespmem:v6+s9+$0x0], $0xffff  }
0x5a: {  	vm8 =	vle.f32 v9, $2.500000000e+01;
	v9 =	vand.u32 $0x7FFFFFFF, v15;
	v6 =	vmov s23;
	v12 =	vld.idx.msk [tilespmem:v13+s9+$0x0], $0xffff  }
0x5b: {  	vm9 =	vle.f32 v9, $8.000000000e+00;
	v6 =	vshll.u32 v6, $0x4;
	v13 =	vsel vm7, $0x8, v1;
	v8 =	vld.idx.msk [tilespmem:v8+s9+$0x0], $0xffff  }
0x5c: {  	vm7 =	vgt.f32 v9, $4.000000000e+00;
	v6 =	vor.u32 v0, v6;
	v9 =	vsel vm6, $0x10, v13  }
0x5d: {  	vm6 =	vmand vm8, vm9;
	v13 =	vor.u32 $0x1, v6;
	v9 =	vsel vm7, v10, v9  }
0x5e: {  	v4 =	vor.u32 v4, v7;
	v15 =	vor.u32 $0x2, v6;
	v7 =	vsel vm6, $0x2, v9  }
0x5f: {  	v16 =	vor.u32 $0x3, v6;
	vm7 =	vlt.f32 v11, $8.000000000e+01;
	v4 =	vor.u32 v4, v7  }
0x60: {  	s24 =	simm.s32 $0x20;
	v10 =	vsub.f32 v11, v5;
	v9 =	vsel vm7, $0x41B80000, v3;
	vm6 =	vlt.f32 v12, v8  }
0x61: {  	v9 =	vadd.f32 v9, v11;
	v7 =	vld.idx.msk [tilespmem:v6+s9+$0x0], $0xffff;
	v11 =	vsub.f32 v12, v8;
	v8 =	vmov s24  }
0x62: {  	v6 =	vld.idx.msk [tilespmem:v13+s9+$0x0], $0xffff;
	v8 =	vshll.u32 v8, $0x4  }
0x63: {  	v5 =	vsub.f32 v5, v9;
	v9 =	vand.u32 $0x7FFFFFFF, v10;
	v14 =	vor.u32 v0, v8  }
0x64: {  	v10 =	vsel vm6, $0x4, v2;
	v17 =	vand.u32 $0x7FFFFFFF, v11;
	v8 =	vld.idx.msk [tilespmem:v16+s9+$0x0], $0xffff;
	v13 =	vor.u32 $0x1, v14  }
0x65: {  	v11 =	vld.idx.msk [tilespmem:v15+s9+$0x0], $0xffff;
	vm6 =	vle.f32 v9, $2.500000000e+01;
	v9 =	vor.u32 $0x3, v14;
	vm7 =	vlt.f32 v5, $-2.000000000e+00  }
0x66: {  	vm9 =	vgt.f32 v5, $2.000000000e+00;
	v5 =	vor.u32 $0x2, v14;
	v18 =	vsel vm7, $0x8, v1  }
0x67: {  	vm7 =	vgt.f32 v17, $4.000000000e+00;
	v12 =	vsub.f32 v6, v7;
	vm8 =	vlt.f32 v6, $8.000000000e+01  }
0x68: {  	s22 =	simm.s32 $0x30;
	v15 =	vsel vm9, $0x10, v18;
	v16 =	vsel vm8, $0x41B80000, v3;
	vm8 =	vle.f32 v17, $8.000000000e+00  }
.LBB2_4:
0x69: {  	p0 =	sne.s32 s22, $0x3F0;
	v17 =	vld.idx.msk [tilespmem:v14+s9+$0x0], $0xffff;
	v14 =	vadd.f32 v16, v6;
	vm6 =	vmand vm6, vm8;
	v10 =	vsel vm7, v10, v15;
	s23 =	smov.u32 s22;
	s22 =	sadd.s32 $0x10, s22  }
0x6a: {  	v15 =	vsub.f32 v8, v11;
	vm7 =	vlt.f32 v8, v11;
	v6 =	vld.idx.msk [tilespmem:v13+s9+$0x0], $0xffff;
	v10 =	vsel vm6, $0x2, v10  }
0x6b: {  	v11 =	vmov s23;
	v8 =	vld.idx.msk [tilespmem:v9+s9+$0x0], $0xffff;
	v7 =	vsub.f32 v7, v14;
	v4 =	vor.u32 v4, v10  }
0x6c: {  	v12 =	vand.u32 $0x7FFFFFFF, v12;
	v9 =	vshll.u32 v11, $0x4;
	v10 =	vsel vm7, $0x4, v2;
	v11 =	vld.idx.msk [tilespmem:v5+s9+$0x0], $0xffff  }
.Ltmp1:
0x6d: {  	v14 =	vor.u32 v0, v9;
	vm9 =	vgt.f32 v7, $2.000000000e+00;
	vm7 =	vlt.f32 v7, $-2.000000000e+00;
	(pc) =	sbr.rel @p0 .LBB2_4-.Ltmp1, $4  }
0x6e: {  	vm6 =	vle.f32 v12, $2.500000000e+01;
	v13 =	vor.u32 $0x1, v14;
	v5 =	vor.u32 $0x2, v14  }
0x6f: {  	v15 =	vand.u32 $0x7FFFFFFF, v15;
	v9 =	vor.u32 $0x3, v14;
	v18 =	vsel vm7, $0x8, v1;
	v7 =	vmovc v17  }
0x70: {  	vm7 =	vgt.f32 v15, $4.000000000e+00;
	vm8 =	vlt.f32 v6, $8.000000000e+01;
	v12 =	vsub.f32 v6, v7  }
0x71: {  	v16 =	vsel vm8, $0x41B80000, v3;
	vm8 =	vle.f32 v15, $8.000000000e+00;
	v15 =	vsel vm9, $0x10, v18  }
0x72: {  	_ =	sdelay $0x1  }
0x73: {  	v6 =	vadd.f32 v16, v6  }
0x74: {  	vm6 =	vmand vm6, vm8;
	v10 =	vsel vm7, v10, v15;
	v15 =	vsub.f32 v8, v11  }
0x75: {  	v13 =	vld.idx.msk [tilespmem:v13+s9+$0x0], $0xffff;
	v10 =	vsel vm6, $0x2, v10;
	vm6 =	vlt.f32 v8, v11;
	v6 =	vsub.f32 v7, v6  }
0x76: {  	v14 =	vld.idx.msk [tilespmem:v14+s9+$0x0], $0xffff;
	s22 =	simm.s32 $0x0;
	v4 =	vor.u32 v4, v10;
	v7 =	vand.u32 $0x7FFFFFFF, v12;
	v8 =	vsel vm6, $0x4, v2  }
0x77: {  	v10 =	vmov s22;
	vm8 =	vle.f32 v7, $2.500000000e+01;
	v7 =	vand.u32 $0x7FFFFFFF, v15  }
0x78: {  	v9 =	vld.idx.msk [tilespmem:v9+s9+$0x0], $0xffff;
	vm6 =	vgt.f32 v6, $2.000000000e+00;
	vm7 =	vlt.f32 v6, $-2.000000000e+00;
	v6 =	vshll.u32 v10, $0x4  }
0x79: {  	v5 =	vld.idx.msk [tilespmem:v5+s9+$0x0], $0xffff;
	vm9 =	vgt.f32 v7, $4.000000000e+00;
	v6 =	vor.u32 v0, v6  }
0x7a: {  	s24 =	rddreg [dreg:$0xa];
	v10 =	vsel vm7, $0x8, v1;
	vm7 =	vlt.f32 v13, $8.000000000e+01;
	v12 =	vor.u32 $0x1, v6  }
0x7b: {  	[tilespmem:s9], [sflag:$0x2] =	stream.strided.gather [hbm4b:s24+s7], $0x4000, s8, s7, $0x38;
	v11 =	vsub.f32 v13, v14;
	v15 =	vsel vm7, $0x41B80000, v3;
	vm7 =	vle.f32 v7, $8.000000000e+00;
	[tilespmem:$0x18010] =	vst v63  }
0x7c: {  	_ =	swait.ge [sflag:s16], $0x4000;
	v7 =	vsel vm6, $0x10, v10;
	v10 =	vadd.f32 v15, v13;
	v13 =	vor.u32 $0x3, v6  }
0x7d: {  	[sflag:s16] =	ssyncset.done $0x0;
	vm6 =	vmand vm8, vm7;
	v7 =	vsel vm9, v8, v7;
	v8 =	vor.u32 $0x2, v6  }
0x7e: {  	[sflag:s16] =	ssyncadd.s32 $0xFFFFC000;
	v15 =	vsub.f32 v9, v5;
	vm7 =	vlt.f32 v9, v5;
	v5 =	vsub.f32 v14, v10  }
0x7f: {  	v9 =	vand.u32 $0x7FFFFFFF, v11;
	v7 =	vsel vm6, $0x2, v7;
	v11 =	vld.idx.msk [tilespmem:v12+s10+$0x0], $0xffff  }
0x80: {  	s23 =	simm.s32 $0x10;
	v10 =	vsel vm7, $0x4, v2;
	vm6 =	vgt.f32 v5, $2.000000000e+00;
	vm7 =	vlt.f32 v5, $-2.000000000e+00;
	v5 =	vld.idx.msk [tilespmem:v6+s10+$0x0], $0xffff  }
0x81: {  	vm8 =	vle.f32 v9, $2.500000000e+01;
	v9 =	vand.u32 $0x7FFFFFFF, v15;
	v6 =	vmov s23;
	v12 =	vld.idx.msk [tilespmem:v13+s10+$0x0], $0xffff  }
0x82: {  	vm9 =	vle.f32 v9, $8.000000000e+00;
	v6 =	vshll.u32 v6, $0x4;
	v13 =	vsel vm7, $0x8, v1;
	v8 =	vld.idx.msk [tilespmem:v8+s10+$0x0], $0xffff  }
0x83: {  	vm7 =	vgt.f32 v9, $4.000000000e+00;
	v6 =	vor.u32 v0, v6;
	v9 =	vsel vm6, $0x10, v13  }
0x84: {  	vm6 =	vmand vm8, vm9;
	v13 =	vor.u32 $0x1, v6;
	v9 =	vsel vm7, v10, v9  }
0x85: {  	v4 =	vor.u32 v4, v7;
	v15 =	vor.u32 $0x2, v6;
	v7 =	vsel vm6, $0x2, v9  }
0x86: {  	v16 =	vor.u32 $0x3, v6;
	vm7 =	vlt.f32 v11, $8.000000000e+01;
	v4 =	vor.u32 v4, v7  }
0x87: {  	s24 =	simm.s32 $0x20;
	v10 =	vsub.f32 v11, v5;
	v9 =	vsel vm7, $0x41B80000, v3;
	vm6 =	vlt.f32 v12, v8  }
0x88: {  	v9 =	vadd.f32 v9, v11;
	v7 =	vld.idx.msk [tilespmem:v6+s10+$0x0], $0xffff;
	v11 =	vsub.f32 v12, v8;
	v8 =	vmov s24  }
0x89: {  	v6 =	vld.idx.msk [tilespmem:v13+s10+$0x0], $0xffff;
	v8 =	vshll.u32 v8, $0x4  }
0x8a: {  	v5 =	vsub.f32 v5, v9;
	v9 =	vand.u32 $0x7FFFFFFF, v10;
	v14 =	vor.u32 v0, v8  }
0x8b: {  	v10 =	vsel vm6, $0x4, v2;
	v17 =	vand.u32 $0x7FFFFFFF, v11;
	v8 =	vld.idx.msk [tilespmem:v16+s10+$0x0], $0xffff;
	v13 =	vor.u32 $0x1, v14  }
0x8c: {  	v11 =	vld.idx.msk [tilespmem:v15+s10+$0x0], $0xffff;
	vm6 =	vle.f32 v9, $2.500000000e+01;
	v9 =	vor.u32 $0x3, v14;
	vm7 =	vlt.f32 v5, $-2.000000000e+00  }
0x8d: {  	vm9 =	vgt.f32 v5, $2.000000000e+00;
	v5 =	vor.u32 $0x2, v14;
	v18 =	vsel vm7, $0x8, v1  }
0x8e: {  	vm7 =	vgt.f32 v17, $4.000000000e+00;
	v12 =	vsub.f32 v6, v7;
	vm8 =	vlt.f32 v6, $8.000000000e+01  }
0x8f: {  	s22 =	simm.s32 $0x30;
	v15 =	vsel vm9, $0x10, v18;
	v16 =	vsel vm8, $0x41B80000, v3;
	vm8 =	vle.f32 v17, $8.000000000e+00  }
.LBB2_6:
0x90: {  	p0 =	sne.s32 s22, $0x3F0;
	v17 =	vld.idx.msk [tilespmem:v14+s10+$0x0], $0xffff;
	v14 =	vadd.f32 v16, v6;
	vm6 =	vmand vm6, vm8;
	v10 =	vsel vm7, v10, v15;
	s23 =	smov.u32 s22;
	s22 =	sadd.s32 $0x10, s22  }
0x91: {  	v15 =	vsub.f32 v8, v11;
	vm7 =	vlt.f32 v8, v11;
	v6 =	vld.idx.msk [tilespmem:v13+s10+$0x0], $0xffff;
	v10 =	vsel vm6, $0x2, v10  }
0x92: {  	v11 =	vmov s23;
	v8 =	vld.idx.msk [tilespmem:v9+s10+$0x0], $0xffff;
	v7 =	vsub.f32 v7, v14;
	v4 =	vor.u32 v4, v10  }
0x93: {  	v12 =	vand.u32 $0x7FFFFFFF, v12;
	v9 =	vshll.u32 v11, $0x4;
	v10 =	vsel vm7, $0x4, v2;
	v11 =	vld.idx.msk [tilespmem:v5+s10+$0x0], $0xffff  }
.Ltmp2:
0x94: {  	v14 =	vor.u32 v0, v9;
	vm9 =	vgt.f32 v7, $2.000000000e+00;
	vm7 =	vlt.f32 v7, $-2.000000000e+00;
	(pc) =	sbr.rel @p0 .LBB2_6-.Ltmp2, $4  }
0x95: {  	vm6 =	vle.f32 v12, $2.500000000e+01;
	v13 =	vor.u32 $0x1, v14;
	v5 =	vor.u32 $0x2, v14  }
0x96: {  	v15 =	vand.u32 $0x7FFFFFFF, v15;
	v9 =	vor.u32 $0x3, v14;
	v18 =	vsel vm7, $0x8, v1;
	v7 =	vmovc v17  }
0x97: {  	vm7 =	vgt.f32 v15, $4.000000000e+00;
	vm8 =	vlt.f32 v6, $8.000000000e+01;
	v12 =	vsub.f32 v6, v7  }
0x98: {  	v16 =	vsel vm8, $0x41B80000, v3;
	vm8 =	vle.f32 v15, $8.000000000e+00;
	v15 =	vsel vm9, $0x10, v18  }
0x99: {  	_ =	sdelay $0x1  }
0x9a: {  	v6 =	vadd.f32 v16, v6  }
0x9b: {  	vm6 =	vmand vm6, vm8;
	v10 =	vsel vm7, v10, v15;
	v15 =	vsub.f32 v8, v11  }
0x9c: {  	v13 =	vld.idx.msk [tilespmem:v13+s10+$0x0], $0xffff;
	v10 =	vsel vm6, $0x2, v10;
	vm6 =	vlt.f32 v8, v11;
	v6 =	vsub.f32 v7, v6  }
0x9d: {  	v14 =	vld.idx.msk [tilespmem:v14+s10+$0x0], $0xffff;
	s22 =	simm.s32 $0x0;
	v4 =	vor.u32 v4, v10;
	v7 =	vand.u32 $0x7FFFFFFF, v12;
	v8 =	vsel vm6, $0x4, v2  }
0x9e: {  	v10 =	vmov s22;
	vm8 =	vle.f32 v7, $2.500000000e+01;
	v7 =	vand.u32 $0x7FFFFFFF, v15  }
0x9f: {  	v9 =	vld.idx.msk [tilespmem:v9+s10+$0x0], $0xffff;
	vm6 =	vgt.f32 v6, $2.000000000e+00;
	vm7 =	vlt.f32 v6, $-2.000000000e+00;
	v6 =	vshll.u32 v10, $0x4  }
0xa0: {  	v5 =	vld.idx.msk [tilespmem:v5+s10+$0x0], $0xffff;
	vm9 =	vgt.f32 v7, $4.000000000e+00;
	v6 =	vor.u32 v0, v6  }
0xa1: {  	s24 =	rddreg [dreg:$0xb];
	v10 =	vsel vm7, $0x8, v1;
	vm7 =	vlt.f32 v13, $8.000000000e+01;
	v12 =	vor.u32 $0x1, v6  }
0xa2: {  	[tilespmem:s10], [sflag:$0x3] =	stream.strided.gather [hbm4b:s24+s7], $0x4000, s8, s7, $0x38;
	v11 =	vsub.f32 v13, v14;
	v15 =	vsel vm7, $0x41B80000, v3;
	vm7 =	vle.f32 v7, $8.000000000e+00;
	[tilespmem:$0x18010] =	vst v63  }
0xa3: {  	_ =	swait.ge [sflag:s17], $0x4000;
	v7 =	vsel vm6, $0x10, v10;
	v10 =	vadd.f32 v15, v13;
	v13 =	vor.u32 $0x3, v6  }
0xa4: {  	[sflag:s17] =	ssyncset.done $0x0;
	vm6 =	vmand vm8, vm7;
	v7 =	vsel vm9, v8, v7;
	v8 =	vor.u32 $0x2, v6  }
0xa5: {  	[sflag:s17] =	ssyncadd.s32 $0xFFFFC000;
	v15 =	vsub.f32 v9, v5;
	vm7 =	vlt.f32 v9, v5;
	v5 =	vsub.f32 v14, v10  }
0xa6: {  	v9 =	vand.u32 $0x7FFFFFFF, v11;
	v7 =	vsel vm6, $0x2, v7;
	v11 =	vld.idx.msk [tilespmem:v12+s11+$0x0], $0xffff  }
0xa7: {  	s23 =	simm.s32 $0x10;
	v10 =	vsel vm7, $0x4, v2;
	vm6 =	vgt.f32 v5, $2.000000000e+00;
	vm7 =	vlt.f32 v5, $-2.000000000e+00;
	v5 =	vld.idx.msk [tilespmem:v6+s11+$0x0], $0xffff  }
0xa8: {  	vm8 =	vle.f32 v9, $2.500000000e+01;
	v9 =	vand.u32 $0x7FFFFFFF, v15;
	v6 =	vmov s23;
	v12 =	vld.idx.msk [tilespmem:v13+s11+$0x0], $0xffff  }
0xa9: {  	vm9 =	vle.f32 v9, $8.000000000e+00;
	v6 =	vshll.u32 v6, $0x4;
	v13 =	vsel vm7, $0x8, v1;
	v8 =	vld.idx.msk [tilespmem:v8+s11+$0x0], $0xffff  }
0xaa: {  	vm7 =	vgt.f32 v9, $4.000000000e+00;
	v6 =	vor.u32 v0, v6;
	v9 =	vsel vm6, $0x10, v13  }
0xab: {  	vm6 =	vmand vm8, vm9;
	v13 =	vor.u32 $0x1, v6;
	v9 =	vsel vm7, v10, v9  }
0xac: {  	v4 =	vor.u32 v4, v7;
	v15 =	vor.u32 $0x2, v6;
	v7 =	vsel vm6, $0x2, v9  }
0xad: {  	v16 =	vor.u32 $0x3, v6;
	vm7 =	vlt.f32 v11, $8.000000000e+01;
	v4 =	vor.u32 v4, v7  }
0xae: {  	s24 =	simm.s32 $0x20;
	v10 =	vsub.f32 v11, v5;
	v9 =	vsel vm7, $0x41B80000, v3;
	vm6 =	vlt.f32 v12, v8  }
0xaf: {  	v9 =	vadd.f32 v9, v11;
	v7 =	vld.idx.msk [tilespmem:v6+s11+$0x0], $0xffff;
	v11 =	vsub.f32 v12, v8;
	v8 =	vmov s24  }
0xb0: {  	v6 =	vld.idx.msk [tilespmem:v13+s11+$0x0], $0xffff;
	v8 =	vshll.u32 v8, $0x4  }
0xb1: {  	v5 =	vsub.f32 v5, v9;
	v9 =	vand.u32 $0x7FFFFFFF, v10;
	v14 =	vor.u32 v0, v8  }
0xb2: {  	v10 =	vsel vm6, $0x4, v2;
	v17 =	vand.u32 $0x7FFFFFFF, v11;
	v8 =	vld.idx.msk [tilespmem:v16+s11+$0x0], $0xffff;
	v13 =	vor.u32 $0x1, v14  }
0xb3: {  	v11 =	vld.idx.msk [tilespmem:v15+s11+$0x0], $0xffff;
	vm6 =	vle.f32 v9, $2.500000000e+01;
	v9 =	vor.u32 $0x3, v14;
	vm7 =	vlt.f32 v5, $-2.000000000e+00  }
0xb4: {  	vm9 =	vgt.f32 v5, $2.000000000e+00;
	v5 =	vor.u32 $0x2, v14;
	v18 =	vsel vm7, $0x8, v1  }
0xb5: {  	vm7 =	vgt.f32 v17, $4.000000000e+00;
	v12 =	vsub.f32 v6, v7;
	vm8 =	vlt.f32 v6, $8.000000000e+01  }
0xb6: {  	s22 =	simm.s32 $0x30;
	v15 =	vsel vm9, $0x10, v18;
	v16 =	vsel vm8, $0x41B80000, v3;
	vm8 =	vle.f32 v17, $8.000000000e+00  }
.LBB2_8:
0xb7: {  	p0 =	sne.s32 s22, $0x3F0;
	v17 =	vld.idx.msk [tilespmem:v14+s11+$0x0], $0xffff;
	v14 =	vadd.f32 v16, v6;
	vm6 =	vmand vm6, vm8;
	v10 =	vsel vm7, v10, v15;
	s23 =	smov.u32 s22;
	s22 =	sadd.s32 $0x10, s22  }
0xb8: {  	v15 =	vsub.f32 v8, v11;
	vm7 =	vlt.f32 v8, v11;
	v6 =	vld.idx.msk [tilespmem:v13+s11+$0x0], $0xffff;
	v10 =	vsel vm6, $0x2, v10  }
0xb9: {  	v11 =	vmov s23;
	v8 =	vld.idx.msk [tilespmem:v9+s11+$0x0], $0xffff;
	v7 =	vsub.f32 v7, v14;
	v4 =	vor.u32 v4, v10  }
0xba: {  	v12 =	vand.u32 $0x7FFFFFFF, v12;
	v9 =	vshll.u32 v11, $0x4;
	v10 =	vsel vm7, $0x4, v2;
	v11 =	vld.idx.msk [tilespmem:v5+s11+$0x0], $0xffff  }
.Ltmp3:
0xbb: {  	v14 =	vor.u32 v0, v9;
	vm9 =	vgt.f32 v7, $2.000000000e+00;
	vm7 =	vlt.f32 v7, $-2.000000000e+00;
	(pc) =	sbr.rel @p0 .LBB2_8-.Ltmp3, $4  }
0xbc: {  	vm6 =	vle.f32 v12, $2.500000000e+01;
	v13 =	vor.u32 $0x1, v14;
	v5 =	vor.u32 $0x2, v14  }
0xbd: {  	v15 =	vand.u32 $0x7FFFFFFF, v15;
	v9 =	vor.u32 $0x3, v14;
	v18 =	vsel vm7, $0x8, v1;
	v7 =	vmovc v17  }
0xbe: {  	vm7 =	vgt.f32 v15, $4.000000000e+00;
	vm8 =	vlt.f32 v6, $8.000000000e+01;
	v12 =	vsub.f32 v6, v7  }
0xbf: {  	v16 =	vsel vm8, $0x41B80000, v3;
	vm8 =	vle.f32 v15, $8.000000000e+00;
	v15 =	vsel vm9, $0x10, v18  }
0xc0: {  	_ =	sdelay $0x1  }
0xc1: {  	v6 =	vadd.f32 v16, v6  }
0xc2: {  	vm6 =	vmand vm6, vm8;
	v10 =	vsel vm7, v10, v15;
	v15 =	vsub.f32 v8, v11  }
0xc3: {  	v13 =	vld.idx.msk [tilespmem:v13+s11+$0x0], $0xffff;
	v10 =	vsel vm6, $0x2, v10;
	vm6 =	vlt.f32 v8, v11;
	v6 =	vsub.f32 v7, v6  }
0xc4: {  	v14 =	vld.idx.msk [tilespmem:v14+s11+$0x0], $0xffff;
	s22 =	simm.s32 $0x0;
	v4 =	vor.u32 v4, v10;
	v7 =	vand.u32 $0x7FFFFFFF, v12;
	v8 =	vsel vm6, $0x4, v2  }
0xc5: {  	v10 =	vmov s22;
	vm8 =	vle.f32 v7, $2.500000000e+01;
	v7 =	vand.u32 $0x7FFFFFFF, v15  }
0xc6: {  	v9 =	vld.idx.msk [tilespmem:v9+s11+$0x0], $0xffff;
	vm6 =	vgt.f32 v6, $2.000000000e+00;
	vm7 =	vlt.f32 v6, $-2.000000000e+00;
	v6 =	vshll.u32 v10, $0x4  }
0xc7: {  	v5 =	vld.idx.msk [tilespmem:v5+s11+$0x0], $0xffff;
	vm9 =	vgt.f32 v7, $4.000000000e+00;
	v6 =	vor.u32 v0, v6  }
0xc8: {  	s24 =	rddreg [dreg:$0xc];
	v10 =	vsel vm7, $0x8, v1;
	vm7 =	vlt.f32 v13, $8.000000000e+01;
	v12 =	vor.u32 $0x1, v6  }
0xc9: {  	[tilespmem:s11], [sflag:$0x4] =	stream.strided.gather [hbm4b:s24+s7], $0x4000, s8, s7, $0x38;
	v11 =	vsub.f32 v13, v14;
	v15 =	vsel vm7, $0x41B80000, v3;
	vm7 =	vle.f32 v7, $8.000000000e+00;
	[tilespmem:$0x18010] =	vst v63  }
0xca: {  	_ =	swait.ge [sflag:s18], $0x4000;
	v7 =	vsel vm6, $0x10, v10;
	v10 =	vadd.f32 v15, v13;
	v13 =	vor.u32 $0x3, v6  }
0xcb: {  	[sflag:s18] =	ssyncset.done $0x0;
	vm6 =	vmand vm8, vm7;
	v7 =	vsel vm9, v8, v7;
	v8 =	vor.u32 $0x2, v6  }
0xcc: {  	[sflag:s18] =	ssyncadd.s32 $0xFFFFC000;
	v15 =	vsub.f32 v9, v5;
	vm7 =	vlt.f32 v9, v5;
	v5 =	vsub.f32 v14, v10  }
0xcd: {  	v9 =	vand.u32 $0x7FFFFFFF, v11;
	v7 =	vsel vm6, $0x2, v7;
	v11 =	vld.idx.msk [tilespmem:v12+s12+$0x0], $0xffff  }
0xce: {  	s23 =	simm.s32 $0x10;
	v10 =	vsel vm7, $0x4, v2;
	vm6 =	vgt.f32 v5, $2.000000000e+00;
	vm7 =	vlt.f32 v5, $-2.000000000e+00;
	v5 =	vld.idx.msk [tilespmem:v6+s12+$0x0], $0xffff  }
0xcf: {  	vm8 =	vle.f32 v9, $2.500000000e+01;
	v9 =	vand.u32 $0x7FFFFFFF, v15;
	v6 =	vmov s23;
	v12 =	vld.idx.msk [tilespmem:v13+s12+$0x0], $0xffff  }
0xd0: {  	vm9 =	vle.f32 v9, $8.000000000e+00;
	v6 =	vshll.u32 v6, $0x4;
	v13 =	vsel vm7, $0x8, v1;
	v8 =	vld.idx.msk [tilespmem:v8+s12+$0x0], $0xffff  }
0xd1: {  	vm7 =	vgt.f32 v9, $4.000000000e+00;
	v6 =	vor.u32 v0, v6;
	v9 =	vsel vm6, $0x10, v13  }
0xd2: {  	vm6 =	vmand vm8, vm9;
	v13 =	vor.u32 $0x1, v6;
	v9 =	vsel vm7, v10, v9  }
0xd3: {  	v4 =	vor.u32 v4, v7;
	v15 =	vor.u32 $0x2, v6;
	v7 =	vsel vm6, $0x2, v9  }
0xd4: {  	v16 =	vor.u32 $0x3, v6;
	vm7 =	vlt.f32 v11, $8.000000000e+01;
	v4 =	vor.u32 v4, v7  }
0xd5: {  	s24 =	simm.s32 $0x20;
	v10 =	vsub.f32 v11, v5;
	v9 =	vsel vm7, $0x41B80000, v3;
	vm6 =	vlt.f32 v12, v8  }
0xd6: {  	v9 =	vadd.f32 v9, v11;
	v7 =	vld.idx.msk [tilespmem:v6+s12+$0x0], $0xffff;
	v11 =	vsub.f32 v12, v8;
	v8 =	vmov s24  }
0xd7: {  	v6 =	vld.idx.msk [tilespmem:v13+s12+$0x0], $0xffff;
	v8 =	vshll.u32 v8, $0x4  }
0xd8: {  	v5 =	vsub.f32 v5, v9;
	v9 =	vand.u32 $0x7FFFFFFF, v10;
	v14 =	vor.u32 v0, v8  }
0xd9: {  	v10 =	vsel vm6, $0x4, v2;
	v17 =	vand.u32 $0x7FFFFFFF, v11;
	v8 =	vld.idx.msk [tilespmem:v16+s12+$0x0], $0xffff;
	v13 =	vor.u32 $0x1, v14  }
0xda: {  	v11 =	vld.idx.msk [tilespmem:v15+s12+$0x0], $0xffff;
	vm6 =	vle.f32 v9, $2.500000000e+01;
	v9 =	vor.u32 $0x3, v14;
	vm7 =	vlt.f32 v5, $-2.000000000e+00  }
0xdb: {  	vm9 =	vgt.f32 v5, $2.000000000e+00;
	v5 =	vor.u32 $0x2, v14;
	v18 =	vsel vm7, $0x8, v1  }
0xdc: {  	vm7 =	vgt.f32 v17, $4.000000000e+00;
	v12 =	vsub.f32 v6, v7;
	vm8 =	vlt.f32 v6, $8.000000000e+01  }
0xdd: {  	s22 =	simm.s32 $0x30;
	v15 =	vsel vm9, $0x10, v18;
	v16 =	vsel vm8, $0x41B80000, v3;
	vm8 =	vle.f32 v17, $8.000000000e+00  }
.LBB2_10:
0xde: {  	p0 =	sne.s32 s22, $0x3F0;
	v17 =	vld.idx.msk [tilespmem:v14+s12+$0x0], $0xffff;
	v14 =	vadd.f32 v16, v6;
	vm6 =	vmand vm6, vm8;
	v10 =	vsel vm7, v10, v15;
	s23 =	smov.u32 s22;
	s22 =	sadd.s32 $0x10, s22  }
0xdf: {  	v15 =	vsub.f32 v8, v11;
	vm7 =	vlt.f32 v8, v11;
	v6 =	vld.idx.msk [tilespmem:v13+s12+$0x0], $0xffff;
	v10 =	vsel vm6, $0x2, v10  }
0xe0: {  	v11 =	vmov s23;
	v8 =	vld.idx.msk [tilespmem:v9+s12+$0x0], $0xffff;
	v7 =	vsub.f32 v7, v14;
	v4 =	vor.u32 v4, v10  }
0xe1: {  	v12 =	vand.u32 $0x7FFFFFFF, v12;
	v9 =	vshll.u32 v11, $0x4;
	v10 =	vsel vm7, $0x4, v2;
	v11 =	vld.idx.msk [tilespmem:v5+s12+$0x0], $0xffff  }
.Ltmp4:
0xe2: {  	v14 =	vor.u32 v0, v9;
	vm9 =	vgt.f32 v7, $2.000000000e+00;
	vm7 =	vlt.f32 v7, $-2.000000000e+00;
	(pc) =	sbr.rel @p0 .LBB2_10-.Ltmp4, $4  }
0xe3: {  	vm6 =	vle.f32 v12, $2.500000000e+01;
	v13 =	vor.u32 $0x1, v14;
	v5 =	vor.u32 $0x2, v14  }
0xe4: {  	v15 =	vand.u32 $0x7FFFFFFF, v15;
	v9 =	vor.u32 $0x3, v14;
	v18 =	vsel vm7, $0x8, v1;
	v7 =	vmovc v17  }
0xe5: {  	vm7 =	vgt.f32 v15, $4.000000000e+00;
	vm8 =	vlt.f32 v6, $8.000000000e+01;
	v12 =	vsub.f32 v6, v7  }
0xe6: {  	v16 =	vsel vm8, $0x41B80000, v3;
	vm8 =	vle.f32 v15, $8.000000000e+00;
	v15 =	vsel vm9, $0x10, v18  }
0xe7: {  	_ =	sdelay $0x1  }
0xe8: {  	v6 =	vadd.f32 v16, v6  }
0xe9: {  	vm6 =	vmand vm6, vm8;
	v10 =	vsel vm7, v10, v15;
	v15 =	vsub.f32 v8, v11  }
0xea: {  	v13 =	vld.idx.msk [tilespmem:v13+s12+$0x0], $0xffff;
	v10 =	vsel vm6, $0x2, v10;
	vm6 =	vlt.f32 v8, v11;
	v6 =	vsub.f32 v7, v6  }
0xeb: {  	v14 =	vld.idx.msk [tilespmem:v14+s12+$0x0], $0xffff;
	s22 =	simm.s32 $0x0;
	v4 =	vor.u32 v4, v10;
	v7 =	vand.u32 $0x7FFFFFFF, v12;
	v8 =	vsel vm6, $0x4, v2  }
0xec: {  	v10 =	vmov s22;
	vm8 =	vle.f32 v7, $2.500000000e+01;
	v7 =	vand.u32 $0x7FFFFFFF, v15  }
0xed: {  	v9 =	vld.idx.msk [tilespmem:v9+s12+$0x0], $0xffff;
	vm6 =	vgt.f32 v6, $2.000000000e+00;
	vm7 =	vlt.f32 v6, $-2.000000000e+00;
	v6 =	vshll.u32 v10, $0x4  }
0xee: {  	v5 =	vld.idx.msk [tilespmem:v5+s12+$0x0], $0xffff;
	vm9 =	vgt.f32 v7, $4.000000000e+00;
	v6 =	vor.u32 v0, v6  }
0xef: {  	s24 =	rddreg [dreg:$0xd];
	v10 =	vsel vm7, $0x8, v1;
	vm7 =	vlt.f32 v13, $8.000000000e+01;
	v12 =	vor.u32 $0x1, v6  }
0xf0: {  	[tilespmem:s12], [sflag:$0x5] =	stream.strided.gather [hbm4b:s24+s7], $0x4000, s8, s7, $0x38;
	v11 =	vsub.f32 v13, v14;
	v15 =	vsel vm7, $0x41B80000, v3;
	vm7 =	vle.f32 v7, $8.000000000e+00;
	[tilespmem:$0x18010] =	vst v63  }
0xf1: {  	_ =	swait.ge [sflag:s19], $0x4000;
	v7 =	vsel vm6, $0x10, v10;
	v10 =	vadd.f32 v15, v13;
	v13 =	vor.u32 $0x3, v6  }
0xf2: {  	[sflag:s19] =	ssyncset.done $0x0;
	vm6 =	vmand vm8, vm7;
	v7 =	vsel vm9, v8, v7;
	v8 =	vor.u32 $0x2, v6  }
0xf3: {  	[sflag:s19] =	ssyncadd.s32 $0xFFFFC000;
	v15 =	vsub.f32 v9, v5;
	vm7 =	vlt.f32 v9, v5;
	v5 =	vsub.f32 v14, v10  }
0xf4: {  	v9 =	vand.u32 $0x7FFFFFFF, v11;
	v7 =	vsel vm6, $0x2, v7;
	v11 =	vld.idx.msk [tilespmem:v12+s13+$0x0], $0xffff  }
0xf5: {  	s23 =	simm.s32 $0x10;
	v10 =	vsel vm7, $0x4, v2;
	vm6 =	vgt.f32 v5, $2.000000000e+00;
	vm7 =	vlt.f32 v5, $-2.000000000e+00;
	v5 =	vld.idx.msk [tilespmem:v6+s13+$0x0], $0xffff  }
0xf6: {  	vm8 =	vle.f32 v9, $2.500000000e+01;
	v9 =	vand.u32 $0x7FFFFFFF, v15;
	v6 =	vmov s23;
	v12 =	vld.idx.msk [tilespmem:v13+s13+$0x0], $0xffff  }
0xf7: {  	vm9 =	vle.f32 v9, $8.000000000e+00;
	v6 =	vshll.u32 v6, $0x4;
	v13 =	vsel vm7, $0x8, v1;
	v8 =	vld.idx.msk [tilespmem:v8+s13+$0x0], $0xffff  }
0xf8: {  	vm7 =	vgt.f32 v9, $4.000000000e+00;
	v6 =	vor.u32 v0, v6;
	v9 =	vsel vm6, $0x10, v13  }
0xf9: {  	vm6 =	vmand vm8, vm9;
	v13 =	vor.u32 $0x1, v6;
	v9 =	vsel vm7, v10, v9  }
0xfa: {  	v4 =	vor.u32 v4, v7;
	v15 =	vor.u32 $0x2, v6;
	v7 =	vsel vm6, $0x2, v9  }
0xfb: {  	v16 =	vor.u32 $0x3, v6;
	vm7 =	vlt.f32 v11, $8.000000000e+01;
	v4 =	vor.u32 v4, v7  }
0xfc: {  	s24 =	simm.s32 $0x20;
	v10 =	vsub.f32 v11, v5;
	v9 =	vsel vm7, $0x41B80000, v3;
	vm6 =	vlt.f32 v12, v8  }
0xfd: {  	v9 =	vadd.f32 v9, v11;
	v7 =	vld.idx.msk [tilespmem:v6+s13+$0x0], $0xffff;
	v11 =	vsub.f32 v12, v8;
	v8 =	vmov s24  }
0xfe: {  	v6 =	vld.idx.msk [tilespmem:v13+s13+$0x0], $0xffff;
	v8 =	vshll.u32 v8, $0x4  }
0xff: {  	v5 =	vsub.f32 v5, v9;
	v9 =	vand.u32 $0x7FFFFFFF, v10;
	v14 =	vor.u32 v0, v8  }
0x100: {  	v10 =	vsel vm6, $0x4, v2;
	v17 =	vand.u32 $0x7FFFFFFF, v11;
	v8 =	vld.idx.msk [tilespmem:v16+s13+$0x0], $0xffff;
	v13 =	vor.u32 $0x1, v14  }
0x101: {  	v11 =	vld.idx.msk [tilespmem:v15+s13+$0x0], $0xffff;
	vm6 =	vle.f32 v9, $2.500000000e+01;
	v9 =	vor.u32 $0x3, v14;
	vm7 =	vlt.f32 v5, $-2.000000000e+00  }
0x102: {  	vm9 =	vgt.f32 v5, $2.000000000e+00;
	v5 =	vor.u32 $0x2, v14;
	v18 =	vsel vm7, $0x8, v1  }
0x103: {  	vm7 =	vgt.f32 v17, $4.000000000e+00;
	v12 =	vsub.f32 v6, v7;
	vm8 =	vlt.f32 v6, $8.000000000e+01  }
0x104: {  	s22 =	simm.s32 $0x30;
	v15 =	vsel vm9, $0x10, v18;
	v16 =	vsel vm8, $0x41B80000, v3;
	vm8 =	vle.f32 v17, $8.000000000e+00  }
.LBB2_12:
0x105: {  	p0 =	sne.s32 s22, $0x3F0;
	v17 =	vld.idx.msk [tilespmem:v14+s13+$0x0], $0xffff;
	v14 =	vadd.f32 v16, v6;
	vm6 =	vmand vm6, vm8;
	v10 =	vsel vm7, v10, v15;
	s23 =	smov.u32 s22;
	s22 =	sadd.s32 $0x10, s22  }
0x106: {  	v15 =	vsub.f32 v8, v11;
	vm7 =	vlt.f32 v8, v11;
	v6 =	vld.idx.msk [tilespmem:v13+s13+$0x0], $0xffff;
	v10 =	vsel vm6, $0x2, v10  }
0x107: {  	v11 =	vmov s23;
	v8 =	vld.idx.msk [tilespmem:v9+s13+$0x0], $0xffff;
	v7 =	vsub.f32 v7, v14;
	v4 =	vor.u32 v4, v10  }
0x108: {  	v12 =	vand.u32 $0x7FFFFFFF, v12;
	v9 =	vshll.u32 v11, $0x4;
	v10 =	vsel vm7, $0x4, v2;
	v11 =	vld.idx.msk [tilespmem:v5+s13+$0x0], $0xffff  }
.Ltmp5:
0x109: {  	v14 =	vor.u32 v0, v9;
	vm9 =	vgt.f32 v7, $2.000000000e+00;
	vm7 =	vlt.f32 v7, $-2.000000000e+00;
	(pc) =	sbr.rel @p0 .LBB2_12-.Ltmp5, $4  }
0x10a: {  	vm6 =	vle.f32 v12, $2.500000000e+01;
	v13 =	vor.u32 $0x1, v14;
	v5 =	vor.u32 $0x2, v14  }
0x10b: {  	v15 =	vand.u32 $0x7FFFFFFF, v15;
	v9 =	vor.u32 $0x3, v14;
	v18 =	vsel vm7, $0x8, v1;
	v7 =	vmovc v17  }
0x10c: {  	vm7 =	vgt.f32 v15, $4.000000000e+00;
	vm8 =	vlt.f32 v6, $8.000000000e+01;
	v12 =	vsub.f32 v6, v7  }
0x10d: {  	v16 =	vsel vm8, $0x41B80000, v3;
	vm8 =	vle.f32 v15, $8.000000000e+00;
	v15 =	vsel vm9, $0x10, v18  }
0x10e: {  	_ =	sdelay $0x1  }
0x10f: {  	v6 =	vadd.f32 v16, v6  }
0x110: {  	vm6 =	vmand vm6, vm8;
	v10 =	vsel vm7, v10, v15;
	v15 =	vsub.f32 v8, v11  }
0x111: {  	v13 =	vld.idx.msk [tilespmem:v13+s13+$0x0], $0xffff;
	v10 =	vsel vm6, $0x2, v10;
	vm6 =	vlt.f32 v8, v11;
	v6 =	vsub.f32 v7, v6  }
0x112: {  	v14 =	vld.idx.msk [tilespmem:v14+s13+$0x0], $0xffff;
	s22 =	simm.s32 $0x0;
	v4 =	vor.u32 v4, v10;
	v7 =	vand.u32 $0x7FFFFFFF, v12;
	v8 =	vsel vm6, $0x4, v2  }
0x113: {  	v10 =	vmov s22;
	vm8 =	vle.f32 v7, $2.500000000e+01;
	v7 =	vand.u32 $0x7FFFFFFF, v15  }
0x114: {  	v9 =	vld.idx.msk [tilespmem:v9+s13+$0x0], $0xffff;
	vm6 =	vgt.f32 v6, $2.000000000e+00;
	vm7 =	vlt.f32 v6, $-2.000000000e+00;
	v6 =	vshll.u32 v10, $0x4  }
0x115: {  	v5 =	vld.idx.msk [tilespmem:v5+s13+$0x0], $0xffff;
	vm9 =	vgt.f32 v7, $4.000000000e+00;
	v6 =	vor.u32 v0, v6  }
0x116: {  	s24 =	rddreg [dreg:$0xe];
	v10 =	vsel vm7, $0x8, v1;
	vm7 =	vlt.f32 v13, $8.000000000e+01;
	v12 =	vor.u32 $0x1, v6  }
0x117: {  	[tilespmem:s13], [sflag:$0x6] =	stream.strided.gather [hbm4b:s24+s7], $0x4000, s8, s7, $0x38;
	v11 =	vsub.f32 v13, v14;
	v15 =	vsel vm7, $0x41B80000, v3;
	vm7 =	vle.f32 v7, $8.000000000e+00;
	[tilespmem:$0x18010] =	vst v63  }
0x118: {  	_ =	swait.ge [sflag:s14], $0x4000;
	v7 =	vsel vm6, $0x10, v10;
	v10 =	vadd.f32 v15, v13;
	v13 =	vor.u32 $0x3, v6  }
0x119: {  	[sflag:s14] =	ssyncset.done $0x0;
	vm6 =	vmand vm8, vm7;
	v7 =	vsel vm9, v8, v7;
	v8 =	vor.u32 $0x2, v6  }
0x11a: {  	[sflag:s14] =	ssyncadd.s32 $0xFFFFC000;
	v15 =	vsub.f32 v9, v5;
	vm7 =	vlt.f32 v9, v5;
	v5 =	vsub.f32 v14, v10  }
0x11b: {  	v9 =	vand.u32 $0x7FFFFFFF, v11;
	v7 =	vsel vm6, $0x2, v7;
	v11 =	vld.idx.msk [tilespmem:v12+s2+$0x0], $0xffff  }
0x11c: {  	s23 =	simm.s32 $0x10;
	v10 =	vsel vm7, $0x4, v2;
	vm6 =	vgt.f32 v5, $2.000000000e+00;
	vm7 =	vlt.f32 v5, $-2.000000000e+00;
	v5 =	vld.idx.msk [tilespmem:v6+s2+$0x0], $0xffff  }
0x11d: {  	vm8 =	vle.f32 v9, $2.500000000e+01;
	v9 =	vand.u32 $0x7FFFFFFF, v15;
	v6 =	vmov s23;
	v12 =	vld.idx.msk [tilespmem:v13+s2+$0x0], $0xffff  }
0x11e: {  	vm9 =	vle.f32 v9, $8.000000000e+00;
	v6 =	vshll.u32 v6, $0x4;
	v13 =	vsel vm7, $0x8, v1;
	v8 =	vld.idx.msk [tilespmem:v8+s2+$0x0], $0xffff  }
0x11f: {  	vm7 =	vgt.f32 v9, $4.000000000e+00;
	v6 =	vor.u32 v0, v6;
	v9 =	vsel vm6, $0x10, v13  }
0x120: {  	vm6 =	vmand vm8, vm9;
	v13 =	vor.u32 $0x1, v6;
	v9 =	vsel vm7, v10, v9  }
0x121: {  	v4 =	vor.u32 v4, v7;
	v15 =	vor.u32 $0x2, v6;
	v7 =	vsel vm6, $0x2, v9  }
0x122: {  	v16 =	vor.u32 $0x3, v6;
	vm7 =	vlt.f32 v11, $8.000000000e+01;
	v4 =	vor.u32 v4, v7  }
0x123: {  	s24 =	simm.s32 $0x20;
	v10 =	vsub.f32 v11, v5;
	v9 =	vsel vm7, $0x41B80000, v3;
	vm6 =	vlt.f32 v12, v8  }
0x124: {  	v9 =	vadd.f32 v9, v11;
	v7 =	vld.idx.msk [tilespmem:v6+s2+$0x0], $0xffff;
	v11 =	vsub.f32 v12, v8;
	v8 =	vmov s24  }
0x125: {  	v6 =	vld.idx.msk [tilespmem:v13+s2+$0x0], $0xffff;
	v8 =	vshll.u32 v8, $0x4  }
0x126: {  	v5 =	vsub.f32 v5, v9;
	v9 =	vand.u32 $0x7FFFFFFF, v10;
	v14 =	vor.u32 v0, v8  }
0x127: {  	v10 =	vsel vm6, $0x4, v2;
	v17 =	vand.u32 $0x7FFFFFFF, v11;
	v8 =	vld.idx.msk [tilespmem:v16+s2+$0x0], $0xffff;
	v13 =	vor.u32 $0x1, v14  }
0x128: {  	v11 =	vld.idx.msk [tilespmem:v15+s2+$0x0], $0xffff;
	vm6 =	vle.f32 v9, $2.500000000e+01;
	v9 =	vor.u32 $0x3, v14;
	vm7 =	vlt.f32 v5, $-2.000000000e+00  }
0x129: {  	vm9 =	vgt.f32 v5, $2.000000000e+00;
	v5 =	vor.u32 $0x2, v14;
	v18 =	vsel vm7, $0x8, v1  }
0x12a: {  	vm7 =	vgt.f32 v17, $4.000000000e+00;
	v12 =	vsub.f32 v6, v7;
	vm8 =	vlt.f32 v6, $8.000000000e+01  }
0x12b: {  	s22 =	simm.s32 $0x30;
	v15 =	vsel vm9, $0x10, v18;
	v16 =	vsel vm8, $0x41B80000, v3;
	vm8 =	vle.f32 v17, $8.000000000e+00  }
.LBB2_14:
0x12c: {  	p0 =	sne.s32 s22, $0x3F0;
	v17 =	vld.idx.msk [tilespmem:v14+s2+$0x0], $0xffff;
	v14 =	vadd.f32 v16, v6;
	vm6 =	vmand vm6, vm8;
	v10 =	vsel vm7, v10, v15;
	s23 =	smov.u32 s22;
	s22 =	sadd.s32 $0x10, s22  }
0x12d: {  	v15 =	vsub.f32 v8, v11;
	vm7 =	vlt.f32 v8, v11;
	v6 =	vld.idx.msk [tilespmem:v13+s2+$0x0], $0xffff;
	v10 =	vsel vm6, $0x2, v10  }
0x12e: {  	v11 =	vmov s23;
	v8 =	vld.idx.msk [tilespmem:v9+s2+$0x0], $0xffff;
	v7 =	vsub.f32 v7, v14;
	v4 =	vor.u32 v4, v10  }
0x12f: {  	v12 =	vand.u32 $0x7FFFFFFF, v12;
	v9 =	vshll.u32 v11, $0x4;
	v10 =	vsel vm7, $0x4, v2;
	v11 =	vld.idx.msk [tilespmem:v5+s2+$0x0], $0xffff  }
.Ltmp6:
0x130: {  	v14 =	vor.u32 v0, v9;
	vm9 =	vgt.f32 v7, $2.000000000e+00;
	vm7 =	vlt.f32 v7, $-2.000000000e+00;
	(pc) =	sbr.rel @p0 .LBB2_14-.Ltmp6, $4  }
0x131: {  	vm6 =	vle.f32 v12, $2.500000000e+01;
	v13 =	vor.u32 $0x1, v14;
	v5 =	vor.u32 $0x2, v14  }
0x132: {  	v15 =	vand.u32 $0x7FFFFFFF, v15;
	v9 =	vor.u32 $0x3, v14;
	v18 =	vsel vm7, $0x8, v1;
	v7 =	vmovc v17  }
0x133: {  	vm7 =	vgt.f32 v15, $4.000000000e+00;
	vm8 =	vlt.f32 v6, $8.000000000e+01;
	v12 =	vsub.f32 v6, v7  }
0x134: {  	v16 =	vsel vm8, $0x41B80000, v3;
	vm8 =	vle.f32 v15, $8.000000000e+00;
	v15 =	vsel vm9, $0x10, v18  }
0x135: {  	_ =	sdelay $0x1  }
0x136: {  	v6 =	vadd.f32 v16, v6  }
0x137: {  	vm6 =	vmand vm6, vm8;
	v10 =	vsel vm7, v10, v15;
	v15 =	vsub.f32 v8, v11  }
0x138: {  	v13 =	vld.idx.msk [tilespmem:v13+s2+$0x0], $0xffff;
	v10 =	vsel vm6, $0x2, v10;
	vm6 =	vlt.f32 v8, v11;
	v6 =	vsub.f32 v7, v6  }
0x139: {  	v14 =	vld.idx.msk [tilespmem:v14+s2+$0x0], $0xffff;
	s22 =	simm.s32 $0x0;
	v4 =	vor.u32 v4, v10;
	v7 =	vand.u32 $0x7FFFFFFF, v12;
	v8 =	vsel vm6, $0x4, v2  }
0x13a: {  	v10 =	vmov s22;
	vm8 =	vle.f32 v7, $2.500000000e+01;
	v7 =	vand.u32 $0x7FFFFFFF, v15  }
0x13b: {  	v9 =	vld.idx.msk [tilespmem:v9+s2+$0x0], $0xffff;
	vm6 =	vgt.f32 v6, $2.000000000e+00;
	vm7 =	vlt.f32 v6, $-2.000000000e+00;
	v6 =	vshll.u32 v10, $0x4  }
0x13c: {  	v5 =	vld.idx.msk [tilespmem:v5+s2+$0x0], $0xffff;
	vm9 =	vgt.f32 v7, $4.000000000e+00;
	v6 =	vor.u32 v0, v6  }
0x13d: {  	s23 =	rddreg [dreg:$0xf];
	v10 =	vsel vm7, $0x8, v1;
	vm7 =	vlt.f32 v13, $8.000000000e+01;
	v12 =	vor.u32 $0x1, v6  }
0x13e: {  	[tilespmem:s22], [sflag:$0x1] =	stream.strided.gather [hbm4b:s23+s7], $0x4000, s8, s7, $0x38;
	v11 =	vsub.f32 v13, v14;
	v15 =	vsel vm7, $0x41B80000, v3;
	vm7 =	vle.f32 v7, $8.000000000e+00;
	[tilespmem:$0x18010] =	vst v63  }
0x13f: {  	_ =	swait.ge [sflag:s15], $0x4000;
	v7 =	vsel vm6, $0x10, v10;
	v10 =	vadd.f32 v15, v13;
	v13 =	vor.u32 $0x3, v6  }
0x140: {  	[sflag:s15] =	ssyncset.done $0x0;
	vm6 =	vmand vm8, vm7;
	v7 =	vsel vm9, v8, v7;
	v8 =	vor.u32 $0x2, v6  }
0x141: {  	[sflag:s15] =	ssyncadd.s32 $0xFFFFC000;
	v15 =	vsub.f32 v9, v5;
	vm7 =	vlt.f32 v9, v5;
	v5 =	vsub.f32 v14, v10  }
0x142: {  	v9 =	vand.u32 $0x7FFFFFFF, v11;
	v7 =	vsel vm6, $0x2, v7;
	v11 =	vld.idx.msk [tilespmem:v12+s9+$0x0], $0xffff  }
0x143: {  	s23 =	simm.s32 $0x10;
	v10 =	vsel vm7, $0x4, v2;
	vm6 =	vgt.f32 v5, $2.000000000e+00;
	vm7 =	vlt.f32 v5, $-2.000000000e+00;
	v5 =	vld.idx.msk [tilespmem:v6+s9+$0x0], $0xffff  }
0x144: {  	vm8 =	vle.f32 v9, $2.500000000e+01;
	v9 =	vand.u32 $0x7FFFFFFF, v15;
	v6 =	vmov s23;
	v12 =	vld.idx.msk [tilespmem:v13+s9+$0x0], $0xffff  }
0x145: {  	vm9 =	vle.f32 v9, $8.000000000e+00;
	v6 =	vshll.u32 v6, $0x4;
	v13 =	vsel vm7, $0x8, v1;
	v8 =	vld.idx.msk [tilespmem:v8+s9+$0x0], $0xffff  }
0x146: {  	vm7 =	vgt.f32 v9, $4.000000000e+00;
	v6 =	vor.u32 v0, v6;
	v9 =	vsel vm6, $0x10, v13  }
0x147: {  	vm6 =	vmand vm8, vm9;
	v13 =	vor.u32 $0x1, v6;
	v9 =	vsel vm7, v10, v9  }
0x148: {  	v4 =	vor.u32 v4, v7;
	v15 =	vor.u32 $0x2, v6;
	v7 =	vsel vm6, $0x2, v9  }
0x149: {  	v16 =	vor.u32 $0x3, v6;
	vm7 =	vlt.f32 v11, $8.000000000e+01;
	v4 =	vor.u32 v4, v7  }
0x14a: {  	s24 =	simm.s32 $0x20;
	v10 =	vsub.f32 v11, v5;
	v9 =	vsel vm7, $0x41B80000, v3;
	vm6 =	vlt.f32 v12, v8  }
0x14b: {  	v9 =	vadd.f32 v9, v11;
	v7 =	vld.idx.msk [tilespmem:v6+s9+$0x0], $0xffff;
	v11 =	vsub.f32 v12, v8;
	v8 =	vmov s24  }
0x14c: {  	v6 =	vld.idx.msk [tilespmem:v13+s9+$0x0], $0xffff;
	v8 =	vshll.u32 v8, $0x4  }
0x14d: {  	v5 =	vsub.f32 v5, v9;
	v9 =	vand.u32 $0x7FFFFFFF, v10;
	v14 =	vor.u32 v0, v8  }
0x14e: {  	v10 =	vsel vm6, $0x4, v2;
	v17 =	vand.u32 $0x7FFFFFFF, v11;
	v8 =	vld.idx.msk [tilespmem:v16+s9+$0x0], $0xffff;
	v13 =	vor.u32 $0x1, v14  }
0x14f: {  	v11 =	vld.idx.msk [tilespmem:v15+s9+$0x0], $0xffff;
	vm6 =	vle.f32 v9, $2.500000000e+01;
	v9 =	vor.u32 $0x3, v14;
	vm7 =	vlt.f32 v5, $-2.000000000e+00  }
0x150: {  	vm9 =	vgt.f32 v5, $2.000000000e+00;
	v5 =	vor.u32 $0x2, v14;
	v18 =	vsel vm7, $0x8, v1  }
0x151: {  	vm7 =	vgt.f32 v17, $4.000000000e+00;
	v12 =	vsub.f32 v6, v7;
	vm8 =	vlt.f32 v6, $8.000000000e+01  }
0x152: {  	s22 =	simm.s32 $0x30;
	v15 =	vsel vm9, $0x10, v18;
	v16 =	vsel vm8, $0x41B80000, v3;
	vm8 =	vle.f32 v17, $8.000000000e+00  }
.LBB2_16:
0x153: {  	p0 =	sne.s32 s22, $0x3F0;
	v17 =	vld.idx.msk [tilespmem:v14+s9+$0x0], $0xffff;
	v14 =	vadd.f32 v16, v6;
	vm6 =	vmand vm6, vm8;
	v10 =	vsel vm7, v10, v15;
	s23 =	smov.u32 s22;
	s22 =	sadd.s32 $0x10, s22  }
0x154: {  	v15 =	vsub.f32 v8, v11;
	vm7 =	vlt.f32 v8, v11;
	v6 =	vld.idx.msk [tilespmem:v13+s9+$0x0], $0xffff;
	v10 =	vsel vm6, $0x2, v10  }
0x155: {  	v11 =	vmov s23;
	v8 =	vld.idx.msk [tilespmem:v9+s9+$0x0], $0xffff;
	v7 =	vsub.f32 v7, v14;
	v4 =	vor.u32 v4, v10  }
0x156: {  	v12 =	vand.u32 $0x7FFFFFFF, v12;
	v9 =	vshll.u32 v11, $0x4;
	v10 =	vsel vm7, $0x4, v2;
	v11 =	vld.idx.msk [tilespmem:v5+s9+$0x0], $0xffff  }
.Ltmp7:
0x157: {  	v14 =	vor.u32 v0, v9;
	vm9 =	vgt.f32 v7, $2.000000000e+00;
	vm7 =	vlt.f32 v7, $-2.000000000e+00;
	(pc) =	sbr.rel @p0 .LBB2_16-.Ltmp7, $4  }
0x158: {  	vm6 =	vle.f32 v12, $2.500000000e+01;
	v13 =	vor.u32 $0x1, v14;
	v5 =	vor.u32 $0x2, v14  }
0x159: {  	v15 =	vand.u32 $0x7FFFFFFF, v15;
	v9 =	vor.u32 $0x3, v14;
	v18 =	vsel vm7, $0x8, v1;
	v7 =	vmovc v17  }
0x15a: {  	vm7 =	vgt.f32 v15, $4.000000000e+00;
	vm8 =	vlt.f32 v6, $8.000000000e+01;
	v12 =	vsub.f32 v6, v7  }
0x15b: {  	v16 =	vsel vm8, $0x41B80000, v3;
	vm8 =	vle.f32 v15, $8.000000000e+00;
	v15 =	vsel vm9, $0x10, v18  }
0x15c: {  	_ =	sdelay $0x1  }
0x15d: {  	v6 =	vadd.f32 v16, v6  }
0x15e: {  	vm6 =	vmand vm6, vm8;
	v10 =	vsel vm7, v10, v15;
	v15 =	vsub.f32 v8, v11  }
0x15f: {  	v13 =	vld.idx.msk [tilespmem:v13+s9+$0x0], $0xffff;
	v10 =	vsel vm6, $0x2, v10;
	vm6 =	vlt.f32 v8, v11;
	v6 =	vsub.f32 v7, v6  }
0x160: {  	v14 =	vld.idx.msk [tilespmem:v14+s9+$0x0], $0xffff;
	s22 =	simm.s32 $0x0;
	v4 =	vor.u32 v4, v10;
	v7 =	vand.u32 $0x7FFFFFFF, v12;
	v8 =	vsel vm6, $0x4, v2  }
0x161: {  	v10 =	vmov s22;
	vm8 =	vle.f32 v7, $2.500000000e+01;
	v7 =	vand.u32 $0x7FFFFFFF, v15  }
0x162: {  	v9 =	vld.idx.msk [tilespmem:v9+s9+$0x0], $0xffff;
	vm6 =	vgt.f32 v6, $2.000000000e+00;
	vm7 =	vlt.f32 v6, $-2.000000000e+00;
	v6 =	vshll.u32 v10, $0x4  }
0x163: {  	v5 =	vld.idx.msk [tilespmem:v5+s9+$0x0], $0xffff;
	vm9 =	vgt.f32 v7, $4.000000000e+00;
	v6 =	vor.u32 v0, v6  }
0x164: {  	s24 =	rddreg [dreg:$0x10];
	v10 =	vsel vm7, $0x8, v1;
	vm7 =	vlt.f32 v13, $8.000000000e+01;
	v12 =	vor.u32 $0x1, v6  }
0x165: {  	[tilespmem:s9], [sflag:$0x2] =	stream.strided.gather [hbm4b:s24+s7], $0x4000, s8, s7, $0x38;
	v11 =	vsub.f32 v13, v14;
	v15 =	vsel vm7, $0x41B80000, v3;
	vm7 =	vle.f32 v7, $8.000000000e+00;
	[tilespmem:$0x18010] =	vst v63  }
0x166: {  	_ =	swait.ge [sflag:s16], $0x4000;
	v7 =	vsel vm6, $0x10, v10;
	v10 =	vadd.f32 v15, v13;
	v13 =	vor.u32 $0x3, v6  }
0x167: {  	[sflag:s16] =	ssyncset.done $0x0;
	vm6 =	vmand vm8, vm7;
	v7 =	vsel vm9, v8, v7;
	v8 =	vor.u32 $0x2, v6  }
0x168: {  	[sflag:s16] =	ssyncadd.s32 $0xFFFFC000;
	v15 =	vsub.f32 v9, v5;
	vm7 =	vlt.f32 v9, v5;
	v5 =	vsub.f32 v14, v10  }
0x169: {  	v9 =	vand.u32 $0x7FFFFFFF, v11;
	v7 =	vsel vm6, $0x2, v7;
	v11 =	vld.idx.msk [tilespmem:v12+s10+$0x0], $0xffff  }
0x16a: {  	s23 =	simm.s32 $0x10;
	v10 =	vsel vm7, $0x4, v2;
	vm6 =	vgt.f32 v5, $2.000000000e+00;
	vm7 =	vlt.f32 v5, $-2.000000000e+00;
	v5 =	vld.idx.msk [tilespmem:v6+s10+$0x0], $0xffff  }
0x16b: {  	vm8 =	vle.f32 v9, $2.500000000e+01;
	v9 =	vand.u32 $0x7FFFFFFF, v15;
	v6 =	vmov s23;
	v12 =	vld.idx.msk [tilespmem:v13+s10+$0x0], $0xffff  }
0x16c: {  	vm9 =	vle.f32 v9, $8.000000000e+00;
	v6 =	vshll.u32 v6, $0x4;
	v13 =	vsel vm7, $0x8, v1;
	v8 =	vld.idx.msk [tilespmem:v8+s10+$0x0], $0xffff  }
0x16d: {  	vm7 =	vgt.f32 v9, $4.000000000e+00;
	v6 =	vor.u32 v0, v6;
	v9 =	vsel vm6, $0x10, v13  }
0x16e: {  	vm6 =	vmand vm8, vm9;
	v13 =	vor.u32 $0x1, v6;
	v9 =	vsel vm7, v10, v9  }
0x16f: {  	v4 =	vor.u32 v4, v7;
	v15 =	vor.u32 $0x2, v6;
	v7 =	vsel vm6, $0x2, v9  }
0x170: {  	v16 =	vor.u32 $0x3, v6;
	vm7 =	vlt.f32 v11, $8.000000000e+01;
	v4 =	vor.u32 v4, v7  }
0x171: {  	s24 =	simm.s32 $0x20;
	v10 =	vsub.f32 v11, v5;
	v9 =	vsel vm7, $0x41B80000, v3;
	vm6 =	vlt.f32 v12, v8  }
0x172: {  	v9 =	vadd.f32 v9, v11;
	v7 =	vld.idx.msk [tilespmem:v6+s10+$0x0], $0xffff;
	v11 =	vsub.f32 v12, v8;
	v8 =	vmov s24  }
0x173: {  	v6 =	vld.idx.msk [tilespmem:v13+s10+$0x0], $0xffff;
	v8 =	vshll.u32 v8, $0x4  }
0x174: {  	v5 =	vsub.f32 v5, v9;
	v9 =	vand.u32 $0x7FFFFFFF, v10;
	v14 =	vor.u32 v0, v8  }
0x175: {  	v10 =	vsel vm6, $0x4, v2;
	v17 =	vand.u32 $0x7FFFFFFF, v11;
	v8 =	vld.idx.msk [tilespmem:v16+s10+$0x0], $0xffff;
	v13 =	vor.u32 $0x1, v14  }
0x176: {  	v11 =	vld.idx.msk [tilespmem:v15+s10+$0x0], $0xffff;
	vm6 =	vle.f32 v9, $2.500000000e+01;
	v9 =	vor.u32 $0x3, v14;
	vm7 =	vlt.f32 v5, $-2.000000000e+00  }
0x177: {  	vm9 =	vgt.f32 v5, $2.000000000e+00;
	v5 =	vor.u32 $0x2, v14;
	v18 =	vsel vm7, $0x8, v1  }
0x178: {  	vm7 =	vgt.f32 v17, $4.000000000e+00;
	v12 =	vsub.f32 v6, v7;
	vm8 =	vlt.f32 v6, $8.000000000e+01  }
0x179: {  	s22 =	simm.s32 $0x30;
	v15 =	vsel vm9, $0x10, v18;
	v16 =	vsel vm8, $0x41B80000, v3;
	vm8 =	vle.f32 v17, $8.000000000e+00  }
.LBB2_18:
0x17a: {  	p0 =	sne.s32 s22, $0x3F0;
	v17 =	vld.idx.msk [tilespmem:v14+s10+$0x0], $0xffff;
	v14 =	vadd.f32 v16, v6;
	vm6 =	vmand vm6, vm8;
	v10 =	vsel vm7, v10, v15;
	s23 =	smov.u32 s22;
	s22 =	sadd.s32 $0x10, s22  }
0x17b: {  	v15 =	vsub.f32 v8, v11;
	vm7 =	vlt.f32 v8, v11;
	v6 =	vld.idx.msk [tilespmem:v13+s10+$0x0], $0xffff;
	v10 =	vsel vm6, $0x2, v10  }
0x17c: {  	v11 =	vmov s23;
	v8 =	vld.idx.msk [tilespmem:v9+s10+$0x0], $0xffff;
	v7 =	vsub.f32 v7, v14;
	v4 =	vor.u32 v4, v10  }
0x17d: {  	v12 =	vand.u32 $0x7FFFFFFF, v12;
	v9 =	vshll.u32 v11, $0x4;
	v10 =	vsel vm7, $0x4, v2;
	v11 =	vld.idx.msk [tilespmem:v5+s10+$0x0], $0xffff  }
.Ltmp8:
0x17e: {  	v14 =	vor.u32 v0, v9;
	vm9 =	vgt.f32 v7, $2.000000000e+00;
	vm7 =	vlt.f32 v7, $-2.000000000e+00;
	(pc) =	sbr.rel @p0 .LBB2_18-.Ltmp8, $4  }
0x17f: {  	vm6 =	vle.f32 v12, $2.500000000e+01;
	v13 =	vor.u32 $0x1, v14;
	v5 =	vor.u32 $0x2, v14  }
0x180: {  	v15 =	vand.u32 $0x7FFFFFFF, v15;
	v9 =	vor.u32 $0x3, v14;
	v18 =	vsel vm7, $0x8, v1;
	v7 =	vmovc v17  }
0x181: {  	vm7 =	vgt.f32 v15, $4.000000000e+00;
	vm8 =	vlt.f32 v6, $8.000000000e+01;
	v12 =	vsub.f32 v6, v7  }
0x182: {  	v16 =	vsel vm8, $0x41B80000, v3;
	vm8 =	vle.f32 v15, $8.000000000e+00;
	v15 =	vsel vm9, $0x10, v18  }
0x183: {  	_ =	sdelay $0x1  }
0x184: {  	v6 =	vadd.f32 v16, v6  }
0x185: {  	vm6 =	vmand vm6, vm8;
	v10 =	vsel vm7, v10, v15;
	v15 =	vsub.f32 v8, v11  }
0x186: {  	v13 =	vld.idx.msk [tilespmem:v13+s10+$0x0], $0xffff;
	v10 =	vsel vm6, $0x2, v10;
	vm6 =	vlt.f32 v8, v11;
	v6 =	vsub.f32 v7, v6  }
0x187: {  	v14 =	vld.idx.msk [tilespmem:v14+s10+$0x0], $0xffff;
	s22 =	simm.s32 $0x0;
	v4 =	vor.u32 v4, v10;
	v7 =	vand.u32 $0x7FFFFFFF, v12;
	v8 =	vsel vm6, $0x4, v2  }
0x188: {  	v10 =	vmov s22;
	vm8 =	vle.f32 v7, $2.500000000e+01;
	v7 =	vand.u32 $0x7FFFFFFF, v15  }
0x189: {  	v9 =	vld.idx.msk [tilespmem:v9+s10+$0x0], $0xffff;
	vm6 =	vgt.f32 v6, $2.000000000e+00;
	vm7 =	vlt.f32 v6, $-2.000000000e+00;
	v6 =	vshll.u32 v10, $0x4  }
0x18a: {  	v5 =	vld.idx.msk [tilespmem:v5+s10+$0x0], $0xffff;
	vm9 =	vgt.f32 v7, $4.000000000e+00;
	v6 =	vor.u32 v0, v6  }
0x18b: {  	s24 =	rddreg [dreg:$0x11];
	v10 =	vsel vm7, $0x8, v1;
	vm7 =	vlt.f32 v13, $8.000000000e+01;
	v12 =	vor.u32 $0x1, v6  }
0x18c: {  	[tilespmem:s10], [sflag:$0x3] =	stream.strided.gather [hbm4b:s24+s7], $0x4000, s8, s7, $0x38;
	v11 =	vsub.f32 v13, v14;
	v15 =	vsel vm7, $0x41B80000, v3;
	vm7 =	vle.f32 v7, $8.000000000e+00;
	[tilespmem:$0x18010] =	vst v63  }
0x18d: {  	_ =	swait.ge [sflag:s17], $0x4000;
	v7 =	vsel vm6, $0x10, v10;
	v10 =	vadd.f32 v15, v13;
	v13 =	vor.u32 $0x3, v6  }
0x18e: {  	[sflag:s17] =	ssyncset.done $0x0;
	vm6 =	vmand vm8, vm7;
	v7 =	vsel vm9, v8, v7;
	v8 =	vor.u32 $0x2, v6  }
0x18f: {  	[sflag:s17] =	ssyncadd.s32 $0xFFFFC000;
	v15 =	vsub.f32 v9, v5;
	vm7 =	vlt.f32 v9, v5;
	v5 =	vsub.f32 v14, v10  }
0x190: {  	v9 =	vand.u32 $0x7FFFFFFF, v11;
	v7 =	vsel vm6, $0x2, v7;
	v11 =	vld.idx.msk [tilespmem:v12+s11+$0x0], $0xffff  }
0x191: {  	s23 =	simm.s32 $0x10;
	v10 =	vsel vm7, $0x4, v2;
	vm6 =	vgt.f32 v5, $2.000000000e+00;
	vm7 =	vlt.f32 v5, $-2.000000000e+00;
	v5 =	vld.idx.msk [tilespmem:v6+s11+$0x0], $0xffff  }
0x192: {  	vm8 =	vle.f32 v9, $2.500000000e+01;
	v9 =	vand.u32 $0x7FFFFFFF, v15;
	v6 =	vmov s23;
	v12 =	vld.idx.msk [tilespmem:v13+s11+$0x0], $0xffff  }
0x193: {  	vm9 =	vle.f32 v9, $8.000000000e+00;
	v6 =	vshll.u32 v6, $0x4;
	v13 =	vsel vm7, $0x8, v1;
	v8 =	vld.idx.msk [tilespmem:v8+s11+$0x0], $0xffff  }
0x194: {  	vm7 =	vgt.f32 v9, $4.000000000e+00;
	v6 =	vor.u32 v0, v6;
	v9 =	vsel vm6, $0x10, v13  }
0x195: {  	vm6 =	vmand vm8, vm9;
	v13 =	vor.u32 $0x1, v6;
	v9 =	vsel vm7, v10, v9  }
0x196: {  	v4 =	vor.u32 v4, v7;
	v15 =	vor.u32 $0x2, v6;
	v7 =	vsel vm6, $0x2, v9  }
0x197: {  	v16 =	vor.u32 $0x3, v6;
	vm7 =	vlt.f32 v11, $8.000000000e+01;
	v4 =	vor.u32 v4, v7  }
0x198: {  	s24 =	simm.s32 $0x20;
	v10 =	vsub.f32 v11, v5;
	v9 =	vsel vm7, $0x41B80000, v3;
	vm6 =	vlt.f32 v12, v8  }
0x199: {  	v9 =	vadd.f32 v9, v11;
	v7 =	vld.idx.msk [tilespmem:v6+s11+$0x0], $0xffff;
	v11 =	vsub.f32 v12, v8;
	v8 =	vmov s24  }
0x19a: {  	v6 =	vld.idx.msk [tilespmem:v13+s11+$0x0], $0xffff;
	v8 =	vshll.u32 v8, $0x4  }
0x19b: {  	v5 =	vsub.f32 v5, v9;
	v9 =	vand.u32 $0x7FFFFFFF, v10;
	v14 =	vor.u32 v0, v8  }
0x19c: {  	v10 =	vsel vm6, $0x4, v2;
	v17 =	vand.u32 $0x7FFFFFFF, v11;
	v8 =	vld.idx.msk [tilespmem:v16+s11+$0x0], $0xffff;
	v13 =	vor.u32 $0x1, v14  }
0x19d: {  	v11 =	vld.idx.msk [tilespmem:v15+s11+$0x0], $0xffff;
	vm6 =	vle.f32 v9, $2.500000000e+01;
	v9 =	vor.u32 $0x3, v14;
	vm7 =	vlt.f32 v5, $-2.000000000e+00  }
0x19e: {  	vm9 =	vgt.f32 v5, $2.000000000e+00;
	v5 =	vor.u32 $0x2, v14;
	v18 =	vsel vm7, $0x8, v1  }
0x19f: {  	vm7 =	vgt.f32 v17, $4.000000000e+00;
	v12 =	vsub.f32 v6, v7;
	vm8 =	vlt.f32 v6, $8.000000000e+01  }
0x1a0: {  	s22 =	simm.s32 $0x30;
	v15 =	vsel vm9, $0x10, v18;
	v16 =	vsel vm8, $0x41B80000, v3;
	vm8 =	vle.f32 v17, $8.000000000e+00  }
.LBB2_20:
0x1a1: {  	p0 =	sne.s32 s22, $0x3F0;
	v17 =	vld.idx.msk [tilespmem:v14+s11+$0x0], $0xffff;
	v14 =	vadd.f32 v16, v6;
	vm6 =	vmand vm6, vm8;
	v10 =	vsel vm7, v10, v15;
	s23 =	smov.u32 s22;
	s22 =	sadd.s32 $0x10, s22  }
0x1a2: {  	v15 =	vsub.f32 v8, v11;
	vm7 =	vlt.f32 v8, v11;
	v6 =	vld.idx.msk [tilespmem:v13+s11+$0x0], $0xffff;
	v10 =	vsel vm6, $0x2, v10  }
0x1a3: {  	v11 =	vmov s23;
	v8 =	vld.idx.msk [tilespmem:v9+s11+$0x0], $0xffff;
	v7 =	vsub.f32 v7, v14;
	v4 =	vor.u32 v4, v10  }
0x1a4: {  	v12 =	vand.u32 $0x7FFFFFFF, v12;
	v9 =	vshll.u32 v11, $0x4;
	v10 =	vsel vm7, $0x4, v2;
	v11 =	vld.idx.msk [tilespmem:v5+s11+$0x0], $0xffff  }
.Ltmp9:
0x1a5: {  	v14 =	vor.u32 v0, v9;
	vm9 =	vgt.f32 v7, $2.000000000e+00;
	vm7 =	vlt.f32 v7, $-2.000000000e+00;
	(pc) =	sbr.rel @p0 .LBB2_20-.Ltmp9, $4  }
0x1a6: {  	vm6 =	vle.f32 v12, $2.500000000e+01;
	v13 =	vor.u32 $0x1, v14;
	v5 =	vor.u32 $0x2, v14  }
0x1a7: {  	v15 =	vand.u32 $0x7FFFFFFF, v15;
	v9 =	vor.u32 $0x3, v14;
	v18 =	vsel vm7, $0x8, v1;
	v7 =	vmovc v17  }
0x1a8: {  	vm7 =	vgt.f32 v15, $4.000000000e+00;
	vm8 =	vlt.f32 v6, $8.000000000e+01;
	v12 =	vsub.f32 v6, v7  }
0x1a9: {  	v16 =	vsel vm8, $0x41B80000, v3;
	vm8 =	vle.f32 v15, $8.000000000e+00;
	v15 =	vsel vm9, $0x10, v18  }
0x1aa: {  	_ =	sdelay $0x1  }
0x1ab: {  	v6 =	vadd.f32 v16, v6  }
0x1ac: {  	vm6 =	vmand vm6, vm8;
	v10 =	vsel vm7, v10, v15;
	v15 =	vsub.f32 v8, v11  }
0x1ad: {  	v13 =	vld.idx.msk [tilespmem:v13+s11+$0x0], $0xffff;
	v10 =	vsel vm6, $0x2, v10;
	vm6 =	vlt.f32 v8, v11;
	v6 =	vsub.f32 v7, v6  }
0x1ae: {  	v14 =	vld.idx.msk [tilespmem:v14+s11+$0x0], $0xffff;
	s22 =	simm.s32 $0x0;
	v4 =	vor.u32 v4, v10;
	v7 =	vand.u32 $0x7FFFFFFF, v12;
	v8 =	vsel vm6, $0x4, v2  }
0x1af: {  	v10 =	vmov s22;
	vm8 =	vle.f32 v7, $2.500000000e+01;
	v7 =	vand.u32 $0x7FFFFFFF, v15  }
0x1b0: {  	v9 =	vld.idx.msk [tilespmem:v9+s11+$0x0], $0xffff;
	vm6 =	vgt.f32 v6, $2.000000000e+00;
	vm7 =	vlt.f32 v6, $-2.000000000e+00;
	v6 =	vshll.u32 v10, $0x4  }
0x1b1: {  	v5 =	vld.idx.msk [tilespmem:v5+s11+$0x0], $0xffff;
	vm9 =	vgt.f32 v7, $4.000000000e+00;
	v6 =	vor.u32 v0, v6  }
0x1b2: {  	s24 =	rddreg [dreg:$0x12];
	v10 =	vsel vm7, $0x8, v1;
	vm7 =	vlt.f32 v13, $8.000000000e+01;
	v12 =	vor.u32 $0x1, v6  }
0x1b3: {  	[tilespmem:s11], [sflag:$0x4] =	stream.strided.gather [hbm4b:s24+s7], $0x4000, s8, s7, $0x38;
	v11 =	vsub.f32 v13, v14;
	v15 =	vsel vm7, $0x41B80000, v3;
	vm7 =	vle.f32 v7, $8.000000000e+00;
	[tilespmem:$0x18010] =	vst v63  }
0x1b4: {  	_ =	swait.ge [sflag:s18], $0x4000;
	v7 =	vsel vm6, $0x10, v10;
	v10 =	vadd.f32 v15, v13;
	v13 =	vor.u32 $0x3, v6  }
0x1b5: {  	[sflag:s18] =	ssyncset.done $0x0;
	vm6 =	vmand vm8, vm7;
	v7 =	vsel vm9, v8, v7;
	v8 =	vor.u32 $0x2, v6  }
0x1b6: {  	[sflag:s18] =	ssyncadd.s32 $0xFFFFC000;
	v15 =	vsub.f32 v9, v5;
	vm7 =	vlt.f32 v9, v5;
	v5 =	vsub.f32 v14, v10  }
0x1b7: {  	v9 =	vand.u32 $0x7FFFFFFF, v11;
	v7 =	vsel vm6, $0x2, v7;
	v11 =	vld.idx.msk [tilespmem:v12+s12+$0x0], $0xffff  }
0x1b8: {  	s23 =	simm.s32 $0x10;
	v10 =	vsel vm7, $0x4, v2;
	vm6 =	vgt.f32 v5, $2.000000000e+00;
	vm7 =	vlt.f32 v5, $-2.000000000e+00;
	v5 =	vld.idx.msk [tilespmem:v6+s12+$0x0], $0xffff  }
0x1b9: {  	vm8 =	vle.f32 v9, $2.500000000e+01;
	v9 =	vand.u32 $0x7FFFFFFF, v15;
	v6 =	vmov s23;
	v12 =	vld.idx.msk [tilespmem:v13+s12+$0x0], $0xffff  }
0x1ba: {  	vm9 =	vle.f32 v9, $8.000000000e+00;
	v6 =	vshll.u32 v6, $0x4;
	v13 =	vsel vm7, $0x8, v1;
	v8 =	vld.idx.msk [tilespmem:v8+s12+$0x0], $0xffff  }
0x1bb: {  	vm7 =	vgt.f32 v9, $4.000000000e+00;
	v6 =	vor.u32 v0, v6;
	v9 =	vsel vm6, $0x10, v13  }
0x1bc: {  	vm6 =	vmand vm8, vm9;
	v13 =	vor.u32 $0x1, v6;
	v9 =	vsel vm7, v10, v9  }
0x1bd: {  	v4 =	vor.u32 v4, v7;
	v15 =	vor.u32 $0x2, v6;
	v7 =	vsel vm6, $0x2, v9  }
0x1be: {  	v16 =	vor.u32 $0x3, v6;
	vm7 =	vlt.f32 v11, $8.000000000e+01;
	v4 =	vor.u32 v4, v7  }
0x1bf: {  	s24 =	simm.s32 $0x20;
	v10 =	vsub.f32 v11, v5;
	v9 =	vsel vm7, $0x41B80000, v3;
	vm6 =	vlt.f32 v12, v8  }
0x1c0: {  	v9 =	vadd.f32 v9, v11;
	v7 =	vld.idx.msk [tilespmem:v6+s12+$0x0], $0xffff;
	v11 =	vsub.f32 v12, v8;
	v8 =	vmov s24  }
0x1c1: {  	v6 =	vld.idx.msk [tilespmem:v13+s12+$0x0], $0xffff;
	v8 =	vshll.u32 v8, $0x4  }
0x1c2: {  	v5 =	vsub.f32 v5, v9;
	v9 =	vand.u32 $0x7FFFFFFF, v10;
	v14 =	vor.u32 v0, v8  }
0x1c3: {  	v10 =	vsel vm6, $0x4, v2;
	v17 =	vand.u32 $0x7FFFFFFF, v11;
	v8 =	vld.idx.msk [tilespmem:v16+s12+$0x0], $0xffff;
	v13 =	vor.u32 $0x1, v14  }
0x1c4: {  	v11 =	vld.idx.msk [tilespmem:v15+s12+$0x0], $0xffff;
	vm6 =	vle.f32 v9, $2.500000000e+01;
	v9 =	vor.u32 $0x3, v14;
	vm7 =	vlt.f32 v5, $-2.000000000e+00  }
0x1c5: {  	vm9 =	vgt.f32 v5, $2.000000000e+00;
	v5 =	vor.u32 $0x2, v14;
	v18 =	vsel vm7, $0x8, v1  }
0x1c6: {  	vm7 =	vgt.f32 v17, $4.000000000e+00;
	v12 =	vsub.f32 v6, v7;
	vm8 =	vlt.f32 v6, $8.000000000e+01  }
0x1c7: {  	s22 =	simm.s32 $0x30;
	v15 =	vsel vm9, $0x10, v18;
	v16 =	vsel vm8, $0x41B80000, v3;
	vm8 =	vle.f32 v17, $8.000000000e+00  }
.LBB2_22:
0x1c8: {  	p0 =	sne.s32 s22, $0x3F0;
	v17 =	vld.idx.msk [tilespmem:v14+s12+$0x0], $0xffff;
	v14 =	vadd.f32 v16, v6;
	vm6 =	vmand vm6, vm8;
	v10 =	vsel vm7, v10, v15;
	s23 =	smov.u32 s22;
	s22 =	sadd.s32 $0x10, s22  }
0x1c9: {  	v15 =	vsub.f32 v8, v11;
	vm7 =	vlt.f32 v8, v11;
	v6 =	vld.idx.msk [tilespmem:v13+s12+$0x0], $0xffff;
	v10 =	vsel vm6, $0x2, v10  }
0x1ca: {  	v11 =	vmov s23;
	v8 =	vld.idx.msk [tilespmem:v9+s12+$0x0], $0xffff;
	v7 =	vsub.f32 v7, v14;
	v4 =	vor.u32 v4, v10  }
0x1cb: {  	v12 =	vand.u32 $0x7FFFFFFF, v12;
	v9 =	vshll.u32 v11, $0x4;
	v10 =	vsel vm7, $0x4, v2;
	v11 =	vld.idx.msk [tilespmem:v5+s12+$0x0], $0xffff  }
.Ltmp10:
0x1cc: {  	v14 =	vor.u32 v0, v9;
	vm9 =	vgt.f32 v7, $2.000000000e+00;
	vm7 =	vlt.f32 v7, $-2.000000000e+00;
	(pc) =	sbr.rel @p0 .LBB2_22-.Ltmp10, $4  }
0x1cd: {  	vm6 =	vle.f32 v12, $2.500000000e+01;
	v13 =	vor.u32 $0x1, v14;
	v5 =	vor.u32 $0x2, v14  }
0x1ce: {  	v15 =	vand.u32 $0x7FFFFFFF, v15;
	v9 =	vor.u32 $0x3, v14;
	v18 =	vsel vm7, $0x8, v1;
	v7 =	vmovc v17  }
0x1cf: {  	vm7 =	vgt.f32 v15, $4.000000000e+00;
	vm8 =	vlt.f32 v6, $8.000000000e+01;
	v12 =	vsub.f32 v6, v7  }
0x1d0: {  	v16 =	vsel vm8, $0x41B80000, v3;
	vm8 =	vle.f32 v15, $8.000000000e+00;
	v15 =	vsel vm9, $0x10, v18  }
0x1d1: {  	_ =	sdelay $0x1  }
0x1d2: {  	v6 =	vadd.f32 v16, v6  }
0x1d3: {  	vm6 =	vmand vm6, vm8;
	v10 =	vsel vm7, v10, v15;
	v15 =	vsub.f32 v8, v11  }
0x1d4: {  	v13 =	vld.idx.msk [tilespmem:v13+s12+$0x0], $0xffff;
	v10 =	vsel vm6, $0x2, v10;
	vm6 =	vlt.f32 v8, v11;
	v6 =	vsub.f32 v7, v6  }
0x1d5: {  	v14 =	vld.idx.msk [tilespmem:v14+s12+$0x0], $0xffff;
	s22 =	simm.s32 $0x0;
	v4 =	vor.u32 v4, v10;
	v7 =	vand.u32 $0x7FFFFFFF, v12;
	v8 =	vsel vm6, $0x4, v2  }
0x1d6: {  	v10 =	vmov s22;
	vm8 =	vle.f32 v7, $2.500000000e+01;
	v7 =	vand.u32 $0x7FFFFFFF, v15  }
0x1d7: {  	v9 =	vld.idx.msk [tilespmem:v9+s12+$0x0], $0xffff;
	vm6 =	vgt.f32 v6, $2.000000000e+00;
	vm7 =	vlt.f32 v6, $-2.000000000e+00;
	v6 =	vshll.u32 v10, $0x4  }
0x1d8: {  	v5 =	vld.idx.msk [tilespmem:v5+s12+$0x0], $0xffff;
	vm9 =	vgt.f32 v7, $4.000000000e+00;
	v6 =	vor.u32 v0, v6  }
0x1d9: {  	s24 =	rddreg [dreg:$0x13];
	v10 =	vsel vm7, $0x8, v1;
	vm7 =	vlt.f32 v13, $8.000000000e+01;
	v12 =	vor.u32 $0x1, v6  }
0x1da: {  	[tilespmem:s12], [sflag:$0x5] =	stream.strided.gather [hbm4b:s24+s7], $0x4000, s8, s7, $0x38;
	v11 =	vsub.f32 v13, v14;
	v15 =	vsel vm7, $0x41B80000, v3;
	vm7 =	vle.f32 v7, $8.000000000e+00;
	[tilespmem:$0x18010] =	vst v63  }
0x1db: {  	_ =	swait.ge [sflag:s19], $0x4000;
	v7 =	vsel vm6, $0x10, v10;
	v10 =	vadd.f32 v15, v13;
	v13 =	vor.u32 $0x3, v6  }
0x1dc: {  	[sflag:s19] =	ssyncset.done $0x0;
	vm6 =	vmand vm8, vm7;
	v7 =	vsel vm9, v8, v7;
	v8 =	vor.u32 $0x2, v6  }
0x1dd: {  	[sflag:s19] =	ssyncadd.s32 $0xFFFFC000;
	v15 =	vsub.f32 v9, v5;
	vm7 =	vlt.f32 v9, v5;
	v5 =	vsub.f32 v14, v10  }
0x1de: {  	v9 =	vand.u32 $0x7FFFFFFF, v11;
	v7 =	vsel vm6, $0x2, v7;
	v11 =	vld.idx.msk [tilespmem:v12+s13+$0x0], $0xffff  }
0x1df: {  	s23 =	simm.s32 $0x10;
	v10 =	vsel vm7, $0x4, v2;
	vm6 =	vgt.f32 v5, $2.000000000e+00;
	vm7 =	vlt.f32 v5, $-2.000000000e+00;
	v5 =	vld.idx.msk [tilespmem:v6+s13+$0x0], $0xffff  }
0x1e0: {  	vm8 =	vle.f32 v9, $2.500000000e+01;
	v9 =	vand.u32 $0x7FFFFFFF, v15;
	v6 =	vmov s23;
	v12 =	vld.idx.msk [tilespmem:v13+s13+$0x0], $0xffff  }
0x1e1: {  	vm9 =	vle.f32 v9, $8.000000000e+00;
	v6 =	vshll.u32 v6, $0x4;
	v13 =	vsel vm7, $0x8, v1;
	v8 =	vld.idx.msk [tilespmem:v8+s13+$0x0], $0xffff  }
0x1e2: {  	vm7 =	vgt.f32 v9, $4.000000000e+00;
	v6 =	vor.u32 v0, v6;
	v9 =	vsel vm6, $0x10, v13  }
0x1e3: {  	vm6 =	vmand vm8, vm9;
	v13 =	vor.u32 $0x1, v6;
	v9 =	vsel vm7, v10, v9  }
0x1e4: {  	v4 =	vor.u32 v4, v7;
	v15 =	vor.u32 $0x2, v6;
	v7 =	vsel vm6, $0x2, v9  }
0x1e5: {  	v16 =	vor.u32 $0x3, v6;
	vm7 =	vlt.f32 v11, $8.000000000e+01;
	v4 =	vor.u32 v4, v7  }
0x1e6: {  	s24 =	simm.s32 $0x20;
	v10 =	vsub.f32 v11, v5;
	v9 =	vsel vm7, $0x41B80000, v3;
	vm6 =	vlt.f32 v12, v8  }
0x1e7: {  	v9 =	vadd.f32 v9, v11;
	v7 =	vld.idx.msk [tilespmem:v6+s13+$0x0], $0xffff;
	v11 =	vsub.f32 v12, v8;
	v8 =	vmov s24  }
0x1e8: {  	v6 =	vld.idx.msk [tilespmem:v13+s13+$0x0], $0xffff;
	v8 =	vshll.u32 v8, $0x4  }
0x1e9: {  	v5 =	vsub.f32 v5, v9;
	v9 =	vand.u32 $0x7FFFFFFF, v10;
	v14 =	vor.u32 v0, v8  }
0x1ea: {  	v10 =	vsel vm6, $0x4, v2;
	v17 =	vand.u32 $0x7FFFFFFF, v11;
	v8 =	vld.idx.msk [tilespmem:v16+s13+$0x0], $0xffff;
	v13 =	vor.u32 $0x1, v14  }
0x1eb: {  	v11 =	vld.idx.msk [tilespmem:v15+s13+$0x0], $0xffff;
	vm6 =	vle.f32 v9, $2.500000000e+01;
	v9 =	vor.u32 $0x3, v14;
	vm7 =	vlt.f32 v5, $-2.000000000e+00  }
0x1ec: {  	vm9 =	vgt.f32 v5, $2.000000000e+00;
	v5 =	vor.u32 $0x2, v14;
	v18 =	vsel vm7, $0x8, v1  }
0x1ed: {  	vm7 =	vgt.f32 v17, $4.000000000e+00;
	v12 =	vsub.f32 v6, v7;
	vm8 =	vlt.f32 v6, $8.000000000e+01  }
0x1ee: {  	s22 =	simm.s32 $0x30;
	v15 =	vsel vm9, $0x10, v18;
	v16 =	vsel vm8, $0x41B80000, v3;
	vm8 =	vle.f32 v17, $8.000000000e+00  }
.LBB2_24:
0x1ef: {  	p0 =	sne.s32 s22, $0x3F0;
	v17 =	vld.idx.msk [tilespmem:v14+s13+$0x0], $0xffff;
	v14 =	vadd.f32 v16, v6;
	vm6 =	vmand vm6, vm8;
	v10 =	vsel vm7, v10, v15;
	s23 =	smov.u32 s22;
	s22 =	sadd.s32 $0x10, s22  }
0x1f0: {  	v15 =	vsub.f32 v8, v11;
	vm7 =	vlt.f32 v8, v11;
	v6 =	vld.idx.msk [tilespmem:v13+s13+$0x0], $0xffff;
	v10 =	vsel vm6, $0x2, v10  }
0x1f1: {  	v11 =	vmov s23;
	v8 =	vld.idx.msk [tilespmem:v9+s13+$0x0], $0xffff;
	v7 =	vsub.f32 v7, v14;
	v4 =	vor.u32 v4, v10  }
0x1f2: {  	v12 =	vand.u32 $0x7FFFFFFF, v12;
	v9 =	vshll.u32 v11, $0x4;
	v10 =	vsel vm7, $0x4, v2;
	v11 =	vld.idx.msk [tilespmem:v5+s13+$0x0], $0xffff  }
.Ltmp11:
0x1f3: {  	v14 =	vor.u32 v0, v9;
	vm9 =	vgt.f32 v7, $2.000000000e+00;
	vm7 =	vlt.f32 v7, $-2.000000000e+00;
	(pc) =	sbr.rel @p0 .LBB2_24-.Ltmp11, $4  }
0x1f4: {  	vm6 =	vle.f32 v12, $2.500000000e+01;
	v13 =	vor.u32 $0x1, v14;
	v5 =	vor.u32 $0x2, v14  }
0x1f5: {  	v15 =	vand.u32 $0x7FFFFFFF, v15;
	v9 =	vor.u32 $0x3, v14;
	v18 =	vsel vm7, $0x8, v1;
	v7 =	vmovc v17  }
0x1f6: {  	vm7 =	vgt.f32 v15, $4.000000000e+00;
	vm8 =	vlt.f32 v6, $8.000000000e+01;
	v12 =	vsub.f32 v6, v7  }
0x1f7: {  	v16 =	vsel vm8, $0x41B80000, v3;
	vm8 =	vle.f32 v15, $8.000000000e+00;
	v15 =	vsel vm9, $0x10, v18  }
0x1f8: {  	_ =	sdelay $0x1  }
0x1f9: {  	v6 =	vadd.f32 v16, v6  }
0x1fa: {  	vm6 =	vmand vm6, vm8;
	v10 =	vsel vm7, v10, v15;
	v15 =	vsub.f32 v8, v11  }
0x1fb: {  	v13 =	vld.idx.msk [tilespmem:v13+s13+$0x0], $0xffff;
	v10 =	vsel vm6, $0x2, v10;
	vm6 =	vlt.f32 v8, v11;
	v6 =	vsub.f32 v7, v6  }
0x1fc: {  	v14 =	vld.idx.msk [tilespmem:v14+s13+$0x0], $0xffff;
	s22 =	simm.s32 $0x0;
	v4 =	vor.u32 v4, v10;
	v7 =	vand.u32 $0x7FFFFFFF, v12;
	v8 =	vsel vm6, $0x4, v2  }
0x1fd: {  	v10 =	vmov s22;
	vm8 =	vle.f32 v7, $2.500000000e+01;
	v7 =	vand.u32 $0x7FFFFFFF, v15  }
0x1fe: {  	v9 =	vld.idx.msk [tilespmem:v9+s13+$0x0], $0xffff;
	vm6 =	vgt.f32 v6, $2.000000000e+00;
	vm7 =	vlt.f32 v6, $-2.000000000e+00;
	v6 =	vshll.u32 v10, $0x4  }
0x1ff: {  	v5 =	vld.idx.msk [tilespmem:v5+s13+$0x0], $0xffff;
	vm9 =	vgt.f32 v7, $4.000000000e+00;
	v6 =	vor.u32 v0, v6  }
0x200: {  	s24 =	rddreg [dreg:$0x14];
	v10 =	vsel vm7, $0x8, v1;
	vm7 =	vlt.f32 v13, $8.000000000e+01;
	v12 =	vor.u32 $0x1, v6  }
0x201: {  	[tilespmem:s13], [sflag:$0x6] =	stream.strided.gather [hbm4b:s24+s7], $0x4000, s8, s7, $0x38;
	v11 =	vsub.f32 v13, v14;
	v15 =	vsel vm7, $0x41B80000, v3;
	vm7 =	vle.f32 v7, $8.000000000e+00;
	[tilespmem:$0x18010] =	vst v63  }
0x202: {  	_ =	swait.ge [sflag:s14], $0x4000;
	v7 =	vsel vm6, $0x10, v10;
	v10 =	vadd.f32 v15, v13;
	v13 =	vor.u32 $0x3, v6  }
0x203: {  	[sflag:s14] =	ssyncset.done $0x0;
	vm6 =	vmand vm8, vm7;
	v7 =	vsel vm9, v8, v7;
	v8 =	vor.u32 $0x2, v6  }
0x204: {  	[sflag:s14] =	ssyncadd.s32 $0xFFFFC000;
	v15 =	vsub.f32 v9, v5;
	vm7 =	vlt.f32 v9, v5;
	v5 =	vsub.f32 v14, v10  }
0x205: {  	v9 =	vand.u32 $0x7FFFFFFF, v11;
	v7 =	vsel vm6, $0x2, v7;
	v11 =	vld.idx.msk [tilespmem:v12+s2+$0x0], $0xffff  }
0x206: {  	s23 =	simm.s32 $0x10;
	v10 =	vsel vm7, $0x4, v2;
	vm6 =	vgt.f32 v5, $2.000000000e+00;
	vm7 =	vlt.f32 v5, $-2.000000000e+00;
	v5 =	vld.idx.msk [tilespmem:v6+s2+$0x0], $0xffff  }
0x207: {  	vm8 =	vle.f32 v9, $2.500000000e+01;
	v9 =	vand.u32 $0x7FFFFFFF, v15;
	v6 =	vmov s23;
	v12 =	vld.idx.msk [tilespmem:v13+s2+$0x0], $0xffff  }
0x208: {  	vm9 =	vle.f32 v9, $8.000000000e+00;
	v6 =	vshll.u32 v6, $0x4;
	v13 =	vsel vm7, $0x8, v1;
	v8 =	vld.idx.msk [tilespmem:v8+s2+$0x0], $0xffff  }
0x209: {  	vm7 =	vgt.f32 v9, $4.000000000e+00;
	v6 =	vor.u32 v0, v6;
	v9 =	vsel vm6, $0x10, v13  }
0x20a: {  	vm6 =	vmand vm8, vm9;
	v13 =	vor.u32 $0x1, v6;
	v9 =	vsel vm7, v10, v9  }
0x20b: {  	v4 =	vor.u32 v4, v7;
	v15 =	vor.u32 $0x2, v6;
	v7 =	vsel vm6, $0x2, v9  }
0x20c: {  	v16 =	vor.u32 $0x3, v6;
	vm7 =	vlt.f32 v11, $8.000000000e+01;
	v4 =	vor.u32 v4, v7  }
0x20d: {  	s24 =	simm.s32 $0x20;
	v10 =	vsub.f32 v11, v5;
	v9 =	vsel vm7, $0x41B80000, v3;
	vm6 =	vlt.f32 v12, v8  }
0x20e: {  	v9 =	vadd.f32 v9, v11;
	v7 =	vld.idx.msk [tilespmem:v6+s2+$0x0], $0xffff;
	v11 =	vsub.f32 v12, v8;
	v8 =	vmov s24  }
0x20f: {  	v6 =	vld.idx.msk [tilespmem:v13+s2+$0x0], $0xffff;
	v8 =	vshll.u32 v8, $0x4  }
0x210: {  	v5 =	vsub.f32 v5, v9;
	v9 =	vand.u32 $0x7FFFFFFF, v10;
	v14 =	vor.u32 v0, v8  }
0x211: {  	v10 =	vsel vm6, $0x4, v2;
	v17 =	vand.u32 $0x7FFFFFFF, v11;
	v8 =	vld.idx.msk [tilespmem:v16+s2+$0x0], $0xffff;
	v13 =	vor.u32 $0x1, v14  }
0x212: {  	v11 =	vld.idx.msk [tilespmem:v15+s2+$0x0], $0xffff;
	vm6 =	vle.f32 v9, $2.500000000e+01;
	v9 =	vor.u32 $0x3, v14;
	vm7 =	vlt.f32 v5, $-2.000000000e+00  }
0x213: {  	vm9 =	vgt.f32 v5, $2.000000000e+00;
	v5 =	vor.u32 $0x2, v14;
	v18 =	vsel vm7, $0x8, v1  }
0x214: {  	vm7 =	vgt.f32 v17, $4.000000000e+00;
	v12 =	vsub.f32 v6, v7;
	vm8 =	vlt.f32 v6, $8.000000000e+01  }
0x215: {  	s22 =	simm.s32 $0x30;
	v15 =	vsel vm9, $0x10, v18;
	v16 =	vsel vm8, $0x41B80000, v3;
	vm8 =	vle.f32 v17, $8.000000000e+00  }
.LBB2_26:
0x216: {  	p0 =	sne.s32 s22, $0x3F0;
	v17 =	vld.idx.msk [tilespmem:v14+s2+$0x0], $0xffff;
	v14 =	vadd.f32 v16, v6;
	vm6 =	vmand vm6, vm8;
	v10 =	vsel vm7, v10, v15;
	s23 =	smov.u32 s22;
	s22 =	sadd.s32 $0x10, s22  }
0x217: {  	v15 =	vsub.f32 v8, v11;
	vm7 =	vlt.f32 v8, v11;
	v6 =	vld.idx.msk [tilespmem:v13+s2+$0x0], $0xffff;
	v10 =	vsel vm6, $0x2, v10  }
0x218: {  	v11 =	vmov s23;
	v8 =	vld.idx.msk [tilespmem:v9+s2+$0x0], $0xffff;
	v7 =	vsub.f32 v7, v14;
	v4 =	vor.u32 v4, v10  }
0x219: {  	v12 =	vand.u32 $0x7FFFFFFF, v12;
	v9 =	vshll.u32 v11, $0x4;
	v10 =	vsel vm7, $0x4, v2;
	v11 =	vld.idx.msk [tilespmem:v5+s2+$0x0], $0xffff  }
.Ltmp12:
0x21a: {  	v14 =	vor.u32 v0, v9;
	vm9 =	vgt.f32 v7, $2.000000000e+00;
	vm7 =	vlt.f32 v7, $-2.000000000e+00;
	(pc) =	sbr.rel @p0 .LBB2_26-.Ltmp12, $4  }
0x21b: {  	vm6 =	vle.f32 v12, $2.500000000e+01;
	v13 =	vor.u32 $0x1, v14;
	v5 =	vor.u32 $0x2, v14  }
0x21c: {  	v15 =	vand.u32 $0x7FFFFFFF, v15;
	v9 =	vor.u32 $0x3, v14;
	v18 =	vsel vm7, $0x8, v1;
	v7 =	vmovc v17  }
0x21d: {  	vm7 =	vgt.f32 v15, $4.000000000e+00;
	vm8 =	vlt.f32 v6, $8.000000000e+01;
	v12 =	vsub.f32 v6, v7  }
0x21e: {  	v16 =	vsel vm8, $0x41B80000, v3;
	vm8 =	vle.f32 v15, $8.000000000e+00;
	v15 =	vsel vm9, $0x10, v18  }
0x21f: {  	_ =	sdelay $0x1  }
0x220: {  	v6 =	vadd.f32 v16, v6  }
0x221: {  	vm6 =	vmand vm6, vm8;
	v10 =	vsel vm7, v10, v15;
	v15 =	vsub.f32 v8, v11  }
0x222: {  	v13 =	vld.idx.msk [tilespmem:v13+s2+$0x0], $0xffff;
	v10 =	vsel vm6, $0x2, v10;
	vm6 =	vlt.f32 v8, v11;
	v6 =	vsub.f32 v7, v6  }
0x223: {  	v14 =	vld.idx.msk [tilespmem:v14+s2+$0x0], $0xffff;
	s22 =	simm.s32 $0x0;
	v4 =	vor.u32 v4, v10;
	v7 =	vand.u32 $0x7FFFFFFF, v12;
	v8 =	vsel vm6, $0x4, v2  }
0x224: {  	v10 =	vmov s22;
	vm8 =	vle.f32 v7, $2.500000000e+01;
	v7 =	vand.u32 $0x7FFFFFFF, v15  }
0x225: {  	v9 =	vld.idx.msk [tilespmem:v9+s2+$0x0], $0xffff;
	vm6 =	vgt.f32 v6, $2.000000000e+00;
	vm7 =	vlt.f32 v6, $-2.000000000e+00;
	v6 =	vshll.u32 v10, $0x4  }
0x226: {  	v5 =	vld.idx.msk [tilespmem:v5+s2+$0x0], $0xffff;
	vm9 =	vgt.f32 v7, $4.000000000e+00;
	v6 =	vor.u32 v0, v6  }
0x227: {  	s23 =	rddreg [dreg:$0x15];
	v10 =	vsel vm7, $0x8, v1;
	vm7 =	vlt.f32 v13, $8.000000000e+01;
	v12 =	vor.u32 $0x1, v6  }
0x228: {  	[tilespmem:s22], [sflag:$0x1] =	stream.strided.gather [hbm4b:s23+s7], $0x4000, s8, s7, $0x38;
	v11 =	vsub.f32 v13, v14;
	v15 =	vsel vm7, $0x41B80000, v3;
	vm7 =	vle.f32 v7, $8.000000000e+00;
	[tilespmem:$0x18010] =	vst v63  }
0x229: {  	_ =	swait.ge [sflag:s15], $0x4000;
	v7 =	vsel vm6, $0x10, v10;
	v10 =	vadd.f32 v15, v13;
	v13 =	vor.u32 $0x3, v6  }
0x22a: {  	[sflag:s15] =	ssyncset.done $0x0;
	vm6 =	vmand vm8, vm7;
	v7 =	vsel vm9, v8, v7;
	v8 =	vor.u32 $0x2, v6  }
0x22b: {  	[sflag:s15] =	ssyncadd.s32 $0xFFFFC000;
	v15 =	vsub.f32 v9, v5;
	vm7 =	vlt.f32 v9, v5;
	v5 =	vsub.f32 v14, v10  }
0x22c: {  	v9 =	vand.u32 $0x7FFFFFFF, v11;
	v7 =	vsel vm6, $0x2, v7;
	v11 =	vld.idx.msk [tilespmem:v12+s9+$0x0], $0xffff  }
0x22d: {  	s23 =	simm.s32 $0x10;
	v10 =	vsel vm7, $0x4, v2;
	vm6 =	vgt.f32 v5, $2.000000000e+00;
	vm7 =	vlt.f32 v5, $-2.000000000e+00;
	v5 =	vld.idx.msk [tilespmem:v6+s9+$0x0], $0xffff  }
0x22e: {  	vm8 =	vle.f32 v9, $2.500000000e+01;
	v9 =	vand.u32 $0x7FFFFFFF, v15;
	v6 =	vmov s23;
	v12 =	vld.idx.msk [tilespmem:v13+s9+$0x0], $0xffff  }
0x22f: {  	vm9 =	vle.f32 v9, $8.000000000e+00;
	v6 =	vshll.u32 v6, $0x4;
	v13 =	vsel vm7, $0x8, v1;
	v8 =	vld.idx.msk [tilespmem:v8+s9+$0x0], $0xffff  }
0x230: {  	vm7 =	vgt.f32 v9, $4.000000000e+00;
	v6 =	vor.u32 v0, v6;
	v9 =	vsel vm6, $0x10, v13  }
0x231: {  	vm6 =	vmand vm8, vm9;
	v13 =	vor.u32 $0x1, v6;
	v9 =	vsel vm7, v10, v9  }
0x232: {  	v4 =	vor.u32 v4, v7;
	v15 =	vor.u32 $0x2, v6;
	v7 =	vsel vm6, $0x2, v9  }
0x233: {  	v16 =	vor.u32 $0x3, v6;
	vm7 =	vlt.f32 v11, $8.000000000e+01;
	v4 =	vor.u32 v4, v7  }
0x234: {  	s24 =	simm.s32 $0x20;
	v10 =	vsub.f32 v11, v5;
	v9 =	vsel vm7, $0x41B80000, v3;
	vm6 =	vlt.f32 v12, v8  }
0x235: {  	v9 =	vadd.f32 v9, v11;
	v7 =	vld.idx.msk [tilespmem:v6+s9+$0x0], $0xffff;
	v11 =	vsub.f32 v12, v8;
	v8 =	vmov s24  }
0x236: {  	v6 =	vld.idx.msk [tilespmem:v13+s9+$0x0], $0xffff;
	v8 =	vshll.u32 v8, $0x4  }
0x237: {  	v5 =	vsub.f32 v5, v9;
	v9 =	vand.u32 $0x7FFFFFFF, v10;
	v14 =	vor.u32 v0, v8  }
0x238: {  	v10 =	vsel vm6, $0x4, v2;
	v17 =	vand.u32 $0x7FFFFFFF, v11;
	v8 =	vld.idx.msk [tilespmem:v16+s9+$0x0], $0xffff;
	v13 =	vor.u32 $0x1, v14  }
0x239: {  	v11 =	vld.idx.msk [tilespmem:v15+s9+$0x0], $0xffff;
	vm6 =	vle.f32 v9, $2.500000000e+01;
	v9 =	vor.u32 $0x3, v14;
	vm7 =	vlt.f32 v5, $-2.000000000e+00  }
0x23a: {  	vm9 =	vgt.f32 v5, $2.000000000e+00;
	v5 =	vor.u32 $0x2, v14;
	v18 =	vsel vm7, $0x8, v1  }
0x23b: {  	vm7 =	vgt.f32 v17, $4.000000000e+00;
	v12 =	vsub.f32 v6, v7;
	vm8 =	vlt.f32 v6, $8.000000000e+01  }
0x23c: {  	s22 =	simm.s32 $0x30;
	v15 =	vsel vm9, $0x10, v18;
	v16 =	vsel vm8, $0x41B80000, v3;
	vm8 =	vle.f32 v17, $8.000000000e+00  }
.LBB2_28:
0x23d: {  	p0 =	sne.s32 s22, $0x3F0;
	v17 =	vld.idx.msk [tilespmem:v14+s9+$0x0], $0xffff;
	v14 =	vadd.f32 v16, v6;
	vm6 =	vmand vm6, vm8;
	v10 =	vsel vm7, v10, v15;
	s23 =	smov.u32 s22;
	s22 =	sadd.s32 $0x10, s22  }
0x23e: {  	v15 =	vsub.f32 v8, v11;
	vm7 =	vlt.f32 v8, v11;
	v6 =	vld.idx.msk [tilespmem:v13+s9+$0x0], $0xffff;
	v10 =	vsel vm6, $0x2, v10  }
0x23f: {  	v11 =	vmov s23;
	v8 =	vld.idx.msk [tilespmem:v9+s9+$0x0], $0xffff;
	v7 =	vsub.f32 v7, v14;
	v4 =	vor.u32 v4, v10  }
0x240: {  	v12 =	vand.u32 $0x7FFFFFFF, v12;
	v9 =	vshll.u32 v11, $0x4;
	v10 =	vsel vm7, $0x4, v2;
	v11 =	vld.idx.msk [tilespmem:v5+s9+$0x0], $0xffff  }
.Ltmp13:
0x241: {  	v14 =	vor.u32 v0, v9;
	vm9 =	vgt.f32 v7, $2.000000000e+00;
	vm7 =	vlt.f32 v7, $-2.000000000e+00;
	(pc) =	sbr.rel @p0 .LBB2_28-.Ltmp13, $4  }
0x242: {  	vm6 =	vle.f32 v12, $2.500000000e+01;
	v13 =	vor.u32 $0x1, v14;
	v5 =	vor.u32 $0x2, v14  }
0x243: {  	v15 =	vand.u32 $0x7FFFFFFF, v15;
	v9 =	vor.u32 $0x3, v14;
	v18 =	vsel vm7, $0x8, v1;
	v7 =	vmovc v17  }
0x244: {  	vm7 =	vgt.f32 v15, $4.000000000e+00;
	vm8 =	vlt.f32 v6, $8.000000000e+01;
	v12 =	vsub.f32 v6, v7  }
0x245: {  	v16 =	vsel vm8, $0x41B80000, v3;
	vm8 =	vle.f32 v15, $8.000000000e+00;
	v15 =	vsel vm9, $0x10, v18  }
0x246: {  	_ =	sdelay $0x1  }
0x247: {  	v6 =	vadd.f32 v16, v6  }
0x248: {  	vm6 =	vmand vm6, vm8;
	v10 =	vsel vm7, v10, v15;
	v15 =	vsub.f32 v8, v11  }
0x249: {  	v13 =	vld.idx.msk [tilespmem:v13+s9+$0x0], $0xffff;
	v10 =	vsel vm6, $0x2, v10;
	vm6 =	vlt.f32 v8, v11;
	v6 =	vsub.f32 v7, v6  }
0x24a: {  	v14 =	vld.idx.msk [tilespmem:v14+s9+$0x0], $0xffff;
	s22 =	simm.s32 $0x0;
	v4 =	vor.u32 v4, v10;
	v7 =	vand.u32 $0x7FFFFFFF, v12;
	v8 =	vsel vm6, $0x4, v2  }
0x24b: {  	v10 =	vmov s22;
	vm8 =	vle.f32 v7, $2.500000000e+01;
	v7 =	vand.u32 $0x7FFFFFFF, v15  }
0x24c: {  	v9 =	vld.idx.msk [tilespmem:v9+s9+$0x0], $0xffff;
	vm6 =	vgt.f32 v6, $2.000000000e+00;
	vm7 =	vlt.f32 v6, $-2.000000000e+00;
	v6 =	vshll.u32 v10, $0x4  }
0x24d: {  	v5 =	vld.idx.msk [tilespmem:v5+s9+$0x0], $0xffff;
	vm9 =	vgt.f32 v7, $4.000000000e+00;
	v6 =	vor.u32 v0, v6  }
0x24e: {  	s24 =	rddreg [dreg:$0x16];
	v10 =	vsel vm7, $0x8, v1;
	vm7 =	vlt.f32 v13, $8.000000000e+01;
	v12 =	vor.u32 $0x1, v6  }
0x24f: {  	[tilespmem:s9], [sflag:$0x2] =	stream.strided.gather [hbm4b:s24+s7], $0x4000, s8, s7, $0x38;
	v11 =	vsub.f32 v13, v14;
	v15 =	vsel vm7, $0x41B80000, v3;
	vm7 =	vle.f32 v7, $8.000000000e+00;
	[tilespmem:$0x18010] =	vst v63  }
0x250: {  	_ =	swait.ge [sflag:s16], $0x4000;
	v7 =	vsel vm6, $0x10, v10;
	v10 =	vadd.f32 v15, v13;
	v13 =	vor.u32 $0x3, v6  }
0x251: {  	[sflag:s16] =	ssyncset.done $0x0;
	vm6 =	vmand vm8, vm7;
	v7 =	vsel vm9, v8, v7;
	v8 =	vor.u32 $0x2, v6  }
0x252: {  	[sflag:s16] =	ssyncadd.s32 $0xFFFFC000;
	v15 =	vsub.f32 v9, v5;
	vm7 =	vlt.f32 v9, v5;
	v5 =	vsub.f32 v14, v10  }
0x253: {  	v9 =	vand.u32 $0x7FFFFFFF, v11;
	v7 =	vsel vm6, $0x2, v7;
	v11 =	vld.idx.msk [tilespmem:v12+s10+$0x0], $0xffff  }
0x254: {  	s23 =	simm.s32 $0x10;
	v10 =	vsel vm7, $0x4, v2;
	vm6 =	vgt.f32 v5, $2.000000000e+00;
	vm7 =	vlt.f32 v5, $-2.000000000e+00;
	v5 =	vld.idx.msk [tilespmem:v6+s10+$0x0], $0xffff  }
0x255: {  	vm8 =	vle.f32 v9, $2.500000000e+01;
	v9 =	vand.u32 $0x7FFFFFFF, v15;
	v6 =	vmov s23;
	v12 =	vld.idx.msk [tilespmem:v13+s10+$0x0], $0xffff  }
0x256: {  	vm9 =	vle.f32 v9, $8.000000000e+00;
	v6 =	vshll.u32 v6, $0x4;
	v13 =	vsel vm7, $0x8, v1;
	v8 =	vld.idx.msk [tilespmem:v8+s10+$0x0], $0xffff  }
0x257: {  	vm7 =	vgt.f32 v9, $4.000000000e+00;
	v6 =	vor.u32 v0, v6;
	v9 =	vsel vm6, $0x10, v13  }
0x258: {  	vm6 =	vmand vm8, vm9;
	v13 =	vor.u32 $0x1, v6;
	v9 =	vsel vm7, v10, v9  }
0x259: {  	v4 =	vor.u32 v4, v7;
	v15 =	vor.u32 $0x2, v6;
	v7 =	vsel vm6, $0x2, v9  }
0x25a: {  	v16 =	vor.u32 $0x3, v6;
	vm7 =	vlt.f32 v11, $8.000000000e+01;
	v4 =	vor.u32 v4, v7  }
0x25b: {  	s24 =	simm.s32 $0x20;
	v10 =	vsub.f32 v11, v5;
	v9 =	vsel vm7, $0x41B80000, v3;
	vm6 =	vlt.f32 v12, v8  }
0x25c: {  	v9 =	vadd.f32 v9, v11;
	v7 =	vld.idx.msk [tilespmem:v6+s10+$0x0], $0xffff;
	v11 =	vsub.f32 v12, v8;
	v8 =	vmov s24  }
0x25d: {  	v6 =	vld.idx.msk [tilespmem:v13+s10+$0x0], $0xffff;
	v8 =	vshll.u32 v8, $0x4  }
0x25e: {  	v5 =	vsub.f32 v5, v9;
	v9 =	vand.u32 $0x7FFFFFFF, v10;
	v14 =	vor.u32 v0, v8  }
0x25f: {  	v10 =	vsel vm6, $0x4, v2;
	v17 =	vand.u32 $0x7FFFFFFF, v11;
	v8 =	vld.idx.msk [tilespmem:v16+s10+$0x0], $0xffff;
	v13 =	vor.u32 $0x1, v14  }
0x260: {  	v11 =	vld.idx.msk [tilespmem:v15+s10+$0x0], $0xffff;
	vm6 =	vle.f32 v9, $2.500000000e+01;
	v9 =	vor.u32 $0x3, v14;
	vm7 =	vlt.f32 v5, $-2.000000000e+00  }
0x261: {  	vm9 =	vgt.f32 v5, $2.000000000e+00;
	v5 =	vor.u32 $0x2, v14;
	v18 =	vsel vm7, $0x8, v1  }
0x262: {  	vm7 =	vgt.f32 v17, $4.000000000e+00;
	v12 =	vsub.f32 v6, v7;
	vm8 =	vlt.f32 v6, $8.000000000e+01  }
0x263: {  	s22 =	simm.s32 $0x30;
	v15 =	vsel vm9, $0x10, v18;
	v16 =	vsel vm8, $0x41B80000, v3;
	vm8 =	vle.f32 v17, $8.000000000e+00  }
.LBB2_30:
0x264: {  	p0 =	sne.s32 s22, $0x3F0;
	v17 =	vld.idx.msk [tilespmem:v14+s10+$0x0], $0xffff;
	v14 =	vadd.f32 v16, v6;
	vm6 =	vmand vm6, vm8;
	v10 =	vsel vm7, v10, v15;
	s23 =	smov.u32 s22;
	s22 =	sadd.s32 $0x10, s22  }
0x265: {  	v15 =	vsub.f32 v8, v11;
	vm7 =	vlt.f32 v8, v11;
	v6 =	vld.idx.msk [tilespmem:v13+s10+$0x0], $0xffff;
	v10 =	vsel vm6, $0x2, v10  }
0x266: {  	v11 =	vmov s23;
	v8 =	vld.idx.msk [tilespmem:v9+s10+$0x0], $0xffff;
	v7 =	vsub.f32 v7, v14;
	v4 =	vor.u32 v4, v10  }
0x267: {  	v12 =	vand.u32 $0x7FFFFFFF, v12;
	v9 =	vshll.u32 v11, $0x4;
	v10 =	vsel vm7, $0x4, v2;
	v11 =	vld.idx.msk [tilespmem:v5+s10+$0x0], $0xffff  }
.Ltmp14:
0x268: {  	v14 =	vor.u32 v0, v9;
	vm9 =	vgt.f32 v7, $2.000000000e+00;
	vm7 =	vlt.f32 v7, $-2.000000000e+00;
	(pc) =	sbr.rel @p0 .LBB2_30-.Ltmp14, $4  }
0x269: {  	vm6 =	vle.f32 v12, $2.500000000e+01;
	v13 =	vor.u32 $0x1, v14;
	v5 =	vor.u32 $0x2, v14  }
0x26a: {  	v15 =	vand.u32 $0x7FFFFFFF, v15;
	v9 =	vor.u32 $0x3, v14;
	v18 =	vsel vm7, $0x8, v1;
	v7 =	vmovc v17  }
0x26b: {  	vm7 =	vgt.f32 v15, $4.000000000e+00;
	vm8 =	vlt.f32 v6, $8.000000000e+01;
	v12 =	vsub.f32 v6, v7  }
0x26c: {  	v16 =	vsel vm8, $0x41B80000, v3;
	vm8 =	vle.f32 v15, $8.000000000e+00;
	v15 =	vsel vm9, $0x10, v18  }
0x26d: {  	_ =	sdelay $0x1  }
0x26e: {  	v6 =	vadd.f32 v16, v6  }
0x26f: {  	vm6 =	vmand vm6, vm8;
	v10 =	vsel vm7, v10, v15;
	v15 =	vsub.f32 v8, v11  }
0x270: {  	v13 =	vld.idx.msk [tilespmem:v13+s10+$0x0], $0xffff;
	v10 =	vsel vm6, $0x2, v10;
	vm6 =	vlt.f32 v8, v11;
	v6 =	vsub.f32 v7, v6  }
0x271: {  	v14 =	vld.idx.msk [tilespmem:v14+s10+$0x0], $0xffff;
	s22 =	simm.s32 $0x0;
	v4 =	vor.u32 v4, v10;
	v7 =	vand.u32 $0x7FFFFFFF, v12;
	v8 =	vsel vm6, $0x4, v2  }
0x272: {  	v10 =	vmov s22;
	vm8 =	vle.f32 v7, $2.500000000e+01;
	v7 =	vand.u32 $0x7FFFFFFF, v15  }
0x273: {  	v9 =	vld.idx.msk [tilespmem:v9+s10+$0x0], $0xffff;
	vm6 =	vgt.f32 v6, $2.000000000e+00;
	vm7 =	vlt.f32 v6, $-2.000000000e+00;
	v6 =	vshll.u32 v10, $0x4  }
0x274: {  	v5 =	vld.idx.msk [tilespmem:v5+s10+$0x0], $0xffff;
	vm9 =	vgt.f32 v7, $4.000000000e+00;
	v6 =	vor.u32 v0, v6  }
0x275: {  	s24 =	rddreg [dreg:$0x17];
	v10 =	vsel vm7, $0x8, v1;
	vm7 =	vlt.f32 v13, $8.000000000e+01;
	v12 =	vor.u32 $0x1, v6  }
0x276: {  	[tilespmem:s10], [sflag:$0x3] =	stream.strided.gather [hbm4b:s24+s7], $0x4000, s8, s7, $0x38;
	v11 =	vsub.f32 v13, v14;
	v15 =	vsel vm7, $0x41B80000, v3;
	vm7 =	vle.f32 v7, $8.000000000e+00;
	[tilespmem:$0x18010] =	vst v63  }
0x277: {  	_ =	swait.ge [sflag:s17], $0x4000;
	v7 =	vsel vm6, $0x10, v10;
	v10 =	vadd.f32 v15, v13;
	v13 =	vor.u32 $0x3, v6  }
0x278: {  	[sflag:s17] =	ssyncset.done $0x0;
	vm6 =	vmand vm8, vm7;
	v7 =	vsel vm9, v8, v7;
	v8 =	vor.u32 $0x2, v6  }
0x279: {  	[sflag:s17] =	ssyncadd.s32 $0xFFFFC000;
	v15 =	vsub.f32 v9, v5;
	vm7 =	vlt.f32 v9, v5;
	v5 =	vsub.f32 v14, v10  }
0x27a: {  	v9 =	vand.u32 $0x7FFFFFFF, v11;
	v7 =	vsel vm6, $0x2, v7;
	v11 =	vld.idx.msk [tilespmem:v12+s11+$0x0], $0xffff  }
0x27b: {  	s23 =	simm.s32 $0x10;
	v10 =	vsel vm7, $0x4, v2;
	vm6 =	vgt.f32 v5, $2.000000000e+00;
	vm7 =	vlt.f32 v5, $-2.000000000e+00;
	v5 =	vld.idx.msk [tilespmem:v6+s11+$0x0], $0xffff  }
0x27c: {  	vm8 =	vle.f32 v9, $2.500000000e+01;
	v9 =	vand.u32 $0x7FFFFFFF, v15;
	v6 =	vmov s23;
	v12 =	vld.idx.msk [tilespmem:v13+s11+$0x0], $0xffff  }
0x27d: {  	vm9 =	vle.f32 v9, $8.000000000e+00;
	v6 =	vshll.u32 v6, $0x4;
	v13 =	vsel vm7, $0x8, v1;
	v8 =	vld.idx.msk [tilespmem:v8+s11+$0x0], $0xffff  }
0x27e: {  	vm7 =	vgt.f32 v9, $4.000000000e+00;
	v6 =	vor.u32 v0, v6;
	v9 =	vsel vm6, $0x10, v13  }
0x27f: {  	vm6 =	vmand vm8, vm9;
	v13 =	vor.u32 $0x1, v6;
	v9 =	vsel vm7, v10, v9  }
0x280: {  	v4 =	vor.u32 v4, v7;
	v15 =	vor.u32 $0x2, v6;
	v7 =	vsel vm6, $0x2, v9  }
0x281: {  	v16 =	vor.u32 $0x3, v6;
	vm7 =	vlt.f32 v11, $8.000000000e+01;
	v4 =	vor.u32 v4, v7  }
0x282: {  	s24 =	simm.s32 $0x20;
	v10 =	vsub.f32 v11, v5;
	v9 =	vsel vm7, $0x41B80000, v3;
	vm6 =	vlt.f32 v12, v8  }
0x283: {  	v9 =	vadd.f32 v9, v11;
	v7 =	vld.idx.msk [tilespmem:v6+s11+$0x0], $0xffff;
	v11 =	vsub.f32 v12, v8;
	v8 =	vmov s24  }
0x284: {  	v6 =	vld.idx.msk [tilespmem:v13+s11+$0x0], $0xffff;
	v8 =	vshll.u32 v8, $0x4  }
0x285: {  	v5 =	vsub.f32 v5, v9;
	v9 =	vand.u32 $0x7FFFFFFF, v10;
	v14 =	vor.u32 v0, v8  }
0x286: {  	v10 =	vsel vm6, $0x4, v2;
	v17 =	vand.u32 $0x7FFFFFFF, v11;
	v8 =	vld.idx.msk [tilespmem:v16+s11+$0x0], $0xffff;
	v13 =	vor.u32 $0x1, v14  }
0x287: {  	v11 =	vld.idx.msk [tilespmem:v15+s11+$0x0], $0xffff;
	vm6 =	vle.f32 v9, $2.500000000e+01;
	v9 =	vor.u32 $0x3, v14;
	vm7 =	vlt.f32 v5, $-2.000000000e+00  }
0x288: {  	vm9 =	vgt.f32 v5, $2.000000000e+00;
	v5 =	vor.u32 $0x2, v14;
	v18 =	vsel vm7, $0x8, v1  }
0x289: {  	vm7 =	vgt.f32 v17, $4.000000000e+00;
	v12 =	vsub.f32 v6, v7;
	vm8 =	vlt.f32 v6, $8.000000000e+01  }
0x28a: {  	s22 =	simm.s32 $0x30;
	v15 =	vsel vm9, $0x10, v18;
	v16 =	vsel vm8, $0x41B80000, v3;
	vm8 =	vle.f32 v17, $8.000000000e+00  }
.LBB2_32:
0x28b: {  	p0 =	sne.s32 s22, $0x3F0;
	v17 =	vld.idx.msk [tilespmem:v14+s11+$0x0], $0xffff;
	v14 =	vadd.f32 v16, v6;
	vm6 =	vmand vm6, vm8;
	v10 =	vsel vm7, v10, v15;
	s23 =	smov.u32 s22;
	s22 =	sadd.s32 $0x10, s22  }
0x28c: {  	v15 =	vsub.f32 v8, v11;
	vm7 =	vlt.f32 v8, v11;
	v6 =	vld.idx.msk [tilespmem:v13+s11+$0x0], $0xffff;
	v10 =	vsel vm6, $0x2, v10  }
0x28d: {  	v11 =	vmov s23;
	v8 =	vld.idx.msk [tilespmem:v9+s11+$0x0], $0xffff;
	v7 =	vsub.f32 v7, v14;
	v4 =	vor.u32 v4, v10  }
0x28e: {  	v12 =	vand.u32 $0x7FFFFFFF, v12;
	v9 =	vshll.u32 v11, $0x4;
	v10 =	vsel vm7, $0x4, v2;
	v11 =	vld.idx.msk [tilespmem:v5+s11+$0x0], $0xffff  }
.Ltmp15:
0x28f: {  	v14 =	vor.u32 v0, v9;
	vm9 =	vgt.f32 v7, $2.000000000e+00;
	vm7 =	vlt.f32 v7, $-2.000000000e+00;
	(pc) =	sbr.rel @p0 .LBB2_32-.Ltmp15, $4  }
0x290: {  	vm6 =	vle.f32 v12, $2.500000000e+01;
	v13 =	vor.u32 $0x1, v14;
	v5 =	vor.u32 $0x2, v14  }
0x291: {  	v15 =	vand.u32 $0x7FFFFFFF, v15;
	v9 =	vor.u32 $0x3, v14;
	v18 =	vsel vm7, $0x8, v1;
	v7 =	vmovc v17  }
0x292: {  	vm7 =	vgt.f32 v15, $4.000000000e+00;
	vm8 =	vlt.f32 v6, $8.000000000e+01;
	v12 =	vsub.f32 v6, v7  }
0x293: {  	v16 =	vsel vm8, $0x41B80000, v3;
	vm8 =	vle.f32 v15, $8.000000000e+00;
	v15 =	vsel vm9, $0x10, v18  }
0x294: {  	_ =	sdelay $0x1  }
0x295: {  	v6 =	vadd.f32 v16, v6  }
0x296: {  	vm6 =	vmand vm6, vm8;
	v10 =	vsel vm7, v10, v15;
	v15 =	vsub.f32 v8, v11  }
0x297: {  	v13 =	vld.idx.msk [tilespmem:v13+s11+$0x0], $0xffff;
	v10 =	vsel vm6, $0x2, v10;
	vm6 =	vlt.f32 v8, v11;
	v6 =	vsub.f32 v7, v6  }
0x298: {  	v14 =	vld.idx.msk [tilespmem:v14+s11+$0x0], $0xffff;
	s22 =	simm.s32 $0x0;
	v4 =	vor.u32 v4, v10;
	v7 =	vand.u32 $0x7FFFFFFF, v12;
	v8 =	vsel vm6, $0x4, v2  }
0x299: {  	v10 =	vmov s22;
	vm8 =	vle.f32 v7, $2.500000000e+01;
	v7 =	vand.u32 $0x7FFFFFFF, v15  }
0x29a: {  	v9 =	vld.idx.msk [tilespmem:v9+s11+$0x0], $0xffff;
	vm6 =	vgt.f32 v6, $2.000000000e+00;
	vm7 =	vlt.f32 v6, $-2.000000000e+00;
	v6 =	vshll.u32 v10, $0x4  }
0x29b: {  	v5 =	vld.idx.msk [tilespmem:v5+s11+$0x0], $0xffff;
	vm9 =	vgt.f32 v7, $4.000000000e+00;
	v6 =	vor.u32 v0, v6  }
0x29c: {  	s24 =	rddreg [dreg:$0x18];
	v10 =	vsel vm7, $0x8, v1;
	vm7 =	vlt.f32 v13, $8.000000000e+01;
	v12 =	vor.u32 $0x1, v6  }
0x29d: {  	[tilespmem:s11], [sflag:$0x4] =	stream.strided.gather [hbm4b:s24+s7], $0x4000, s8, s7, $0x38;
	v11 =	vsub.f32 v13, v14;
	v15 =	vsel vm7, $0x41B80000, v3;
	vm7 =	vle.f32 v7, $8.000000000e+00;
	[tilespmem:$0x18010] =	vst v63  }
0x29e: {  	_ =	swait.ge [sflag:s18], $0x4000;
	v7 =	vsel vm6, $0x10, v10;
	v10 =	vadd.f32 v15, v13;
	v13 =	vor.u32 $0x3, v6  }
0x29f: {  	[sflag:s18] =	ssyncset.done $0x0;
	vm6 =	vmand vm8, vm7;
	v7 =	vsel vm9, v8, v7;
	v8 =	vor.u32 $0x2, v6  }
0x2a0: {  	[sflag:s18] =	ssyncadd.s32 $0xFFFFC000;
	v15 =	vsub.f32 v9, v5;
	vm7 =	vlt.f32 v9, v5;
	v5 =	vsub.f32 v14, v10  }
0x2a1: {  	v9 =	vand.u32 $0x7FFFFFFF, v11;
	v7 =	vsel vm6, $0x2, v7;
	v11 =	vld.idx.msk [tilespmem:v12+s12+$0x0], $0xffff  }
0x2a2: {  	s23 =	simm.s32 $0x10;
	v10 =	vsel vm7, $0x4, v2;
	vm6 =	vgt.f32 v5, $2.000000000e+00;
	vm7 =	vlt.f32 v5, $-2.000000000e+00;
	v5 =	vld.idx.msk [tilespmem:v6+s12+$0x0], $0xffff  }
0x2a3: {  	vm8 =	vle.f32 v9, $2.500000000e+01;
	v9 =	vand.u32 $0x7FFFFFFF, v15;
	v6 =	vmov s23;
	v12 =	vld.idx.msk [tilespmem:v13+s12+$0x0], $0xffff  }
0x2a4: {  	vm9 =	vle.f32 v9, $8.000000000e+00;
	v6 =	vshll.u32 v6, $0x4;
	v13 =	vsel vm7, $0x8, v1;
	v8 =	vld.idx.msk [tilespmem:v8+s12+$0x0], $0xffff  }
0x2a5: {  	vm7 =	vgt.f32 v9, $4.000000000e+00;
	v6 =	vor.u32 v0, v6;
	v9 =	vsel vm6, $0x10, v13  }
0x2a6: {  	vm6 =	vmand vm8, vm9;
	v13 =	vor.u32 $0x1, v6;
	v9 =	vsel vm7, v10, v9  }
0x2a7: {  	v4 =	vor.u32 v4, v7;
	v15 =	vor.u32 $0x2, v6;
	v7 =	vsel vm6, $0x2, v9  }
0x2a8: {  	v16 =	vor.u32 $0x3, v6;
	vm7 =	vlt.f32 v11, $8.000000000e+01;
	v4 =	vor.u32 v4, v7  }
0x2a9: {  	s24 =	simm.s32 $0x20;
	v10 =	vsub.f32 v11, v5;
	v9 =	vsel vm7, $0x41B80000, v3;
	vm6 =	vlt.f32 v12, v8  }
0x2aa: {  	v9 =	vadd.f32 v9, v11;
	v7 =	vld.idx.msk [tilespmem:v6+s12+$0x0], $0xffff;
	v11 =	vsub.f32 v12, v8;
	v8 =	vmov s24  }
0x2ab: {  	v6 =	vld.idx.msk [tilespmem:v13+s12+$0x0], $0xffff;
	v8 =	vshll.u32 v8, $0x4  }
0x2ac: {  	v5 =	vsub.f32 v5, v9;
	v9 =	vand.u32 $0x7FFFFFFF, v10;
	v14 =	vor.u32 v0, v8  }
0x2ad: {  	v10 =	vsel vm6, $0x4, v2;
	v17 =	vand.u32 $0x7FFFFFFF, v11;
	v8 =	vld.idx.msk [tilespmem:v16+s12+$0x0], $0xffff;
	v13 =	vor.u32 $0x1, v14  }
0x2ae: {  	v11 =	vld.idx.msk [tilespmem:v15+s12+$0x0], $0xffff;
	vm6 =	vle.f32 v9, $2.500000000e+01;
	v9 =	vor.u32 $0x3, v14;
	vm7 =	vlt.f32 v5, $-2.000000000e+00  }
0x2af: {  	vm9 =	vgt.f32 v5, $2.000000000e+00;
	v5 =	vor.u32 $0x2, v14;
	v18 =	vsel vm7, $0x8, v1  }
0x2b0: {  	vm7 =	vgt.f32 v17, $4.000000000e+00;
	v12 =	vsub.f32 v6, v7;
	vm8 =	vlt.f32 v6, $8.000000000e+01  }
0x2b1: {  	s22 =	simm.s32 $0x30;
	v15 =	vsel vm9, $0x10, v18;
	v16 =	vsel vm8, $0x41B80000, v3;
	vm8 =	vle.f32 v17, $8.000000000e+00  }
.LBB2_34:
0x2b2: {  	p0 =	sne.s32 s22, $0x3F0;
	v17 =	vld.idx.msk [tilespmem:v14+s12+$0x0], $0xffff;
	v14 =	vadd.f32 v16, v6;
	vm6 =	vmand vm6, vm8;
	v10 =	vsel vm7, v10, v15;
	s23 =	smov.u32 s22;
	s22 =	sadd.s32 $0x10, s22  }
0x2b3: {  	v15 =	vsub.f32 v8, v11;
	vm7 =	vlt.f32 v8, v11;
	v6 =	vld.idx.msk [tilespmem:v13+s12+$0x0], $0xffff;
	v10 =	vsel vm6, $0x2, v10  }
0x2b4: {  	v11 =	vmov s23;
	v8 =	vld.idx.msk [tilespmem:v9+s12+$0x0], $0xffff;
	v7 =	vsub.f32 v7, v14;
	v4 =	vor.u32 v4, v10  }
0x2b5: {  	v12 =	vand.u32 $0x7FFFFFFF, v12;
	v9 =	vshll.u32 v11, $0x4;
	v10 =	vsel vm7, $0x4, v2;
	v11 =	vld.idx.msk [tilespmem:v5+s12+$0x0], $0xffff  }
.Ltmp16:
0x2b6: {  	v14 =	vor.u32 v0, v9;
	vm9 =	vgt.f32 v7, $2.000000000e+00;
	vm7 =	vlt.f32 v7, $-2.000000000e+00;
	(pc) =	sbr.rel @p0 .LBB2_34-.Ltmp16, $4  }
0x2b7: {  	vm6 =	vle.f32 v12, $2.500000000e+01;
	v13 =	vor.u32 $0x1, v14;
	v5 =	vor.u32 $0x2, v14  }
0x2b8: {  	v15 =	vand.u32 $0x7FFFFFFF, v15;
	v9 =	vor.u32 $0x3, v14;
	v18 =	vsel vm7, $0x8, v1;
	v7 =	vmovc v17  }
0x2b9: {  	vm7 =	vgt.f32 v15, $4.000000000e+00;
	vm8 =	vlt.f32 v6, $8.000000000e+01;
	v12 =	vsub.f32 v6, v7  }
0x2ba: {  	v16 =	vsel vm8, $0x41B80000, v3;
	vm8 =	vle.f32 v15, $8.000000000e+00;
	v15 =	vsel vm9, $0x10, v18  }
0x2bb: {  	_ =	sdelay $0x1  }
0x2bc: {  	v6 =	vadd.f32 v16, v6  }
0x2bd: {  	vm6 =	vmand vm6, vm8;
	v10 =	vsel vm7, v10, v15;
	v15 =	vsub.f32 v8, v11  }
0x2be: {  	v13 =	vld.idx.msk [tilespmem:v13+s12+$0x0], $0xffff;
	v10 =	vsel vm6, $0x2, v10;
	vm6 =	vlt.f32 v8, v11;
	v6 =	vsub.f32 v7, v6  }
0x2bf: {  	v14 =	vld.idx.msk [tilespmem:v14+s12+$0x0], $0xffff;
	s22 =	simm.s32 $0x0;
	v4 =	vor.u32 v4, v10;
	v7 =	vand.u32 $0x7FFFFFFF, v12;
	v8 =	vsel vm6, $0x4, v2  }
0x2c0: {  	v10 =	vmov s22;
	vm8 =	vle.f32 v7, $2.500000000e+01;
	v7 =	vand.u32 $0x7FFFFFFF, v15  }
0x2c1: {  	v9 =	vld.idx.msk [tilespmem:v9+s12+$0x0], $0xffff;
	vm6 =	vgt.f32 v6, $2.000000000e+00;
	vm7 =	vlt.f32 v6, $-2.000000000e+00;
	v6 =	vshll.u32 v10, $0x4  }
0x2c2: {  	v5 =	vld.idx.msk [tilespmem:v5+s12+$0x0], $0xffff;
	vm9 =	vgt.f32 v7, $4.000000000e+00;
	v6 =	vor.u32 v0, v6  }
0x2c3: {  	v10 =	vsel vm7, $0x8, v1;
	vm7 =	vlt.f32 v13, $8.000000000e+01;
	v12 =	vor.u32 $0x1, v6  }
0x2c4: {  	[tilespmem:s12], [sflag:$0x5] =	stream.strided.gather [hbm4b:s25+s7], $0x4000, s8, s7, $0x38;
	v11 =	vsub.f32 v13, v14;
	v15 =	vsel vm7, $0x41B80000, v3;
	vm7 =	vle.f32 v7, $8.000000000e+00;
	[tilespmem:$0x18010] =	vst v63  }
0x2c5: {  	_ =	swait.ge [sflag:s19], $0x4000;
	v7 =	vsel vm6, $0x10, v10;
	v10 =	vadd.f32 v15, v13;
	v13 =	vor.u32 $0x3, v6  }
0x2c6: {  	[sflag:s19] =	ssyncset.done $0x0;
	vm6 =	vmand vm8, vm7;
	v7 =	vsel vm9, v8, v7;
	v8 =	vor.u32 $0x2, v6  }
0x2c7: {  	[sflag:s19] =	ssyncadd.s32 $0xFFFFC000;
	v15 =	vsub.f32 v9, v5;
	vm7 =	vlt.f32 v9, v5;
	v5 =	vsub.f32 v14, v10  }
0x2c8: {  	v9 =	vand.u32 $0x7FFFFFFF, v11;
	v7 =	vsel vm6, $0x2, v7;
	v11 =	vld.idx.msk [tilespmem:v12+s13+$0x0], $0xffff  }
0x2c9: {  	s23 =	simm.s32 $0x10;
	v10 =	vsel vm7, $0x4, v2;
	vm6 =	vgt.f32 v5, $2.000000000e+00;
	vm7 =	vlt.f32 v5, $-2.000000000e+00;
	v5 =	vld.idx.msk [tilespmem:v6+s13+$0x0], $0xffff  }
0x2ca: {  	vm8 =	vle.f32 v9, $2.500000000e+01;
	v9 =	vand.u32 $0x7FFFFFFF, v15;
	v6 =	vmov s23;
	v12 =	vld.idx.msk [tilespmem:v13+s13+$0x0], $0xffff  }
0x2cb: {  	vm9 =	vle.f32 v9, $8.000000000e+00;
	v6 =	vshll.u32 v6, $0x4;
	v13 =	vsel vm7, $0x8, v1;
	v8 =	vld.idx.msk [tilespmem:v8+s13+$0x0], $0xffff  }
0x2cc: {  	vm7 =	vgt.f32 v9, $4.000000000e+00;
	v6 =	vor.u32 v0, v6;
	v9 =	vsel vm6, $0x10, v13  }
0x2cd: {  	vm6 =	vmand vm8, vm9;
	v13 =	vor.u32 $0x1, v6;
	v9 =	vsel vm7, v10, v9  }
0x2ce: {  	v4 =	vor.u32 v4, v7;
	v15 =	vor.u32 $0x2, v6;
	v7 =	vsel vm6, $0x2, v9  }
0x2cf: {  	v16 =	vor.u32 $0x3, v6;
	vm7 =	vlt.f32 v11, $8.000000000e+01;
	v4 =	vor.u32 v4, v7  }
0x2d0: {  	s24 =	simm.s32 $0x20;
	v10 =	vsub.f32 v11, v5;
	v9 =	vsel vm7, $0x41B80000, v3;
	vm6 =	vlt.f32 v12, v8  }
0x2d1: {  	v9 =	vadd.f32 v9, v11;
	v7 =	vld.idx.msk [tilespmem:v6+s13+$0x0], $0xffff;
	v11 =	vsub.f32 v12, v8;
	v8 =	vmov s24  }
0x2d2: {  	v6 =	vld.idx.msk [tilespmem:v13+s13+$0x0], $0xffff;
	v8 =	vshll.u32 v8, $0x4  }
0x2d3: {  	v5 =	vsub.f32 v5, v9;
	v9 =	vand.u32 $0x7FFFFFFF, v10;
	v14 =	vor.u32 v0, v8  }
0x2d4: {  	v10 =	vsel vm6, $0x4, v2;
	v17 =	vand.u32 $0x7FFFFFFF, v11;
	v8 =	vld.idx.msk [tilespmem:v16+s13+$0x0], $0xffff;
	v13 =	vor.u32 $0x1, v14  }
0x2d5: {  	v11 =	vld.idx.msk [tilespmem:v15+s13+$0x0], $0xffff;
	vm6 =	vle.f32 v9, $2.500000000e+01;
	v9 =	vor.u32 $0x3, v14;
	vm7 =	vlt.f32 v5, $-2.000000000e+00  }
0x2d6: {  	vm9 =	vgt.f32 v5, $2.000000000e+00;
	v5 =	vor.u32 $0x2, v14;
	v18 =	vsel vm7, $0x8, v1  }
0x2d7: {  	vm7 =	vgt.f32 v17, $4.000000000e+00;
	v12 =	vsub.f32 v6, v7;
	vm8 =	vlt.f32 v6, $8.000000000e+01  }
0x2d8: {  	s22 =	simm.s32 $0x30;
	v15 =	vsel vm9, $0x10, v18;
	v16 =	vsel vm8, $0x41B80000, v3;
	vm8 =	vle.f32 v17, $8.000000000e+00  }
.LBB2_36:
0x2d9: {  	p0 =	sne.s32 s22, $0x3F0;
	v17 =	vld.idx.msk [tilespmem:v14+s13+$0x0], $0xffff;
	v14 =	vadd.f32 v16, v6;
	vm6 =	vmand vm6, vm8;
	v10 =	vsel vm7, v10, v15;
	s23 =	smov.u32 s22;
	s22 =	sadd.s32 $0x10, s22  }
0x2da: {  	v15 =	vsub.f32 v8, v11;
	vm7 =	vlt.f32 v8, v11;
	v6 =	vld.idx.msk [tilespmem:v13+s13+$0x0], $0xffff;
	v10 =	vsel vm6, $0x2, v10  }
0x2db: {  	v11 =	vmov s23;
	v8 =	vld.idx.msk [tilespmem:v9+s13+$0x0], $0xffff;
	v7 =	vsub.f32 v7, v14;
	v4 =	vor.u32 v4, v10  }
0x2dc: {  	v12 =	vand.u32 $0x7FFFFFFF, v12;
	v9 =	vshll.u32 v11, $0x4;
	v10 =	vsel vm7, $0x4, v2;
	v11 =	vld.idx.msk [tilespmem:v5+s13+$0x0], $0xffff  }
.Ltmp17:
0x2dd: {  	v14 =	vor.u32 v0, v9;
	vm9 =	vgt.f32 v7, $2.000000000e+00;
	vm7 =	vlt.f32 v7, $-2.000000000e+00;
	(pc) =	sbr.rel @p0 .LBB2_36-.Ltmp17, $4  }
0x2de: {  	vm6 =	vle.f32 v12, $2.500000000e+01;
	v13 =	vor.u32 $0x1, v14;
	v5 =	vor.u32 $0x2, v14  }
0x2df: {  	v15 =	vand.u32 $0x7FFFFFFF, v15;
	v9 =	vor.u32 $0x3, v14;
	v18 =	vsel vm7, $0x8, v1;
	v7 =	vmovc v17  }
0x2e0: {  	vm7 =	vgt.f32 v15, $4.000000000e+00;
	vm8 =	vlt.f32 v6, $8.000000000e+01;
	v12 =	vsub.f32 v6, v7  }
0x2e1: {  	v16 =	vsel vm8, $0x41B80000, v3;
	vm8 =	vle.f32 v15, $8.000000000e+00;
	v15 =	vsel vm9, $0x10, v18  }
0x2e2: {  	_ =	sdelay $0x1  }
0x2e3: {  	v6 =	vadd.f32 v16, v6  }
0x2e4: {  	vm6 =	vmand vm6, vm8;
	v10 =	vsel vm7, v10, v15;
	v15 =	vsub.f32 v8, v11  }
0x2e5: {  	v13 =	vld.idx.msk [tilespmem:v13+s13+$0x0], $0xffff;
	v10 =	vsel vm6, $0x2, v10;
	vm6 =	vlt.f32 v8, v11;
	v6 =	vsub.f32 v7, v6  }
0x2e6: {  	v14 =	vld.idx.msk [tilespmem:v14+s13+$0x0], $0xffff;
	s22 =	simm.s32 $0x0;
	v4 =	vor.u32 v4, v10;
	v7 =	vand.u32 $0x7FFFFFFF, v12;
	v8 =	vsel vm6, $0x4, v2  }
0x2e7: {  	v10 =	vmov s22;
	vm8 =	vle.f32 v7, $2.500000000e+01;
	v7 =	vand.u32 $0x7FFFFFFF, v15  }
0x2e8: {  	v9 =	vld.idx.msk [tilespmem:v9+s13+$0x0], $0xffff;
	vm6 =	vgt.f32 v6, $2.000000000e+00;
	vm7 =	vlt.f32 v6, $-2.000000000e+00;
	v6 =	vshll.u32 v10, $0x4  }
0x2e9: {  	v5 =	vld.idx.msk [tilespmem:v5+s13+$0x0], $0xffff;
	vm9 =	vgt.f32 v7, $4.000000000e+00;
	v6 =	vor.u32 v0, v6  }
0x2ea: {  	v10 =	vsel vm7, $0x8, v1;
	vm7 =	vlt.f32 v13, $8.000000000e+01;
	v12 =	vor.u32 $0x1, v6  }
0x2eb: {  	[tilespmem:s13], [sflag:$0x6] =	stream.strided.gather [hbm4b:s26+s7], $0x4000, s8, s7, $0x38;
	v11 =	vsub.f32 v13, v14;
	v15 =	vsel vm7, $0x41B80000, v3;
	vm7 =	vle.f32 v7, $8.000000000e+00;
	[tilespmem:$0x18010] =	vst v63  }
0x2ec: {  	_ =	swait.ge [sflag:s14], $0x4000;
	v7 =	vsel vm6, $0x10, v10;
	v10 =	vadd.f32 v15, v13;
	v13 =	vor.u32 $0x3, v6  }
0x2ed: {  	[sflag:s14] =	ssyncset.done $0x0;
	vm6 =	vmand vm8, vm7;
	v7 =	vsel vm9, v8, v7;
	v8 =	vor.u32 $0x2, v6  }
0x2ee: {  	[sflag:s14] =	ssyncadd.s32 $0xFFFFC000;
	v15 =	vsub.f32 v9, v5;
	vm7 =	vlt.f32 v9, v5;
	v5 =	vsub.f32 v14, v10  }
0x2ef: {  	v9 =	vand.u32 $0x7FFFFFFF, v11;
	v7 =	vsel vm6, $0x2, v7;
	v11 =	vld.idx.msk [tilespmem:v12+s2+$0x0], $0xffff  }
0x2f0: {  	s23 =	simm.s32 $0x10;
	v10 =	vsel vm7, $0x4, v2;
	vm6 =	vgt.f32 v5, $2.000000000e+00;
	vm7 =	vlt.f32 v5, $-2.000000000e+00;
	v5 =	vld.idx.msk [tilespmem:v6+s2+$0x0], $0xffff  }
0x2f1: {  	vm8 =	vle.f32 v9, $2.500000000e+01;
	v9 =	vand.u32 $0x7FFFFFFF, v15;
	v6 =	vmov s23;
	v12 =	vld.idx.msk [tilespmem:v13+s2+$0x0], $0xffff  }
0x2f2: {  	vm9 =	vle.f32 v9, $8.000000000e+00;
	v6 =	vshll.u32 v6, $0x4;
	v13 =	vsel vm7, $0x8, v1;
	v8 =	vld.idx.msk [tilespmem:v8+s2+$0x0], $0xffff  }
0x2f3: {  	vm7 =	vgt.f32 v9, $4.000000000e+00;
	v6 =	vor.u32 v0, v6;
	v9 =	vsel vm6, $0x10, v13  }
0x2f4: {  	vm6 =	vmand vm8, vm9;
	v13 =	vor.u32 $0x1, v6;
	v9 =	vsel vm7, v10, v9  }
0x2f5: {  	v4 =	vor.u32 v4, v7;
	v15 =	vor.u32 $0x2, v6;
	v7 =	vsel vm6, $0x2, v9  }
0x2f6: {  	v16 =	vor.u32 $0x3, v6;
	vm7 =	vlt.f32 v11, $8.000000000e+01;
	v4 =	vor.u32 v4, v7  }
0x2f7: {  	s24 =	simm.s32 $0x20;
	v10 =	vsub.f32 v11, v5;
	v9 =	vsel vm7, $0x41B80000, v3;
	vm6 =	vlt.f32 v12, v8  }
0x2f8: {  	v9 =	vadd.f32 v9, v11;
	v7 =	vld.idx.msk [tilespmem:v6+s2+$0x0], $0xffff;
	v11 =	vsub.f32 v12, v8;
	v8 =	vmov s24  }
0x2f9: {  	v6 =	vld.idx.msk [tilespmem:v13+s2+$0x0], $0xffff;
	v8 =	vshll.u32 v8, $0x4  }
0x2fa: {  	v5 =	vsub.f32 v5, v9;
	v9 =	vand.u32 $0x7FFFFFFF, v10;
	v14 =	vor.u32 v0, v8  }
0x2fb: {  	v10 =	vsel vm6, $0x4, v2;
	v17 =	vand.u32 $0x7FFFFFFF, v11;
	v8 =	vld.idx.msk [tilespmem:v16+s2+$0x0], $0xffff;
	v13 =	vor.u32 $0x1, v14  }
0x2fc: {  	v11 =	vld.idx.msk [tilespmem:v15+s2+$0x0], $0xffff;
	vm6 =	vle.f32 v9, $2.500000000e+01;
	v9 =	vor.u32 $0x3, v14;
	vm7 =	vlt.f32 v5, $-2.000000000e+00  }
0x2fd: {  	vm9 =	vgt.f32 v5, $2.000000000e+00;
	v5 =	vor.u32 $0x2, v14;
	v18 =	vsel vm7, $0x8, v1  }
0x2fe: {  	vm7 =	vgt.f32 v17, $4.000000000e+00;
	v12 =	vsub.f32 v6, v7;
	vm8 =	vlt.f32 v6, $8.000000000e+01  }
0x2ff: {  	s22 =	simm.s32 $0x30;
	v15 =	vsel vm9, $0x10, v18;
	v16 =	vsel vm8, $0x41B80000, v3;
	vm8 =	vle.f32 v17, $8.000000000e+00  }
.LBB2_38:
0x300: {  	p0 =	sne.s32 s22, $0x3F0;
	v17 =	vld.idx.msk [tilespmem:v14+s2+$0x0], $0xffff;
	v14 =	vadd.f32 v16, v6;
	vm6 =	vmand vm6, vm8;
	v10 =	vsel vm7, v10, v15;
	s23 =	smov.u32 s22;
	s22 =	sadd.s32 $0x10, s22  }
0x301: {  	v15 =	vsub.f32 v8, v11;
	vm7 =	vlt.f32 v8, v11;
	v6 =	vld.idx.msk [tilespmem:v13+s2+$0x0], $0xffff;
	v10 =	vsel vm6, $0x2, v10  }
0x302: {  	v11 =	vmov s23;
	v8 =	vld.idx.msk [tilespmem:v9+s2+$0x0], $0xffff;
	v7 =	vsub.f32 v7, v14;
	v4 =	vor.u32 v4, v10  }
0x303: {  	v12 =	vand.u32 $0x7FFFFFFF, v12;
	v9 =	vshll.u32 v11, $0x4;
	v10 =	vsel vm7, $0x4, v2;
	v11 =	vld.idx.msk [tilespmem:v5+s2+$0x0], $0xffff  }
.Ltmp18:
0x304: {  	v14 =	vor.u32 v0, v9;
	vm9 =	vgt.f32 v7, $2.000000000e+00;
	vm7 =	vlt.f32 v7, $-2.000000000e+00;
	(pc) =	sbr.rel @p0 .LBB2_38-.Ltmp18, $4  }
0x305: {  	vm6 =	vle.f32 v12, $2.500000000e+01;
	v13 =	vor.u32 $0x1, v14;
	v5 =	vor.u32 $0x2, v14  }
0x306: {  	v15 =	vand.u32 $0x7FFFFFFF, v15;
	v9 =	vor.u32 $0x3, v14;
	v18 =	vsel vm7, $0x8, v1;
	v7 =	vmovc v17  }
0x307: {  	vm7 =	vgt.f32 v15, $4.000000000e+00;
	vm8 =	vlt.f32 v6, $8.000000000e+01;
	v12 =	vsub.f32 v6, v7  }
0x308: {  	v16 =	vsel vm8, $0x41B80000, v3;
	vm8 =	vle.f32 v15, $8.000000000e+00;
	v15 =	vsel vm9, $0x10, v18  }
0x309: {  	_ =	sdelay $0x1  }
0x30a: {  	v6 =	vadd.f32 v16, v6  }
0x30b: {  	vm6 =	vmand vm6, vm8;
	v10 =	vsel vm7, v10, v15;
	v15 =	vsub.f32 v8, v11  }
0x30c: {  	v13 =	vld.idx.msk [tilespmem:v13+s2+$0x0], $0xffff;
	v10 =	vsel vm6, $0x2, v10;
	vm6 =	vlt.f32 v8, v11;
	v6 =	vsub.f32 v7, v6  }
0x30d: {  	v14 =	vld.idx.msk [tilespmem:v14+s2+$0x0], $0xffff;
	s22 =	simm.s32 $0x0;
	v4 =	vor.u32 v4, v10;
	v7 =	vand.u32 $0x7FFFFFFF, v12;
	v8 =	vsel vm6, $0x4, v2  }
0x30e: {  	v10 =	vmov s22;
	vm8 =	vle.f32 v7, $2.500000000e+01;
	v7 =	vand.u32 $0x7FFFFFFF, v15  }
0x30f: {  	v9 =	vld.idx.msk [tilespmem:v9+s2+$0x0], $0xffff;
	vm6 =	vgt.f32 v6, $2.000000000e+00;
	vm7 =	vlt.f32 v6, $-2.000000000e+00;
	v6 =	vshll.u32 v10, $0x4  }
0x310: {  	v5 =	vld.idx.msk [tilespmem:v5+s2+$0x0], $0xffff;
	vm9 =	vgt.f32 v7, $4.000000000e+00;
	v6 =	vor.u32 v0, v6  }
0x311: {  	v10 =	vsel vm7, $0x8, v1;
	vm7 =	vlt.f32 v13, $8.000000000e+01;
	v12 =	vor.u32 $0x1, v6  }
0x312: {  	[tilespmem:s22], [sflag:$0x1] =	stream.strided.gather [hbm4b:s28+s7], $0x4000, s8, s7, $0x38;
	v11 =	vsub.f32 v13, v14;
	v15 =	vsel vm7, $0x41B80000, v3;
	vm7 =	vle.f32 v7, $8.000000000e+00;
	[tilespmem:$0x18010] =	vst v63  }
0x313: {  	_ =	swait.ge [sflag:s15], $0x4000;
	v7 =	vsel vm6, $0x10, v10;
	v10 =	vadd.f32 v15, v13;
	v13 =	vor.u32 $0x3, v6  }
0x314: {  	[sflag:s15] =	ssyncset.done $0x0;
	vm6 =	vmand vm8, vm7;
	v7 =	vsel vm9, v8, v7;
	v8 =	vor.u32 $0x2, v6  }
0x315: {  	[sflag:s15] =	ssyncadd.s32 $0xFFFFC000;
	v15 =	vsub.f32 v9, v5;
	vm7 =	vlt.f32 v9, v5;
	v5 =	vsub.f32 v14, v10  }
0x316: {  	v9 =	vand.u32 $0x7FFFFFFF, v11;
	v7 =	vsel vm6, $0x2, v7;
	v11 =	vld.idx.msk [tilespmem:v12+s9+$0x0], $0xffff  }
0x317: {  	s23 =	simm.s32 $0x10;
	v10 =	vsel vm7, $0x4, v2;
	vm6 =	vgt.f32 v5, $2.000000000e+00;
	vm7 =	vlt.f32 v5, $-2.000000000e+00;
	v5 =	vld.idx.msk [tilespmem:v6+s9+$0x0], $0xffff  }
0x318: {  	vm8 =	vle.f32 v9, $2.500000000e+01;
	v9 =	vand.u32 $0x7FFFFFFF, v15;
	v6 =	vmov s23;
	v12 =	vld.idx.msk [tilespmem:v13+s9+$0x0], $0xffff  }
0x319: {  	vm9 =	vle.f32 v9, $8.000000000e+00;
	v6 =	vshll.u32 v6, $0x4;
	v13 =	vsel vm7, $0x8, v1;
	v8 =	vld.idx.msk [tilespmem:v8+s9+$0x0], $0xffff  }
0x31a: {  	vm7 =	vgt.f32 v9, $4.000000000e+00;
	v6 =	vor.u32 v0, v6;
	v9 =	vsel vm6, $0x10, v13  }
0x31b: {  	vm6 =	vmand vm8, vm9;
	v13 =	vor.u32 $0x1, v6;
	v9 =	vsel vm7, v10, v9  }
0x31c: {  	v4 =	vor.u32 v4, v7;
	v15 =	vor.u32 $0x2, v6;
	v7 =	vsel vm6, $0x2, v9  }
0x31d: {  	v16 =	vor.u32 $0x3, v6;
	vm7 =	vlt.f32 v11, $8.000000000e+01;
	v4 =	vor.u32 v4, v7  }
0x31e: {  	s24 =	simm.s32 $0x20;
	v10 =	vsub.f32 v11, v5;
	v9 =	vsel vm7, $0x41B80000, v3;
	vm6 =	vlt.f32 v12, v8  }
0x31f: {  	v9 =	vadd.f32 v9, v11;
	v7 =	vld.idx.msk [tilespmem:v6+s9+$0x0], $0xffff;
	v11 =	vsub.f32 v12, v8;
	v8 =	vmov s24  }
0x320: {  	v6 =	vld.idx.msk [tilespmem:v13+s9+$0x0], $0xffff;
	v8 =	vshll.u32 v8, $0x4  }
0x321: {  	v5 =	vsub.f32 v5, v9;
	v9 =	vand.u32 $0x7FFFFFFF, v10;
	v14 =	vor.u32 v0, v8  }
0x322: {  	v10 =	vsel vm6, $0x4, v2;
	v17 =	vand.u32 $0x7FFFFFFF, v11;
	v8 =	vld.idx.msk [tilespmem:v16+s9+$0x0], $0xffff;
	v13 =	vor.u32 $0x1, v14  }
0x323: {  	v11 =	vld.idx.msk [tilespmem:v15+s9+$0x0], $0xffff;
	vm6 =	vle.f32 v9, $2.500000000e+01;
	v9 =	vor.u32 $0x3, v14;
	vm7 =	vlt.f32 v5, $-2.000000000e+00  }
0x324: {  	vm9 =	vgt.f32 v5, $2.000000000e+00;
	v5 =	vor.u32 $0x2, v14;
	v18 =	vsel vm7, $0x8, v1  }
0x325: {  	vm7 =	vgt.f32 v17, $4.000000000e+00;
	v12 =	vsub.f32 v6, v7;
	vm8 =	vlt.f32 v6, $8.000000000e+01  }
0x326: {  	s22 =	simm.s32 $0x30;
	v15 =	vsel vm9, $0x10, v18;
	v16 =	vsel vm8, $0x41B80000, v3;
	vm8 =	vle.f32 v17, $8.000000000e+00  }
.LBB2_40:
0x327: {  	p0 =	sne.s32 s22, $0x3F0;
	v17 =	vld.idx.msk [tilespmem:v14+s9+$0x0], $0xffff;
	v14 =	vadd.f32 v16, v6;
	vm6 =	vmand vm6, vm8;
	v10 =	vsel vm7, v10, v15;
	s23 =	smov.u32 s22;
	s22 =	sadd.s32 $0x10, s22  }
0x328: {  	v15 =	vsub.f32 v8, v11;
	vm7 =	vlt.f32 v8, v11;
	v6 =	vld.idx.msk [tilespmem:v13+s9+$0x0], $0xffff;
	v10 =	vsel vm6, $0x2, v10  }
0x329: {  	v11 =	vmov s23;
	v8 =	vld.idx.msk [tilespmem:v9+s9+$0x0], $0xffff;
	v7 =	vsub.f32 v7, v14;
	v4 =	vor.u32 v4, v10  }
0x32a: {  	v12 =	vand.u32 $0x7FFFFFFF, v12;
	v9 =	vshll.u32 v11, $0x4;
	v10 =	vsel vm7, $0x4, v2;
	v11 =	vld.idx.msk [tilespmem:v5+s9+$0x0], $0xffff  }
.Ltmp19:
0x32b: {  	v14 =	vor.u32 v0, v9;
	vm9 =	vgt.f32 v7, $2.000000000e+00;
	vm7 =	vlt.f32 v7, $-2.000000000e+00;
	(pc) =	sbr.rel @p0 .LBB2_40-.Ltmp19, $4  }
0x32c: {  	vm6 =	vle.f32 v12, $2.500000000e+01;
	v13 =	vor.u32 $0x1, v14;
	v5 =	vor.u32 $0x2, v14  }
0x32d: {  	v15 =	vand.u32 $0x7FFFFFFF, v15;
	v9 =	vor.u32 $0x3, v14;
	v18 =	vsel vm7, $0x8, v1;
	v7 =	vmovc v17  }
0x32e: {  	vm7 =	vgt.f32 v15, $4.000000000e+00;
	vm8 =	vlt.f32 v6, $8.000000000e+01;
	v12 =	vsub.f32 v6, v7  }
0x32f: {  	v16 =	vsel vm8, $0x41B80000, v3;
	vm8 =	vle.f32 v15, $8.000000000e+00;
	v15 =	vsel vm9, $0x10, v18  }
0x330: {  	_ =	sdelay $0x1  }
0x331: {  	v6 =	vadd.f32 v16, v6  }
0x332: {  	vm6 =	vmand vm6, vm8;
	v10 =	vsel vm7, v10, v15;
	v15 =	vsub.f32 v8, v11  }
0x333: {  	v13 =	vld.idx.msk [tilespmem:v13+s9+$0x0], $0xffff;
	v10 =	vsel vm6, $0x2, v10;
	vm6 =	vlt.f32 v8, v11;
	v6 =	vsub.f32 v7, v6  }
0x334: {  	v14 =	vld.idx.msk [tilespmem:v14+s9+$0x0], $0xffff;
	s22 =	simm.s32 $0x0;
	v4 =	vor.u32 v4, v10;
	v7 =	vand.u32 $0x7FFFFFFF, v12;
	v8 =	vsel vm6, $0x4, v2  }
0x335: {  	v10 =	vmov s22;
	vm8 =	vle.f32 v7, $2.500000000e+01;
	v7 =	vand.u32 $0x7FFFFFFF, v15  }
0x336: {  	v9 =	vld.idx.msk [tilespmem:v9+s9+$0x0], $0xffff;
	vm6 =	vgt.f32 v6, $2.000000000e+00;
	vm7 =	vlt.f32 v6, $-2.000000000e+00;
	v6 =	vshll.u32 v10, $0x4  }
0x337: {  	v5 =	vld.idx.msk [tilespmem:v5+s9+$0x0], $0xffff;
	vm9 =	vgt.f32 v7, $4.000000000e+00;
	v6 =	vor.u32 v0, v6  }
0x338: {  	v10 =	vsel vm7, $0x8, v1;
	vm7 =	vlt.f32 v13, $8.000000000e+01;
	v12 =	vor.u32 $0x1, v6  }
0x339: {  	[tilespmem:s9], [sflag:$0x2] =	stream.strided.gather [hbm4b:s29+s7], $0x4000, s8, s7, $0x38;
	v11 =	vsub.f32 v13, v14;
	v15 =	vsel vm7, $0x41B80000, v3;
	vm7 =	vle.f32 v7, $8.000000000e+00;
	[tilespmem:$0x18010] =	vst v63  }
0x33a: {  	_ =	swait.ge [sflag:s16], $0x4000;
	v7 =	vsel vm6, $0x10, v10;
	v10 =	vadd.f32 v15, v13;
	v13 =	vor.u32 $0x3, v6  }
0x33b: {  	[sflag:s16] =	ssyncset.done $0x0;
	vm6 =	vmand vm8, vm7;
	v7 =	vsel vm9, v8, v7;
	v8 =	vor.u32 $0x2, v6  }
0x33c: {  	[sflag:s16] =	ssyncadd.s32 $0xFFFFC000;
	v15 =	vsub.f32 v9, v5;
	vm7 =	vlt.f32 v9, v5;
	v5 =	vsub.f32 v14, v10  }
0x33d: {  	v9 =	vand.u32 $0x7FFFFFFF, v11;
	v7 =	vsel vm6, $0x2, v7;
	v11 =	vld.idx.msk [tilespmem:v12+s10+$0x0], $0xffff  }
0x33e: {  	s23 =	simm.s32 $0x10;
	v10 =	vsel vm7, $0x4, v2;
	vm6 =	vgt.f32 v5, $2.000000000e+00;
	vm7 =	vlt.f32 v5, $-2.000000000e+00;
	v5 =	vld.idx.msk [tilespmem:v6+s10+$0x0], $0xffff  }
0x33f: {  	vm8 =	vle.f32 v9, $2.500000000e+01;
	v9 =	vand.u32 $0x7FFFFFFF, v15;
	v6 =	vmov s23;
	v12 =	vld.idx.msk [tilespmem:v13+s10+$0x0], $0xffff  }
0x340: {  	vm9 =	vle.f32 v9, $8.000000000e+00;
	v6 =	vshll.u32 v6, $0x4;
	v13 =	vsel vm7, $0x8, v1;
	v8 =	vld.idx.msk [tilespmem:v8+s10+$0x0], $0xffff  }
0x341: {  	vm7 =	vgt.f32 v9, $4.000000000e+00;
	v6 =	vor.u32 v0, v6;
	v9 =	vsel vm6, $0x10, v13  }
0x342: {  	vm6 =	vmand vm8, vm9;
	v13 =	vor.u32 $0x1, v6;
	v9 =	vsel vm7, v10, v9  }
0x343: {  	v4 =	vor.u32 v4, v7;
	v15 =	vor.u32 $0x2, v6;
	v7 =	vsel vm6, $0x2, v9  }
0x344: {  	v16 =	vor.u32 $0x3, v6;
	vm7 =	vlt.f32 v11, $8.000000000e+01;
	v4 =	vor.u32 v4, v7  }
0x345: {  	s24 =	simm.s32 $0x20;
	v10 =	vsub.f32 v11, v5;
	v9 =	vsel vm7, $0x41B80000, v3;
	vm6 =	vlt.f32 v12, v8  }
0x346: {  	v9 =	vadd.f32 v9, v11;
	v7 =	vld.idx.msk [tilespmem:v6+s10+$0x0], $0xffff;
	v11 =	vsub.f32 v12, v8;
	v8 =	vmov s24  }
0x347: {  	v6 =	vld.idx.msk [tilespmem:v13+s10+$0x0], $0xffff;
	v8 =	vshll.u32 v8, $0x4  }
0x348: {  	v5 =	vsub.f32 v5, v9;
	v9 =	vand.u32 $0x7FFFFFFF, v10;
	v14 =	vor.u32 v0, v8  }
0x349: {  	v10 =	vsel vm6, $0x4, v2;
	v17 =	vand.u32 $0x7FFFFFFF, v11;
	v8 =	vld.idx.msk [tilespmem:v16+s10+$0x0], $0xffff;
	v13 =	vor.u32 $0x1, v14  }
0x34a: {  	v11 =	vld.idx.msk [tilespmem:v15+s10+$0x0], $0xffff;
	vm6 =	vle.f32 v9, $2.500000000e+01;
	v9 =	vor.u32 $0x3, v14;
	vm7 =	vlt.f32 v5, $-2.000000000e+00  }
0x34b: {  	vm9 =	vgt.f32 v5, $2.000000000e+00;
	v5 =	vor.u32 $0x2, v14;
	v18 =	vsel vm7, $0x8, v1  }
0x34c: {  	vm7 =	vgt.f32 v17, $4.000000000e+00;
	v12 =	vsub.f32 v6, v7;
	vm8 =	vlt.f32 v6, $8.000000000e+01  }
0x34d: {  	s22 =	simm.s32 $0x30;
	v15 =	vsel vm9, $0x10, v18;
	v16 =	vsel vm8, $0x41B80000, v3;
	vm8 =	vle.f32 v17, $8.000000000e+00  }
.LBB2_42:
0x34e: {  	p0 =	sne.s32 s22, $0x3F0;
	v17 =	vld.idx.msk [tilespmem:v14+s10+$0x0], $0xffff;
	v14 =	vadd.f32 v16, v6;
	vm6 =	vmand vm6, vm8;
	v10 =	vsel vm7, v10, v15;
	s23 =	smov.u32 s22;
	s22 =	sadd.s32 $0x10, s22  }
0x34f: {  	v15 =	vsub.f32 v8, v11;
	vm7 =	vlt.f32 v8, v11;
	v6 =	vld.idx.msk [tilespmem:v13+s10+$0x0], $0xffff;
	v10 =	vsel vm6, $0x2, v10  }
0x350: {  	v11 =	vmov s23;
	v8 =	vld.idx.msk [tilespmem:v9+s10+$0x0], $0xffff;
	v7 =	vsub.f32 v7, v14;
	v4 =	vor.u32 v4, v10  }
0x351: {  	v12 =	vand.u32 $0x7FFFFFFF, v12;
	v9 =	vshll.u32 v11, $0x4;
	v10 =	vsel vm7, $0x4, v2;
	v11 =	vld.idx.msk [tilespmem:v5+s10+$0x0], $0xffff  }
.Ltmp20:
0x352: {  	v14 =	vor.u32 v0, v9;
	vm9 =	vgt.f32 v7, $2.000000000e+00;
	vm7 =	vlt.f32 v7, $-2.000000000e+00;
	(pc) =	sbr.rel @p0 .LBB2_42-.Ltmp20, $4  }
0x353: {  	vm6 =	vle.f32 v12, $2.500000000e+01;
	v13 =	vor.u32 $0x1, v14;
	v5 =	vor.u32 $0x2, v14  }
0x354: {  	v15 =	vand.u32 $0x7FFFFFFF, v15;
	v9 =	vor.u32 $0x3, v14;
	v18 =	vsel vm7, $0x8, v1;
	v7 =	vmovc v17  }
0x355: {  	vm7 =	vgt.f32 v15, $4.000000000e+00;
	vm8 =	vlt.f32 v6, $8.000000000e+01;
	v12 =	vsub.f32 v6, v7  }
0x356: {  	v16 =	vsel vm8, $0x41B80000, v3;
	vm8 =	vle.f32 v15, $8.000000000e+00;
	v15 =	vsel vm9, $0x10, v18  }
0x357: {  	_ =	sdelay $0x1  }
0x358: {  	v6 =	vadd.f32 v16, v6  }
0x359: {  	vm6 =	vmand vm6, vm8;
	v10 =	vsel vm7, v10, v15;
	v15 =	vsub.f32 v8, v11  }
0x35a: {  	v13 =	vld.idx.msk [tilespmem:v13+s10+$0x0], $0xffff;
	v10 =	vsel vm6, $0x2, v10;
	vm6 =	vlt.f32 v8, v11;
	v6 =	vsub.f32 v7, v6  }
0x35b: {  	v14 =	vld.idx.msk [tilespmem:v14+s10+$0x0], $0xffff;
	s22 =	simm.s32 $0x0;
	v4 =	vor.u32 v4, v10;
	v7 =	vand.u32 $0x7FFFFFFF, v12;
	v8 =	vsel vm6, $0x4, v2  }
0x35c: {  	v10 =	vmov s22;
	vm8 =	vle.f32 v7, $2.500000000e+01;
	v7 =	vand.u32 $0x7FFFFFFF, v15  }
0x35d: {  	v9 =	vld.idx.msk [tilespmem:v9+s10+$0x0], $0xffff;
	vm6 =	vgt.f32 v6, $2.000000000e+00;
	vm7 =	vlt.f32 v6, $-2.000000000e+00;
	v6 =	vshll.u32 v10, $0x4  }
0x35e: {  	v5 =	vld.idx.msk [tilespmem:v5+s10+$0x0], $0xffff;
	vm9 =	vgt.f32 v7, $4.000000000e+00;
	v6 =	vor.u32 v0, v6  }
0x35f: {  	v10 =	vsel vm7, $0x8, v1;
	vm7 =	vlt.f32 v13, $8.000000000e+01;
	v12 =	vor.u32 $0x1, v6  }
0x360: {  	[tilespmem:s10], [sflag:$0x3] =	stream.strided.gather [hbm4b:s30+s7], $0x4000, s8, s7, $0x38;
	v11 =	vsub.f32 v13, v14;
	v15 =	vsel vm7, $0x41B80000, v3;
	vm7 =	vle.f32 v7, $8.000000000e+00;
	[tilespmem:$0x18010] =	vst v63  }
0x361: {  	_ =	swait.ge [sflag:s17], $0x4000;
	v7 =	vsel vm6, $0x10, v10;
	v10 =	vadd.f32 v15, v13;
	v13 =	vor.u32 $0x3, v6  }
0x362: {  	[sflag:s17] =	ssyncset.done $0x0;
	vm6 =	vmand vm8, vm7;
	v7 =	vsel vm9, v8, v7;
	v8 =	vor.u32 $0x2, v6  }
0x363: {  	[sflag:s17] =	ssyncadd.s32 $0xFFFFC000;
	v15 =	vsub.f32 v9, v5;
	vm7 =	vlt.f32 v9, v5;
	v5 =	vsub.f32 v14, v10  }
0x364: {  	v9 =	vand.u32 $0x7FFFFFFF, v11;
	v7 =	vsel vm6, $0x2, v7;
	v11 =	vld.idx.msk [tilespmem:v12+s11+$0x0], $0xffff  }
0x365: {  	s23 =	simm.s32 $0x10;
	v10 =	vsel vm7, $0x4, v2;
	vm6 =	vgt.f32 v5, $2.000000000e+00;
	vm7 =	vlt.f32 v5, $-2.000000000e+00;
	v5 =	vld.idx.msk [tilespmem:v6+s11+$0x0], $0xffff  }
0x366: {  	vm8 =	vle.f32 v9, $2.500000000e+01;
	v9 =	vand.u32 $0x7FFFFFFF, v15;
	v6 =	vmov s23;
	v12 =	vld.idx.msk [tilespmem:v13+s11+$0x0], $0xffff  }
0x367: {  	vm9 =	vle.f32 v9, $8.000000000e+00;
	v6 =	vshll.u32 v6, $0x4;
	v13 =	vsel vm7, $0x8, v1;
	v8 =	vld.idx.msk [tilespmem:v8+s11+$0x0], $0xffff  }
0x368: {  	vm7 =	vgt.f32 v9, $4.000000000e+00;
	v6 =	vor.u32 v0, v6;
	v9 =	vsel vm6, $0x10, v13  }
0x369: {  	vm6 =	vmand vm8, vm9;
	v13 =	vor.u32 $0x1, v6;
	v9 =	vsel vm7, v10, v9  }
0x36a: {  	v4 =	vor.u32 v4, v7;
	v15 =	vor.u32 $0x2, v6;
	v7 =	vsel vm6, $0x2, v9  }
0x36b: {  	v16 =	vor.u32 $0x3, v6;
	vm7 =	vlt.f32 v11, $8.000000000e+01;
	v4 =	vor.u32 v4, v7  }
0x36c: {  	s24 =	simm.s32 $0x20;
	v10 =	vsub.f32 v11, v5;
	v9 =	vsel vm7, $0x41B80000, v3;
	vm6 =	vlt.f32 v12, v8  }
0x36d: {  	v9 =	vadd.f32 v9, v11;
	v7 =	vld.idx.msk [tilespmem:v6+s11+$0x0], $0xffff;
	v11 =	vsub.f32 v12, v8;
	v8 =	vmov s24  }
0x36e: {  	v6 =	vld.idx.msk [tilespmem:v13+s11+$0x0], $0xffff;
	v8 =	vshll.u32 v8, $0x4  }
0x36f: {  	v5 =	vsub.f32 v5, v9;
	v9 =	vand.u32 $0x7FFFFFFF, v10;
	v14 =	vor.u32 v0, v8  }
0x370: {  	v10 =	vsel vm6, $0x4, v2;
	v17 =	vand.u32 $0x7FFFFFFF, v11;
	v8 =	vld.idx.msk [tilespmem:v16+s11+$0x0], $0xffff;
	v13 =	vor.u32 $0x1, v14  }
0x371: {  	v11 =	vld.idx.msk [tilespmem:v15+s11+$0x0], $0xffff;
	vm6 =	vle.f32 v9, $2.500000000e+01;
	v9 =	vor.u32 $0x3, v14;
	vm7 =	vlt.f32 v5, $-2.000000000e+00  }
0x372: {  	vm9 =	vgt.f32 v5, $2.000000000e+00;
	v5 =	vor.u32 $0x2, v14;
	v18 =	vsel vm7, $0x8, v1  }
0x373: {  	vm7 =	vgt.f32 v17, $4.000000000e+00;
	v12 =	vsub.f32 v6, v7;
	vm8 =	vlt.f32 v6, $8.000000000e+01  }
0x374: {  	s22 =	simm.s32 $0x30;
	v15 =	vsel vm9, $0x10, v18;
	v16 =	vsel vm8, $0x41B80000, v3;
	vm8 =	vle.f32 v17, $8.000000000e+00  }
.LBB2_44:
0x375: {  	p0 =	sne.s32 s22, $0x3F0;
	v17 =	vld.idx.msk [tilespmem:v14+s11+$0x0], $0xffff;
	v14 =	vadd.f32 v16, v6;
	vm6 =	vmand vm6, vm8;
	v10 =	vsel vm7, v10, v15;
	s23 =	smov.u32 s22;
	s22 =	sadd.s32 $0x10, s22  }
0x376: {  	v15 =	vsub.f32 v8, v11;
	vm7 =	vlt.f32 v8, v11;
	v6 =	vld.idx.msk [tilespmem:v13+s11+$0x0], $0xffff;
	v10 =	vsel vm6, $0x2, v10  }
0x377: {  	v11 =	vmov s23;
	v8 =	vld.idx.msk [tilespmem:v9+s11+$0x0], $0xffff;
	v7 =	vsub.f32 v7, v14;
	v4 =	vor.u32 v4, v10  }
0x378: {  	v12 =	vand.u32 $0x7FFFFFFF, v12;
	v9 =	vshll.u32 v11, $0x4;
	v10 =	vsel vm7, $0x4, v2;
	v11 =	vld.idx.msk [tilespmem:v5+s11+$0x0], $0xffff  }
.Ltmp21:
0x379: {  	v14 =	vor.u32 v0, v9;
	vm9 =	vgt.f32 v7, $2.000000000e+00;
	vm7 =	vlt.f32 v7, $-2.000000000e+00;
	(pc) =	sbr.rel @p0 .LBB2_44-.Ltmp21, $4  }
0x37a: {  	vm6 =	vle.f32 v12, $2.500000000e+01;
	v13 =	vor.u32 $0x1, v14;
	v5 =	vor.u32 $0x2, v14  }
0x37b: {  	v15 =	vand.u32 $0x7FFFFFFF, v15;
	v9 =	vor.u32 $0x3, v14;
	v18 =	vsel vm7, $0x8, v1;
	v7 =	vmovc v17  }
0x37c: {  	vm7 =	vgt.f32 v15, $4.000000000e+00;
	vm8 =	vlt.f32 v6, $8.000000000e+01;
	v12 =	vsub.f32 v6, v7  }
0x37d: {  	v16 =	vsel vm8, $0x41B80000, v3;
	vm8 =	vle.f32 v15, $8.000000000e+00;
	v15 =	vsel vm9, $0x10, v18  }
0x37e: {  	_ =	sdelay $0x1  }
0x37f: {  	v6 =	vadd.f32 v16, v6  }
0x380: {  	vm6 =	vmand vm6, vm8;
	v10 =	vsel vm7, v10, v15;
	v15 =	vsub.f32 v8, v11  }
0x381: {  	v13 =	vld.idx.msk [tilespmem:v13+s11+$0x0], $0xffff;
	v10 =	vsel vm6, $0x2, v10;
	vm6 =	vlt.f32 v8, v11;
	v6 =	vsub.f32 v7, v6  }
0x382: {  	v14 =	vld.idx.msk [tilespmem:v14+s11+$0x0], $0xffff;
	s22 =	simm.s32 $0x0;
	v4 =	vor.u32 v4, v10;
	v7 =	vand.u32 $0x7FFFFFFF, v12;
	v8 =	vsel vm6, $0x4, v2  }
0x383: {  	v10 =	vmov s22;
	vm8 =	vle.f32 v7, $2.500000000e+01;
	v7 =	vand.u32 $0x7FFFFFFF, v15  }
0x384: {  	v9 =	vld.idx.msk [tilespmem:v9+s11+$0x0], $0xffff;
	vm6 =	vgt.f32 v6, $2.000000000e+00;
	vm7 =	vlt.f32 v6, $-2.000000000e+00;
	v6 =	vshll.u32 v10, $0x4  }
0x385: {  	v5 =	vld.idx.msk [tilespmem:v5+s11+$0x0], $0xffff;
	vm9 =	vgt.f32 v7, $4.000000000e+00;
	v6 =	vor.u32 v0, v6  }
0x386: {  	v10 =	vsel vm7, $0x8, v1;
	vm7 =	vlt.f32 v13, $8.000000000e+01;
	v12 =	vor.u32 $0x1, v6  }
0x387: {  	[tilespmem:s11], [sflag:$0x4] =	stream.strided.gather [hbm4b:s31+s7], $0x4000, s8, s7, $0x38;
	v11 =	vsub.f32 v13, v14;
	v15 =	vsel vm7, $0x41B80000, v3;
	vm7 =	vle.f32 v7, $8.000000000e+00;
	[tilespmem:$0x18010] =	vst v63  }
0x388: {  	_ =	swait.ge [sflag:s18], $0x4000;
	v7 =	vsel vm6, $0x10, v10;
	v10 =	vadd.f32 v15, v13;
	v13 =	vor.u32 $0x3, v6  }
0x389: {  	[sflag:s18] =	ssyncset.done $0x0;
	vm6 =	vmand vm8, vm7;
	v7 =	vsel vm9, v8, v7;
	v8 =	vor.u32 $0x2, v6  }
0x38a: {  	[sflag:s18] =	ssyncadd.s32 $0xFFFFC000;
	v15 =	vsub.f32 v9, v5;
	vm7 =	vlt.f32 v9, v5;
	v5 =	vsub.f32 v14, v10  }
0x38b: {  	v9 =	vand.u32 $0x7FFFFFFF, v11;
	v7 =	vsel vm6, $0x2, v7;
	v11 =	vld.idx.msk [tilespmem:v12+s12+$0x0], $0xffff  }
0x38c: {  	s23 =	simm.s32 $0x10;
	v10 =	vsel vm7, $0x4, v2;
	vm6 =	vgt.f32 v5, $2.000000000e+00;
	vm7 =	vlt.f32 v5, $-2.000000000e+00;
	v5 =	vld.idx.msk [tilespmem:v6+s12+$0x0], $0xffff  }
0x38d: {  	vm8 =	vle.f32 v9, $2.500000000e+01;
	v9 =	vand.u32 $0x7FFFFFFF, v15;
	v6 =	vmov s23;
	v12 =	vld.idx.msk [tilespmem:v13+s12+$0x0], $0xffff  }
0x38e: {  	vm9 =	vle.f32 v9, $8.000000000e+00;
	v6 =	vshll.u32 v6, $0x4;
	v13 =	vsel vm7, $0x8, v1;
	v8 =	vld.idx.msk [tilespmem:v8+s12+$0x0], $0xffff  }
0x38f: {  	vm7 =	vgt.f32 v9, $4.000000000e+00;
	v6 =	vor.u32 v0, v6;
	v9 =	vsel vm6, $0x10, v13  }
0x390: {  	vm6 =	vmand vm8, vm9;
	v13 =	vor.u32 $0x1, v6;
	v9 =	vsel vm7, v10, v9  }
0x391: {  	v4 =	vor.u32 v4, v7;
	v15 =	vor.u32 $0x2, v6;
	v7 =	vsel vm6, $0x2, v9  }
0x392: {  	v16 =	vor.u32 $0x3, v6;
	vm7 =	vlt.f32 v11, $8.000000000e+01;
	v4 =	vor.u32 v4, v7  }
0x393: {  	s24 =	simm.s32 $0x20;
	v10 =	vsub.f32 v11, v5;
	v9 =	vsel vm7, $0x41B80000, v3;
	vm6 =	vlt.f32 v12, v8  }
0x394: {  	v9 =	vadd.f32 v9, v11;
	v7 =	vld.idx.msk [tilespmem:v6+s12+$0x0], $0xffff;
	v11 =	vsub.f32 v12, v8;
	v8 =	vmov s24  }
0x395: {  	v6 =	vld.idx.msk [tilespmem:v13+s12+$0x0], $0xffff;
	v8 =	vshll.u32 v8, $0x4  }
0x396: {  	v5 =	vsub.f32 v5, v9;
	v9 =	vand.u32 $0x7FFFFFFF, v10;
	v14 =	vor.u32 v0, v8  }
0x397: {  	v10 =	vsel vm6, $0x4, v2;
	v17 =	vand.u32 $0x7FFFFFFF, v11;
	v8 =	vld.idx.msk [tilespmem:v16+s12+$0x0], $0xffff;
	v13 =	vor.u32 $0x1, v14  }
0x398: {  	v11 =	vld.idx.msk [tilespmem:v15+s12+$0x0], $0xffff;
	vm6 =	vle.f32 v9, $2.500000000e+01;
	v9 =	vor.u32 $0x3, v14;
	vm7 =	vlt.f32 v5, $-2.000000000e+00  }
0x399: {  	vm9 =	vgt.f32 v5, $2.000000000e+00;
	v5 =	vor.u32 $0x2, v14;
	v18 =	vsel vm7, $0x8, v1  }
0x39a: {  	vm7 =	vgt.f32 v17, $4.000000000e+00;
	v12 =	vsub.f32 v6, v7;
	vm8 =	vlt.f32 v6, $8.000000000e+01  }
0x39b: {  	s22 =	simm.s32 $0x30;
	v15 =	vsel vm9, $0x10, v18;
	v16 =	vsel vm8, $0x41B80000, v3;
	vm8 =	vle.f32 v17, $8.000000000e+00  }
.LBB2_46:
0x39c: {  	p0 =	sne.s32 s22, $0x3F0;
	v17 =	vld.idx.msk [tilespmem:v14+s12+$0x0], $0xffff;
	v14 =	vadd.f32 v16, v6;
	vm6 =	vmand vm6, vm8;
	v10 =	vsel vm7, v10, v15;
	s23 =	smov.u32 s22;
	s22 =	sadd.s32 $0x10, s22  }
0x39d: {  	v15 =	vsub.f32 v8, v11;
	vm7 =	vlt.f32 v8, v11;
	v6 =	vld.idx.msk [tilespmem:v13+s12+$0x0], $0xffff;
	v10 =	vsel vm6, $0x2, v10  }
0x39e: {  	v11 =	vmov s23;
	v8 =	vld.idx.msk [tilespmem:v9+s12+$0x0], $0xffff;
	v7 =	vsub.f32 v7, v14;
	v4 =	vor.u32 v4, v10  }
0x39f: {  	v12 =	vand.u32 $0x7FFFFFFF, v12;
	v9 =	vshll.u32 v11, $0x4;
	v10 =	vsel vm7, $0x4, v2;
	v11 =	vld.idx.msk [tilespmem:v5+s12+$0x0], $0xffff  }
.Ltmp22:
0x3a0: {  	v14 =	vor.u32 v0, v9;
	vm9 =	vgt.f32 v7, $2.000000000e+00;
	vm7 =	vlt.f32 v7, $-2.000000000e+00;
	(pc) =	sbr.rel @p0 .LBB2_46-.Ltmp22, $4  }
0x3a1: {  	vm6 =	vle.f32 v12, $2.500000000e+01;
	v13 =	vor.u32 $0x1, v14;
	v5 =	vor.u32 $0x2, v14  }
0x3a2: {  	v15 =	vand.u32 $0x7FFFFFFF, v15;
	v9 =	vor.u32 $0x3, v14;
	v18 =	vsel vm7, $0x8, v1;
	v7 =	vmovc v17  }
0x3a3: {  	vm7 =	vgt.f32 v15, $4.000000000e+00;
	vm8 =	vlt.f32 v6, $8.000000000e+01;
	v12 =	vsub.f32 v6, v7  }
0x3a4: {  	v16 =	vsel vm8, $0x41B80000, v3;
	vm8 =	vle.f32 v15, $8.000000000e+00;
	v15 =	vsel vm9, $0x10, v18  }
0x3a5: {  	_ =	sdelay $0x1  }
0x3a6: {  	v6 =	vadd.f32 v16, v6  }
0x3a7: {  	vm6 =	vmand vm6, vm8;
	v10 =	vsel vm7, v10, v15;
	v15 =	vsub.f32 v8, v11  }
0x3a8: {  	v13 =	vld.idx.msk [tilespmem:v13+s12+$0x0], $0xffff;
	v10 =	vsel vm6, $0x2, v10;
	vm6 =	vlt.f32 v8, v11;
	v6 =	vsub.f32 v7, v6  }
0x3a9: {  	v14 =	vld.idx.msk [tilespmem:v14+s12+$0x0], $0xffff;
	s22 =	simm.s32 $0x0;
	v4 =	vor.u32 v4, v10;
	v7 =	vand.u32 $0x7FFFFFFF, v12;
	v8 =	vsel vm6, $0x4, v2  }
0x3aa: {  	v10 =	vmov s22;
	vm8 =	vle.f32 v7, $2.500000000e+01;
	v7 =	vand.u32 $0x7FFFFFFF, v15  }
0x3ab: {  	v9 =	vld.idx.msk [tilespmem:v9+s12+$0x0], $0xffff;
	vm6 =	vgt.f32 v6, $2.000000000e+00;
	vm7 =	vlt.f32 v6, $-2.000000000e+00;
	v6 =	vshll.u32 v10, $0x4  }
0x3ac: {  	v5 =	vld.idx.msk [tilespmem:v5+s12+$0x0], $0xffff;
	vm9 =	vgt.f32 v7, $4.000000000e+00;
	v6 =	vor.u32 v0, v6  }
0x3ad: {  	v10 =	vsel vm7, $0x8, v1;
	vm7 =	vlt.f32 v13, $8.000000000e+01;
	v12 =	vor.u32 $0x1, v6  }
0x3ae: {  	[tilespmem:s12], [sflag:$0x5] =	stream.strided.gather [hbm4b:s0+s7], $0x4000, s8, s7, $0x38;
	v11 =	vsub.f32 v13, v14;
	v15 =	vsel vm7, $0x41B80000, v3;
	vm7 =	vle.f32 v7, $8.000000000e+00;
	[tilespmem:$0x18010] =	vst v63  }
0x3af: {  	_ =	swait.ge [sflag:s19], $0x4000;
	v7 =	vsel vm6, $0x10, v10;
	v10 =	vadd.f32 v15, v13;
	v13 =	vor.u32 $0x3, v6  }
0x3b0: {  	[sflag:s19] =	ssyncset.done $0x0;
	vm6 =	vmand vm8, vm7;
	v7 =	vsel vm9, v8, v7;
	v8 =	vor.u32 $0x2, v6  }
0x3b1: {  	[sflag:s19] =	ssyncadd.s32 $0xFFFFC000;
	v15 =	vsub.f32 v9, v5;
	vm7 =	vlt.f32 v9, v5;
	v5 =	vsub.f32 v14, v10  }
0x3b2: {  	v9 =	vand.u32 $0x7FFFFFFF, v11;
	v7 =	vsel vm6, $0x2, v7;
	v11 =	vld.idx.msk [tilespmem:v12+s13+$0x0], $0xffff  }
0x3b3: {  	s23 =	simm.s32 $0x10;
	v10 =	vsel vm7, $0x4, v2;
	vm6 =	vgt.f32 v5, $2.000000000e+00;
	vm7 =	vlt.f32 v5, $-2.000000000e+00;
	v5 =	vld.idx.msk [tilespmem:v6+s13+$0x0], $0xffff  }
0x3b4: {  	vm8 =	vle.f32 v9, $2.500000000e+01;
	v9 =	vand.u32 $0x7FFFFFFF, v15;
	v6 =	vmov s23;
	v12 =	vld.idx.msk [tilespmem:v13+s13+$0x0], $0xffff  }
0x3b5: {  	vm9 =	vle.f32 v9, $8.000000000e+00;
	v6 =	vshll.u32 v6, $0x4;
	v13 =	vsel vm7, $0x8, v1;
	v8 =	vld.idx.msk [tilespmem:v8+s13+$0x0], $0xffff  }
0x3b6: {  	vm7 =	vgt.f32 v9, $4.000000000e+00;
	v6 =	vor.u32 v0, v6;
	v9 =	vsel vm6, $0x10, v13  }
0x3b7: {  	vm6 =	vmand vm8, vm9;
	v13 =	vor.u32 $0x1, v6;
	v9 =	vsel vm7, v10, v9  }
0x3b8: {  	v4 =	vor.u32 v4, v7;
	v15 =	vor.u32 $0x2, v6;
	v7 =	vsel vm6, $0x2, v9  }
0x3b9: {  	v16 =	vor.u32 $0x3, v6;
	vm7 =	vlt.f32 v11, $8.000000000e+01;
	v4 =	vor.u32 v4, v7  }
0x3ba: {  	s24 =	simm.s32 $0x20;
	v10 =	vsub.f32 v11, v5;
	v9 =	vsel vm7, $0x41B80000, v3;
	vm6 =	vlt.f32 v12, v8  }
0x3bb: {  	v9 =	vadd.f32 v9, v11;
	v7 =	vld.idx.msk [tilespmem:v6+s13+$0x0], $0xffff;
	v11 =	vsub.f32 v12, v8;
	v8 =	vmov s24  }
0x3bc: {  	v6 =	vld.idx.msk [tilespmem:v13+s13+$0x0], $0xffff;
	v8 =	vshll.u32 v8, $0x4  }
0x3bd: {  	v5 =	vsub.f32 v5, v9;
	v9 =	vand.u32 $0x7FFFFFFF, v10;
	v14 =	vor.u32 v0, v8  }
0x3be: {  	v10 =	vsel vm6, $0x4, v2;
	v17 =	vand.u32 $0x7FFFFFFF, v11;
	v8 =	vld.idx.msk [tilespmem:v16+s13+$0x0], $0xffff;
	v13 =	vor.u32 $0x1, v14  }
0x3bf: {  	v11 =	vld.idx.msk [tilespmem:v15+s13+$0x0], $0xffff;
	vm6 =	vle.f32 v9, $2.500000000e+01;
	v9 =	vor.u32 $0x3, v14;
	vm7 =	vlt.f32 v5, $-2.000000000e+00  }
0x3c0: {  	vm9 =	vgt.f32 v5, $2.000000000e+00;
	v5 =	vor.u32 $0x2, v14;
	v18 =	vsel vm7, $0x8, v1  }
0x3c1: {  	vm7 =	vgt.f32 v17, $4.000000000e+00;
	v12 =	vsub.f32 v6, v7;
	vm8 =	vlt.f32 v6, $8.000000000e+01  }
0x3c2: {  	s22 =	simm.s32 $0x30;
	v15 =	vsel vm9, $0x10, v18;
	v16 =	vsel vm8, $0x41B80000, v3;
	vm8 =	vle.f32 v17, $8.000000000e+00  }
.LBB2_48:
0x3c3: {  	p0 =	sne.s32 s22, $0x3F0;
	v17 =	vld.idx.msk [tilespmem:v14+s13+$0x0], $0xffff;
	v14 =	vadd.f32 v16, v6;
	vm6 =	vmand vm6, vm8;
	v10 =	vsel vm7, v10, v15;
	s23 =	smov.u32 s22;
	s22 =	sadd.s32 $0x10, s22  }
0x3c4: {  	v15 =	vsub.f32 v8, v11;
	vm7 =	vlt.f32 v8, v11;
	v6 =	vld.idx.msk [tilespmem:v13+s13+$0x0], $0xffff;
	v10 =	vsel vm6, $0x2, v10  }
0x3c5: {  	v11 =	vmov s23;
	v8 =	vld.idx.msk [tilespmem:v9+s13+$0x0], $0xffff;
	v7 =	vsub.f32 v7, v14;
	v4 =	vor.u32 v4, v10  }
0x3c6: {  	v12 =	vand.u32 $0x7FFFFFFF, v12;
	v9 =	vshll.u32 v11, $0x4;
	v10 =	vsel vm7, $0x4, v2;
	v11 =	vld.idx.msk [tilespmem:v5+s13+$0x0], $0xffff  }
.Ltmp23:
0x3c7: {  	v14 =	vor.u32 v0, v9;
	vm9 =	vgt.f32 v7, $2.000000000e+00;
	vm7 =	vlt.f32 v7, $-2.000000000e+00;
	(pc) =	sbr.rel @p0 .LBB2_48-.Ltmp23, $4  }
0x3c8: {  	vm6 =	vle.f32 v12, $2.500000000e+01;
	v13 =	vor.u32 $0x1, v14;
	v5 =	vor.u32 $0x2, v14  }
0x3c9: {  	v15 =	vand.u32 $0x7FFFFFFF, v15;
	v9 =	vor.u32 $0x3, v14;
	v18 =	vsel vm7, $0x8, v1;
	v7 =	vmovc v17  }
0x3ca: {  	vm7 =	vgt.f32 v15, $4.000000000e+00;
	vm8 =	vlt.f32 v6, $8.000000000e+01;
	v12 =	vsub.f32 v6, v7  }
0x3cb: {  	v16 =	vsel vm8, $0x41B80000, v3;
	vm8 =	vle.f32 v15, $8.000000000e+00;
	v15 =	vsel vm9, $0x10, v18  }
0x3cc: {  	_ =	sdelay $0x1  }
0x3cd: {  	v6 =	vadd.f32 v16, v6  }
0x3ce: {  	vm6 =	vmand vm6, vm8;
	v10 =	vsel vm7, v10, v15;
	v15 =	vsub.f32 v8, v11  }
0x3cf: {  	v13 =	vld.idx.msk [tilespmem:v13+s13+$0x0], $0xffff;
	v10 =	vsel vm6, $0x2, v10;
	vm6 =	vlt.f32 v8, v11;
	v6 =	vsub.f32 v7, v6  }
0x3d0: {  	v14 =	vld.idx.msk [tilespmem:v14+s13+$0x0], $0xffff;
	s22 =	simm.s32 $0x0;
	v4 =	vor.u32 v4, v10;
	v7 =	vand.u32 $0x7FFFFFFF, v12;
	v8 =	vsel vm6, $0x4, v2  }
0x3d1: {  	v10 =	vmov s22;
	vm8 =	vle.f32 v7, $2.500000000e+01;
	v7 =	vand.u32 $0x7FFFFFFF, v15  }
0x3d2: {  	v9 =	vld.idx.msk [tilespmem:v9+s13+$0x0], $0xffff;
	vm6 =	vgt.f32 v6, $2.000000000e+00;
	vm7 =	vlt.f32 v6, $-2.000000000e+00;
	v6 =	vshll.u32 v10, $0x4  }
0x3d3: {  	v5 =	vld.idx.msk [tilespmem:v5+s13+$0x0], $0xffff;
	vm9 =	vgt.f32 v7, $4.000000000e+00;
	v6 =	vor.u32 v0, v6  }
0x3d4: {  	v10 =	vsel vm7, $0x8, v1;
	vm7 =	vlt.f32 v13, $8.000000000e+01;
	v12 =	vor.u32 $0x1, v6  }
0x3d5: {  	[tilespmem:s13], [sflag:$0x6] =	stream.strided.gather [hbm4b:s1+s7], $0x4000, s8, s7, $0x38;
	v11 =	vsub.f32 v13, v14;
	v15 =	vsel vm7, $0x41B80000, v3;
	vm7 =	vle.f32 v7, $8.000000000e+00;
	[tilespmem:$0x18010] =	vst v63  }
0x3d6: {  	_ =	swait.ge [sflag:s14], $0x4000;
	v7 =	vsel vm6, $0x10, v10;
	v10 =	vadd.f32 v15, v13;
	v13 =	vor.u32 $0x3, v6  }
0x3d7: {  	[sflag:s14] =	ssyncset.done $0x0;
	vm6 =	vmand vm8, vm7;
	v7 =	vsel vm9, v8, v7;
	v8 =	vor.u32 $0x2, v6  }
0x3d8: {  	[sflag:s14] =	ssyncadd.s32 $0xFFFFC000;
	v15 =	vsub.f32 v9, v5;
	vm7 =	vlt.f32 v9, v5;
	v5 =	vsub.f32 v14, v10  }
0x3d9: {  	v9 =	vand.u32 $0x7FFFFFFF, v11;
	v7 =	vsel vm6, $0x2, v7;
	v11 =	vld.idx.msk [tilespmem:v12+s2+$0x0], $0xffff  }
0x3da: {  	s23 =	simm.s32 $0x10;
	v10 =	vsel vm7, $0x4, v2;
	vm6 =	vgt.f32 v5, $2.000000000e+00;
	vm7 =	vlt.f32 v5, $-2.000000000e+00;
	v5 =	vld.idx.msk [tilespmem:v6+s2+$0x0], $0xffff  }
0x3db: {  	vm8 =	vle.f32 v9, $2.500000000e+01;
	v9 =	vand.u32 $0x7FFFFFFF, v15;
	v6 =	vmov s23;
	v12 =	vld.idx.msk [tilespmem:v13+s2+$0x0], $0xffff  }
0x3dc: {  	vm9 =	vle.f32 v9, $8.000000000e+00;
	v6 =	vshll.u32 v6, $0x4;
	v13 =	vsel vm7, $0x8, v1;
	v8 =	vld.idx.msk [tilespmem:v8+s2+$0x0], $0xffff  }
0x3dd: {  	vm7 =	vgt.f32 v9, $4.000000000e+00;
	v6 =	vor.u32 v0, v6;
	v9 =	vsel vm6, $0x10, v13  }
0x3de: {  	vm6 =	vmand vm8, vm9;
	v13 =	vor.u32 $0x1, v6;
	v9 =	vsel vm7, v10, v9  }
0x3df: {  	v4 =	vor.u32 v4, v7;
	v15 =	vor.u32 $0x2, v6;
	v7 =	vsel vm6, $0x2, v9  }
0x3e0: {  	v16 =	vor.u32 $0x3, v6;
	vm7 =	vlt.f32 v11, $8.000000000e+01;
	v4 =	vor.u32 v4, v7  }
0x3e1: {  	s24 =	simm.s32 $0x20;
	v10 =	vsub.f32 v11, v5;
	v9 =	vsel vm7, $0x41B80000, v3;
	vm6 =	vlt.f32 v12, v8  }
0x3e2: {  	v9 =	vadd.f32 v9, v11;
	v7 =	vld.idx.msk [tilespmem:v6+s2+$0x0], $0xffff;
	v11 =	vsub.f32 v12, v8;
	v8 =	vmov s24  }
0x3e3: {  	v6 =	vld.idx.msk [tilespmem:v13+s2+$0x0], $0xffff;
	v8 =	vshll.u32 v8, $0x4  }
0x3e4: {  	v5 =	vsub.f32 v5, v9;
	v9 =	vand.u32 $0x7FFFFFFF, v10;
	v14 =	vor.u32 v0, v8  }
0x3e5: {  	v10 =	vsel vm6, $0x4, v2;
	v17 =	vand.u32 $0x7FFFFFFF, v11;
	v8 =	vld.idx.msk [tilespmem:v16+s2+$0x0], $0xffff;
	v13 =	vor.u32 $0x1, v14  }
0x3e6: {  	v11 =	vld.idx.msk [tilespmem:v15+s2+$0x0], $0xffff;
	vm6 =	vle.f32 v9, $2.500000000e+01;
	v9 =	vor.u32 $0x3, v14;
	vm7 =	vlt.f32 v5, $-2.000000000e+00  }
0x3e7: {  	vm9 =	vgt.f32 v5, $2.000000000e+00;
	v5 =	vor.u32 $0x2, v14;
	v18 =	vsel vm7, $0x8, v1  }
0x3e8: {  	vm7 =	vgt.f32 v17, $4.000000000e+00;
	v12 =	vsub.f32 v6, v7;
	vm8 =	vlt.f32 v6, $8.000000000e+01  }
0x3e9: {  	s22 =	simm.s32 $0x30;
	v15 =	vsel vm9, $0x10, v18;
	v16 =	vsel vm8, $0x41B80000, v3;
	vm8 =	vle.f32 v17, $8.000000000e+00  }
.LBB2_50:
0x3ea: {  	p0 =	sne.s32 s22, $0x3F0;
	v17 =	vld.idx.msk [tilespmem:v14+s2+$0x0], $0xffff;
	v14 =	vadd.f32 v16, v6;
	vm6 =	vmand vm6, vm8;
	v10 =	vsel vm7, v10, v15;
	s23 =	smov.u32 s22;
	s22 =	sadd.s32 $0x10, s22  }
0x3eb: {  	v15 =	vsub.f32 v8, v11;
	vm7 =	vlt.f32 v8, v11;
	v6 =	vld.idx.msk [tilespmem:v13+s2+$0x0], $0xffff;
	v10 =	vsel vm6, $0x2, v10  }
0x3ec: {  	v11 =	vmov s23;
	v8 =	vld.idx.msk [tilespmem:v9+s2+$0x0], $0xffff;
	v7 =	vsub.f32 v7, v14;
	v4 =	vor.u32 v4, v10  }
0x3ed: {  	v12 =	vand.u32 $0x7FFFFFFF, v12;
	v9 =	vshll.u32 v11, $0x4;
	v10 =	vsel vm7, $0x4, v2;
	v11 =	vld.idx.msk [tilespmem:v5+s2+$0x0], $0xffff  }
.Ltmp24:
0x3ee: {  	v14 =	vor.u32 v0, v9;
	vm9 =	vgt.f32 v7, $2.000000000e+00;
	vm7 =	vlt.f32 v7, $-2.000000000e+00;
	(pc) =	sbr.rel @p0 .LBB2_50-.Ltmp24, $4  }
0x3ef: {  	vm6 =	vle.f32 v12, $2.500000000e+01;
	v13 =	vor.u32 $0x1, v14;
	v5 =	vor.u32 $0x2, v14  }
0x3f0: {  	v15 =	vand.u32 $0x7FFFFFFF, v15;
	v9 =	vor.u32 $0x3, v14;
	v18 =	vsel vm7, $0x8, v1;
	v7 =	vmovc v17  }
0x3f1: {  	vm7 =	vgt.f32 v15, $4.000000000e+00;
	vm8 =	vlt.f32 v6, $8.000000000e+01;
	v12 =	vsub.f32 v6, v7  }
0x3f2: {  	v16 =	vsel vm8, $0x41B80000, v3;
	vm8 =	vle.f32 v15, $8.000000000e+00;
	v15 =	vsel vm9, $0x10, v18  }
0x3f3: {  	_ =	sdelay $0x1  }
0x3f4: {  	v6 =	vadd.f32 v16, v6  }
0x3f5: {  	vm6 =	vmand vm6, vm8;
	v10 =	vsel vm7, v10, v15;
	v15 =	vsub.f32 v8, v11  }
0x3f6: {  	v13 =	vld.idx.msk [tilespmem:v13+s2+$0x0], $0xffff;
	v10 =	vsel vm6, $0x2, v10;
	vm6 =	vlt.f32 v8, v11;
	v6 =	vsub.f32 v7, v6  }
0x3f7: {  	v14 =	vld.idx.msk [tilespmem:v14+s2+$0x0], $0xffff;
	s22 =	simm.s32 $0x0;
	v4 =	vor.u32 v4, v10;
	v7 =	vand.u32 $0x7FFFFFFF, v12;
	v8 =	vsel vm6, $0x4, v2  }
0x3f8: {  	v10 =	vmov s22;
	vm8 =	vle.f32 v7, $2.500000000e+01;
	v7 =	vand.u32 $0x7FFFFFFF, v15  }
0x3f9: {  	v9 =	vld.idx.msk [tilespmem:v9+s2+$0x0], $0xffff;
	vm6 =	vgt.f32 v6, $2.000000000e+00;
	vm7 =	vlt.f32 v6, $-2.000000000e+00;
	v6 =	vshll.u32 v10, $0x4  }
0x3fa: {  	v5 =	vld.idx.msk [tilespmem:v5+s2+$0x0], $0xffff;
	vm9 =	vgt.f32 v7, $4.000000000e+00;
	v6 =	vor.u32 v0, v6  }
0x3fb: {  	v10 =	vsel vm7, $0x8, v1;
	vm7 =	vlt.f32 v13, $8.000000000e+01;
	v12 =	vor.u32 $0x1, v6  }
0x3fc: {  	[tilespmem:s22], [sflag:$0x1] =	stream.strided.gather [hbm4b:s3+s7], $0x4000, s8, s7, $0x38;
	v11 =	vsub.f32 v13, v14;
	v15 =	vsel vm7, $0x41B80000, v3;
	vm7 =	vle.f32 v7, $8.000000000e+00;
	[tilespmem:$0x18010] =	vst v63  }
0x3fd: {  	_ =	swait.ge [sflag:s15], $0x4000;
	v7 =	vsel vm6, $0x10, v10;
	v10 =	vadd.f32 v15, v13;
	v13 =	vor.u32 $0x3, v6  }
0x3fe: {  	[sflag:s15] =	ssyncset.done $0x0;
	vm6 =	vmand vm8, vm7;
	v7 =	vsel vm9, v8, v7;
	v8 =	vor.u32 $0x2, v6  }
0x3ff: {  	[sflag:s15] =	ssyncadd.s32 $0xFFFFC000;
	v15 =	vsub.f32 v9, v5;
	vm7 =	vlt.f32 v9, v5;
	v5 =	vsub.f32 v14, v10  }
0x400: {  	v9 =	vand.u32 $0x7FFFFFFF, v11;
	v7 =	vsel vm6, $0x2, v7;
	v11 =	vld.idx.msk [tilespmem:v12+s9+$0x0], $0xffff  }
0x401: {  	s23 =	simm.s32 $0x10;
	v10 =	vsel vm7, $0x4, v2;
	vm6 =	vgt.f32 v5, $2.000000000e+00;
	vm7 =	vlt.f32 v5, $-2.000000000e+00;
	v5 =	vld.idx.msk [tilespmem:v6+s9+$0x0], $0xffff  }
0x402: {  	vm8 =	vle.f32 v9, $2.500000000e+01;
	v9 =	vand.u32 $0x7FFFFFFF, v15;
	v6 =	vmov s23;
	v12 =	vld.idx.msk [tilespmem:v13+s9+$0x0], $0xffff  }
0x403: {  	vm9 =	vle.f32 v9, $8.000000000e+00;
	v6 =	vshll.u32 v6, $0x4;
	v13 =	vsel vm7, $0x8, v1;
	v8 =	vld.idx.msk [tilespmem:v8+s9+$0x0], $0xffff  }
0x404: {  	vm7 =	vgt.f32 v9, $4.000000000e+00;
	v6 =	vor.u32 v0, v6;
	v9 =	vsel vm6, $0x10, v13  }
0x405: {  	vm6 =	vmand vm8, vm9;
	v13 =	vor.u32 $0x1, v6;
	v9 =	vsel vm7, v10, v9  }
0x406: {  	v4 =	vor.u32 v4, v7;
	v15 =	vor.u32 $0x2, v6;
	v7 =	vsel vm6, $0x2, v9  }
0x407: {  	v16 =	vor.u32 $0x3, v6;
	vm7 =	vlt.f32 v11, $8.000000000e+01;
	v4 =	vor.u32 v4, v7  }
0x408: {  	s24 =	simm.s32 $0x20;
	v10 =	vsub.f32 v11, v5;
	v9 =	vsel vm7, $0x41B80000, v3;
	vm6 =	vlt.f32 v12, v8  }
0x409: {  	v9 =	vadd.f32 v9, v11;
	v7 =	vld.idx.msk [tilespmem:v6+s9+$0x0], $0xffff;
	v11 =	vsub.f32 v12, v8;
	v8 =	vmov s24  }
0x40a: {  	v6 =	vld.idx.msk [tilespmem:v13+s9+$0x0], $0xffff;
	v8 =	vshll.u32 v8, $0x4  }
0x40b: {  	v5 =	vsub.f32 v5, v9;
	v9 =	vand.u32 $0x7FFFFFFF, v10;
	v14 =	vor.u32 v0, v8  }
0x40c: {  	v10 =	vsel vm6, $0x4, v2;
	v17 =	vand.u32 $0x7FFFFFFF, v11;
	v8 =	vld.idx.msk [tilespmem:v16+s9+$0x0], $0xffff;
	v13 =	vor.u32 $0x1, v14  }
0x40d: {  	v11 =	vld.idx.msk [tilespmem:v15+s9+$0x0], $0xffff;
	vm6 =	vle.f32 v9, $2.500000000e+01;
	v9 =	vor.u32 $0x3, v14;
	vm7 =	vlt.f32 v5, $-2.000000000e+00  }
0x40e: {  	vm9 =	vgt.f32 v5, $2.000000000e+00;
	v5 =	vor.u32 $0x2, v14;
	v18 =	vsel vm7, $0x8, v1  }
0x40f: {  	vm7 =	vgt.f32 v17, $4.000000000e+00;
	v12 =	vsub.f32 v6, v7;
	vm8 =	vlt.f32 v6, $8.000000000e+01  }
0x410: {  	s22 =	simm.s32 $0x30;
	v15 =	vsel vm9, $0x10, v18;
	v16 =	vsel vm8, $0x41B80000, v3;
	vm8 =	vle.f32 v17, $8.000000000e+00  }
.LBB2_52:
0x411: {  	p0 =	sne.s32 s22, $0x3F0;
	v17 =	vld.idx.msk [tilespmem:v14+s9+$0x0], $0xffff;
	v14 =	vadd.f32 v16, v6;
	vm6 =	vmand vm6, vm8;
	v10 =	vsel vm7, v10, v15;
	s23 =	smov.u32 s22;
	s22 =	sadd.s32 $0x10, s22  }
0x412: {  	v15 =	vsub.f32 v8, v11;
	vm7 =	vlt.f32 v8, v11;
	v6 =	vld.idx.msk [tilespmem:v13+s9+$0x0], $0xffff;
	v10 =	vsel vm6, $0x2, v10  }
0x413: {  	v11 =	vmov s23;
	v8 =	vld.idx.msk [tilespmem:v9+s9+$0x0], $0xffff;
	v7 =	vsub.f32 v7, v14;
	v4 =	vor.u32 v4, v10  }
0x414: {  	v12 =	vand.u32 $0x7FFFFFFF, v12;
	v9 =	vshll.u32 v11, $0x4;
	v10 =	vsel vm7, $0x4, v2;
	v11 =	vld.idx.msk [tilespmem:v5+s9+$0x0], $0xffff  }
.Ltmp25:
0x415: {  	v14 =	vor.u32 v0, v9;
	vm9 =	vgt.f32 v7, $2.000000000e+00;
	vm7 =	vlt.f32 v7, $-2.000000000e+00;
	(pc) =	sbr.rel @p0 .LBB2_52-.Ltmp25, $4  }
0x416: {  	vm6 =	vle.f32 v12, $2.500000000e+01;
	v13 =	vor.u32 $0x1, v14;
	v5 =	vor.u32 $0x2, v14  }
0x417: {  	v15 =	vand.u32 $0x7FFFFFFF, v15;
	v9 =	vor.u32 $0x3, v14;
	v18 =	vsel vm7, $0x8, v1;
	v7 =	vmovc v17  }
0x418: {  	vm7 =	vgt.f32 v15, $4.000000000e+00;
	vm8 =	vlt.f32 v6, $8.000000000e+01;
	v12 =	vsub.f32 v6, v7  }
0x419: {  	v16 =	vsel vm8, $0x41B80000, v3;
	vm8 =	vle.f32 v15, $8.000000000e+00;
	v15 =	vsel vm9, $0x10, v18  }
0x41a: {  	_ =	sdelay $0x1  }
0x41b: {  	v6 =	vadd.f32 v16, v6  }
0x41c: {  	vm6 =	vmand vm6, vm8;
	v10 =	vsel vm7, v10, v15;
	v15 =	vsub.f32 v8, v11  }
0x41d: {  	v13 =	vld.idx.msk [tilespmem:v13+s9+$0x0], $0xffff;
	v10 =	vsel vm6, $0x2, v10;
	vm6 =	vlt.f32 v8, v11;
	v6 =	vsub.f32 v7, v6  }
0x41e: {  	v14 =	vld.idx.msk [tilespmem:v14+s9+$0x0], $0xffff;
	s22 =	simm.s32 $0x0;
	v4 =	vor.u32 v4, v10;
	v7 =	vand.u32 $0x7FFFFFFF, v12;
	v8 =	vsel vm6, $0x4, v2  }
0x41f: {  	v10 =	vmov s22;
	vm8 =	vle.f32 v7, $2.500000000e+01;
	v7 =	vand.u32 $0x7FFFFFFF, v15  }
0x420: {  	v9 =	vld.idx.msk [tilespmem:v9+s9+$0x0], $0xffff;
	vm6 =	vgt.f32 v6, $2.000000000e+00;
	vm7 =	vlt.f32 v6, $-2.000000000e+00;
	v6 =	vshll.u32 v10, $0x4  }
0x421: {  	v5 =	vld.idx.msk [tilespmem:v5+s9+$0x0], $0xffff;
	vm9 =	vgt.f32 v7, $4.000000000e+00;
	v6 =	vor.u32 v0, v6  }
0x422: {  	v10 =	vsel vm7, $0x8, v1;
	vm7 =	vlt.f32 v13, $8.000000000e+01;
	v12 =	vor.u32 $0x1, v6  }
0x423: {  	[tilespmem:s9], [sflag:$0x2] =	stream.strided.gather [hbm4b:s4+s7], $0x4000, s8, s7, $0x38;
	v11 =	vsub.f32 v13, v14;
	v15 =	vsel vm7, $0x41B80000, v3;
	vm7 =	vle.f32 v7, $8.000000000e+00;
	[tilespmem:$0x18010] =	vst v63  }
0x424: {  	_ =	swait.ge [sflag:s16], $0x4000;
	v7 =	vsel vm6, $0x10, v10;
	v10 =	vadd.f32 v15, v13;
	v13 =	vor.u32 $0x3, v6  }
0x425: {  	[sflag:s16] =	ssyncset.done $0x0;
	vm6 =	vmand vm8, vm7;
	v7 =	vsel vm9, v8, v7;
	v8 =	vor.u32 $0x2, v6  }
0x426: {  	[sflag:s16] =	ssyncadd.s32 $0xFFFFC000;
	v15 =	vsub.f32 v9, v5;
	vm7 =	vlt.f32 v9, v5;
	v5 =	vsub.f32 v14, v10  }
0x427: {  	v9 =	vand.u32 $0x7FFFFFFF, v11;
	v7 =	vsel vm6, $0x2, v7;
	v11 =	vld.idx.msk [tilespmem:v12+s10+$0x0], $0xffff  }
0x428: {  	s23 =	simm.s32 $0x10;
	v10 =	vsel vm7, $0x4, v2;
	vm6 =	vgt.f32 v5, $2.000000000e+00;
	vm7 =	vlt.f32 v5, $-2.000000000e+00;
	v5 =	vld.idx.msk [tilespmem:v6+s10+$0x0], $0xffff  }
0x429: {  	vm8 =	vle.f32 v9, $2.500000000e+01;
	v9 =	vand.u32 $0x7FFFFFFF, v15;
	v6 =	vmov s23;
	v12 =	vld.idx.msk [tilespmem:v13+s10+$0x0], $0xffff  }
0x42a: {  	vm9 =	vle.f32 v9, $8.000000000e+00;
	v6 =	vshll.u32 v6, $0x4;
	v13 =	vsel vm7, $0x8, v1;
	v8 =	vld.idx.msk [tilespmem:v8+s10+$0x0], $0xffff  }
0x42b: {  	vm7 =	vgt.f32 v9, $4.000000000e+00;
	v6 =	vor.u32 v0, v6;
	v9 =	vsel vm6, $0x10, v13  }
0x42c: {  	vm6 =	vmand vm8, vm9;
	v13 =	vor.u32 $0x1, v6;
	v9 =	vsel vm7, v10, v9  }
0x42d: {  	v4 =	vor.u32 v4, v7;
	v15 =	vor.u32 $0x2, v6;
	v7 =	vsel vm6, $0x2, v9  }
0x42e: {  	v16 =	vor.u32 $0x3, v6;
	vm7 =	vlt.f32 v11, $8.000000000e+01;
	v4 =	vor.u32 v4, v7  }
0x42f: {  	s24 =	simm.s32 $0x20;
	v10 =	vsub.f32 v11, v5;
	v9 =	vsel vm7, $0x41B80000, v3;
	vm6 =	vlt.f32 v12, v8  }
0x430: {  	v9 =	vadd.f32 v9, v11;
	v7 =	vld.idx.msk [tilespmem:v6+s10+$0x0], $0xffff;
	v11 =	vsub.f32 v12, v8;
	v8 =	vmov s24  }
0x431: {  	v6 =	vld.idx.msk [tilespmem:v13+s10+$0x0], $0xffff;
	v8 =	vshll.u32 v8, $0x4  }
0x432: {  	v5 =	vsub.f32 v5, v9;
	v9 =	vand.u32 $0x7FFFFFFF, v10;
	v14 =	vor.u32 v0, v8  }
0x433: {  	v10 =	vsel vm6, $0x4, v2;
	v17 =	vand.u32 $0x7FFFFFFF, v11;
	v8 =	vld.idx.msk [tilespmem:v16+s10+$0x0], $0xffff;
	v13 =	vor.u32 $0x1, v14  }
0x434: {  	v11 =	vld.idx.msk [tilespmem:v15+s10+$0x0], $0xffff;
	vm6 =	vle.f32 v9, $2.500000000e+01;
	v9 =	vor.u32 $0x3, v14;
	vm7 =	vlt.f32 v5, $-2.000000000e+00  }
0x435: {  	vm9 =	vgt.f32 v5, $2.000000000e+00;
	v5 =	vor.u32 $0x2, v14;
	v18 =	vsel vm7, $0x8, v1  }
0x436: {  	vm7 =	vgt.f32 v17, $4.000000000e+00;
	v12 =	vsub.f32 v6, v7;
	vm8 =	vlt.f32 v6, $8.000000000e+01  }
0x437: {  	s22 =	simm.s32 $0x30;
	v15 =	vsel vm9, $0x10, v18;
	v16 =	vsel vm8, $0x41B80000, v3;
	vm8 =	vle.f32 v17, $8.000000000e+00  }
.LBB2_54:
0x438: {  	p0 =	sne.s32 s22, $0x3F0;
	v17 =	vld.idx.msk [tilespmem:v14+s10+$0x0], $0xffff;
	v14 =	vadd.f32 v16, v6;
	vm6 =	vmand vm6, vm8;
	v10 =	vsel vm7, v10, v15;
	s23 =	smov.u32 s22;
	s22 =	sadd.s32 $0x10, s22  }
0x439: {  	v15 =	vsub.f32 v8, v11;
	vm7 =	vlt.f32 v8, v11;
	v6 =	vld.idx.msk [tilespmem:v13+s10+$0x0], $0xffff;
	v10 =	vsel vm6, $0x2, v10  }
0x43a: {  	v11 =	vmov s23;
	v8 =	vld.idx.msk [tilespmem:v9+s10+$0x0], $0xffff;
	v7 =	vsub.f32 v7, v14;
	v4 =	vor.u32 v4, v10  }
0x43b: {  	v12 =	vand.u32 $0x7FFFFFFF, v12;
	v9 =	vshll.u32 v11, $0x4;
	v10 =	vsel vm7, $0x4, v2;
	v11 =	vld.idx.msk [tilespmem:v5+s10+$0x0], $0xffff  }
.Ltmp26:
0x43c: {  	v14 =	vor.u32 v0, v9;
	vm9 =	vgt.f32 v7, $2.000000000e+00;
	vm7 =	vlt.f32 v7, $-2.000000000e+00;
	(pc) =	sbr.rel @p0 .LBB2_54-.Ltmp26, $4  }
0x43d: {  	vm6 =	vle.f32 v12, $2.500000000e+01;
	v13 =	vor.u32 $0x1, v14;
	v5 =	vor.u32 $0x2, v14  }
0x43e: {  	v15 =	vand.u32 $0x7FFFFFFF, v15;
	v9 =	vor.u32 $0x3, v14;
	v18 =	vsel vm7, $0x8, v1;
	v7 =	vmovc v17  }
0x43f: {  	vm7 =	vgt.f32 v15, $4.000000000e+00;
	vm8 =	vlt.f32 v6, $8.000000000e+01;
	v12 =	vsub.f32 v6, v7  }
0x440: {  	v16 =	vsel vm8, $0x41B80000, v3;
	vm8 =	vle.f32 v15, $8.000000000e+00;
	v15 =	vsel vm9, $0x10, v18  }
0x441: {  	_ =	sdelay $0x1  }
0x442: {  	v6 =	vadd.f32 v16, v6  }
0x443: {  	vm6 =	vmand vm6, vm8;
	v10 =	vsel vm7, v10, v15;
	v15 =	vsub.f32 v8, v11  }
0x444: {  	v13 =	vld.idx.msk [tilespmem:v13+s10+$0x0], $0xffff;
	v10 =	vsel vm6, $0x2, v10;
	vm6 =	vlt.f32 v8, v11;
	v6 =	vsub.f32 v7, v6  }
0x445: {  	v14 =	vld.idx.msk [tilespmem:v14+s10+$0x0], $0xffff;
	s22 =	simm.s32 $0x0;
	v4 =	vor.u32 v4, v10;
	v7 =	vand.u32 $0x7FFFFFFF, v12;
	v8 =	vsel vm6, $0x4, v2  }
0x446: {  	v10 =	vmov s22;
	vm8 =	vle.f32 v7, $2.500000000e+01;
	v7 =	vand.u32 $0x7FFFFFFF, v15  }
0x447: {  	v9 =	vld.idx.msk [tilespmem:v9+s10+$0x0], $0xffff;
	vm6 =	vgt.f32 v6, $2.000000000e+00;
	vm7 =	vlt.f32 v6, $-2.000000000e+00;
	v6 =	vshll.u32 v10, $0x4  }
0x448: {  	v5 =	vld.idx.msk [tilespmem:v5+s10+$0x0], $0xffff;
	vm9 =	vgt.f32 v7, $4.000000000e+00;
	v6 =	vor.u32 v0, v6  }
0x449: {  	v10 =	vsel vm7, $0x8, v1;
	vm7 =	vlt.f32 v13, $8.000000000e+01;
	v12 =	vor.u32 $0x1, v6  }
0x44a: {  	v11 =	vsub.f32 v13, v14;
	v15 =	vsel vm7, $0x41B80000, v3;
	vm7 =	vle.f32 v7, $8.000000000e+00  }
0x44b: {  	_ =	swait.ge [sflag:s17], $0x4000;
	v7 =	vsel vm6, $0x10, v10;
	v10 =	vadd.f32 v15, v13;
	v13 =	vor.u32 $0x3, v6  }
0x44c: {  	[sflag:s17] =	ssyncset.done $0x0;
	vm6 =	vmand vm8, vm7;
	v7 =	vsel vm9, v8, v7;
	v8 =	vor.u32 $0x2, v6  }
0x44d: {  	[sflag:s17] =	ssyncadd.s32 $0xFFFFC000;
	v15 =	vsub.f32 v9, v5;
	vm7 =	vlt.f32 v9, v5;
	v5 =	vsub.f32 v14, v10  }
0x44e: {  	v9 =	vand.u32 $0x7FFFFFFF, v11;
	v7 =	vsel vm6, $0x2, v7;
	v11 =	vld.idx.msk [tilespmem:v12+s11+$0x0], $0xffff  }
0x44f: {  	s23 =	simm.s32 $0x10;
	v10 =	vsel vm7, $0x4, v2;
	vm6 =	vgt.f32 v5, $2.000000000e+00;
	vm7 =	vlt.f32 v5, $-2.000000000e+00;
	v5 =	vld.idx.msk [tilespmem:v6+s11+$0x0], $0xffff  }
0x450: {  	vm8 =	vle.f32 v9, $2.500000000e+01;
	v9 =	vand.u32 $0x7FFFFFFF, v15;
	v6 =	vmov s23;
	v12 =	vld.idx.msk [tilespmem:v13+s11+$0x0], $0xffff  }
0x451: {  	vm9 =	vle.f32 v9, $8.000000000e+00;
	v6 =	vshll.u32 v6, $0x4;
	v13 =	vsel vm7, $0x8, v1;
	v8 =	vld.idx.msk [tilespmem:v8+s11+$0x0], $0xffff  }
0x452: {  	vm7 =	vgt.f32 v9, $4.000000000e+00;
	v6 =	vor.u32 v0, v6;
	v9 =	vsel vm6, $0x10, v13  }
0x453: {  	vm6 =	vmand vm8, vm9;
	v13 =	vor.u32 $0x1, v6;
	v9 =	vsel vm7, v10, v9  }
0x454: {  	v4 =	vor.u32 v4, v7;
	v15 =	vor.u32 $0x2, v6;
	v7 =	vsel vm6, $0x2, v9  }
0x455: {  	v16 =	vor.u32 $0x3, v6;
	vm7 =	vlt.f32 v11, $8.000000000e+01;
	v4 =	vor.u32 v4, v7  }
0x456: {  	s24 =	simm.s32 $0x20;
	v10 =	vsub.f32 v11, v5;
	v9 =	vsel vm7, $0x41B80000, v3;
	vm6 =	vlt.f32 v12, v8  }
0x457: {  	v9 =	vadd.f32 v9, v11;
	v7 =	vld.idx.msk [tilespmem:v6+s11+$0x0], $0xffff;
	v11 =	vsub.f32 v12, v8;
	v8 =	vmov s24  }
0x458: {  	v6 =	vld.idx.msk [tilespmem:v13+s11+$0x0], $0xffff;
	v8 =	vshll.u32 v8, $0x4  }
0x459: {  	v5 =	vsub.f32 v5, v9;
	v9 =	vand.u32 $0x7FFFFFFF, v10;
	v14 =	vor.u32 v0, v8  }
0x45a: {  	v10 =	vsel vm6, $0x4, v2;
	v17 =	vand.u32 $0x7FFFFFFF, v11;
	v8 =	vld.idx.msk [tilespmem:v16+s11+$0x0], $0xffff;
	v13 =	vor.u32 $0x1, v14  }
0x45b: {  	v11 =	vld.idx.msk [tilespmem:v15+s11+$0x0], $0xffff;
	vm6 =	vle.f32 v9, $2.500000000e+01;
	v9 =	vor.u32 $0x3, v14;
	vm7 =	vlt.f32 v5, $-2.000000000e+00  }
0x45c: {  	vm9 =	vgt.f32 v5, $2.000000000e+00;
	v5 =	vor.u32 $0x2, v14;
	v18 =	vsel vm7, $0x8, v1  }
0x45d: {  	vm7 =	vgt.f32 v17, $4.000000000e+00;
	v12 =	vsub.f32 v6, v7;
	vm8 =	vlt.f32 v6, $8.000000000e+01  }
0x45e: {  	s22 =	simm.s32 $0x30;
	v15 =	vsel vm9, $0x10, v18;
	v16 =	vsel vm8, $0x41B80000, v3;
	vm8 =	vle.f32 v17, $8.000000000e+00  }
.LBB2_56:
0x45f: {  	p0 =	sne.s32 s22, $0x3F0;
	v17 =	vld.idx.msk [tilespmem:v14+s11+$0x0], $0xffff;
	v14 =	vadd.f32 v16, v6;
	vm6 =	vmand vm6, vm8;
	v10 =	vsel vm7, v10, v15;
	s23 =	smov.u32 s22;
	s22 =	sadd.s32 $0x10, s22  }
0x460: {  	v15 =	vsub.f32 v8, v11;
	vm7 =	vlt.f32 v8, v11;
	v6 =	vld.idx.msk [tilespmem:v13+s11+$0x0], $0xffff;
	v10 =	vsel vm6, $0x2, v10  }
0x461: {  	v11 =	vmov s23;
	v8 =	vld.idx.msk [tilespmem:v9+s11+$0x0], $0xffff;
	v7 =	vsub.f32 v7, v14;
	v4 =	vor.u32 v4, v10  }
0x462: {  	v12 =	vand.u32 $0x7FFFFFFF, v12;
	v9 =	vshll.u32 v11, $0x4;
	v10 =	vsel vm7, $0x4, v2;
	v11 =	vld.idx.msk [tilespmem:v5+s11+$0x0], $0xffff  }
.Ltmp27:
0x463: {  	v14 =	vor.u32 v0, v9;
	vm9 =	vgt.f32 v7, $2.000000000e+00;
	vm7 =	vlt.f32 v7, $-2.000000000e+00;
	(pc) =	sbr.rel @p0 .LBB2_56-.Ltmp27, $4  }
0x464: {  	vm6 =	vle.f32 v12, $2.500000000e+01;
	v13 =	vor.u32 $0x1, v14;
	v5 =	vor.u32 $0x2, v14  }
0x465: {  	v15 =	vand.u32 $0x7FFFFFFF, v15;
	v9 =	vor.u32 $0x3, v14;
	v18 =	vsel vm7, $0x8, v1;
	v7 =	vmovc v17  }
0x466: {  	vm7 =	vgt.f32 v15, $4.000000000e+00;
	vm8 =	vlt.f32 v6, $8.000000000e+01;
	v12 =	vsub.f32 v6, v7  }
0x467: {  	v16 =	vsel vm8, $0x41B80000, v3;
	vm8 =	vle.f32 v15, $8.000000000e+00;
	v15 =	vsel vm9, $0x10, v18  }
0x468: {  	_ =	sdelay $0x1  }
0x469: {  	v6 =	vadd.f32 v16, v6  }
0x46a: {  	vm6 =	vmand vm6, vm8;
	v10 =	vsel vm7, v10, v15;
	v15 =	vsub.f32 v8, v11  }
0x46b: {  	v13 =	vld.idx.msk [tilespmem:v13+s11+$0x0], $0xffff;
	v10 =	vsel vm6, $0x2, v10;
	vm6 =	vlt.f32 v8, v11;
	v6 =	vsub.f32 v7, v6  }
0x46c: {  	v14 =	vld.idx.msk [tilespmem:v14+s11+$0x0], $0xffff;
	s22 =	simm.s32 $0x0;
	v4 =	vor.u32 v4, v10;
	v7 =	vand.u32 $0x7FFFFFFF, v12;
	v8 =	vsel vm6, $0x4, v2  }
0x46d: {  	v10 =	vmov s22;
	vm8 =	vle.f32 v7, $2.500000000e+01;
	v7 =	vand.u32 $0x7FFFFFFF, v15  }
0x46e: {  	v9 =	vld.idx.msk [tilespmem:v9+s11+$0x0], $0xffff;
	vm6 =	vgt.f32 v6, $2.000000000e+00;
	vm7 =	vlt.f32 v6, $-2.000000000e+00;
	v6 =	vshll.u32 v10, $0x4  }
0x46f: {  	v5 =	vld.idx.msk [tilespmem:v5+s11+$0x0], $0xffff;
	vm9 =	vgt.f32 v7, $4.000000000e+00;
	v6 =	vor.u32 v0, v6  }
0x470: {  	v10 =	vsel vm7, $0x8, v1;
	vm7 =	vlt.f32 v13, $8.000000000e+01;
	v12 =	vor.u32 $0x1, v6  }
0x471: {  	v11 =	vsub.f32 v13, v14;
	v15 =	vsel vm7, $0x41B80000, v3;
	vm7 =	vle.f32 v7, $8.000000000e+00  }
0x472: {  	_ =	swait.ge [sflag:s18], $0x4000;
	v7 =	vsel vm6, $0x10, v10;
	v10 =	vadd.f32 v15, v13;
	v13 =	vor.u32 $0x3, v6  }
0x473: {  	[sflag:s18] =	ssyncset.done $0x0;
	vm6 =	vmand vm8, vm7;
	v7 =	vsel vm9, v8, v7;
	v8 =	vor.u32 $0x2, v6  }
0x474: {  	[sflag:s18] =	ssyncadd.s32 $0xFFFFC000;
	v15 =	vsub.f32 v9, v5;
	vm7 =	vlt.f32 v9, v5;
	v5 =	vsub.f32 v14, v10  }
0x475: {  	v9 =	vand.u32 $0x7FFFFFFF, v11;
	v7 =	vsel vm6, $0x2, v7;
	v11 =	vld.idx.msk [tilespmem:v12+s12+$0x0], $0xffff  }
0x476: {  	s23 =	simm.s32 $0x10;
	v10 =	vsel vm7, $0x4, v2;
	vm6 =	vgt.f32 v5, $2.000000000e+00;
	vm7 =	vlt.f32 v5, $-2.000000000e+00;
	v5 =	vld.idx.msk [tilespmem:v6+s12+$0x0], $0xffff  }
0x477: {  	vm8 =	vle.f32 v9, $2.500000000e+01;
	v9 =	vand.u32 $0x7FFFFFFF, v15;
	v6 =	vmov s23;
	v12 =	vld.idx.msk [tilespmem:v13+s12+$0x0], $0xffff  }
0x478: {  	vm9 =	vle.f32 v9, $8.000000000e+00;
	v6 =	vshll.u32 v6, $0x4;
	v13 =	vsel vm7, $0x8, v1;
	v8 =	vld.idx.msk [tilespmem:v8+s12+$0x0], $0xffff  }
0x479: {  	vm7 =	vgt.f32 v9, $4.000000000e+00;
	v6 =	vor.u32 v0, v6;
	v9 =	vsel vm6, $0x10, v13  }
0x47a: {  	vm6 =	vmand vm8, vm9;
	v13 =	vor.u32 $0x1, v6;
	v9 =	vsel vm7, v10, v9  }
0x47b: {  	v4 =	vor.u32 v4, v7;
	v15 =	vor.u32 $0x2, v6;
	v7 =	vsel vm6, $0x2, v9  }
0x47c: {  	v16 =	vor.u32 $0x3, v6;
	vm7 =	vlt.f32 v11, $8.000000000e+01;
	v4 =	vor.u32 v4, v7  }
0x47d: {  	s24 =	simm.s32 $0x20;
	v10 =	vsub.f32 v11, v5;
	v9 =	vsel vm7, $0x41B80000, v3;
	vm6 =	vlt.f32 v12, v8  }
0x47e: {  	v9 =	vadd.f32 v9, v11;
	v7 =	vld.idx.msk [tilespmem:v6+s12+$0x0], $0xffff;
	v11 =	vsub.f32 v12, v8;
	v8 =	vmov s24  }
0x47f: {  	v6 =	vld.idx.msk [tilespmem:v13+s12+$0x0], $0xffff;
	v8 =	vshll.u32 v8, $0x4  }
0x480: {  	v5 =	vsub.f32 v5, v9;
	v9 =	vand.u32 $0x7FFFFFFF, v10;
	v14 =	vor.u32 v0, v8  }
0x481: {  	v10 =	vsel vm6, $0x4, v2;
	v17 =	vand.u32 $0x7FFFFFFF, v11;
	v8 =	vld.idx.msk [tilespmem:v16+s12+$0x0], $0xffff;
	v13 =	vor.u32 $0x1, v14  }
0x482: {  	v11 =	vld.idx.msk [tilespmem:v15+s12+$0x0], $0xffff;
	vm6 =	vle.f32 v9, $2.500000000e+01;
	v9 =	vor.u32 $0x3, v14;
	vm7 =	vlt.f32 v5, $-2.000000000e+00  }
0x483: {  	vm9 =	vgt.f32 v5, $2.000000000e+00;
	v5 =	vor.u32 $0x2, v14;
	v18 =	vsel vm7, $0x8, v1  }
0x484: {  	vm7 =	vgt.f32 v17, $4.000000000e+00;
	v12 =	vsub.f32 v6, v7;
	vm8 =	vlt.f32 v6, $8.000000000e+01  }
0x485: {  	s22 =	simm.s32 $0x30;
	v15 =	vsel vm9, $0x10, v18;
	v16 =	vsel vm8, $0x41B80000, v3;
	vm8 =	vle.f32 v17, $8.000000000e+00  }
.LBB2_58:
0x486: {  	p0 =	sne.s32 s22, $0x3F0;
	v17 =	vld.idx.msk [tilespmem:v14+s12+$0x0], $0xffff;
	v14 =	vadd.f32 v16, v6;
	vm6 =	vmand vm6, vm8;
	v10 =	vsel vm7, v10, v15;
	s23 =	smov.u32 s22;
	s22 =	sadd.s32 $0x10, s22  }
0x487: {  	v15 =	vsub.f32 v8, v11;
	vm7 =	vlt.f32 v8, v11;
	v6 =	vld.idx.msk [tilespmem:v13+s12+$0x0], $0xffff;
	v10 =	vsel vm6, $0x2, v10  }
0x488: {  	v11 =	vmov s23;
	v8 =	vld.idx.msk [tilespmem:v9+s12+$0x0], $0xffff;
	v7 =	vsub.f32 v7, v14;
	v4 =	vor.u32 v4, v10  }
0x489: {  	v12 =	vand.u32 $0x7FFFFFFF, v12;
	v9 =	vshll.u32 v11, $0x4;
	v10 =	vsel vm7, $0x4, v2;
	v11 =	vld.idx.msk [tilespmem:v5+s12+$0x0], $0xffff  }
.Ltmp28:
0x48a: {  	v14 =	vor.u32 v0, v9;
	vm9 =	vgt.f32 v7, $2.000000000e+00;
	vm7 =	vlt.f32 v7, $-2.000000000e+00;
	(pc) =	sbr.rel @p0 .LBB2_58-.Ltmp28, $4  }
0x48b: {  	vm6 =	vle.f32 v12, $2.500000000e+01;
	v13 =	vor.u32 $0x1, v14;
	v5 =	vor.u32 $0x2, v14  }
0x48c: {  	v15 =	vand.u32 $0x7FFFFFFF, v15;
	v9 =	vor.u32 $0x3, v14;
	v18 =	vsel vm7, $0x8, v1;
	v7 =	vmovc v17  }
0x48d: {  	vm7 =	vgt.f32 v15, $4.000000000e+00;
	vm8 =	vlt.f32 v6, $8.000000000e+01;
	v12 =	vsub.f32 v6, v7  }
0x48e: {  	v16 =	vsel vm8, $0x41B80000, v3;
	vm8 =	vle.f32 v15, $8.000000000e+00;
	v15 =	vsel vm9, $0x10, v18  }
0x48f: {  	_ =	sdelay $0x1  }
0x490: {  	v6 =	vadd.f32 v16, v6  }
0x491: {  	vm6 =	vmand vm6, vm8;
	v10 =	vsel vm7, v10, v15;
	v15 =	vsub.f32 v8, v11  }
0x492: {  	v13 =	vld.idx.msk [tilespmem:v13+s12+$0x0], $0xffff;
	v10 =	vsel vm6, $0x2, v10;
	vm6 =	vlt.f32 v8, v11;
	v6 =	vsub.f32 v7, v6  }
0x493: {  	v14 =	vld.idx.msk [tilespmem:v14+s12+$0x0], $0xffff;
	s22 =	simm.s32 $0x0;
	v4 =	vor.u32 v4, v10;
	v7 =	vand.u32 $0x7FFFFFFF, v12;
	v8 =	vsel vm6, $0x4, v2  }
0x494: {  	v10 =	vmov s22;
	vm8 =	vle.f32 v7, $2.500000000e+01;
	v7 =	vand.u32 $0x7FFFFFFF, v15  }
0x495: {  	v9 =	vld.idx.msk [tilespmem:v9+s12+$0x0], $0xffff;
	vm6 =	vgt.f32 v6, $2.000000000e+00;
	vm7 =	vlt.f32 v6, $-2.000000000e+00;
	v6 =	vshll.u32 v10, $0x4  }
0x496: {  	v5 =	vld.idx.msk [tilespmem:v5+s12+$0x0], $0xffff;
	vm9 =	vgt.f32 v7, $4.000000000e+00;
	v6 =	vor.u32 v0, v6  }
0x497: {  	v10 =	vsel vm7, $0x8, v1;
	vm7 =	vlt.f32 v13, $8.000000000e+01;
	v12 =	vor.u32 $0x1, v6  }
0x498: {  	v11 =	vsub.f32 v13, v14;
	v15 =	vsel vm7, $0x41B80000, v3;
	vm7 =	vle.f32 v7, $8.000000000e+00  }
0x499: {  	_ =	swait.ge [sflag:s19], $0x4000;
	v7 =	vsel vm6, $0x10, v10;
	v10 =	vadd.f32 v15, v13;
	v13 =	vor.u32 $0x3, v6  }
0x49a: {  	[sflag:s19] =	ssyncset.done $0x0;
	vm6 =	vmand vm8, vm7;
	v7 =	vsel vm9, v8, v7;
	v8 =	vor.u32 $0x2, v6  }
0x49b: {  	[sflag:s19] =	ssyncadd.s32 $0xFFFFC000;
	v15 =	vsub.f32 v9, v5;
	vm7 =	vlt.f32 v9, v5;
	v5 =	vsub.f32 v14, v10  }
0x49c: {  	v9 =	vand.u32 $0x7FFFFFFF, v11;
	v7 =	vsel vm6, $0x2, v7;
	v11 =	vld.idx.msk [tilespmem:v12+s13+$0x0], $0xffff  }
0x49d: {  	s23 =	simm.s32 $0x10;
	v10 =	vsel vm7, $0x4, v2;
	vm6 =	vgt.f32 v5, $2.000000000e+00;
	vm7 =	vlt.f32 v5, $-2.000000000e+00;
	v5 =	vld.idx.msk [tilespmem:v6+s13+$0x0], $0xffff  }
0x49e: {  	vm8 =	vle.f32 v9, $2.500000000e+01;
	v9 =	vand.u32 $0x7FFFFFFF, v15;
	v6 =	vmov s23;
	v12 =	vld.idx.msk [tilespmem:v13+s13+$0x0], $0xffff  }
0x49f: {  	vm9 =	vle.f32 v9, $8.000000000e+00;
	v6 =	vshll.u32 v6, $0x4;
	v13 =	vsel vm7, $0x8, v1;
	v8 =	vld.idx.msk [tilespmem:v8+s13+$0x0], $0xffff  }
0x4a0: {  	vm7 =	vgt.f32 v9, $4.000000000e+00;
	v6 =	vor.u32 v0, v6;
	v9 =	vsel vm6, $0x10, v13  }
0x4a1: {  	vm6 =	vmand vm8, vm9;
	v13 =	vor.u32 $0x1, v6;
	v9 =	vsel vm7, v10, v9  }
0x4a2: {  	v4 =	vor.u32 v4, v7;
	v15 =	vor.u32 $0x2, v6;
	v7 =	vsel vm6, $0x2, v9  }
0x4a3: {  	v16 =	vor.u32 $0x3, v6;
	vm7 =	vlt.f32 v11, $8.000000000e+01;
	v4 =	vor.u32 v4, v7  }
0x4a4: {  	s24 =	simm.s32 $0x20;
	v10 =	vsub.f32 v11, v5;
	v9 =	vsel vm7, $0x41B80000, v3;
	vm6 =	vlt.f32 v12, v8  }
0x4a5: {  	v9 =	vadd.f32 v9, v11;
	v7 =	vld.idx.msk [tilespmem:v6+s13+$0x0], $0xffff;
	v11 =	vsub.f32 v12, v8;
	v8 =	vmov s24  }
0x4a6: {  	v6 =	vld.idx.msk [tilespmem:v13+s13+$0x0], $0xffff;
	v8 =	vshll.u32 v8, $0x4  }
0x4a7: {  	v5 =	vsub.f32 v5, v9;
	v9 =	vand.u32 $0x7FFFFFFF, v10;
	v14 =	vor.u32 v0, v8  }
0x4a8: {  	v10 =	vsel vm6, $0x4, v2;
	v17 =	vand.u32 $0x7FFFFFFF, v11;
	v8 =	vld.idx.msk [tilespmem:v16+s13+$0x0], $0xffff;
	v13 =	vor.u32 $0x1, v14  }
0x4a9: {  	v11 =	vld.idx.msk [tilespmem:v15+s13+$0x0], $0xffff;
	vm6 =	vle.f32 v9, $2.500000000e+01;
	v9 =	vor.u32 $0x3, v14;
	vm7 =	vlt.f32 v5, $-2.000000000e+00  }
0x4aa: {  	vm9 =	vgt.f32 v5, $2.000000000e+00;
	v5 =	vor.u32 $0x2, v14;
	v18 =	vsel vm7, $0x8, v1  }
0x4ab: {  	vm7 =	vgt.f32 v17, $4.000000000e+00;
	v12 =	vsub.f32 v6, v7;
	vm8 =	vlt.f32 v6, $8.000000000e+01  }
0x4ac: {  	s22 =	simm.s32 $0x30;
	v15 =	vsel vm9, $0x10, v18;
	v16 =	vsel vm8, $0x41B80000, v3;
	vm8 =	vle.f32 v17, $8.000000000e+00  }
.LBB2_60:
0x4ad: {  	p0 =	sne.s32 s22, $0x3F0;
	v17 =	vld.idx.msk [tilespmem:v14+s13+$0x0], $0xffff;
	v14 =	vadd.f32 v16, v6;
	vm6 =	vmand vm6, vm8;
	v10 =	vsel vm7, v10, v15;
	s23 =	smov.u32 s22;
	s22 =	sadd.s32 $0x10, s22  }
0x4ae: {  	v15 =	vsub.f32 v8, v11;
	vm7 =	vlt.f32 v8, v11;
	v6 =	vld.idx.msk [tilespmem:v13+s13+$0x0], $0xffff;
	v10 =	vsel vm6, $0x2, v10  }
0x4af: {  	v11 =	vmov s23;
	v8 =	vld.idx.msk [tilespmem:v9+s13+$0x0], $0xffff;
	v7 =	vsub.f32 v7, v14;
	v4 =	vor.u32 v4, v10  }
0x4b0: {  	v12 =	vand.u32 $0x7FFFFFFF, v12;
	v9 =	vshll.u32 v11, $0x4;
	v10 =	vsel vm7, $0x4, v2;
	v11 =	vld.idx.msk [tilespmem:v5+s13+$0x0], $0xffff  }
.Ltmp29:
0x4b1: {  	v14 =	vor.u32 v0, v9;
	vm9 =	vgt.f32 v7, $2.000000000e+00;
	vm7 =	vlt.f32 v7, $-2.000000000e+00;
	(pc) =	sbr.rel @p0 .LBB2_60-.Ltmp29, $4  }
0x4b2: {  	vm6 =	vle.f32 v12, $2.500000000e+01;
	v13 =	vor.u32 $0x1, v14;
	v5 =	vor.u32 $0x2, v14  }
0x4b3: {  	v15 =	vand.u32 $0x7FFFFFFF, v15;
	v9 =	vor.u32 $0x3, v14;
	v18 =	vsel vm7, $0x8, v1;
	v7 =	vmovc v17  }
0x4b4: {  	vm7 =	vgt.f32 v15, $4.000000000e+00;
	vm8 =	vlt.f32 v6, $8.000000000e+01;
	v12 =	vsub.f32 v6, v7  }
0x4b5: {  	v16 =	vsel vm8, $0x41B80000, v3;
	vm8 =	vle.f32 v15, $8.000000000e+00;
	v15 =	vsel vm9, $0x10, v18  }
0x4b6: {  	_ =	sdelay $0x1  }
0x4b7: {  	v6 =	vadd.f32 v16, v6  }
0x4b8: {  	vm6 =	vmand vm6, vm8;
	v10 =	vsel vm7, v10, v15;
	v15 =	vsub.f32 v8, v11  }
0x4b9: {  	v13 =	vld.idx.msk [tilespmem:v13+s13+$0x0], $0xffff;
	v10 =	vsel vm6, $0x2, v10;
	vm6 =	vlt.f32 v8, v11;
	v6 =	vsub.f32 v7, v6  }
0x4ba: {  	v14 =	vld.idx.msk [tilespmem:v14+s13+$0x0], $0xffff;
	s22 =	simm.s32 $0x0;
	v4 =	vor.u32 v4, v10;
	v7 =	vand.u32 $0x7FFFFFFF, v12;
	v8 =	vsel vm6, $0x4, v2  }
0x4bb: {  	v10 =	vmov s22;
	vm8 =	vle.f32 v7, $2.500000000e+01;
	v7 =	vand.u32 $0x7FFFFFFF, v15  }
0x4bc: {  	v9 =	vld.idx.msk [tilespmem:v9+s13+$0x0], $0xffff;
	vm6 =	vgt.f32 v6, $2.000000000e+00;
	vm7 =	vlt.f32 v6, $-2.000000000e+00;
	v6 =	vshll.u32 v10, $0x4  }
0x4bd: {  	v5 =	vld.idx.msk [tilespmem:v5+s13+$0x0], $0xffff;
	vm9 =	vgt.f32 v7, $4.000000000e+00;
	v6 =	vor.u32 v0, v6  }
0x4be: {  	v10 =	vsel vm7, $0x8, v1;
	vm7 =	vlt.f32 v13, $8.000000000e+01;
	v12 =	vor.u32 $0x1, v6  }
0x4bf: {  	v11 =	vsub.f32 v13, v14;
	v15 =	vsel vm7, $0x41B80000, v3;
	vm7 =	vle.f32 v7, $8.000000000e+00  }
0x4c0: {  	_ =	swait.ge [sflag:s14], $0x4000;
	v7 =	vsel vm6, $0x10, v10;
	v10 =	vadd.f32 v15, v13;
	v13 =	vor.u32 $0x3, v6  }
0x4c1: {  	[sflag:s14] =	ssyncset.done $0x0;
	vm6 =	vmand vm8, vm7;
	v7 =	vsel vm9, v8, v7;
	v8 =	vor.u32 $0x2, v6  }
0x4c2: {  	[sflag:s14] =	ssyncadd.s32 $0xFFFFC000;
	v15 =	vsub.f32 v9, v5;
	vm7 =	vlt.f32 v9, v5;
	v5 =	vsub.f32 v14, v10  }
0x4c3: {  	v9 =	vand.u32 $0x7FFFFFFF, v11;
	v7 =	vsel vm6, $0x2, v7;
	v11 =	vld.idx.msk [tilespmem:v12+s2+$0x0], $0xffff  }
0x4c4: {  	s23 =	simm.s32 $0x10;
	v10 =	vsel vm7, $0x4, v2;
	vm6 =	vgt.f32 v5, $2.000000000e+00;
	vm7 =	vlt.f32 v5, $-2.000000000e+00;
	v5 =	vld.idx.msk [tilespmem:v6+s2+$0x0], $0xffff  }
0x4c5: {  	vm8 =	vle.f32 v9, $2.500000000e+01;
	v9 =	vand.u32 $0x7FFFFFFF, v15;
	v6 =	vmov s23;
	v12 =	vld.idx.msk [tilespmem:v13+s2+$0x0], $0xffff  }
0x4c6: {  	vm9 =	vle.f32 v9, $8.000000000e+00;
	v6 =	vshll.u32 v6, $0x4;
	v13 =	vsel vm7, $0x8, v1;
	v8 =	vld.idx.msk [tilespmem:v8+s2+$0x0], $0xffff  }
0x4c7: {  	vm7 =	vgt.f32 v9, $4.000000000e+00;
	v6 =	vor.u32 v0, v6;
	v9 =	vsel vm6, $0x10, v13  }
0x4c8: {  	vm6 =	vmand vm8, vm9;
	v13 =	vor.u32 $0x1, v6;
	v9 =	vsel vm7, v10, v9  }
0x4c9: {  	v4 =	vor.u32 v4, v7;
	v15 =	vor.u32 $0x2, v6;
	v7 =	vsel vm6, $0x2, v9  }
0x4ca: {  	v16 =	vor.u32 $0x3, v6;
	vm7 =	vlt.f32 v11, $8.000000000e+01;
	v4 =	vor.u32 v4, v7  }
0x4cb: {  	s24 =	simm.s32 $0x20;
	v10 =	vsub.f32 v11, v5;
	v9 =	vsel vm7, $0x41B80000, v3;
	vm6 =	vlt.f32 v12, v8  }
0x4cc: {  	v9 =	vadd.f32 v9, v11;
	v7 =	vld.idx.msk [tilespmem:v6+s2+$0x0], $0xffff;
	v11 =	vsub.f32 v12, v8;
	v8 =	vmov s24  }
0x4cd: {  	v6 =	vld.idx.msk [tilespmem:v13+s2+$0x0], $0xffff;
	v8 =	vshll.u32 v8, $0x4  }
0x4ce: {  	v5 =	vsub.f32 v5, v9;
	v9 =	vand.u32 $0x7FFFFFFF, v10;
	v14 =	vor.u32 v0, v8  }
0x4cf: {  	v10 =	vsel vm6, $0x4, v2;
	v17 =	vand.u32 $0x7FFFFFFF, v11;
	v8 =	vld.idx.msk [tilespmem:v16+s2+$0x0], $0xffff;
	v13 =	vor.u32 $0x1, v14  }
0x4d0: {  	v11 =	vld.idx.msk [tilespmem:v15+s2+$0x0], $0xffff;
	vm6 =	vle.f32 v9, $2.500000000e+01;
	v9 =	vor.u32 $0x3, v14;
	vm7 =	vlt.f32 v5, $-2.000000000e+00  }
0x4d1: {  	vm9 =	vgt.f32 v5, $2.000000000e+00;
	v5 =	vor.u32 $0x2, v14;
	v18 =	vsel vm7, $0x8, v1  }
0x4d2: {  	vm7 =	vgt.f32 v17, $4.000000000e+00;
	v12 =	vsub.f32 v6, v7;
	vm8 =	vlt.f32 v6, $8.000000000e+01  }
0x4d3: {  	s22 =	simm.s32 $0x30;
	v15 =	vsel vm9, $0x10, v18;
	v16 =	vsel vm8, $0x41B80000, v3;
	vm8 =	vle.f32 v17, $8.000000000e+00  }
.LBB2_62:
0x4d4: {  	p0 =	sne.s32 s22, $0x3F0;
	v17 =	vld.idx.msk [tilespmem:v14+s2+$0x0], $0xffff;
	v14 =	vadd.f32 v16, v6;
	vm6 =	vmand vm6, vm8;
	v10 =	vsel vm7, v10, v15;
	s23 =	smov.u32 s22;
	s22 =	sadd.s32 $0x10, s22  }
0x4d5: {  	v15 =	vsub.f32 v8, v11;
	vm7 =	vlt.f32 v8, v11;
	v6 =	vld.idx.msk [tilespmem:v13+s2+$0x0], $0xffff;
	v10 =	vsel vm6, $0x2, v10  }
0x4d6: {  	v11 =	vmov s23;
	v8 =	vld.idx.msk [tilespmem:v9+s2+$0x0], $0xffff;
	v7 =	vsub.f32 v7, v14;
	v4 =	vor.u32 v4, v10  }
0x4d7: {  	v12 =	vand.u32 $0x7FFFFFFF, v12;
	v9 =	vshll.u32 v11, $0x4;
	v10 =	vsel vm7, $0x4, v2;
	v11 =	vld.idx.msk [tilespmem:v5+s2+$0x0], $0xffff  }
.Ltmp30:
0x4d8: {  	v14 =	vor.u32 v0, v9;
	vm9 =	vgt.f32 v7, $2.000000000e+00;
	vm7 =	vlt.f32 v7, $-2.000000000e+00;
	(pc) =	sbr.rel @p0 .LBB2_62-.Ltmp30, $4  }
0x4d9: {  	vm6 =	vle.f32 v12, $2.500000000e+01;
	v13 =	vor.u32 $0x1, v14;
	v5 =	vor.u32 $0x2, v14  }
0x4da: {  	v15 =	vand.u32 $0x7FFFFFFF, v15;
	v9 =	vor.u32 $0x3, v14;
	v18 =	vsel vm7, $0x8, v1;
	v7 =	vmovc v17  }
0x4db: {  	vm7 =	vgt.f32 v15, $4.000000000e+00;
	vm8 =	vlt.f32 v6, $8.000000000e+01;
	v12 =	vsub.f32 v6, v7  }
0x4dc: {  	v16 =	vsel vm8, $0x41B80000, v3;
	vm8 =	vle.f32 v15, $8.000000000e+00;
	v15 =	vsel vm9, $0x10, v18  }
0x4dd: {  	_ =	sdelay $0x3  }
0x4de: {  	v6 =	vadd.f32 v16, v6;
	v14 =	vld.idx.msk [tilespmem:v14+s2+$0x0], $0xffff;
	vm6 =	vmand vm6, vm8;
	v10 =	vsel vm7, v10, v15  }
0x4df: {  	v13 =	vld.idx.msk [tilespmem:v13+s2+$0x0], $0xffff;
	v15 =	vsub.f32 v8, v11;
	v10 =	vsel vm6, $0x2, v10;
	vm6 =	vlt.f32 v8, v11  }
0x4e0: {  	s22 =	simm.s32 $0x0;
	v6 =	vsub.f32 v7, v6;
	v4 =	vor.u32 v4, v10;
	v7 =	vand.u32 $0x7FFFFFFF, v12  }
0x4e1: {  	v8 =	vsel vm6, $0x4, v2;
	v10 =	vmov s22;
	vm8 =	vle.f32 v7, $2.500000000e+01  }
0x4e2: {  	v9 =	vld.idx.msk [tilespmem:v9+s2+$0x0], $0xffff;
	v7 =	vand.u32 $0x7FFFFFFF, v15;
	vm6 =	vgt.f32 v6, $2.000000000e+00;
	vm7 =	vlt.f32 v6, $-2.000000000e+00  }
0x4e3: {  	v5 =	vld.idx.msk [tilespmem:v5+s2+$0x0], $0xffff;
	v6 =	vshll.u32 v10, $0x4;
	vm9 =	vgt.f32 v7, $4.000000000e+00;
	v10 =	vsel vm7, $0x8, v1  }
0x4e4: {  	v6 =	vor.u32 v0, v6;
	v11 =	vsub.f32 v13, v14;
	vm7 =	vlt.f32 v13, $8.000000000e+01  }
0x4e5: {  	v12 =	vor.u32 $0x1, v6;
	v15 =	vsel vm7, $0x41B80000, v3;
	vm7 =	vle.f32 v7, $8.000000000e+00  }
0x4e6: {  	_ =	swait.ge [sflag:s15], $0x4000;
	v7 =	vsel vm6, $0x10, v10;
	v10 =	vadd.f32 v15, v13;
	v13 =	vor.u32 $0x3, v6  }
0x4e7: {  	[sflag:s15] =	ssyncset.done $0x0;
	vm6 =	vmand vm8, vm7;
	v7 =	vsel vm9, v8, v7;
	v8 =	vor.u32 $0x2, v6  }
0x4e8: {  	[sflag:s15] =	ssyncadd.s32 $0xFFFFC000;
	v15 =	vsub.f32 v9, v5;
	vm7 =	vlt.f32 v9, v5;
	v5 =	vsub.f32 v14, v10  }
0x4e9: {  	s23 =	simm.s32 $0x10;
	v9 =	vand.u32 $0x7FFFFFFF, v11;
	v7 =	vsel vm6, $0x2, v7;
	v10 =	vsel vm7, $0x4, v2;
	v6 =	vld.idx.msk [tilespmem:v6+s9+$0x0], $0xffff  }
0x4ea: {  	v11 =	vld.idx.msk [tilespmem:v12+s9+$0x0], $0xffff;
	vm6 =	vgt.f32 v5, $2.000000000e+00;
	vm7 =	vlt.f32 v5, $-2.000000000e+00;
	v5 =	vmov s23  }
0x4eb: {  	vm8 =	vle.f32 v9, $2.500000000e+01;
	v9 =	vand.u32 $0x7FFFFFFF, v15;
	v12 =	vld.idx.msk [tilespmem:v13+s9+$0x0], $0xffff;
	v5 =	vshll.u32 v5, $0x4  }
0x4ec: {  	vm9 =	vle.f32 v9, $8.000000000e+00;
	v13 =	vsel vm7, $0x8, v1;
	v8 =	vld.idx.msk [tilespmem:v8+s9+$0x0], $0xffff;
	v5 =	vor.u32 v0, v5  }
0x4ed: {  	vm7 =	vgt.f32 v9, $4.000000000e+00;
	v9 =	vsel vm6, $0x10, v13;
	v13 =	vor.u32 $0x1, v5  }
0x4ee: {  	v4 =	vor.u32 v4, v7;
	vm6 =	vmand vm8, vm9;
	v9 =	vsel vm7, v10, v9  }
0x4ef: {  	v15 =	vor.u32 $0x2, v5;
	v16 =	vor.u32 $0x3, v5;
	vm7 =	vlt.f32 v11, $8.000000000e+01  }
0x4f0: {  	v7 =	vsel vm6, $0x2, v9;
	v10 =	vsub.f32 v11, v6;
	v9 =	vsel vm7, $0x41B80000, v3  }
0x4f1: {  	s24 =	simm.s32 $0x20;
	v4 =	vor.u32 v4, v7;
	vm6 =	vlt.f32 v12, v8;
	v9 =	vadd.f32 v9, v11;
	v7 =	vld.idx.msk [tilespmem:v5+s9+$0x0], $0xffff  }
0x4f2: {  	v11 =	vsub.f32 v12, v8;
	v8 =	vmov s24;
	v10 =	vand.u32 $0x7FFFFFFF, v10;
	v5 =	vld.idx.msk [tilespmem:v13+s9+$0x0], $0xffff  }
0x4f3: {  	v8 =	vshll.u32 v8, $0x4;
	v6 =	vsub.f32 v6, v9;
	v9 =	vsel vm6, $0x4, v2  }
0x4f4: {  	v12 =	vld.idx.msk [tilespmem:v15+s9+$0x0], $0xffff;
	v13 =	vor.u32 v0, v8;
	vm6 =	vle.f32 v10, $2.500000000e+01;
	v17 =	vand.u32 $0x7FFFFFFF, v11  }
0x4f5: {  	v8 =	vld.idx.msk [tilespmem:v16+s9+$0x0], $0xffff;
	v14 =	vor.u32 $0x1, v13;
	v10 =	vor.u32 $0x3, v13;
	vm7 =	vlt.f32 v6, $-2.000000000e+00  }
0x4f6: {  	vm9 =	vgt.f32 v6, $2.000000000e+00;
	v6 =	vor.u32 $0x2, v13;
	v18 =	vsel vm7, $0x8, v1  }
0x4f7: {  	vm7 =	vgt.f32 v17, $4.000000000e+00;
	v11 =	vsub.f32 v5, v7;
	vm8 =	vlt.f32 v5, $8.000000000e+01  }
0x4f8: {  	s22 =	simm.s32 $0x30;
	v15 =	vsel vm9, $0x10, v18;
	v16 =	vsel vm8, $0x41B80000, v3;
	vm8 =	vle.f32 v17, $8.000000000e+00  }
.LBB2_64:
0x4f9: {  	p0 =	sne.s32 s22, $0x3F0;
	v17 =	vld.idx.msk [tilespmem:v13+s9+$0x0], $0xffff;
	v13 =	vadd.f32 v16, v5;
	vm6 =	vmand vm6, vm8;
	v9 =	vsel vm7, v9, v15;
	s23 =	smov.u32 s22;
	s22 =	sadd.s32 $0x10, s22  }
0x4fa: {  	v15 =	vsub.f32 v8, v12;
	vm7 =	vlt.f32 v8, v12;
	v5 =	vld.idx.msk [tilespmem:v14+s9+$0x0], $0xffff;
	v9 =	vsel vm6, $0x2, v9  }
0x4fb: {  	v12 =	vmov s23;
	v8 =	vld.idx.msk [tilespmem:v10+s9+$0x0], $0xffff;
	v7 =	vsub.f32 v7, v13;
	v4 =	vor.u32 v4, v9  }
0x4fc: {  	v11 =	vand.u32 $0x7FFFFFFF, v11;
	v10 =	vshll.u32 v12, $0x4;
	v9 =	vsel vm7, $0x4, v2;
	v12 =	vld.idx.msk [tilespmem:v6+s9+$0x0], $0xffff  }
.Ltmp31:
0x4fd: {  	v13 =	vor.u32 v0, v10;
	vm9 =	vgt.f32 v7, $2.000000000e+00;
	vm7 =	vlt.f32 v7, $-2.000000000e+00;
	(pc) =	sbr.rel @p0 .LBB2_64-.Ltmp31, $4  }
0x4fe: {  	vm6 =	vle.f32 v11, $2.500000000e+01;
	v14 =	vor.u32 $0x1, v13;
	v6 =	vor.u32 $0x2, v13  }
0x4ff: {  	v15 =	vand.u32 $0x7FFFFFFF, v15;
	v10 =	vor.u32 $0x3, v13;
	v18 =	vsel vm7, $0x8, v1;
	v7 =	vmovc v17  }
0x500: {  	vm7 =	vgt.f32 v15, $4.000000000e+00;
	vm8 =	vlt.f32 v5, $8.000000000e+01;
	v11 =	vsub.f32 v5, v7  }
0x501: {  	v16 =	vsel vm8, $0x41B80000, v3;
	vm8 =	vle.f32 v15, $8.000000000e+00;
	v15 =	vsel vm9, $0x10, v18  }
0x502: {  	_ =	sdelay $0x3  }
0x503: {  	v14 =	vld.idx.msk [tilespmem:v14+s9+$0x0], $0xffff  }
0x504: {  	v5 =	vadd.f32 v16, v5;
	v13 =	vld.idx.msk [tilespmem:v13+s9+$0x0], $0xffff  }
0x505: {  	vm6 =	vmand vm6, vm8;
	v9 =	vsel vm7, v9, v15;
	v46 =	vsub.f32 v8, v12;
	v48 =	vld.idx.msk [tilespmem:v10+s9+$0x0], $0xffff  }
0x506: {  	vm7 =	vlt.f32 v8, v12;
	v49 =	vand.u32 $0x7FFFFFFF, v11;
	v6 =	vld.idx.msk [tilespmem:v6+s9+$0x0], $0xffff;
	v5 =	vsub.f32 v7, v5  }
0x507: {  	v47 =	vsel vm6, $0x2, v9;
	v50 =	vsel vm7, $0x4, v2;
	vm9 =	vle.f32 v49, $2.500000000e+01  }
0x508: {  	v4 =	vor.u32 v4, v47;
	vm6 =	vgt.f32 v5, $2.000000000e+00;
	vm15 =	vlt.f32 v14, $8.000000000e+01  }
0x509: {  	vm7 =	vlt.f32 v5, $-2.000000000e+00;
	v5 =	vand.u32 $0x7FFFFFFF, v46;
	v51 =	vsel vm15, $0x41B80000, v3  }
0x50a: {  	v52 =	vsel vm7, $0x8, v1;
	v53 =	vsub.f32 v14, v13;
	v8 =	vadd.f32 v51, v14  }
0x50b: {  	vm7 =	vgt.f32 v5, $4.000000000e+00;
	vm12 =	vle.f32 v5, $8.000000000e+00;
	v54 =	vsub.f32 v48, v6  }
0x50c: {  	v5 =	vsel vm6, $0x10, v52;
	vm6 =	vmand vm9, vm12;
	v8 =	vsub.f32 v13, v8  }
0x50d: {  	v5 =	vsel vm7, v50, v5;
	vm7 =	vlt.f32 v48, v6;
	v55 =	vand.u32 $0x7FFFFFFF, v53  }
0x50e: {  	v56 =	vand.u32 $0x7FFFFFFF, v54;
	v7 =	vsel vm7, $0x4, v2;
	vm13 =	vlt.f32 v8, $-2.000000000e+00  }
0x50f: {  	vm14 =	vle.f32 v55, $2.500000000e+01;
	vm7 =	vgt.f32 v8, $2.000000000e+00;
	v8 =	vsel vm13, $0x8, v1  }
0x510: {  	vm15 =	vgt.f32 v56, $4.000000000e+00;
	v8 =	vsel vm7, $0x10, v8;
	vm7 =	vle.f32 v56, $8.000000000e+00  }
0x511: {  	v5 =	vsel vm6, $0x2, v5;
	vm6 =	vmand vm14, vm7;
	v57 =	vsel vm15, v7, v8  }
0x512: {  	v4 =	vor.u32 v4, v5;
	v5 =	vsel vm6, $0x2, v57  }
0x513: {  	v4 =	vor.u32 v4, v5  }
0x514: {  	v5 =	vand.u32 $0x1, v4  }
0x515: {  	v58 =	vshrl.u32 v4, $0x1;
	v5 =	vor.u32 $0x80000000, v5  }
0x516: {  	v59 =	vshrl.u32 v4, $0x2;
	(xrf0) =	vmax.scan.msk.u32 $0xffff, v5;
	v5 =	vand.u32 $0x1, v58  }
0x517: {  	v60 =	vshrl.u32 v4, $0x3;
	v6 =	vand.u32 $0x1, v59;
	v5 =	vor.u32 $0x80000000, v5  }
0x518: {  	v62 =	vshrl.u32 v4, $0x4;
	v61 =	vand.u32 $0x1, v60;
	(xrf0) =	vmax.scan.msk.u32 $0xffff, v5;
	v5 =	vor.u32 $0x80000000, v6  }
0x519: {  	v63 =	vand.u32 $0x1, v62;
	(xrf0) =	vmax.scan.msk.u32 $0xffff, v5;
	v5 =	vor.u32 $0x80000000, v61  }
0x51a: {  	(xrf0) =	vmax.scan.msk.u32 $0xffff, v5;
	v5 =	vor.u32 $0x80000000, v63  }
0x51b: {  	v4 =	vshrl.u32 v4, $0x5  }
0x51c: {  	v4 =	vor.u32 $0x80000000, v4;
	(xrf0) =	vmax.scan.msk.u32 $0xffff, v5  }
0x51d: {  	v5, _, _ =	vpop (xrf0);
	(xrf0) =	vmax.scan.msk.u32 $0xffff, v4  }
0x51e: {  	(v2sf) =	vpush v5, $0xF  }
0x51f: {  	v4, _, _ =	vpop (xrf0)  }
0x520: {  	v5, _, _ =	vpop (xrf0);
	(v2sf) =	vpush v4, $0xF  }
0x521: {  	v4, _, _ =	vpop (xrf0);
	(v2sf) =	vpush v5, $0xF  }
0x522: {  	v5, _, _ =	vpop (xrf0);
	(v2sf) =	vpush v4, $0xF  }
0x523: {  	(v2sf) =	vpush v5, $0xF;
	v4, _, _ =	vpop (xrf0)  }
0x524: {  	(v2sf) =	vpush v4, $0xF;
	_ =	sdelay $0x8  }
0x525: {  	s22 =	spop (v2sf)  }
0x526: {  	s22 =	sxor.u32 $0x80000000, s22  }
0x527: {  	s23 =	spop (v2sf);
	v4 =	vmov s22  }
0x528: {  	s22 =	spop (v2sf);
	s23 =	sxor.u32 $0x80000000, s23;
	v4 =	vnsel vm0, $0x0, v4  }
0x529: {  	s24 =	spop (v2sf);
	s22 =	sxor.u32 $0x80000000, s22;
	v4 =	vsel vm1, s23, v4  }
0x52a: {  	s23 =	spop (v2sf);
	s24 =	sxor.u32 $0x80000000, s24;
	v4 =	vsel vm2, s22, v4  }
0x52b: {  	s22 =	sxor.u32 $0x80000000, s23;
	s23 =	spop (v2sf);
	v4 =	vsel vm3, s24, v4  }
0x52c: {  	s23 =	sxor.u32 $0x80000000, s23;
	v4 =	vsel vm4, s22, v4  }
0x52d: {  	v4 =	vsel vm5, s23, v4  }
0x52e: {  	s21 =	sadd.s32 $0x1, s21;
	v4 =	vcvt.s32.f32 v4  }
0x52f: {  	p0 =	sne.s32 s21, s6  }
.Ltmp32:
0x530: {  	s24 =	simm.s32 $0x18000;
	[tilespmem:$0x18000] =	vst v4;
	(pc) =	sbr.rel @p0 .LBB2_1-.Ltmp32, $4  }
0x531: {  	[hbm4b:s5+s2] =	stream.linear.scatter [tilespmem:s24], [sflag:$0x7], $0x10, $0x38;
	[tilespmem:$0x18010] =	vst v63  }
0x532: {  	_ =	swait.ge [sflag:s20], $0x10  }
0x533: {  	[sflag:s20] =	ssyncset.done $0x0  }
0x534: {  	[sflag:s20] =	ssyncadd.s32 $0xFFFFFFF0  }
0x535: {  	_ =	sfence.sel $0x180000  }
0x536: {  	[bflag:$0x0] =	sbarrier.arrive $0xFFFF  }
0x537: {  	_ =	strace $0x90000047  }
0x538: {  	s0 =	stileid.u32;
	[bflag:$0x2] =	sbarrier.arrive $0xFFFF  }
0x539: {  	p0 =	sne.s32 s0, $0x0;
	s0 =	rddreg [dreg:$0x2]  }
0x53a: {  	s0 =	sadd.s32 @!p0 $0x100000, s0  }
0x53b: {  	[sflag:s0] =	ssyncadd.tile.s32 @!p0 $0x1;
	_ =	shalt  }
.Lfunc_end2:
_tile_overlayer_lowered:
.L_overlay_start_2:
0x53c: {  	(tag) =	ssettag $0x2  }
0x53d: {  	s0 =	rddreg [dreg:$0x0];
	s2 =	stileid.u32  }
0x53e: {  	s1 =	rddreg [dreg:$0x1];
	p0 =	sne.s32 s2, $0x0  }
0x53f: {  	s3 =	rddreg [dreg:$0x2];
	[bflag:$0x3] =	sbarrier.arrive $0xFFFF;
	s2 =	simm.s32 @!p0 $0x1C07  }
0x540: {  	[timem:s3], [sflag:s2] =	dma.local @!p0 [hbm:s0], s1  }
0x541: {  	s0 =	simm.s32 @!p0 $0x7  }
0x542: {  	_ =	swait.ge @!p0 [sflag:s0], s1  }
0x543: {  	s1 =	ssub.s32 @!p0 $0x0, s1;
	[sflag:s0] =	ssyncset.done @!p0 $0x0  }
0x544: {  	[sflag:s0] =	ssyncadd.s32 @!p0 s1  }
0x545: {  	[bflag:$0x3] =	sbarrier.arrive $0xFFFF  }
0x546: {  	_ =	shalt  }

</sc_bundles>
